<compile_context>
chip_gen: v7x
topology: tpu7x:2x2x1
jax: 0.10.2.dev20260603
libtpu: 0.0.44.dev20260713+nightly
codegen_flags: <defaults>
</compile_context>

<pallas_src>
import functools

import jax
import jax.numpy as jnp
from jax import lax
from jax.experimental import pallas as pl
from jax.experimental.pallas import tpu as pltpu
from jax.experimental.pallas import tpu_sc as plsc

N = 10000
E = 320000
D = 128
G = 64
C = 128

NC = 2
NS = 16
NW = NC * NS
EPW = E // NW
LW = 128
ROWS = 79
FULL_ROWS = EPW // LW
GRP = 13
REAL_VREGS = EPW // 16
MSLICE = N * C // NS
ZCH = 4000
CCH = 2000


def _fill_ones2(ones2):
    one = jnp.ones((16,), jnp.float32)
    zero = jnp.zeros((16,), jnp.float32)
    for k in range(8):
        ones2[0, pl.ds(k * 16, 16)] = one
        ones2[1, pl.ds(k * 16, 16)] = one if k == 0 else zero


def _scatter_rows(ones2, idxbuf, tgt, sem):
    @pl.loop(0, FULL_ROWS // GRP)
    def _grp(g):
        cps = [pltpu.async_copy(ones2.at[0],
                                tgt.at[idxbuf.at[g * GRP + t]], sem, add=True)
               for t in range(GRP)]
        for cp in cps:
            cp.wait()

    pltpu.sync_copy(ones2.at[1], tgt.at[idxbuf.at[FULL_ROWS]], add=True)


def _sc_degree_body(edges_hbm, degs_out, deg_sh, dstbuf, ones2, zbuf, sem):
    cid = lax.axis_index("c")
    sid = lax.axis_index("s")
    wid = cid * NS + sid

    _fill_ones2(ones2)

    @pl.loop(0, CCH // 16)
    def _zb(t):
        zbuf[pl.ds(t * 16, 16)] = jnp.zeros((16,), jnp.float32)

    @pl.when(sid == 0)
    def _():
        @pl.loop(0, N // CCH)
        def _zd(t):
            pltpu.sync_copy(zbuf, deg_sh.at[pl.ds(t * CCH, CCH)])

    pltpu.sync_copy(edges_hbm.at[1, wid], dstbuf)
    plsc.subcore_barrier()
    _scatter_rows(ones2, dstbuf, deg_sh, sem)
    plsc.subcore_barrier()

    @pl.when(sid == 0)
    def _():
        @pl.loop(0, N // CCH)
        def _wo(k):
            pltpu.sync_copy(deg_sh.at[pl.ds(k * CCH, CCH)], zbuf)
            pltpu.sync_copy(zbuf, degs_out.at[pl.ds(cid * N + k * CCH, CCH)])


def _sc_hist_body(edges_hbm, degs_hbm, m_out,
                  m_sh, c_sh, srcbuf, dstbuf, csbuf, ones2, cbuf, dbuf0,
                  dbuf1, zbuf, wbuf, sem, semz, semw):
    cid = lax.axis_index("c")
    sid = lax.axis_index("s")
    wid = cid * NS + sid

    _fill_ones2(ones2)

    @pl.loop(0, ZCH // 16)
    def _zb(t):
        zbuf[pl.ds(t * 16, 16)] = jnp.zeros((16,), jnp.float32)

    for g in range(2):
        zcps = [pltpu.async_copy(
            zbuf, m_sh.at[pl.ds(sid * MSLICE + (g * 10 + k) * ZCH, ZCH)],
            sem) for k in range(10)]
        for cp in zcps:
            cp.wait()

    @pl.when(sid < N // CCH)
    def _():
        pltpu.sync_copy(degs_hbm.at[pl.ds(sid * CCH, CCH)], dbuf0)
        pltpu.sync_copy(degs_hbm.at[pl.ds(N + sid * CCH, CCH)], dbuf1)

        @pl.loop(0, CCH // 16)
        def _cv(t):
            d = dbuf0[pl.ds(t * 16, 16)] + dbuf1[pl.ds(t * 16, 16)]
            cbuf[pl.ds(t * 16, 16)] = jnp.minimum(
                d + 1.0, float(C - 1)).astype(jnp.int32)

        pltpu.sync_copy(cbuf, c_sh.at[pl.ds(sid * CCH, CCH)])

    pltpu.sync_copy(edges_hbm.at[0, wid], srcbuf)
    pltpu.sync_copy(edges_hbm.at[1, wid], dstbuf)
    plsc.subcore_barrier()

    @pl.loop(0, FULL_ROWS // GRP)
    def _gather(g):
        cps = [pltpu.async_copy(c_sh.at[srcbuf.at[g * GRP + t]],
                                csbuf.at[g * GRP + t], sem)
               for t in range(GRP)]
        for cp in cps:
            cp.wait()

    pltpu.sync_copy(c_sh.at[srcbuf.at[FULL_ROWS]], csbuf.at[FULL_ROWS])

    @pl.loop(0, REAL_VREGS)
    def _key(t):
        r = t // 8
        l = (t % 8) * 16
        cs = csbuf[r, pl.ds(l, 16)]
        d16 = dstbuf[r, pl.ds(l, 16)]
        dstbuf[r, pl.ds(l, 16)] = d16 * C + cs

    _scatter_rows(ones2, dstbuf, m_sh, sem)
    plsc.subcore_barrier()

    nch = MSLICE // ZCH
    bufs = (zbuf, wbuf)
    sems = (semz, semw)
    out_cps = [None] * nch
    for k in range(nch):
        b = bufs[k % 2]
        if k >= 2:
            out_cps[k - 2].wait()
        off = sid * MSLICE + k * ZCH
        pltpu.async_copy(m_sh.at[pl.ds(off, ZCH)], b, sem).wait()
        out_cps[k] = pltpu.async_copy(
            b, m_out.at[pl.ds(cid * (N * C) + off, ZCH)], sems[k % 2])
    out_cps[nch - 2].wait()
    out_cps[nch - 1].wait()


_HI = jax.lax.Precision.HIGHEST
_DF = jax.lax.Precision.DEFAULT


def _split(x):
    hi = x.astype(jnp.bfloat16).astype(jnp.float32)
    return hi, x - hi


def _dot2(lhs_exact, rhs):
    rh, rl = _split(rhs)
    return (jnp.dot(lhs_exact, rh, precision=_DF)
            + jnp.dot(lhs_exact, rl, precision=_DF))


def _dot3(lhs, rhs):
    lh, ll = _split(lhs)
    rh, rl = _split(rhs)
    return (jnp.dot(lh, rh, precision=_DF)
            + jnp.dot(lh, rl, precision=_DF)
            + jnp.dot(ll, rh, precision=_DF))


def _tc_body(m_ref, batch_ref, emb_ref, w11_ref, b11_ref, w12_ref,
             b12_ref, w21_ref, b21_ref, w22_ref, b22_ref, wfc_ref, bfc_ref,
             out_ref, t1_ref, pooled_ref, counts_ref, *, nb, bn):
    i = pl.program_id(0)

    @pl.when(i == 0)
    def _():
        v = jnp.dot(emb_ref[...], w11_ref[...], precision=_HI)
        cvec = lax.broadcasted_iota(jnp.int32, (C, 1), 0).astype(jnp.float32)
        a = jax.nn.relu(cvec * v + b11_ref[...])
        t1 = jnp.dot(a, w12_ref[...], precision=_HI) + b12_ref[...]
        t1_ref[...] = jax.nn.relu(t1)
        pooled_ref[...] = jnp.zeros((G, D), jnp.float32)
        counts_ref[...] = jnp.zeros((G, D), jnp.float32)

    t1 = t1_ref[...]
    mblk = m_ref[0, 0] + m_ref[1, 0]
    ccl = jnp.minimum(jnp.sum(mblk, axis=1, keepdims=True) + 1.0,
                      float(C - 1))
    oh = (lax.broadcasted_iota(jnp.int32, (bn, C), 1).astype(jnp.float32)
          == jnp.broadcast_to(ccl, (bn, C))).astype(jnp.float32)
    a2 = _dot2(mblk + oh, t1)
    z = jax.nn.relu(_dot3(a2, w21_ref[...]) + b21_ref[...])
    h2 = _dot3(z, w22_ref[...]) + b22_ref[...]

    bt = batch_ref[0]
    ohg = (lax.broadcasted_iota(jnp.int32, (G, bn), 0)
           == jnp.broadcast_to(bt, (G, bn))).astype(jnp.float32)
    pooled_ref[...] += _dot2(ohg, h2)
    counts_ref[...] += jnp.broadcast_to(
        jnp.sum(ohg, axis=1, keepdims=True), (G, D))

    @pl.when(i == nb - 1)
    def _():
        pooled = pooled_ref[...] / jnp.maximum(counts_ref[...], 1.0)
        out_ref[...] = jnp.dot(pooled, wfc_ref[...], precision=_HI) + bfc_ref[...]


def kernel(x, edge_index, batch, emb, W11, b11, W12, b12, W21, b21, W22, b22,
           Wfc, bfc):
    pad = ROWS * LW - EPW
    edges4 = jnp.pad(edge_index.reshape(2, NW, EPW),
                     ((0, 0), (0, 0), (0, pad))).reshape(2, NW, ROWS, LW)

    mesh = plsc.VectorSubcoreMesh(core_axis_name="c", subcore_axis_name="s")

    degs = pl.kernel(
        _sc_degree_body,
        out_type=jax.ShapeDtypeStruct((NC * N,), jnp.float32),
        mesh=mesh,
        scratch_types=[
            pltpu.VMEM_SHARED((N,), jnp.float32),
            pltpu.VMEM((ROWS, LW), jnp.int32),
            pltpu.VMEM((2, LW), jnp.float32),
            pltpu.VMEM((CCH,), jnp.float32),
            pltpu.SemaphoreType.DMA,
        ],
    )(edges4)

    m2 = pl.kernel(
        _sc_hist_body,
        out_type=jax.ShapeDtypeStruct((NC * N * C,), jnp.float32),
        mesh=mesh,
        scratch_types=[
            pltpu.VMEM_SHARED((N * C,), jnp.float32),
            pltpu.VMEM_SHARED((N,), jnp.int32),
            pltpu.VMEM((ROWS, LW), jnp.int32),
            pltpu.VMEM((ROWS, LW), jnp.int32),
            pltpu.VMEM((ROWS, LW), jnp.int32),
            pltpu.VMEM((2, LW), jnp.float32),
            pltpu.VMEM((CCH,), jnp.int32),
            pltpu.VMEM((CCH,), jnp.float32),
            pltpu.VMEM((CCH,), jnp.float32),
            pltpu.VMEM((ZCH,), jnp.float32),
            pltpu.VMEM((ZCH,), jnp.float32),
            pltpu.SemaphoreType.DMA,
            pltpu.SemaphoreType.DMA,
            pltpu.SemaphoreType.DMA,
        ],
    )(edges4, degs)

    bn = 1000
    nb = N // bn
    m3 = m2.reshape(NC, nb, bn, C)
    batch3 = batch.reshape(nb, 1, bn)
    b11r, b12r = b11.reshape(1, D), b12.reshape(1, D)
    b21r, b22r = b21.reshape(1, D), b22.reshape(1, D)
    bfcr = bfc.reshape(1, D)

    full = lambda shape: pl.BlockSpec(shape, lambda i: tuple(0 for _ in shape))
    out = pl.pallas_call(
        functools.partial(_tc_body, nb=nb, bn=bn),
        grid=(nb,),
        in_specs=[
            pl.BlockSpec((NC, 1, bn, C), lambda i: (0, i, 0, 0)),
            pl.BlockSpec((1, 1, bn), lambda i: (i, 0, 0)),
            full((1, D)),
            full((D, D)), full((1, D)), full((D, D)), full((1, D)),
            full((D, D)), full((1, D)), full((D, D)), full((1, D)),
            full((D, D)), full((1, D)),
        ],
        out_specs=pl.BlockSpec((G, D), lambda i: (0, 0)),
        out_shape=jax.ShapeDtypeStruct((G, D), jnp.float32),
        scratch_shapes=[
            pltpu.VMEM((C, D), jnp.float32),
            pltpu.VMEM((G, D), jnp.float32),
            pltpu.VMEM((G, D), jnp.float32),
        ],
    )(m3, batch3, emb, W11, b11r, W12, b12r, W21, b21r, W22, b22r,
      Wfc, bfcr)
    return out

# --- scband reference (transcript-rebuilt; emitter-appended) ---
"""Pipeline reference for scband-default-gin-24721831756435 (READ-ONLY COPY).

The authoritative reference and input builder live on the scoring server;
editing this copy changes nothing except your own understanding.
"""

import jax, jax.numpy as jnp
import numpy as np

N = 10000
E = 320000
D_IN = 128
D_H = 128
D_OUT = 128
NUM_GRAPHS = 64


def _mlp(h, W1, b1, W2, b2):
    h = jnp.dot(h, W1) + b1
    h = jax.nn.relu(h)
    h = jnp.dot(h, W2) + b2
    return h


def setup_inputs(seed: int = 0) -> dict:
    key = jax.random.key(seed)
    ks = jax.random.split(key, 16)
    x = jnp.zeros((N,), dtype=jnp.int64 if jax.config.jax_enable_x64 else jnp.int32)
    edge_index = jax.random.randint(ks[0], (2, E), 0, N, dtype=jnp.int32)
    batch = jnp.sort(jax.random.randint(ks[1], (N,), 0, NUM_GRAPHS, dtype=jnp.int32))
    s_in = 1.0 / np.sqrt(D_IN)
    s_h = 1.0 / np.sqrt(D_H)
    emb = jax.random.normal(ks[2], (1, D_IN), dtype=jnp.float32)
    W11 = jax.random.uniform(ks[3], (D_IN, D_H), jnp.float32, -s_in, s_in)
    b11 = jax.random.uniform(ks[4], (D_H,), jnp.float32, -s_in, s_in)
    W12 = jax.random.uniform(ks[5], (D_H, D_H), jnp.float32, -s_h, s_h)
    b12 = jax.random.uniform(ks[6], (D_H,), jnp.float32, -s_h, s_h)
    W21 = jax.random.uniform(ks[7], (D_H, D_H), jnp.float32, -s_h, s_h)
    b21 = jax.random.uniform(ks[8], (D_H,), jnp.float32, -s_h, s_h)
    W22 = jax.random.uniform(ks[9], (D_H, D_H), jnp.float32, -s_h, s_h)
    b22 = jax.random.uniform(ks[10], (D_H,), jnp.float32, -s_h, s_h)
    Wfc = jax.random.uniform(ks[11], (D_H, D_OUT), jnp.float32, -s_h, s_h)
    bfc = jax.random.uniform(ks[12], (D_OUT,), jnp.float32, -s_h, s_h)
    return {"x": x, "edge_index": edge_index, "batch": batch, "emb": emb,
            "W11": W11, "b11": b11, "W12": W12, "b12": b12,
            "W21": W21, "b21": b21, "W22": W22, "b22": b22,
            "Wfc": Wfc, "bfc": bfc}


def reference(x, edge_index, batch, emb, W11, b11, W12, b12, W21, b21, W22, b22, Wfc, bfc):
    src = edge_index[0]
    dst = edge_index[1]
    # embedding lookup (table has 1 row; x is all zeros)
    h = jnp.take(emb, x, axis=0)
    # GINConv 1: nn((1+eps)*x + sum_{j in N(i)} x_j), eps=0
    agg = jax.ops.segment_sum(jnp.take(h, src, axis=0), dst, num_segments=N)
    h = _mlp(h + agg, W11, b11, W12, b12)
    h = jax.nn.relu(h)
    # GINConv 2
    agg = jax.ops.segment_sum(jnp.take(h, src, axis=0), dst, num_segments=N)
    h = _mlp(h + agg, W21, b21, W22, b22)
    # global mean pool over batch segments
    sums = jax.ops.segment_sum(h, batch, num_segments=NUM_GRAPHS)
    counts = jax.ops.segment_sum(jnp.ones((N,), dtype=h.dtype), batch, num_segments=NUM_GRAPHS)
    pooled = sums / jnp.clip(counts, 1.0, None)[:, None]
    out = jnp.dot(pooled, Wfc) + bfc
    return out

if __name__ == "__main__":
    import jax
    _d = setup_inputs()
    print(jax.jit(kernel)(*tuple(_d.values())))

</pallas_src>

<mosaic_0001>
#map = affine_map<(d0, d1) -> (0, 0, 0, 0)>
#map1 = affine_map<(d0, d1) -> (0)>
module attributes {stable_mosaic.version = 14 : i64} {
  func.func @_sc_hist_body(%arg0: i32, %arg1: i32, %arg2: memref<2x32x79x128xi32, #tpu.memory_space<hbm>>, %arg3: memref<20000xf32, #tpu.memory_space<hbm>>, %arg4: memref<2560000xf32, #tpu.memory_space<hbm>>, %arg5: memref<1280000xf32, #tpu.memory_space<vmem_shared>>, %arg6: memref<10000xi32, #tpu.memory_space<vmem_shared>>, %arg7: memref<79x128xi32, #tpu.memory_space<vmem>>, %arg8: memref<79x128xi32, #tpu.memory_space<vmem>>, %arg9: memref<79x128xi32, #tpu.memory_space<vmem>>, %arg10: memref<2x128xf32, #tpu.memory_space<vmem>>, %arg11: memref<2000xi32, #tpu.memory_space<vmem>>, %arg12: memref<2000xf32, #tpu.memory_space<vmem>>, %arg13: memref<2000xf32, #tpu.memory_space<vmem>>, %arg14: memref<4000xf32, #tpu.memory_space<vmem>>, %arg15: memref<4000xf32, #tpu.memory_space<vmem>>, %arg16: memref<!tpu.dma_semaphore, #tpu.memory_space<semaphore_mem>>, %arg17: memref<!tpu.dma_semaphore, #tpu.memory_space<semaphore_mem>>, %arg18: memref<!tpu.dma_semaphore, #tpu.memory_space<semaphore_mem>>) attributes {dimension_semantics = [#tpu.dimension_semantics<core_parallel>, #tpu.dimension_semantics<subcore_parallel>], iteration_bounds = array<i64: 2, 16>, scalar_prefetch = 0 : i64, scratch_operands = 14 : i64, tpu.core_type = #tpu.core_type<sc_vector_subcore>, window_params = [{transform_indices = #map}, {transform_indices = #map1}, {transform_indices = #map1}]} {
    %mul3A = arith.constant 16 : i32
    %mul3A_0 = arith.muli %arg0, %mul3A : i32
    %add3A = arith.addi %mul3A_0, %arg1 : i32
    %broadcast_in_dim3A = arith.constant 1.000000e+00 : f32
    %broadcast_in_dim3A_1 = vector.broadcast %broadcast_in_dim3A : f32 to vector<16xf32>
    %broadcast_in_dim3A_2 = arith.constant 0.000000e+00 : f32
    %broadcast_in_dim3A_3 = vector.broadcast %broadcast_in_dim3A_2 : f32 to vector<16xf32>
    %swap3A = arith.constant 0 : i32
    %swap3A_4 = arith.index_cast %swap3A : i32 to index
    %swap3A_5 = arith.constant 0 : index
    %swap3A_6 = tpu.vector_load %arg10[%swap3A_4, %swap3A_5] {strides = array<i32>} : memref<2x128xf32, #tpu.memory_space<vmem>>, vector<1x16xf32>,
    %swap3A_7 = vector.shape_cast %swap3A_6 : vector<1x16xf32> to vector<16xf32>
    %swap3A_8 = vector.shape_cast %broadcast_in_dim3A_1 : vector<16xf32> to vector<1x16xf32>
    tpu.vector_store %arg10[%swap3A_4, %swap3A_5], %swap3A_8 {strides = array<i32>} : memref<2x128xf32, #tpu.memory_space<vmem>>, vector<1x16xf32>,
    %swap3A_9 = arith.constant 1 : i32
    %swap3A_10 = arith.index_cast %swap3A_9 : i32 to index
    %swap3A_11 = arith.constant 0 : index
    %swap3A_12 = tpu.vector_load %arg10[%swap3A_10, %swap3A_11] {strides = array<i32>} : memref<2x128xf32, #tpu.memory_space<vmem>>, vector<1x16xf32>,
    %swap3A_13 = vector.shape_cast %swap3A_12 : vector<1x16xf32> to vector<16xf32>
    %swap3A_14 = vector.shape_cast %broadcast_in_dim3A_1 : vector<16xf32> to vector<1x16xf32>
    tpu.vector_store %arg10[%swap3A_10, %swap3A_11], %swap3A_14 {strides = array<i32>} : memref<2x128xf32, #tpu.memory_space<vmem>>, vector<1x16xf32>,
    %swap3A_15 = arith.constant 0 : i32
    %swap3A_16 = arith.index_cast %swap3A_15 : i32 to index
    %swap3A_17 = arith.constant 16 : index
    %swap3A_18 = tpu.vector_load %arg10[%swap3A_16, %swap3A_17] {strides = array<i32>} : memref<2x128xf32, #tpu.memory_space<vmem>>, vector<1x16xf32>,
    %swap3A_19 = vector.shape_cast %swap3A_18 : vector<1x16xf32> to vector<16xf32>
    %swap3A_20 = vector.shape_cast %broadcast_in_dim3A_1 : vector<16xf32> to vector<1x16xf32>
    tpu.vector_store %arg10[%swap3A_16, %swap3A_17], %swap3A_20 {strides = array<i32>} : memref<2x128xf32, #tpu.memory_space<vmem>>, vector<1x16xf32>,
    %swap3A_21 = arith.constant 1 : i32
    %swap3A_22 = arith.index_cast %swap3A_21 : i32 to index
    %swap3A_23 = arith.constant 16 : index
    %swap3A_24 = tpu.vector_load %arg10[%swap3A_22, %swap3A_23] {strides = array<i32>} : memref<2x128xf32, #tpu.memory_space<vmem>>, vector<1x16xf32>,
    %swap3A_25 = vector.shape_cast %swap3A_24 : vector<1x16xf32> to vector<16xf32>
    %swap3A_26 = vector.shape_cast %broadcast_in_dim3A_3 : vector<16xf32> to vector<1x16xf32>
    tpu.vector_store %arg10[%swap3A_22, %swap3A_23], %swap3A_26 {strides = array<i32>} : memref<2x128xf32, #tpu.memory_space<vmem>>, vector<1x16xf32>,
    %swap3A_27 = arith.constant 0 : i32
    %swap3A_28 = arith.index_cast %swap3A_27 : i32 to index
    %swap3A_29 = arith.constant 32 : index
    %swap3A_30 = tpu.vector_load %arg10[%swap3A_28, %swap3A_29] {strides = array<i32>} : memref<2x128xf32, #tpu.memory_space<vmem>>, vector<1x16xf32>,
    %swap3A_31 = vector.shape_cast %swap3A_30 : vector<1x16xf32> to vector<16xf32>
    %swap3A_32 = vector.shape_cast %broadcast_in_dim3A_1 : vector<16xf32> to vector<1x16xf32>
    tpu.vector_store %arg10[%swap3A_28, %swap3A_29], %swap3A_32 {strides = array<i32>} : memref<2x128xf32, #tpu.memory_space<vmem>>, vector<1x16xf32>,
    %swap3A_33 = arith.constant 1 : i32
    %swap3A_34 = arith.index_cast %swap3A_33 : i32 to index
    %swap3A_35 = arith.constant 32 : index
    %swap3A_36 = tpu.vector_load %arg10[%swap3A_34, %swap3A_35] {strides = array<i32>} : memref<2x128xf32, #tpu.memory_space<vmem>>, vector<1x16xf32>,
    %swap3A_37 = vector.shape_cast %swap3A_36 : vector<1x16xf32> to vector<16xf32>
    %swap3A_38 = vector.shape_cast %broadcast_in_dim3A_3 : vector<16xf32> to vector<1x16xf32>
    tpu.vector_store %arg10[%swap3A_34, %swap3A_35], %swap3A_38 {strides = array<i32>} : memref<2x128xf32, #tpu.memory_space<vmem>>, vector<1x16xf32>,
    %swap3A_39 = arith.constant 0 : i32
    %swap3A_40 = arith.index_cast %swap3A_39 : i32 to index
    %swap3A_41 = arith.constant 48 : index
    %swap3A_42 = tpu.vector_load %arg10[%swap3A_40, %swap3A_41] {strides = array<i32>} : memref<2x128xf32, #tpu.memory_space<vmem>>, vector<1x16xf32>,
    %swap3A_43 = vector.shape_cast %swap3A_42 : vector<1x16xf32> to vector<16xf32>
    %swap3A_44 = vector.shape_cast %broadcast_in_dim3A_1 : vector<16xf32> to vector<1x16xf32>
    tpu.vector_store %arg10[%swap3A_40, %swap3A_41], %swap3A_44 {strides = array<i32>} : memref<2x128xf32, #tpu.memory_space<vmem>>, vector<1x16xf32>,
    %swap3A_45 = arith.constant 1 : i32
    %swap3A_46 = arith.index_cast %swap3A_45 : i32 to index
    %swap3A_47 = arith.constant 48 : index
    %swap3A_48 = tpu.vector_load %arg10[%swap3A_46, %swap3A_47] {strides = array<i32>} : memref<2x128xf32, #tpu.memory_space<vmem>>, vector<1x16xf32>,
    %swap3A_49 = vector.shape_cast %swap3A_48 : vector<1x16xf32> to vector<16xf32>
    %swap3A_50 = vector.shape_cast %broadcast_in_dim3A_3 : vector<16xf32> to vector<1x16xf32>
    tpu.vector_store %arg10[%swap3A_46, %swap3A_47], %swap3A_50 {strides = array<i32>} : memref<2x128xf32, #tpu.memory_space<vmem>>, vector<1x16xf32>,
    %swap3A_51 = arith.constant 0 : i32
    %swap3A_52 = arith.index_cast %swap3A_51 : i32 to index
    %swap3A_53 = arith.constant 64 : index
    %swap3A_54 = tpu.vector_load %arg10[%swap3A_52, %swap3A_53] {strides = array<i32>} : memref<2x128xf32, #tpu.memory_space<vmem>>, vector<1x16xf32>,
    %swap3A_55 = vector.shape_cast %swap3A_54 : vector<1x16xf32> to vector<16xf32>
    %swap3A_56 = vector.shape_cast %broadcast_in_dim3A_1 : vector<16xf32> to vector<1x16xf32>
    tpu.vector_store %arg10[%swap3A_52, %swap3A_53], %swap3A_56 {strides = array<i32>} : memref<2x128xf32, #tpu.memory_space<vmem>>, vector<1x16xf32>,
    %swap3A_57 = arith.constant 1 : i32
    %swap3A_58 = arith.index_cast %swap3A_57 : i32 to index
    %swap3A_59 = arith.constant 64 : index
    %swap3A_60 = tpu.vector_load %arg10[%swap3A_58, %swap3A_59] {strides = array<i32>} : memref<2x128xf32, #tpu.memory_space<vmem>>, vector<1x16xf32>,
    %swap3A_61 = vector.shape_cast %swap3A_60 : vector<1x16xf32> to vector<16xf32>
    %swap3A_62 = vector.shape_cast %broadcast_in_dim3A_3 : vector<16xf32> to vector<1x16xf32>
    tpu.vector_store %arg10[%swap3A_58, %swap3A_59], %swap3A_62 {strides = array<i32>} : memref<2x128xf32, #tpu.memory_space<vmem>>, vector<1x16xf32>,
    %swap3A_63 = arith.constant 0 : i32
    %swap3A_64 = arith.index_cast %swap3A_63 : i32 to index
    %swap3A_65 = arith.constant 80 : index
    %swap3A_66 = tpu.vector_load %arg10[%swap3A_64, %swap3A_65] {strides = array<i32>} : memref<2x128xf32, #tpu.memory_space<vmem>>, vector<1x16xf32>,
    %swap3A_67 = vector.shape_cast %swap3A_66 : vector<1x16xf32> to vector<16xf32>
    %swap3A_68 = vector.shape_cast %broadcast_in_dim3A_1 : vector<16xf32> to vector<1x16xf32>
    tpu.vector_store %arg10[%swap3A_64, %swap3A_65], %swap3A_68 {strides = array<i32>} : memref<2x128xf32, #tpu.memory_space<vmem>>, vector<1x16xf32>,
    %swap3A_69 = arith.constant 1 : i32
    %swap3A_70 = arith.index_cast %swap3A_69 : i32 to index
    %swap3A_71 = arith.constant 80 : index
    %swap3A_72 = tpu.vector_load %arg10[%swap3A_70, %swap3A_71] {strides = array<i32>} : memref<2x128xf32, #tpu.memory_space<vmem>>, vector<1x16xf32>,
    %swap3A_73 = vector.shape_cast %swap3A_72 : vector<1x16xf32> to vector<16xf32>
    %swap3A_74 = vector.shape_cast %broadcast_in_dim3A_3 : vector<16xf32> to vector<1x16xf32>
    tpu.vector_store %arg10[%swap3A_70, %swap3A_71], %swap3A_74 {strides = array<i32>} : memref<2x128xf32, #tpu.memory_space<vmem>>, vector<1x16xf32>,
    %swap3A_75 = arith.constant 0 : i32
    %swap3A_76 = arith.index_cast %swap3A_75 : i32 to index
    %swap3A_77 = arith.constant 96 : index
    %swap3A_78 = tpu.vector_load %arg10[%swap3A_76, %swap3A_77] {strides = array<i32>} : memref<2x128xf32, #tpu.memory_space<vmem>>, vector<1x16xf32>,
    %swap3A_79 = vector.shape_cast %swap3A_78 : vector<1x16xf32> to vector<16xf32>
    %swap3A_80 = vector.shape_cast %broadcast_in_dim3A_1 : vector<16xf32> to vector<1x16xf32>
    tpu.vector_store %arg10[%swap3A_76, %swap3A_77], %swap3A_80 {strides = array<i32>} : memref<2x128xf32, #tpu.memory_space<vmem>>, vector<1x16xf32>,
    %swap3A_81 = arith.constant 1 : i32
    %swap3A_82 = arith.index_cast %swap3A_81 : i32 to index
    %swap3A_83 = arith.constant 96 : index
    %swap3A_84 = tpu.vector_load %arg10[%swap3A_82, %swap3A_83] {strides = array<i32>} : memref<2x128xf32, #tpu.memory_space<vmem>>, vector<1x16xf32>,
    %swap3A_85 = vector.shape_cast %swap3A_84 : vector<1x16xf32> to vector<16xf32>
    %swap3A_86 = vector.shape_cast %broadcast_in_dim3A_3 : vector<16xf32> to vector<1x16xf32>
    tpu.vector_store %arg10[%swap3A_82, %swap3A_83], %swap3A_86 {strides = array<i32>} : memref<2x128xf32, #tpu.memory_space<vmem>>, vector<1x16xf32>,
    %swap3A_87 = arith.constant 0 : i32
    %swap3A_88 = arith.index_cast %swap3A_87 : i32 to index
    %swap3A_89 = arith.constant 112 : index
    %swap3A_90 = tpu.vector_load %arg10[%swap3A_88, %swap3A_89] {strides = array<i32>} : memref<2x128xf32, #tpu.memory_space<vmem>>, vector<1x16xf32>,
    %swap3A_91 = vector.shape_cast %swap3A_90 : vector<1x16xf32> to vector<16xf32>
    %swap3A_92 = vector.shape_cast %broadcast_in_dim3A_1 : vector<16xf32> to vector<1x16xf32>
    tpu.vector_store %arg10[%swap3A_88, %swap3A_89], %swap3A_92 {strides = array<i32>} : memref<2x128xf32, #tpu.memory_space<vmem>>, vector<1x16xf32>,
    %swap3A_93 = arith.constant 1 : i32
    %swap3A_94 = arith.index_cast %swap3A_93 : i32 to index
    %swap3A_95 = arith.constant 112 : index
    %swap3A_96 = tpu.vector_load %arg10[%swap3A_94, %swap3A_95] {strides = array<i32>} : memref<2x128xf32, #tpu.memory_space<vmem>>, vector<1x16xf32>,
    %swap3A_97 = vector.shape_cast %swap3A_96 : vector<1x16xf32> to vector<16xf32>
    %swap3A_98 = vector.shape_cast %broadcast_in_dim3A_3 : vector<16xf32> to vector<1x16xf32>
    tpu.vector_store %arg10[%swap3A_94, %swap3A_95], %swap3A_98 {strides = array<i32>} : memref<2x128xf32, #tpu.memory_space<vmem>>, vector<1x16xf32>,
    %scan3A = arith.constant 0 : i32
    %scan3A_99 = arith.constant 250 : i32
    %scan3A_100 = arith.addi %scan3A, %scan3A_99 : i32
    %scan3A_101 = arith.constant 1 : i32
    scf.for %scan3A_584 = %scan3A to %scan3A_100 step %scan3A_101  : i32 {
      %mul3A_585 = arith.constant 1 : i32
      %mul3A_586 = arith.muli %scan3A_584, %mul3A_585 : i32
      %add3A_587 = arith.constant 0 : i32
      %add3A_588 = arith.addi %add3A_587, %mul3A_586 : i32
      %broadcast_in_dim3A_589 = arith.constant 0.000000e+00 : f32
      %broadcast_in_dim3A_590 = vector.broadcast %broadcast_in_dim3A_589 : f32 to vector<16xf32>
      %mul3A_591 = arith.constant 16 : i32
      %mul3A_592 = arith.muli %add3A_588, %mul3A_591 : i32
      %swap3A_593 = arith.index_cast %mul3A_592 : i32 to index
      %swap3A_594 = tpu.vector_load %arg14[%swap3A_593] {strides = array<i32>} : memref<4000xf32, #tpu.memory_space<vmem>>, vector<16xf32>,
      %swap3A_595 = vector.shape_cast %swap3A_594 : vector<16xf32> to vector<16xf32>
      %swap3A_596 = vector.shape_cast %broadcast_in_dim3A_590 : vector<16xf32> to vector<16xf32>
      tpu.vector_store %arg14[%swap3A_593], %swap3A_596 {strides = array<i32>} : memref<4000xf32, #tpu.memory_space<vmem>>, vector<16xf32>,
    }
    %scan3A_102 = arith.constant 250 : i32
    %mul3A_103 = arith.constant 80000 : i32
    %mul3A_104 = arith.muli %arg1, %mul3A_103 : i32
    %add3A_105 = arith.constant 0 : i32
    %add3A_106 = arith.addi %mul3A_104, %add3A_105 : i32
    %dma_start3A = tpu.memref_slice %arg5[%add3A_106] : memref<1280000xf32, #tpu.memory_space<vmem_shared>> -> memref<4000xf32, #tpu.memory_space<vmem_shared>>
    %dma_start3A_107 = tpu.memref_slice %arg5[%add3A_106] : memref<1280000xf32, #tpu.memory_space<vmem_shared>> -> memref<4000xf32, #tpu.memory_space<vmem_shared>>
    tpu.enqueue_dma source(%arg14 : memref<4000xf32, #tpu.memory_space<vmem>>) target(%dma_start3A_107 : memref<4000xf32, #tpu.memory_space<vmem_shared>>) target_semaphore(%arg16 : memref<!tpu.dma_semaphore, #tpu.memory_space<semaphore_mem>>)
    %mul3A_108 = arith.constant 80000 : i32
    %mul3A_109 = arith.muli %arg1, %mul3A_108 : i32
    %add3A_110 = arith.constant 4000 : i32
    %add3A_111 = arith.addi %mul3A_109, %add3A_110 : i32
    %dma_start3A_112 = tpu.memref_slice %arg5[%add3A_111] : memref<1280000xf32, #tpu.memory_space<vmem_shared>> -> memref<4000xf32, #tpu.memory_space<vmem_shared>>
    %dma_start3A_113 = tpu.memref_slice %arg5[%add3A_111] : memref<1280000xf32, #tpu.memory_space<vmem_shared>> -> memref<4000xf32, #tpu.memory_space<vmem_shared>>
    tpu.enqueue_dma source(%arg14 : memref<4000xf32, #tpu.memory_space<vmem>>) target(%dma_start3A_113 : memref<4000xf32, #tpu.memory_space<vmem_shared>>) target_semaphore(%arg16 : memref<!tpu.dma_semaphore, #tpu.memory_space<semaphore_mem>>)
    %mul3A_114 = arith.constant 80000 : i32
    %mul3A_115 = arith.muli %arg1, %mul3A_114 : i32
    %add3A_116 = arith.constant 8000 : i32
    %add3A_117 = arith.addi %mul3A_115, %add3A_116 : i32
    %dma_start3A_118 = tpu.memref_slice %arg5[%add3A_117] : memref<1280000xf32, #tpu.memory_space<vmem_shared>> -> memref<4000xf32, #tpu.memory_space<vmem_shared>>
    %dma_start3A_119 = tpu.memref_slice %arg5[%add3A_117] : memref<1280000xf32, #tpu.memory_space<vmem_shared>> -> memref<4000xf32, #tpu.memory_space<vmem_shared>>
    tpu.enqueue_dma source(%arg14 : memref<4000xf32, #tpu.memory_space<vmem>>) target(%dma_start3A_119 : memref<4000xf32, #tpu.memory_space<vmem_shared>>) target_semaphore(%arg16 : memref<!tpu.dma_semaphore, #tpu.memory_space<semaphore_mem>>)
    %mul3A_120 = arith.constant 80000 : i32
    %mul3A_121 = arith.muli %arg1, %mul3A_120 : i32
    %add3A_122 = arith.constant 12000 : i32
    %add3A_123 = arith.addi %mul3A_121, %add3A_122 : i32
    %dma_start3A_124 = tpu.memref_slice %arg5[%add3A_123] : memref<1280000xf32, #tpu.memory_space<vmem_shared>> -> memref<4000xf32, #tpu.memory_space<vmem_shared>>
    %dma_start3A_125 = tpu.memref_slice %arg5[%add3A_123] : memref<1280000xf32, #tpu.memory_space<vmem_shared>> -> memref<4000xf32, #tpu.memory_space<vmem_shared>>
    tpu.enqueue_dma source(%arg14 : memref<4000xf32, #tpu.memory_space<vmem>>) target(%dma_start3A_125 : memref<4000xf32, #tpu.memory_space<vmem_shared>>) target_semaphore(%arg16 : memref<!tpu.dma_semaphore, #tpu.memory_space<semaphore_mem>>)
    %mul3A_126 = arith.constant 80000 : i32
    %mul3A_127 = arith.muli %arg1, %mul3A_126 : i32
    %add3A_128 = arith.constant 16000 : i32
    %add3A_129 = arith.addi %mul3A_127, %add3A_128 : i32
    %dma_start3A_130 = tpu.memref_slice %arg5[%add3A_129] : memref<1280000xf32, #tpu.memory_space<vmem_shared>> -> memref<4000xf32, #tpu.memory_space<vmem_shared>>
    %dma_start3A_131 = tpu.memref_slice %arg5[%add3A_129] : memref<1280000xf32, #tpu.memory_space<vmem_shared>> -> memref<4000xf32, #tpu.memory_space<vmem_shared>>
    tpu.enqueue_dma source(%arg14 : memref<4000xf32, #tpu.memory_space<vmem>>) target(%dma_start3A_131 : memref<4000xf32, #tpu.memory_space<vmem_shared>>) target_semaphore(%arg16 : memref<!tpu.dma_semaphore, #tpu.memory_space<semaphore_mem>>)
    %mul3A_132 = arith.constant 80000 : i32
    %mul3A_133 = arith.muli %arg1, %mul3A_132 : i32
    %add3A_134 = arith.constant 20000 : i32
    %add3A_135 = arith.addi %mul3A_133, %add3A_134 : i32
    %dma_start3A_136 = tpu.memref_slice %arg5[%add3A_135] : memref<1280000xf32, #tpu.memory_space<vmem_shared>> -> memref<4000xf32, #tpu.memory_space<vmem_shared>>
    %dma_start3A_137 = tpu.memref_slice %arg5[%add3A_135] : memref<1280000xf32, #tpu.memory_space<vmem_shared>> -> memref<4000xf32, #tpu.memory_space<vmem_shared>>
    tpu.enqueue_dma source(%arg14 : memref<4000xf32, #tpu.memory_space<vmem>>) target(%dma_start3A_137 : memref<4000xf32, #tpu.memory_space<vmem_shared>>) target_semaphore(%arg16 : memref<!tpu.dma_semaphore, #tpu.memory_space<semaphore_mem>>)
    %mul3A_138 = arith.constant 80000 : i32
    %mul3A_139 = arith.muli %arg1, %mul3A_138 : i32
    %add3A_140 = arith.constant 24000 : i32
    %add3A_141 = arith.addi %mul3A_139, %add3A_140 : i32
    %dma_start3A_142 = tpu.memref_slice %arg5[%add3A_141] : memref<1280000xf32, #tpu.memory_space<vmem_shared>> -> memref<4000xf32, #tpu.memory_space<vmem_shared>>
    %dma_start3A_143 = tpu.memref_slice %arg5[%add3A_141] : memref<1280000xf32, #tpu.memory_space<vmem_shared>> -> memref<4000xf32, #tpu.memory_space<vmem_shared>>
    tpu.enqueue_dma source(%arg14 : memref<4000xf32, #tpu.memory_space<vmem>>) target(%dma_start3A_143 : memref<4000xf32, #tpu.memory_space<vmem_shared>>) target_semaphore(%arg16 : memref<!tpu.dma_semaphore, #tpu.memory_space<semaphore_mem>>)
    %mul3A_144 = arith.constant 80000 : i32
    %mul3A_145 = arith.muli %arg1, %mul3A_144 : i32
    %add3A_146 = arith.constant 28000 : i32
    %add3A_147 = arith.addi %mul3A_145, %add3A_146 : i32
    %dma_start3A_148 = tpu.memref_slice %arg5[%add3A_147] : memref<1280000xf32, #tpu.memory_space<vmem_shared>> -> memref<4000xf32, #tpu.memory_space<vmem_shared>>
    %dma_start3A_149 = tpu.memref_slice %arg5[%add3A_147] : memref<1280000xf32, #tpu.memory_space<vmem_shared>> -> memref<4000xf32, #tpu.memory_space<vmem_shared>>
    tpu.enqueue_dma source(%arg14 : memref<4000xf32, #tpu.memory_space<vmem>>) target(%dma_start3A_149 : memref<4000xf32, #tpu.memory_space<vmem_shared>>) target_semaphore(%arg16 : memref<!tpu.dma_semaphore, #tpu.memory_space<semaphore_mem>>)
    %mul3A_150 = arith.constant 80000 : i32
    %mul3A_151 = arith.muli %arg1, %mul3A_150 : i32
    %add3A_152 = arith.constant 32000 : i32
    %add3A_153 = arith.addi %mul3A_151, %add3A_152 : i32
    %dma_start3A_154 = tpu.memref_slice %arg5[%add3A_153] : memref<1280000xf32, #tpu.memory_space<vmem_shared>> -> memref<4000xf32, #tpu.memory_space<vmem_shared>>
    %dma_start3A_155 = tpu.memref_slice %arg5[%add3A_153] : memref<1280000xf32, #tpu.memory_space<vmem_shared>> -> memref<4000xf32, #tpu.memory_space<vmem_shared>>
    tpu.enqueue_dma source(%arg14 : memref<4000xf32, #tpu.memory_space<vmem>>) target(%dma_start3A_155 : memref<4000xf32, #tpu.memory_space<vmem_shared>>) target_semaphore(%arg16 : memref<!tpu.dma_semaphore, #tpu.memory_space<semaphore_mem>>)
    %mul3A_156 = arith.constant 80000 : i32
    %mul3A_157 = arith.muli %arg1, %mul3A_156 : i32
    %add3A_158 = arith.constant 36000 : i32
    %add3A_159 = arith.addi %mul3A_157, %add3A_158 : i32
    %dma_start3A_160 = tpu.memref_slice %arg5[%add3A_159] : memref<1280000xf32, #tpu.memory_space<vmem_shared>> -> memref<4000xf32, #tpu.memory_space<vmem_shared>>
    %dma_start3A_161 = tpu.memref_slice %arg5[%add3A_159] : memref<1280000xf32, #tpu.memory_space<vmem_shared>> -> memref<4000xf32, #tpu.memory_space<vmem_shared>>
    tpu.enqueue_dma source(%arg14 : memref<4000xf32, #tpu.memory_space<vmem>>) target(%dma_start3A_161 : memref<4000xf32, #tpu.memory_space<vmem_shared>>) target_semaphore(%arg16 : memref<!tpu.dma_semaphore, #tpu.memory_space<semaphore_mem>>)
    %dma_wait3A = tpu.memref_slice %arg5[%add3A_106] : memref<1280000xf32, #tpu.memory_space<vmem_shared>> -> memref<4000xf32, #tpu.memory_space<vmem_shared>>
    %dma_wait3A_162 = tpu.memref_slice %arg5[%add3A_106] : memref<1280000xf32, #tpu.memory_space<vmem_shared>> -> memref<4000xf32, #tpu.memory_space<vmem_shared>>
    tpu.wait_dma2 semaphore(%arg16 : memref<!tpu.dma_semaphore, #tpu.memory_space<semaphore_mem>>) src(%arg14 : memref<4000xf32, #tpu.memory_space<vmem>>) dst(%dma_wait3A_162 : memref<4000xf32, #tpu.memory_space<vmem_shared>>)
    %dma_wait3A_163 = tpu.memref_slice %arg5[%add3A_111] : memref<1280000xf32, #tpu.memory_space<vmem_shared>> -> memref<4000xf32, #tpu.memory_space<vmem_shared>>
    %dma_wait3A_164 = tpu.memref_slice %arg5[%add3A_111] : memref<1280000xf32, #tpu.memory_space<vmem_shared>> -> memref<4000xf32, #tpu.memory_space<vmem_shared>>
    tpu.wait_dma2 semaphore(%arg16 : memref<!tpu.dma_semaphore, #tpu.memory_space<semaphore_mem>>) src(%arg14 : memref<4000xf32, #tpu.memory_space<vmem>>) dst(%dma_wait3A_164 : memref<4000xf32, #tpu.memory_space<vmem_shared>>)
    %dma_wait3A_165 = tpu.memref_slice %arg5[%add3A_117] : memref<1280000xf32, #tpu.memory_space<vmem_shared>> -> memref<4000xf32, #tpu.memory_space<vmem_shared>>
    %dma_wait3A_166 = tpu.memref_slice %arg5[%add3A_117] : memref<1280000xf32, #tpu.memory_space<vmem_shared>> -> memref<4000xf32, #tpu.memory_space<vmem_shared>>
    tpu.wait_dma2 semaphore(%arg16 : memref<!tpu.dma_semaphore, #tpu.memory_space<semaphore_mem>>) src(%arg14 : memref<4000xf32, #tpu.memory_space<vmem>>) dst(%dma_wait3A_166 : memref<4000xf32, #tpu.memory_space<vmem_shared>>)
    %dma_wait3A_167 = tpu.memref_slice %arg5[%add3A_123] : memref<1280000xf32, #tpu.memory_space<vmem_shared>> -> memref<4000xf32, #tpu.memory_space<vmem_shared>>
    %dma_wait3A_168 = tpu.memref_slice %arg5[%add3A_123] : memref<1280000xf32, #tpu.memory_space<vmem_shared>> -> memref<4000xf32, #tpu.memory_space<vmem_shared>>
    tpu.wait_dma2 semaphore(%arg16 : memref<!tpu.dma_semaphore, #tpu.memory_space<semaphore_mem>>) src(%arg14 : memref<4000xf32, #tpu.memory_space<vmem>>) dst(%dma_wait3A_168 : memref<4000xf32, #tpu.memory_space<vmem_shared>>)
    %dma_wait3A_169 = tpu.memref_slice %arg5[%add3A_129] : memref<1280000xf32, #tpu.memory_space<vmem_shared>> -> memref<4000xf32, #tpu.memory_space<vmem_shared>>
    %dma_wait3A_170 = tpu.memref_slice %arg5[%add3A_129] : memref<1280000xf32, #tpu.memory_space<vmem_shared>> -> memref<4000xf32, #tpu.memory_space<vmem_shared>>
    tpu.wait_dma2 semaphore(%arg16 : memref<!tpu.dma_semaphore, #tpu.memory_space<semaphore_mem>>) src(%arg14 : memref<4000xf32, #tpu.memory_space<vmem>>) dst(%dma_wait3A_170 : memref<4000xf32, #tpu.memory_space<vmem_shared>>)
    %dma_wait3A_171 = tpu.memref_slice %arg5[%add3A_135] : memref<1280000xf32, #tpu.memory_space<vmem_shared>> -> memref<4000xf32, #tpu.memory_space<vmem_shared>>
    %dma_wait3A_172 = tpu.memref_slice %arg5[%add3A_135] : memref<1280000xf32, #tpu.memory_space<vmem_shared>> -> memref<4000xf32, #tpu.memory_space<vmem_shared>>
    tpu.wait_dma2 semaphore(%arg16 : memref<!tpu.dma_semaphore, #tpu.memory_space<semaphore_mem>>) src(%arg14 : memref<4000xf32, #tpu.memory_space<vmem>>) dst(%dma_wait3A_172 : memref<4000xf32, #tpu.memory_space<vmem_shared>>)
    %dma_wait3A_173 = tpu.memref_slice %arg5[%add3A_141] : memref<1280000xf32, #tpu.memory_space<vmem_shared>> -> memref<4000xf32, #tpu.memory_space<vmem_shared>>
    %dma_wait3A_174 = tpu.memref_slice %arg5[%add3A_141] : memref<1280000xf32, #tpu.memory_space<vmem_shared>> -> memref<4000xf32, #tpu.memory_space<vmem_shared>>
    tpu.wait_dma2 semaphore(%arg16 : memref<!tpu.dma_semaphore, #tpu.memory_space<semaphore_mem>>) src(%arg14 : memref<4000xf32, #tpu.memory_space<vmem>>) dst(%dma_wait3A_174 : memref<4000xf32, #tpu.memory_space<vmem_shared>>)
    %dma_wait3A_175 = tpu.memref_slice %arg5[%add3A_147] : memref<1280000xf32, #tpu.memory_space<vmem_shared>> -> memref<4000xf32, #tpu.memory_space<vmem_shared>>
    %dma_wait3A_176 = tpu.memref_slice %arg5[%add3A_147] : memref<1280000xf32, #tpu.memory_space<vmem_shared>> -> memref<4000xf32, #tpu.memory_space<vmem_shared>>
    tpu.wait_dma2 semaphore(%arg16 : memref<!tpu.dma_semaphore, #tpu.memory_space<semaphore_mem>>) src(%arg14 : memref<4000xf32, #tpu.memory_space<vmem>>) dst(%dma_wait3A_176 : memref<4000xf32, #tpu.memory_space<vmem_shared>>)
    %dma_wait3A_177 = tpu.memref_slice %arg5[%add3A_153] : memref<1280000xf32, #tpu.memory_space<vmem_shared>> -> memref<4000xf32, #tpu.memory_space<vmem_shared>>
    %dma_wait3A_178 = tpu.memref_slice %arg5[%add3A_153] : memref<1280000xf32, #tpu.memory_space<vmem_shared>> -> memref<4000xf32, #tpu.memory_space<vmem_shared>>
    tpu.wait_dma2 semaphore(%arg16 : memref<!tpu.dma_semaphore, #tpu.memory_space<semaphore_mem>>) src(%arg14 : memref<4000xf32, #tpu.memory_space<vmem>>) dst(%dma_wait3A_178 : memref<4000xf32, #tpu.memory_space<vmem_shared>>)
    %dma_wait3A_179 = tpu.memref_slice %arg5[%add3A_159] : memref<1280000xf32, #tpu.memory_space<vmem_shared>> -> memref<4000xf32, #tpu.memory_space<vmem_shared>>
    %dma_wait3A_180 = tpu.memref_slice %arg5[%add3A_159] : memref<1280000xf32, #tpu.memory_space<vmem_shared>> -> memref<4000xf32, #tpu.memory_space<vmem_shared>>
    tpu.wait_dma2 semaphore(%arg16 : memref<!tpu.dma_semaphore, #tpu.memory_space<semaphore_mem>>) src(%arg14 : memref<4000xf32, #tpu.memory_space<vmem>>) dst(%dma_wait3A_180 : memref<4000xf32, #tpu.memory_space<vmem_shared>>)
    %mul3A_181 = arith.constant 80000 : i32
    %mul3A_182 = arith.muli %arg1, %mul3A_181 : i32
    %add3A_183 = arith.constant 40000 : i32
    %add3A_184 = arith.addi %mul3A_182, %add3A_183 : i32
    %dma_start3A_185 = tpu.memref_slice %arg5[%add3A_184] : memref<1280000xf32, #tpu.memory_space<vmem_shared>> -> memref<4000xf32, #tpu.memory_space<vmem_shared>>
    %dma_start3A_186 = tpu.memref_slice %arg5[%add3A_184] : memref<1280000xf32, #tpu.memory_space<vmem_shared>> -> memref<4000xf32, #tpu.memory_space<vmem_shared>>
    tpu.enqueue_dma source(%arg14 : memref<4000xf32, #tpu.memory_space<vmem>>) target(%dma_start3A_186 : memref<4000xf32, #tpu.memory_space<vmem_shared>>) target_semaphore(%arg16 : memref<!tpu.dma_semaphore, #tpu.memory_space<semaphore_mem>>)
    %mul3A_187 = arith.constant 80000 : i32
    %mul3A_188 = arith.muli %arg1, %mul3A_187 : i32
    %add3A_189 = arith.constant 44000 : i32
    %add3A_190 = arith.addi %mul3A_188, %add3A_189 : i32
    %dma_start3A_191 = tpu.memref_slice %arg5[%add3A_190] : memref<1280000xf32, #tpu.memory_space<vmem_shared>> -> memref<4000xf32, #tpu.memory_space<vmem_shared>>
    %dma_start3A_192 = tpu.memref_slice %arg5[%add3A_190] : memref<1280000xf32, #tpu.memory_space<vmem_shared>> -> memref<4000xf32, #tpu.memory_space<vmem_shared>>
    tpu.enqueue_dma source(%arg14 : memref<4000xf32, #tpu.memory_space<vmem>>) target(%dma_start3A_192 : memref<4000xf32, #tpu.memory_space<vmem_shared>>) target_semaphore(%arg16 : memref<!tpu.dma_semaphore, #tpu.memory_space<semaphore_mem>>)
    %mul3A_193 = arith.constant 80000 : i32
    %mul3A_194 = arith.muli %arg1, %mul3A_193 : i32
    %add3A_195 = arith.constant 48000 : i32
    %add3A_196 = arith.addi %mul3A_194, %add3A_195 : i32
    %dma_start3A_197 = tpu.memref_slice %arg5[%add3A_196] : memref<1280000xf32, #tpu.memory_space<vmem_shared>> -> memref<4000xf32, #tpu.memory_space<vmem_shared>>
    %dma_start3A_198 = tpu.memref_slice %arg5[%add3A_196] : memref<1280000xf32, #tpu.memory_space<vmem_shared>> -> memref<4000xf32, #tpu.memory_space<vmem_shared>>
    tpu.enqueue_dma source(%arg14 : memref<4000xf32, #tpu.memory_space<vmem>>) target(%dma_start3A_198 : memref<4000xf32, #tpu.memory_space<vmem_shared>>) target_semaphore(%arg16 : memref<!tpu.dma_semaphore, #tpu.memory_space<semaphore_mem>>)
    %mul3A_199 = arith.constant 80000 : i32
    %mul3A_200 = arith.muli %arg1, %mul3A_199 : i32
    %add3A_201 = arith.constant 52000 : i32
    %add3A_202 = arith.addi %mul3A_200, %add3A_201 : i32
    %dma_start3A_203 = tpu.memref_slice %arg5[%add3A_202] : memref<1280000xf32, #tpu.memory_space<vmem_shared>> -> memref<4000xf32, #tpu.memory_space<vmem_shared>>
    %dma_start3A_204 = tpu.memref_slice %arg5[%add3A_202] : memref<1280000xf32, #tpu.memory_space<vmem_shared>> -> memref<4000xf32, #tpu.memory_space<vmem_shared>>
    tpu.enqueue_dma source(%arg14 : memref<4000xf32, #tpu.memory_space<vmem>>) target(%dma_start3A_204 : memref<4000xf32, #tpu.memory_space<vmem_shared>>) target_semaphore(%arg16 : memref<!tpu.dma_semaphore, #tpu.memory_space<semaphore_mem>>)
    %mul3A_205 = arith.constant 80000 : i32
    %mul3A_206 = arith.muli %arg1, %mul3A_205 : i32
    %add3A_207 = arith.constant 56000 : i32
    %add3A_208 = arith.addi %mul3A_206, %add3A_207 : i32
    %dma_start3A_209 = tpu.memref_slice %arg5[%add3A_208] : memref<1280000xf32, #tpu.memory_space<vmem_shared>> -> memref<4000xf32, #tpu.memory_space<vmem_shared>>
    %dma_start3A_210 = tpu.memref_slice %arg5[%add3A_208] : memref<1280000xf32, #tpu.memory_space<vmem_shared>> -> memref<4000xf32, #tpu.memory_space<vmem_shared>>
    tpu.enqueue_dma source(%arg14 : memref<4000xf32, #tpu.memory_space<vmem>>) target(%dma_start3A_210 : memref<4000xf32, #tpu.memory_space<vmem_shared>>) target_semaphore(%arg16 : memref<!tpu.dma_semaphore, #tpu.memory_space<semaphore_mem>>)
    %mul3A_211 = arith.constant 80000 : i32
    %mul3A_212 = arith.muli %arg1, %mul3A_211 : i32
    %add3A_213 = arith.constant 60000 : i32
    %add3A_214 = arith.addi %mul3A_212, %add3A_213 : i32
    %dma_start3A_215 = tpu.memref_slice %arg5[%add3A_214] : memref<1280000xf32, #tpu.memory_space<vmem_shared>> -> memref<4000xf32, #tpu.memory_space<vmem_shared>>
    %dma_start3A_216 = tpu.memref_slice %arg5[%add3A_214] : memref<1280000xf32, #tpu.memory_space<vmem_shared>> -> memref<4000xf32, #tpu.memory_space<vmem_shared>>
    tpu.enqueue_dma source(%arg14 : memref<4000xf32, #tpu.memory_space<vmem>>) target(%dma_start3A_216 : memref<4000xf32, #tpu.memory_space<vmem_shared>>) target_semaphore(%arg16 : memref<!tpu.dma_semaphore, #tpu.memory_space<semaphore_mem>>)
    %mul3A_217 = arith.constant 80000 : i32
    %mul3A_218 = arith.muli %arg1, %mul3A_217 : i32
    %add3A_219 = arith.constant 64000 : i32
    %add3A_220 = arith.addi %mul3A_218, %add3A_219 : i32
    %dma_start3A_221 = tpu.memref_slice %arg5[%add3A_220] : memref<1280000xf32, #tpu.memory_space<vmem_shared>> -> memref<4000xf32, #tpu.memory_space<vmem_shared>>
    %dma_start3A_222 = tpu.memref_slice %arg5[%add3A_220] : memref<1280000xf32, #tpu.memory_space<vmem_shared>> -> memref<4000xf32, #tpu.memory_space<vmem_shared>>
    tpu.enqueue_dma source(%arg14 : memref<4000xf32, #tpu.memory_space<vmem>>) target(%dma_start3A_222 : memref<4000xf32, #tpu.memory_space<vmem_shared>>) target_semaphore(%arg16 : memref<!tpu.dma_semaphore, #tpu.memory_space<semaphore_mem>>)
    %mul3A_223 = arith.constant 80000 : i32
    %mul3A_224 = arith.muli %arg1, %mul3A_223 : i32
    %add3A_225 = arith.constant 68000 : i32
    %add3A_226 = arith.addi %mul3A_224, %add3A_225 : i32
    %dma_start3A_227 = tpu.memref_slice %arg5[%add3A_226] : memref<1280000xf32, #tpu.memory_space<vmem_shared>> -> memref<4000xf32, #tpu.memory_space<vmem_shared>>
    %dma_start3A_228 = tpu.memref_slice %arg5[%add3A_226] : memref<1280000xf32, #tpu.memory_space<vmem_shared>> -> memref<4000xf32, #tpu.memory_space<vmem_shared>>
    tpu.enqueue_dma source(%arg14 : memref<4000xf32, #tpu.memory_space<vmem>>) target(%dma_start3A_228 : memref<4000xf32, #tpu.memory_space<vmem_shared>>) target_semaphore(%arg16 : memref<!tpu.dma_semaphore, #tpu.memory_space<semaphore_mem>>)
    %mul3A_229 = arith.constant 80000 : i32
    %mul3A_230 = arith.muli %arg1, %mul3A_229 : i32
    %add3A_231 = arith.constant 72000 : i32
    %add3A_232 = arith.addi %mul3A_230, %add3A_231 : i32
    %dma_start3A_233 = tpu.memref_slice %arg5[%add3A_232] : memref<1280000xf32, #tpu.memory_space<vmem_shared>> -> memref<4000xf32, #tpu.memory_space<vmem_shared>>
    %dma_start3A_234 = tpu.memref_slice %arg5[%add3A_232] : memref<1280000xf32, #tpu.memory_space<vmem_shared>> -> memref<4000xf32, #tpu.memory_space<vmem_shared>>
    tpu.enqueue_dma source(%arg14 : memref<4000xf32, #tpu.memory_space<vmem>>) target(%dma_start3A_234 : memref<4000xf32, #tpu.memory_space<vmem_shared>>) target_semaphore(%arg16 : memref<!tpu.dma_semaphore, #tpu.memory_space<semaphore_mem>>)
    %mul3A_235 = arith.constant 80000 : i32
    %mul3A_236 = arith.muli %arg1, %mul3A_235 : i32
    %add3A_237 = arith.constant 76000 : i32
    %add3A_238 = arith.addi %mul3A_236, %add3A_237 : i32
    %dma_start3A_239 = tpu.memref_slice %arg5[%add3A_238] : memref<1280000xf32, #tpu.memory_space<vmem_shared>> -> memref<4000xf32, #tpu.memory_space<vmem_shared>>
    %dma_start3A_240 = tpu.memref_slice %arg5[%add3A_238] : memref<1280000xf32, #tpu.memory_space<vmem_shared>> -> memref<4000xf32, #tpu.memory_space<vmem_shared>>
    tpu.enqueue_dma source(%arg14 : memref<4000xf32, #tpu.memory_space<vmem>>) target(%dma_start3A_240 : memref<4000xf32, #tpu.memory_space<vmem_shared>>) target_semaphore(%arg16 : memref<!tpu.dma_semaphore, #tpu.memory_space<semaphore_mem>>)
    %dma_wait3A_241 = tpu.memref_slice %arg5[%add3A_184] : memref<1280000xf32, #tpu.memory_space<vmem_shared>> -> memref<4000xf32, #tpu.memory_space<vmem_shared>>
    %dma_wait3A_242 = tpu.memref_slice %arg5[%add3A_184] : memref<1280000xf32, #tpu.memory_space<vmem_shared>> -> memref<4000xf32, #tpu.memory_space<vmem_shared>>
    tpu.wait_dma2 semaphore(%arg16 : memref<!tpu.dma_semaphore, #tpu.memory_space<semaphore_mem>>) src(%arg14 : memref<4000xf32, #tpu.memory_space<vmem>>) dst(%dma_wait3A_242 : memref<4000xf32, #tpu.memory_space<vmem_shared>>)
    %dma_wait3A_243 = tpu.memref_slice %arg5[%add3A_190] : memref<1280000xf32, #tpu.memory_space<vmem_shared>> -> memref<4000xf32, #tpu.memory_space<vmem_shared>>
    %dma_wait3A_244 = tpu.memref_slice %arg5[%add3A_190] : memref<1280000xf32, #tpu.memory_space<vmem_shared>> -> memref<4000xf32, #tpu.memory_space<vmem_shared>>
    tpu.wait_dma2 semaphore(%arg16 : memref<!tpu.dma_semaphore, #tpu.memory_space<semaphore_mem>>) src(%arg14 : memref<4000xf32, #tpu.memory_space<vmem>>) dst(%dma_wait3A_244 : memref<4000xf32, #tpu.memory_space<vmem_shared>>)
    %dma_wait3A_245 = tpu.memref_slice %arg5[%add3A_196] : memref<1280000xf32, #tpu.memory_space<vmem_shared>> -> memref<4000xf32, #tpu.memory_space<vmem_shared>>
    %dma_wait3A_246 = tpu.memref_slice %arg5[%add3A_196] : memref<1280000xf32, #tpu.memory_space<vmem_shared>> -> memref<4000xf32, #tpu.memory_space<vmem_shared>>
    tpu.wait_dma2 semaphore(%arg16 : memref<!tpu.dma_semaphore, #tpu.memory_space<semaphore_mem>>) src(%arg14 : memref<4000xf32, #tpu.memory_space<vmem>>) dst(%dma_wait3A_246 : memref<4000xf32, #tpu.memory_space<vmem_shared>>)
    %dma_wait3A_247 = tpu.memref_slice %arg5[%add3A_202] : memref<1280000xf32, #tpu.memory_space<vmem_shared>> -> memref<4000xf32, #tpu.memory_space<vmem_shared>>
    %dma_wait3A_248 = tpu.memref_slice %arg5[%add3A_202] : memref<1280000xf32, #tpu.memory_space<vmem_shared>> -> memref<4000xf32, #tpu.memory_space<vmem_shared>>
    tpu.wait_dma2 semaphore(%arg16 : memref<!tpu.dma_semaphore, #tpu.memory_space<semaphore_mem>>) src(%arg14 : memref<4000xf32, #tpu.memory_space<vmem>>) dst(%dma_wait3A_248 : memref<4000xf32, #tpu.memory_space<vmem_shared>>)
    %dma_wait3A_249 = tpu.memref_slice %arg5[%add3A_208] : memref<1280000xf32, #tpu.memory_space<vmem_shared>> -> memref<4000xf32, #tpu.memory_space<vmem_shared>>
    %dma_wait3A_250 = tpu.memref_slice %arg5[%add3A_208] : memref<1280000xf32, #tpu.memory_space<vmem_shared>> -> memref<4000xf32, #tpu.memory_space<vmem_shared>>
    tpu.wait_dma2 semaphore(%arg16 : memref<!tpu.dma_semaphore, #tpu.memory_space<semaphore_mem>>) src(%arg14 : memref<4000xf32, #tpu.memory_space<vmem>>) dst(%dma_wait3A_250 : memref<4000xf32, #tpu.memory_space<vmem_shared>>)
    %dma_wait3A_251 = tpu.memref_slice %arg5[%add3A_214] : memref<1280000xf32, #tpu.memory_space<vmem_shared>> -> memref<4000xf32, #tpu.memory_space<vmem_shared>>
    %dma_wait3A_252 = tpu.memref_slice %arg5[%add3A_214] : memref<1280000xf32, #tpu.memory_space<vmem_shared>> -> memref<4000xf32, #tpu.memory_space<vmem_shared>>
    tpu.wait_dma2 semaphore(%arg16 : memref<!tpu.dma_semaphore, #tpu.memory_space<semaphore_mem>>) src(%arg14 : memref<4000xf32, #tpu.memory_space<vmem>>) dst(%dma_wait3A_252 : memref<4000xf32, #tpu.memory_space<vmem_shared>>)
    %dma_wait3A_253 = tpu.memref_slice %arg5[%add3A_220] : memref<1280000xf32, #tpu.memory_space<vmem_shared>> -> memref<4000xf32, #tpu.memory_space<vmem_shared>>
    %dma_wait3A_254 = tpu.memref_slice %arg5[%add3A_220] : memref<1280000xf32, #tpu.memory_space<vmem_shared>> -> memref<4000xf32, #tpu.memory_space<vmem_shared>>
    tpu.wait_dma2 semaphore(%arg16 : memref<!tpu.dma_semaphore, #tpu.memory_space<semaphore_mem>>) src(%arg14 : memref<4000xf32, #tpu.memory_space<vmem>>) dst(%dma_wait3A_254 : memref<4000xf32, #tpu.memory_space<vmem_shared>>)
    %dma_wait3A_255 = tpu.memref_slice %arg5[%add3A_226] : memref<1280000xf32, #tpu.memory_space<vmem_shared>> -> memref<4000xf32, #tpu.memory_space<vmem_shared>>
    %dma_wait3A_256 = tpu.memref_slice %arg5[%add3A_226] : memref<1280000xf32, #tpu.memory_space<vmem_shared>> -> memref<4000xf32, #tpu.memory_space<vmem_shared>>
    tpu.wait_dma2 semaphore(%arg16 : memref<!tpu.dma_semaphore, #tpu.memory_space<semaphore_mem>>) src(%arg14 : memref<4000xf32, #tpu.memory_space<vmem>>) dst(%dma_wait3A_256 : memref<4000xf32, #tpu.memory_space<vmem_shared>>)
    %dma_wait3A_257 = tpu.memref_slice %arg5[%add3A_232] : memref<1280000xf32, #tpu.memory_space<vmem_shared>> -> memref<4000xf32, #tpu.memory_space<vmem_shared>>
    %dma_wait3A_258 = tpu.memref_slice %arg5[%add3A_232] : memref<1280000xf32, #tpu.memory_space<vmem_shared>> -> memref<4000xf32, #tpu.memory_space<vmem_shared>>
    tpu.wait_dma2 semaphore(%arg16 : memref<!tpu.dma_semaphore, #tpu.memory_space<semaphore_mem>>) src(%arg14 : memref<4000xf32, #tpu.memory_space<vmem>>) dst(%dma_wait3A_258 : memref<4000xf32, #tpu.memory_space<vmem_shared>>)
    %dma_wait3A_259 = tpu.memref_slice %arg5[%add3A_238] : memref<1280000xf32, #tpu.memory_space<vmem_shared>> -> memref<4000xf32, #tpu.memory_space<vmem_shared>>
    %dma_wait3A_260 = tpu.memref_slice %arg5[%add3A_238] : memref<1280000xf32, #tpu.memory_space<vmem_shared>> -> memref<4000xf32, #tpu.memory_space<vmem_shared>>
    tpu.wait_dma2 semaphore(%arg16 : memref<!tpu.dma_semaphore, #tpu.memory_space<semaphore_mem>>) src(%arg14 : memref<4000xf32, #tpu.memory_space<vmem>>) dst(%dma_wait3A_260 : memref<4000xf32, #tpu.memory_space<vmem_shared>>)
    %lt3A = arith.constant 5 : i32
    %lt3A_261 = arith.cmpi slt, %arg1, %lt3A : i32
    %convert_element_type3A = arith.extui %lt3A_261 : i1 to i32
    %cond3A = arith.constant 0 : i32
    %cond3A_262 = arith.cmpi ne, %convert_element_type3A, %cond3A : i32
    scf.if %cond3A_262 {
      %mul3A_584 = arith.constant 2000 : i32
      %mul3A_585 = arith.muli %arg1, %mul3A_584 : i32
      "tpu.region"() ({
        %run_scoped3A_597 = tpu.sem_alloc : memref<!tpu.dma_semaphore, #tpu.memory_space<semaphore_mem>>
        %dma_start3A_598 = tpu.memref_slice %arg3[%mul3A_585] : memref<20000xf32, #tpu.memory_space<hbm>> -> memref<2000xf32, #tpu.memory_space<hbm>>
        %dma_start3A_599 = tpu.memref_slice %arg3[%mul3A_585] : memref<20000xf32, #tpu.memory_space<hbm>> -> memref<2000xf32, #tpu.memory_space<hbm>>
        tpu.enqueue_dma source(%dma_start3A_599 : memref<2000xf32, #tpu.memory_space<hbm>>) target(%arg12 : memref<2000xf32, #tpu.memory_space<vmem>>) target_semaphore(%run_scoped3A_597 : memref<!tpu.dma_semaphore, #tpu.memory_space<semaphore_mem>>)
        %dma_wait3A_600 = tpu.memref_slice %arg3[%mul3A_585] : memref<20000xf32, #tpu.memory_space<hbm>> -> memref<2000xf32, #tpu.memory_space<hbm>>
        %dma_wait3A_601 = tpu.memref_slice %arg3[%mul3A_585] : memref<20000xf32, #tpu.memory_space<hbm>> -> memref<2000xf32, #tpu.memory_space<hbm>>
        tpu.wait_dma2 semaphore(%run_scoped3A_597 : memref<!tpu.dma_semaphore, #tpu.memory_space<semaphore_mem>>) src(%dma_wait3A_601 : memref<2000xf32, #tpu.memory_space<hbm>>) dst(%arg12 : memref<2000xf32, #tpu.memory_space<vmem>>)
        tpu.yield
      }) : () -> ()
      %mul3A_586 = arith.constant 2000 : i32
      %mul3A_587 = arith.muli %arg1, %mul3A_586 : i32
      %add3A_588 = arith.constant 10000 : i32
      %add3A_589 = arith.addi %add3A_588, %mul3A_587 : i32
      "tpu.region"() ({
        %run_scoped3A_597 = tpu.sem_alloc : memref<!tpu.dma_semaphore, #tpu.memory_space<semaphore_mem>>
        %dma_start3A_598 = tpu.memref_slice %arg3[%add3A_589] : memref<20000xf32, #tpu.memory_space<hbm>> -> memref<2000xf32, #tpu.memory_space<hbm>>
        %dma_start3A_599 = tpu.memref_slice %arg3[%add3A_589] : memref<20000xf32, #tpu.memory_space<hbm>> -> memref<2000xf32, #tpu.memory_space<hbm>>
        tpu.enqueue_dma source(%dma_start3A_599 : memref<2000xf32, #tpu.memory_space<hbm>>) target(%arg13 : memref<2000xf32, #tpu.memory_space<vmem>>) target_semaphore(%run_scoped3A_597 : memref<!tpu.dma_semaphore, #tpu.memory_space<semaphore_mem>>)
        %dma_wait3A_600 = tpu.memref_slice %arg3[%add3A_589] : memref<20000xf32, #tpu.memory_space<hbm>> -> memref<2000xf32, #tpu.memory_space<hbm>>
        %dma_wait3A_601 = tpu.memref_slice %arg3[%add3A_589] : memref<20000xf32, #tpu.memory_space<hbm>> -> memref<2000xf32, #tpu.memory_space<hbm>>
        tpu.wait_dma2 semaphore(%run_scoped3A_597 : memref<!tpu.dma_semaphore, #tpu.memory_space<semaphore_mem>>) src(%dma_wait3A_601 : memref<2000xf32, #tpu.memory_space<hbm>>) dst(%arg13 : memref<2000xf32, #tpu.memory_space<vmem>>)
        tpu.yield
      }) : () -> ()
      %scan3A_590 = arith.constant 0 : i32
      %scan3A_591 = arith.constant 125 : i32
      %scan3A_592 = arith.addi %scan3A_590, %scan3A_591 : i32
      %scan3A_593 = arith.constant 1 : i32
      scf.for %scan3A_597 = %scan3A_590 to %scan3A_592 step %scan3A_593  : i32 {
        %mul3A_598 = arith.constant 1 : i32
        %mul3A_599 = arith.muli %scan3A_597, %mul3A_598 : i32
        %add3A_600 = arith.constant 0 : i32
        %add3A_601 = arith.addi %add3A_600, %mul3A_599 : i32
        %mul3A_602 = arith.constant 16 : i32
        %mul3A_603 = arith.muli %add3A_601, %mul3A_602 : i32
        %get3A = arith.index_cast %mul3A_603 : i32 to index
        %get3A_604 = tpu.vector_load %arg12[%get3A] {strides = array<i32>} : memref<2000xf32, #tpu.memory_space<vmem>>, vector<16xf32>,
        %get3A_605 = vector.shape_cast %get3A_604 : vector<16xf32> to vector<16xf32>
        %mul3A_606 = arith.constant 16 : i32
        %mul3A_607 = arith.muli %add3A_601, %mul3A_606 : i32
        %get3A_608 = arith.index_cast %mul3A_607 : i32 to index
        %get3A_609 = tpu.vector_load %arg13[%get3A_608] {strides = array<i32>} : memref<2000xf32, #tpu.memory_space<vmem>>, vector<16xf32>,
        %get3A_610 = vector.shape_cast %get3A_609 : vector<16xf32> to vector<16xf32>
        %add3A_611 = arith.addf %get3A_605, %get3A_610 : vector<16xf32>
        %add3A_612 = arith.constant 1.000000e+00 : f32
        %add3A_613 = vector.broadcast %add3A_612 : f32 to vector<16xf32>
        %add3A_614 = arith.addf %add3A_611, %add3A_613 : vector<16xf32>
        %min3A = arith.constant 1.270000e+02 : f32
        %min3A_615 = vector.broadcast %min3A : f32 to vector<16xf32>
        %min3A_616 = arith.minimumf %add3A_614, %min3A_615 : vector<16xf32>
        %convert_element_type3A_617 = arith.fptosi %min3A_616 : vector<16xf32> to vector<16xi32>
        %mul3A_618 = arith.constant 16 : i32
        %mul3A_619 = arith.muli %add3A_601, %mul3A_618 : i32
        %swap3A_620 = arith.index_cast %mul3A_619 : i32 to index
        %swap3A_621 = tpu.vector_load %arg11[%swap3A_620] {strides = array<i32>} : memref<2000xi32, #tpu.memory_space<vmem>>, vector<16xi32>,
        %swap3A_622 = vector.shape_cast %swap3A_621 : vector<16xi32> to vector<16xi32>
        %swap3A_623 = vector.shape_cast %convert_element_type3A_617 : vector<16xi32> to vector<16xi32>
        tpu.vector_store %arg11[%swap3A_620], %swap3A_623 {strides = array<i32>} : memref<2000xi32, #tpu.memory_space<vmem>>, vector<16xi32>,
      }
      %scan3A_594 = arith.constant 125 : i32
      %mul3A_595 = arith.constant 2000 : i32
      %mul3A_596 = arith.muli %arg1, %mul3A_595 : i32
      "tpu.region"() ({
        %run_scoped3A_597 = tpu.sem_alloc : memref<!tpu.dma_semaphore, #tpu.memory_space<semaphore_mem>>
        %dma_start3A_598 = tpu.memref_slice %arg6[%mul3A_596] : memref<10000xi32, #tpu.memory_space<vmem_shared>> -> memref<2000xi32, #tpu.memory_space<vmem_shared>>
        %dma_start3A_599 = tpu.memref_slice %arg6[%mul3A_596] : memref<10000xi32, #tpu.memory_space<vmem_shared>> -> memref<2000xi32, #tpu.memory_space<vmem_shared>>
        tpu.enqueue_dma source(%arg11 : memref<2000xi32, #tpu.memory_space<vmem>>) target(%dma_start3A_599 : memref<2000xi32, #tpu.memory_space<vmem_shared>>) target_semaphore(%run_scoped3A_597 : memref<!tpu.dma_semaphore, #tpu.memory_space<semaphore_mem>>)
        %dma_wait3A_600 = tpu.memref_slice %arg6[%mul3A_596] : memref<10000xi32, #tpu.memory_space<vmem_shared>> -> memref<2000xi32, #tpu.memory_space<vmem_shared>>
        %dma_wait3A_601 = tpu.memref_slice %arg6[%mul3A_596] : memref<10000xi32, #tpu.memory_space<vmem_shared>> -> memref<2000xi32, #tpu.memory_space<vmem_shared>>
        tpu.wait_dma2 semaphore(%run_scoped3A_597 : memref<!tpu.dma_semaphore, #tpu.memory_space<semaphore_mem>>) src(%arg11 : memref<2000xi32, #tpu.memory_space<vmem>>) dst(%dma_wait3A_601 : memref<2000xi32, #tpu.memory_space<vmem_shared>>)
        tpu.yield
      }) : () -> ()
    } else {
    }
    %run_scoped3A = arith.constant 0 : i32
    "tpu.region"() ({
      %run_scoped3A_584 = tpu.sem_alloc : memref<!tpu.dma_semaphore, #tpu.memory_space<semaphore_mem>>
      %dma_start3A_585 = arith.constant 0 : i32
      %dma_start3A_586 = arith.constant 0 : i32
      %dma_start3A_587 = tpu.memref_slice %arg2[%run_scoped3A, %add3A, %dma_start3A_585, %dma_start3A_586] : memref<2x32x79x128xi32, #tpu.memory_space<hbm>> -> memref<1x1x79x128xi32, #tpu.memory_space<hbm>>
      %dma_start3A_588 = tpu.memref_squeeze %dma_start3A_587 : memref<1x1x79x128xi32, #tpu.memory_space<hbm>> -> memref<79x128xi32, #tpu.memory_space<hbm>>
      %dma_start3A_589 = arith.constant 0 : i32
      %dma_start3A_590 = arith.constant 0 : i32
      %dma_start3A_591 = tpu.memref_slice %arg2[%run_scoped3A, %add3A, %dma_start3A_589, %dma_start3A_590] : memref<2x32x79x128xi32, #tpu.memory_space<hbm>> -> memref<1x1x79x128xi32, #tpu.memory_space<hbm>>
      %dma_start3A_592 = tpu.memref_squeeze %dma_start3A_591 : memref<1x1x79x128xi32, #tpu.memory_space<hbm>> -> memref<79x128xi32, #tpu.memory_space<hbm>>
      tpu.enqueue_dma source(%dma_start3A_592 : memref<79x128xi32, #tpu.memory_space<hbm>>) target(%arg7 : memref<79x128xi32, #tpu.memory_space<vmem>>) target_semaphore(%run_scoped3A_584 : memref<!tpu.dma_semaphore, #tpu.memory_space<semaphore_mem>>)
      %dma_wait3A_593 = arith.constant 0 : i32
      %dma_wait3A_594 = arith.constant 0 : i32
      %dma_wait3A_595 = tpu.memref_slice %arg2[%run_scoped3A, %add3A, %dma_wait3A_593, %dma_wait3A_594] : memref<2x32x79x128xi32, #tpu.memory_space<hbm>> -> memref<1x1x79x128xi32, #tpu.memory_space<hbm>>
      %dma_wait3A_596 = tpu.memref_squeeze %dma_wait3A_595 : memref<1x1x79x128xi32, #tpu.memory_space<hbm>> -> memref<79x128xi32, #tpu.memory_space<hbm>>
      %dma_wait3A_597 = arith.constant 0 : i32
      %dma_wait3A_598 = arith.constant 0 : i32
      %dma_wait3A_599 = tpu.memref_slice %arg2[%run_scoped3A, %add3A, %dma_wait3A_597, %dma_wait3A_598] : memref<2x32x79x128xi32, #tpu.memory_space<hbm>> -> memref<1x1x79x128xi32, #tpu.memory_space<hbm>>
      %dma_wait3A_600 = tpu.memref_squeeze %dma_wait3A_599 : memref<1x1x79x128xi32, #tpu.memory_space<hbm>> -> memref<79x128xi32, #tpu.memory_space<hbm>>
      tpu.wait_dma2 semaphore(%run_scoped3A_584 : memref<!tpu.dma_semaphore, #tpu.memory_space<semaphore_mem>>) src(%dma_wait3A_600 : memref<79x128xi32, #tpu.memory_space<hbm>>) dst(%arg7 : memref<79x128xi32, #tpu.memory_space<vmem>>)
      tpu.yield
    }) : () -> ()
    %run_scoped3A_263 = arith.constant 1 : i32
    "tpu.region"() ({
      %run_scoped3A_584 = tpu.sem_alloc : memref<!tpu.dma_semaphore, #tpu.memory_space<semaphore_mem>>
      %dma_start3A_585 = arith.constant 0 : i32
      %dma_start3A_586 = arith.constant 0 : i32
      %dma_start3A_587 = tpu.memref_slice %arg2[%run_scoped3A_263, %add3A, %dma_start3A_585, %dma_start3A_586] : memref<2x32x79x128xi32, #tpu.memory_space<hbm>> -> memref<1x1x79x128xi32, #tpu.memory_space<hbm>>
      %dma_start3A_588 = tpu.memref_squeeze %dma_start3A_587 : memref<1x1x79x128xi32, #tpu.memory_space<hbm>> -> memref<79x128xi32, #tpu.memory_space<hbm>>
      %dma_start3A_589 = arith.constant 0 : i32
      %dma_start3A_590 = arith.constant 0 : i32
      %dma_start3A_591 = tpu.memref_slice %arg2[%run_scoped3A_263, %add3A, %dma_start3A_589, %dma_start3A_590] : memref<2x32x79x128xi32, #tpu.memory_space<hbm>> -> memref<1x1x79x128xi32, #tpu.memory_space<hbm>>
      %dma_start3A_592 = tpu.memref_squeeze %dma_start3A_591 : memref<1x1x79x128xi32, #tpu.memory_space<hbm>> -> memref<79x128xi32, #tpu.memory_space<hbm>>
      tpu.enqueue_dma source(%dma_start3A_592 : memref<79x128xi32, #tpu.memory_space<hbm>>) target(%arg8 : memref<79x128xi32, #tpu.memory_space<vmem>>) target_semaphore(%run_scoped3A_584 : memref<!tpu.dma_semaphore, #tpu.memory_space<semaphore_mem>>)
      %dma_wait3A_593 = arith.constant 0 : i32
      %dma_wait3A_594 = arith.constant 0 : i32
      %dma_wait3A_595 = tpu.memref_slice %arg2[%run_scoped3A_263, %add3A, %dma_wait3A_593, %dma_wait3A_594] : memref<2x32x79x128xi32, #tpu.memory_space<hbm>> -> memref<1x1x79x128xi32, #tpu.memory_space<hbm>>
      %dma_wait3A_596 = tpu.memref_squeeze %dma_wait3A_595 : memref<1x1x79x128xi32, #tpu.memory_space<hbm>> -> memref<79x128xi32, #tpu.memory_space<hbm>>
      %dma_wait3A_597 = arith.constant 0 : i32
      %dma_wait3A_598 = arith.constant 0 : i32
      %dma_wait3A_599 = tpu.memref_slice %arg2[%run_scoped3A_263, %add3A, %dma_wait3A_597, %dma_wait3A_598] : memref<2x32x79x128xi32, #tpu.memory_space<hbm>> -> memref<1x1x79x128xi32, #tpu.memory_space<hbm>>
      %dma_wait3A_600 = tpu.memref_squeeze %dma_wait3A_599 : memref<1x1x79x128xi32, #tpu.memory_space<hbm>> -> memref<79x128xi32, #tpu.memory_space<hbm>>
      tpu.wait_dma2 semaphore(%run_scoped3A_584 : memref<!tpu.dma_semaphore, #tpu.memory_space<semaphore_mem>>) src(%dma_wait3A_600 : memref<79x128xi32, #tpu.memory_space<hbm>>) dst(%arg8 : memref<79x128xi32, #tpu.memory_space<vmem>>)
      tpu.yield
    }) : () -> ()
    %barrier3A = arith.constant 0 : index
    tpu.barrier barrier_id(%barrier3A)
    %scan3A_264 = arith.constant 0 : i32
    %scan3A_265 = arith.constant 6 : i32
    %scan3A_266 = arith.addi %scan3A_264, %scan3A_265 : i32
    %scan3A_267 = arith.constant 1 : i32
    scf.for %scan3A_584 = %scan3A_264 to %scan3A_266 step %scan3A_267  : i32 {
      %mul3A_585 = arith.constant 1 : i32
      %mul3A_586 = arith.muli %scan3A_584, %mul3A_585 : i32
      %add3A_587 = arith.constant 0 : i32
      %add3A_588 = arith.addi %add3A_587, %mul3A_586 : i32
      %mul3A_589 = arith.constant 13 : i32
      %mul3A_590 = arith.muli %add3A_588, %mul3A_589 : i32
      %add3A_591 = arith.constant 0 : i32
      %add3A_592 = arith.addi %mul3A_590, %add3A_591 : i32
      %mul3A_593 = arith.constant 13 : i32
      %mul3A_594 = arith.muli %add3A_588, %mul3A_593 : i32
      %add3A_595 = arith.constant 0 : i32
      %add3A_596 = arith.addi %mul3A_594, %add3A_595 : i32
      %dma_start3A_597 = arith.constant 0 : i32
      %dma_start3A_598 = tpu.memref_slice %arg9[%add3A_596, %dma_start3A_597] : memref<79x128xi32, #tpu.memory_space<vmem>> -> memref<1x128xi32, #tpu.memory_space<vmem>>
      %dma_start3A_599 = tpu.memref_squeeze %dma_start3A_598 : memref<1x128xi32, #tpu.memory_space<vmem>> -> memref<128xi32, #tpu.memory_space<vmem>>
      %dma_start3A_600 = arith.constant 0 : i32
      %dma_start3A_601 = tpu.memref_slice %arg7[%add3A_592, %dma_start3A_600] : memref<79x128xi32, #tpu.memory_space<vmem>> -> memref<1x128xi32, #tpu.memory_space<vmem>>
      %dma_start3A_602 = tpu.memref_squeeze %dma_start3A_601 : memref<1x128xi32, #tpu.memory_space<vmem>> -> memref<128xi32, #tpu.memory_space<vmem>>
      %dma_start3A_603 = arith.constant 0 : i32
      %dma_start3A_604 = tpu.memref_slice %arg6[%dma_start3A_603] : memref<10000xi32, #tpu.memory_space<vmem_shared>> -> memref<10000xi32, #tpu.memory_space<vmem_shared>>
      tpu.enqueue_indirect_dma source(%dma_start3A_604 : memref<10000xi32, #tpu.memory_space<vmem_shared>>) target(%dma_start3A_599 : memref<128xi32, #tpu.memory_space<vmem>>) offsets(%dma_start3A_602 : memref<128xi32, #tpu.memory_space<vmem>>) semaphore(%arg16 : memref<!tpu.dma_semaphore, #tpu.memory_space<semaphore_mem>>)
      %mul3A_605 = arith.constant 13 : i32
      %mul3A_606 = arith.muli %add3A_588, %mul3A_605 : i32
      %add3A_607 = arith.constant 1 : i32
      %add3A_608 = arith.addi %mul3A_606, %add3A_607 : i32
      %mul3A_609 = arith.constant 13 : i32
      %mul3A_610 = arith.muli %add3A_588, %mul3A_609 : i32
      %add3A_611 = arith.constant 1 : i32
      %add3A_612 = arith.addi %mul3A_610, %add3A_611 : i32
      %dma_start3A_613 = arith.constant 0 : i32
      %dma_start3A_614 = tpu.memref_slice %arg9[%add3A_612, %dma_start3A_613] : memref<79x128xi32, #tpu.memory_space<vmem>> -> memref<1x128xi32, #tpu.memory_space<vmem>>
      %dma_start3A_615 = tpu.memref_squeeze %dma_start3A_614 : memref<1x128xi32, #tpu.memory_space<vmem>> -> memref<128xi32, #tpu.memory_space<vmem>>
      %dma_start3A_616 = arith.constant 0 : i32
      %dma_start3A_617 = tpu.memref_slice %arg7[%add3A_608, %dma_start3A_616] : memref<79x128xi32, #tpu.memory_space<vmem>> -> memref<1x128xi32, #tpu.memory_space<vmem>>
      %dma_start3A_618 = tpu.memref_squeeze %dma_start3A_617 : memref<1x128xi32, #tpu.memory_space<vmem>> -> memref<128xi32, #tpu.memory_space<vmem>>
      %dma_start3A_619 = arith.constant 0 : i32
      %dma_start3A_620 = tpu.memref_slice %arg6[%dma_start3A_619] : memref<10000xi32, #tpu.memory_space<vmem_shared>> -> memref<10000xi32, #tpu.memory_space<vmem_shared>>
      tpu.enqueue_indirect_dma source(%dma_start3A_620 : memref<10000xi32, #tpu.memory_space<vmem_shared>>) target(%dma_start3A_615 : memref<128xi32, #tpu.memory_space<vmem>>) offsets(%dma_start3A_618 : memref<128xi32, #tpu.memory_space<vmem>>) semaphore(%arg16 : memref<!tpu.dma_semaphore, #tpu.memory_space<semaphore_mem>>)
      %mul3A_621 = arith.constant 13 : i32
      %mul3A_622 = arith.muli %add3A_588, %mul3A_621 : i32
      %add3A_623 = arith.constant 2 : i32
      %add3A_624 = arith.addi %mul3A_622, %add3A_623 : i32
      %mul3A_625 = arith.constant 13 : i32
      %mul3A_626 = arith.muli %add3A_588, %mul3A_625 : i32
      %add3A_627 = arith.constant 2 : i32
      %add3A_628 = arith.addi %mul3A_626, %add3A_627 : i32
      %dma_start3A_629 = arith.constant 0 : i32
      %dma_start3A_630 = tpu.memref_slice %arg9[%add3A_628, %dma_start3A_629] : memref<79x128xi32, #tpu.memory_space<vmem>> -> memref<1x128xi32, #tpu.memory_space<vmem>>
      %dma_start3A_631 = tpu.memref_squeeze %dma_start3A_630 : memref<1x128xi32, #tpu.memory_space<vmem>> -> memref<128xi32, #tpu.memory_space<vmem>>
      %dma_start3A_632 = arith.constant 0 : i32
      %dma_start3A_633 = tpu.memref_slice %arg7[%add3A_624, %dma_start3A_632] : memref<79x128xi32, #tpu.memory_space<vmem>> -> memref<1x128xi32, #tpu.memory_space<vmem>>
      %dma_start3A_634 = tpu.memref_squeeze %dma_start3A_633 : memref<1x128xi32, #tpu.memory_space<vmem>> -> memref<128xi32, #tpu.memory_space<vmem>>
      %dma_start3A_635 = arith.constant 0 : i32
      %dma_start3A_636 = tpu.memref_slice %arg6[%dma_start3A_635] : memref<10000xi32, #tpu.memory_space<vmem_shared>> -> memref<10000xi32, #tpu.memory_space<vmem_shared>>
      tpu.enqueue_indirect_dma source(%dma_start3A_636 : memref<10000xi32, #tpu.memory_space<vmem_shared>>) target(%dma_start3A_631 : memref<128xi32, #tpu.memory_space<vmem>>) offsets(%dma_start3A_634 : memref<128xi32, #tpu.memory_space<vmem>>) semaphore(%arg16 : memref<!tpu.dma_semaphore, #tpu.memory_space<semaphore_mem>>)
      %mul3A_637 = arith.constant 13 : i32
      %mul3A_638 = arith.muli %add3A_588, %mul3A_637 : i32
      %add3A_639 = arith.constant 3 : i32
      %add3A_640 = arith.addi %mul3A_638, %add3A_639 : i32
      %mul3A_641 = arith.constant 13 : i32
      %mul3A_642 = arith.muli %add3A_588, %mul3A_641 : i32
      %add3A_643 = arith.constant 3 : i32
      %add3A_644 = arith.addi %mul3A_642, %add3A_643 : i32
      %dma_start3A_645 = arith.constant 0 : i32
      %dma_start3A_646 = tpu.memref_slice %arg9[%add3A_644, %dma_start3A_645] : memref<79x128xi32, #tpu.memory_space<vmem>> -> memref<1x128xi32, #tpu.memory_space<vmem>>
      %dma_start3A_647 = tpu.memref_squeeze %dma_start3A_646 : memref<1x128xi32, #tpu.memory_space<vmem>> -> memref<128xi32, #tpu.memory_space<vmem>>
      %dma_start3A_648 = arith.constant 0 : i32
      %dma_start3A_649 = tpu.memref_slice %arg7[%add3A_640, %dma_start3A_648] : memref<79x128xi32, #tpu.memory_space<vmem>> -> memref<1x128xi32, #tpu.memory_space<vmem>>
      %dma_start3A_650 = tpu.memref_squeeze %dma_start3A_649 : memref<1x128xi32, #tpu.memory_space<vmem>> -> memref<128xi32, #tpu.memory_space<vmem>>
      %dma_start3A_651 = arith.constant 0 : i32
      %dma_start3A_652 = tpu.memref_slice %arg6[%dma_start3A_651] : memref<10000xi32, #tpu.memory_space<vmem_shared>> -> memref<10000xi32, #tpu.memory_space<vmem_shared>>
      tpu.enqueue_indirect_dma source(%dma_start3A_652 : memref<10000xi32, #tpu.memory_space<vmem_shared>>) target(%dma_start3A_647 : memref<128xi32, #tpu.memory_space<vmem>>) offsets(%dma_start3A_650 : memref<128xi32, #tpu.memory_space<vmem>>) semaphore(%arg16 : memref<!tpu.dma_semaphore, #tpu.memory_space<semaphore_mem>>)
      %mul3A_653 = arith.constant 13 : i32
      %mul3A_654 = arith.muli %add3A_588, %mul3A_653 : i32
      %add3A_655 = arith.constant 4 : i32
      %add3A_656 = arith.addi %mul3A_654, %add3A_655 : i32
      %mul3A_657 = arith.constant 13 : i32
      %mul3A_658 = arith.muli %add3A_588, %mul3A_657 : i32
      %add3A_659 = arith.constant 4 : i32
      %add3A_660 = arith.addi %mul3A_658, %add3A_659 : i32
      %dma_start3A_661 = arith.constant 0 : i32
      %dma_start3A_662 = tpu.memref_slice %arg9[%add3A_660, %dma_start3A_661] : memref<79x128xi32, #tpu.memory_space<vmem>> -> memref<1x128xi32, #tpu.memory_space<vmem>>
      %dma_start3A_663 = tpu.memref_squeeze %dma_start3A_662 : memref<1x128xi32, #tpu.memory_space<vmem>> -> memref<128xi32, #tpu.memory_space<vmem>>
      %dma_start3A_664 = arith.constant 0 : i32
      %dma_start3A_665 = tpu.memref_slice %arg7[%add3A_656, %dma_start3A_664] : memref<79x128xi32, #tpu.memory_space<vmem>> -> memref<1x128xi32, #tpu.memory_space<vmem>>
      %dma_start3A_666 = tpu.memref_squeeze %dma_start3A_665 : memref<1x128xi32, #tpu.memory_space<vmem>> -> memref<128xi32, #tpu.memory_space<vmem>>
      %dma_start3A_667 = arith.constant 0 : i32
      %dma_start3A_668 = tpu.memref_slice %arg6[%dma_start3A_667] : memref<10000xi32, #tpu.memory_space<vmem_shared>> -> memref<10000xi32, #tpu.memory_space<vmem_shared>>
      tpu.enqueue_indirect_dma source(%dma_start3A_668 : memref<10000xi32, #tpu.memory_space<vmem_shared>>) target(%dma_start3A_663 : memref<128xi32, #tpu.memory_space<vmem>>) offsets(%dma_start3A_666 : memref<128xi32, #tpu.memory_space<vmem>>) semaphore(%arg16 : memref<!tpu.dma_semaphore, #tpu.memory_space<semaphore_mem>>)
      %mul3A_669 = arith.constant 13 : i32
      %mul3A_670 = arith.muli %add3A_588, %mul3A_669 : i32
      %add3A_671 = arith.constant 5 : i32
      %add3A_672 = arith.addi %mul3A_670, %add3A_671 : i32
      %mul3A_673 = arith.constant 13 : i32
      %mul3A_674 = arith.muli %add3A_588, %mul3A_673 : i32
      %add3A_675 = arith.constant 5 : i32
      %add3A_676 = arith.addi %mul3A_674, %add3A_675 : i32
      %dma_start3A_677 = arith.constant 0 : i32
      %dma_start3A_678 = tpu.memref_slice %arg9[%add3A_676, %dma_start3A_677] : memref<79x128xi32, #tpu.memory_space<vmem>> -> memref<1x128xi32, #tpu.memory_space<vmem>>
      %dma_start3A_679 = tpu.memref_squeeze %dma_start3A_678 : memref<1x128xi32, #tpu.memory_space<vmem>> -> memref<128xi32, #tpu.memory_space<vmem>>
      %dma_start3A_680 = arith.constant 0 : i32
      %dma_start3A_681 = tpu.memref_slice %arg7[%add3A_672, %dma_start3A_680] : memref<79x128xi32, #tpu.memory_space<vmem>> -> memref<1x128xi32, #tpu.memory_space<vmem>>
      %dma_start3A_682 = tpu.memref_squeeze %dma_start3A_681 : memref<1x128xi32, #tpu.memory_space<vmem>> -> memref<128xi32, #tpu.memory_space<vmem>>
      %dma_start3A_683 = arith.constant 0 : i32
      %dma_start3A_684 = tpu.memref_slice %arg6[%dma_start3A_683] : memref<10000xi32, #tpu.memory_space<vmem_shared>> -> memref<10000xi32, #tpu.memory_space<vmem_shared>>
      tpu.enqueue_indirect_dma source(%dma_start3A_684 : memref<10000xi32, #tpu.memory_space<vmem_shared>>) target(%dma_start3A_679 : memref<128xi32, #tpu.memory_space<vmem>>) offsets(%dma_start3A_682 : memref<128xi32, #tpu.memory_space<vmem>>) semaphore(%arg16 : memref<!tpu.dma_semaphore, #tpu.memory_space<semaphore_mem>>)
      %mul3A_685 = arith.constant 13 : i32
      %mul3A_686 = arith.muli %add3A_588, %mul3A_685 : i32
      %add3A_687 = arith.constant 6 : i32
      %add3A_688 = arith.addi %mul3A_686, %add3A_687 : i32
      %mul3A_689 = arith.constant 13 : i32
      %mul3A_690 = arith.muli %add3A_588, %mul3A_689 : i32
      %add3A_691 = arith.constant 6 : i32
      %add3A_692 = arith.addi %mul3A_690, %add3A_691 : i32
      %dma_start3A_693 = arith.constant 0 : i32
      %dma_start3A_694 = tpu.memref_slice %arg9[%add3A_692, %dma_start3A_693] : memref<79x128xi32, #tpu.memory_space<vmem>> -> memref<1x128xi32, #tpu.memory_space<vmem>>
      %dma_start3A_695 = tpu.memref_squeeze %dma_start3A_694 : memref<1x128xi32, #tpu.memory_space<vmem>> -> memref<128xi32, #tpu.memory_space<vmem>>
      %dma_start3A_696 = arith.constant 0 : i32
      %dma_start3A_697 = tpu.memref_slice %arg7[%add3A_688, %dma_start3A_696] : memref<79x128xi32, #tpu.memory_space<vmem>> -> memref<1x128xi32, #tpu.memory_space<vmem>>
      %dma_start3A_698 = tpu.memref_squeeze %dma_start3A_697 : memref<1x128xi32, #tpu.memory_space<vmem>> -> memref<128xi32, #tpu.memory_space<vmem>>
      %dma_start3A_699 = arith.constant 0 : i32
      %dma_start3A_700 = tpu.memref_slice %arg6[%dma_start3A_699] : memref<10000xi32, #tpu.memory_space<vmem_shared>> -> memref<10000xi32, #tpu.memory_space<vmem_shared>>
      tpu.enqueue_indirect_dma source(%dma_start3A_700 : memref<10000xi32, #tpu.memory_space<vmem_shared>>) target(%dma_start3A_695 : memref<128xi32, #tpu.memory_space<vmem>>) offsets(%dma_start3A_698 : memref<128xi32, #tpu.memory_space<vmem>>) semaphore(%arg16 : memref<!tpu.dma_semaphore, #tpu.memory_space<semaphore_mem>>)
      %mul3A_701 = arith.constant 13 : i32
      %mul3A_702 = arith.muli %add3A_588, %mul3A_701 : i32
      %add3A_703 = arith.constant 7 : i32
      %add3A_704 = arith.addi %mul3A_702, %add3A_703 : i32
      %mul3A_705 = arith.constant 13 : i32
      %mul3A_706 = arith.muli %add3A_588, %mul3A_705 : i32
      %add3A_707 = arith.constant 7 : i32
      %add3A_708 = arith.addi %mul3A_706, %add3A_707 : i32
      %dma_start3A_709 = arith.constant 0 : i32
      %dma_start3A_710 = tpu.memref_slice %arg9[%add3A_708, %dma_start3A_709] : memref<79x128xi32, #tpu.memory_space<vmem>> -> memref<1x128xi32, #tpu.memory_space<vmem>>
      %dma_start3A_711 = tpu.memref_squeeze %dma_start3A_710 : memref<1x128xi32, #tpu.memory_space<vmem>> -> memref<128xi32, #tpu.memory_space<vmem>>
      %dma_start3A_712 = arith.constant 0 : i32
      %dma_start3A_713 = tpu.memref_slice %arg7[%add3A_704, %dma_start3A_712] : memref<79x128xi32, #tpu.memory_space<vmem>> -> memref<1x128xi32, #tpu.memory_space<vmem>>
      %dma_start3A_714 = tpu.memref_squeeze %dma_start3A_713 : memref<1x128xi32, #tpu.memory_space<vmem>> -> memref<128xi32, #tpu.memory_space<vmem>>
      %dma_start3A_715 = arith.constant 0 : i32
      %dma_start3A_716 = tpu.memref_slice %arg6[%dma_start3A_715] : memref<10000xi32, #tpu.memory_space<vmem_shared>> -> memref<10000xi32, #tpu.memory_space<vmem_shared>>
      tpu.enqueue_indirect_dma source(%dma_start3A_716 : memref<10000xi32, #tpu.memory_space<vmem_shared>>) target(%dma_start3A_711 : memref<128xi32, #tpu.memory_space<vmem>>) offsets(%dma_start3A_714 : memref<128xi32, #tpu.memory_space<vmem>>) semaphore(%arg16 : memref<!tpu.dma_semaphore, #tpu.memory_space<semaphore_mem>>)
      %mul3A_717 = arith.constant 13 : i32
      %mul3A_718 = arith.muli %add3A_588, %mul3A_717 : i32
      %add3A_719 = arith.constant 8 : i32
      %add3A_720 = arith.addi %mul3A_718, %add3A_719 : i32
      %mul3A_721 = arith.constant 13 : i32
      %mul3A_722 = arith.muli %add3A_588, %mul3A_721 : i32
      %add3A_723 = arith.constant 8 : i32
      %add3A_724 = arith.addi %mul3A_722, %add3A_723 : i32
      %dma_start3A_725 = arith.constant 0 : i32
      %dma_start3A_726 = tpu.memref_slice %arg9[%add3A_724, %dma_start3A_725] : memref<79x128xi32, #tpu.memory_space<vmem>> -> memref<1x128xi32, #tpu.memory_space<vmem>>
      %dma_start3A_727 = tpu.memref_squeeze %dma_start3A_726 : memref<1x128xi32, #tpu.memory_space<vmem>> -> memref<128xi32, #tpu.memory_space<vmem>>
      %dma_start3A_728 = arith.constant 0 : i32
      %dma_start3A_729 = tpu.memref_slice %arg7[%add3A_720, %dma_start3A_728] : memref<79x128xi32, #tpu.memory_space<vmem>> -> memref<1x128xi32, #tpu.memory_space<vmem>>
      %dma_start3A_730 = tpu.memref_squeeze %dma_start3A_729 : memref<1x128xi32, #tpu.memory_space<vmem>> -> memref<128xi32, #tpu.memory_space<vmem>>
      %dma_start3A_731 = arith.constant 0 : i32
      %dma_start3A_732 = tpu.memref_slice %arg6[%dma_start3A_731] : memref<10000xi32, #tpu.memory_space<vmem_shared>> -> memref<10000xi32, #tpu.memory_space<vmem_shared>>
      tpu.enqueue_indirect_dma source(%dma_start3A_732 : memref<10000xi32, #tpu.memory_space<vmem_shared>>) target(%dma_start3A_727 : memref<128xi32, #tpu.memory_space<vmem>>) offsets(%dma_start3A_730 : memref<128xi32, #tpu.memory_space<vmem>>) semaphore(%arg16 : memref<!tpu.dma_semaphore, #tpu.memory_space<semaphore_mem>>)
      %mul3A_733 = arith.constant 13 : i32
      %mul3A_734 = arith.muli %add3A_588, %mul3A_733 : i32
      %add3A_735 = arith.constant 9 : i32
      %add3A_736 = arith.addi %mul3A_734, %add3A_735 : i32
      %mul3A_737 = arith.constant 13 : i32
      %mul3A_738 = arith.muli %add3A_588, %mul3A_737 : i32
      %add3A_739 = arith.constant 9 : i32
      %add3A_740 = arith.addi %mul3A_738, %add3A_739 : i32
      %dma_start3A_741 = arith.constant 0 : i32
      %dma_start3A_742 = tpu.memref_slice %arg9[%add3A_740, %dma_start3A_741] : memref<79x128xi32, #tpu.memory_space<vmem>> -> memref<1x128xi32, #tpu.memory_space<vmem>>
      %dma_start3A_743 = tpu.memref_squeeze %dma_start3A_742 : memref<1x128xi32, #tpu.memory_space<vmem>> -> memref<128xi32, #tpu.memory_space<vmem>>
      %dma_start3A_744 = arith.constant 0 : i32
      %dma_start3A_745 = tpu.memref_slice %arg7[%add3A_736, %dma_start3A_744] : memref<79x128xi32, #tpu.memory_space<vmem>> -> memref<1x128xi32, #tpu.memory_space<vmem>>
      %dma_start3A_746 = tpu.memref_squeeze %dma_start3A_745 : memref<1x128xi32, #tpu.memory_space<vmem>> -> memref<128xi32, #tpu.memory_space<vmem>>
      %dma_start3A_747 = arith.constant 0 : i32
      %dma_start3A_748 = tpu.memref_slice %arg6[%dma_start3A_747] : memref<10000xi32, #tpu.memory_space<vmem_shared>> -> memref<10000xi32, #tpu.memory_space<vmem_shared>>
      tpu.enqueue_indirect_dma source(%dma_start3A_748 : memref<10000xi32, #tpu.memory_space<vmem_shared>>) target(%dma_start3A_743 : memref<128xi32, #tpu.memory_space<vmem>>) offsets(%dma_start3A_746 : memref<128xi32, #tpu.memory_space<vmem>>) semaphore(%arg16 : memref<!tpu.dma_semaphore, #tpu.memory_space<semaphore_mem>>)
      %mul3A_749 = arith.constant 13 : i32
      %mul3A_750 = arith.muli %add3A_588, %mul3A_749 : i32
      %add3A_751 = arith.constant 10 : i32
      %add3A_752 = arith.addi %mul3A_750, %add3A_751 : i32
      %mul3A_753 = arith.constant 13 : i32
      %mul3A_754 = arith.muli %add3A_588, %mul3A_753 : i32
      %add3A_755 = arith.constant 10 : i32
      %add3A_756 = arith.addi %mul3A_754, %add3A_755 : i32
      %dma_start3A_757 = arith.constant 0 : i32
      %dma_start3A_758 = tpu.memref_slice %arg9[%add3A_756, %dma_start3A_757] : memref<79x128xi32, #tpu.memory_space<vmem>> -> memref<1x128xi32, #tpu.memory_space<vmem>>
      %dma_start3A_759 = tpu.memref_squeeze %dma_start3A_758 : memref<1x128xi32, #tpu.memory_space<vmem>> -> memref<128xi32, #tpu.memory_space<vmem>>
      %dma_start3A_760 = arith.constant 0 : i32
      %dma_start3A_761 = tpu.memref_slice %arg7[%add3A_752, %dma_start3A_760] : memref<79x128xi32, #tpu.memory_space<vmem>> -> memref<1x128xi32, #tpu.memory_space<vmem>>
      %dma_start3A_762 = tpu.memref_squeeze %dma_start3A_761 : memref<1x128xi32, #tpu.memory_space<vmem>> -> memref<128xi32, #tpu.memory_space<vmem>>
      %dma_start3A_763 = arith.constant 0 : i32
      %dma_start3A_764 = tpu.memref_slice %arg6[%dma_start3A_763] : memref<10000xi32, #tpu.memory_space<vmem_shared>> -> memref<10000xi32, #tpu.memory_space<vmem_shared>>
      tpu.enqueue_indirect_dma source(%dma_start3A_764 : memref<10000xi32, #tpu.memory_space<vmem_shared>>) target(%dma_start3A_759 : memref<128xi32, #tpu.memory_space<vmem>>) offsets(%dma_start3A_762 : memref<128xi32, #tpu.memory_space<vmem>>) semaphore(%arg16 : memref<!tpu.dma_semaphore, #tpu.memory_space<semaphore_mem>>)
      %mul3A_765 = arith.constant 13 : i32
      %mul3A_766 = arith.muli %add3A_588, %mul3A_765 : i32
      %add3A_767 = arith.constant 11 : i32
      %add3A_768 = arith.addi %mul3A_766, %add3A_767 : i32
      %mul3A_769 = arith.constant 13 : i32
      %mul3A_770 = arith.muli %add3A_588, %mul3A_769 : i32
      %add3A_771 = arith.constant 11 : i32
      %add3A_772 = arith.addi %mul3A_770, %add3A_771 : i32
      %dma_start3A_773 = arith.constant 0 : i32
      %dma_start3A_774 = tpu.memref_slice %arg9[%add3A_772, %dma_start3A_773] : memref<79x128xi32, #tpu.memory_space<vmem>> -> memref<1x128xi32, #tpu.memory_space<vmem>>
      %dma_start3A_775 = tpu.memref_squeeze %dma_start3A_774 : memref<1x128xi32, #tpu.memory_space<vmem>> -> memref<128xi32, #tpu.memory_space<vmem>>
      %dma_start3A_776 = arith.constant 0 : i32
      %dma_start3A_777 = tpu.memref_slice %arg7[%add3A_768, %dma_start3A_776] : memref<79x128xi32, #tpu.memory_space<vmem>> -> memref<1x128xi32, #tpu.memory_space<vmem>>
      %dma_start3A_778 = tpu.memref_squeeze %dma_start3A_777 : memref<1x128xi32, #tpu.memory_space<vmem>> -> memref<128xi32, #tpu.memory_space<vmem>>
      %dma_start3A_779 = arith.constant 0 : i32
      %dma_start3A_780 = tpu.memref_slice %arg6[%dma_start3A_779] : memref<10000xi32, #tpu.memory_space<vmem_shared>> -> memref<10000xi32, #tpu.memory_space<vmem_shared>>
      tpu.enqueue_indirect_dma source(%dma_start3A_780 : memref<10000xi32, #tpu.memory_space<vmem_shared>>) target(%dma_start3A_775 : memref<128xi32, #tpu.memory_space<vmem>>) offsets(%dma_start3A_778 : memref<128xi32, #tpu.memory_space<vmem>>) semaphore(%arg16 : memref<!tpu.dma_semaphore, #tpu.memory_space<semaphore_mem>>)
      %mul3A_781 = arith.constant 13 : i32
      %mul3A_782 = arith.muli %add3A_588, %mul3A_781 : i32
      %add3A_783 = arith.constant 12 : i32
      %add3A_784 = arith.addi %mul3A_782, %add3A_783 : i32
      %mul3A_785 = arith.constant 13 : i32
      %mul3A_786 = arith.muli %add3A_588, %mul3A_785 : i32
      %add3A_787 = arith.constant 12 : i32
      %add3A_788 = arith.addi %mul3A_786, %add3A_787 : i32
      %dma_start3A_789 = arith.constant 0 : i32
      %dma_start3A_790 = tpu.memref_slice %arg9[%add3A_788, %dma_start3A_789] : memref<79x128xi32, #tpu.memory_space<vmem>> -> memref<1x128xi32, #tpu.memory_space<vmem>>
      %dma_start3A_791 = tpu.memref_squeeze %dma_start3A_790 : memref<1x128xi32, #tpu.memory_space<vmem>> -> memref<128xi32, #tpu.memory_space<vmem>>
      %dma_start3A_792 = arith.constant 0 : i32
      %dma_start3A_793 = tpu.memref_slice %arg7[%add3A_784, %dma_start3A_792] : memref<79x128xi32, #tpu.memory_space<vmem>> -> memref<1x128xi32, #tpu.memory_space<vmem>>
      %dma_start3A_794 = tpu.memref_squeeze %dma_start3A_793 : memref<1x128xi32, #tpu.memory_space<vmem>> -> memref<128xi32, #tpu.memory_space<vmem>>
      %dma_start3A_795 = arith.constant 0 : i32
      %dma_start3A_796 = tpu.memref_slice %arg6[%dma_start3A_795] : memref<10000xi32, #tpu.memory_space<vmem_shared>> -> memref<10000xi32, #tpu.memory_space<vmem_shared>>
      tpu.enqueue_indirect_dma source(%dma_start3A_796 : memref<10000xi32, #tpu.memory_space<vmem_shared>>) target(%dma_start3A_791 : memref<128xi32, #tpu.memory_space<vmem>>) offsets(%dma_start3A_794 : memref<128xi32, #tpu.memory_space<vmem>>) semaphore(%arg16 : memref<!tpu.dma_semaphore, #tpu.memory_space<semaphore_mem>>)
      %dma_wait3A_797 = arith.constant 0 : i32
      %dma_wait3A_798 = tpu.memref_slice %arg9[%add3A_596, %dma_wait3A_797] : memref<79x128xi32, #tpu.memory_space<vmem>> -> memref<1x128xi32, #tpu.memory_space<vmem>>
      %dma_wait3A_799 = tpu.memref_squeeze %dma_wait3A_798 : memref<1x128xi32, #tpu.memory_space<vmem>> -> memref<128xi32, #tpu.memory_space<vmem>>
      %dma_wait3A_800 = arith.constant 0 : i32
      %dma_wait3A_801 = tpu.memref_slice %arg7[%add3A_592, %dma_wait3A_800] : memref<79x128xi32, #tpu.memory_space<vmem>> -> memref<1x128xi32, #tpu.memory_space<vmem>>
      %dma_wait3A_802 = tpu.memref_squeeze %dma_wait3A_801 : memref<1x128xi32, #tpu.memory_space<vmem>> -> memref<128xi32, #tpu.memory_space<vmem>>
      %dma_wait3A_803 = arith.constant 0 : i32
      %dma_wait3A_804 = tpu.memref_slice %arg6[%dma_wait3A_803] : memref<10000xi32, #tpu.memory_space<vmem_shared>> -> memref<10000xi32, #tpu.memory_space<vmem_shared>>
      tpu.wait_indirect_dma semaphore(%arg16 : memref<!tpu.dma_semaphore, #tpu.memory_space<semaphore_mem>>) src(%dma_wait3A_804 : memref<10000xi32, #tpu.memory_space<vmem_shared>>) dst(%dma_wait3A_799 : memref<128xi32, #tpu.memory_space<vmem>>)
      %dma_wait3A_805 = arith.constant 0 : i32
      %dma_wait3A_806 = tpu.memref_slice %arg9[%add3A_612, %dma_wait3A_805] : memref<79x128xi32, #tpu.memory_space<vmem>> -> memref<1x128xi32, #tpu.memory_space<vmem>>
      %dma_wait3A_807 = tpu.memref_squeeze %dma_wait3A_806 : memref<1x128xi32, #tpu.memory_space<vmem>> -> memref<128xi32, #tpu.memory_space<vmem>>
      %dma_wait3A_808 = arith.constant 0 : i32
      %dma_wait3A_809 = tpu.memref_slice %arg7[%add3A_608, %dma_wait3A_808] : memref<79x128xi32, #tpu.memory_space<vmem>> -> memref<1x128xi32, #tpu.memory_space<vmem>>
      %dma_wait3A_810 = tpu.memref_squeeze %dma_wait3A_809 : memref<1x128xi32, #tpu.memory_space<vmem>> -> memref<128xi32, #tpu.memory_space<vmem>>
      %dma_wait3A_811 = arith.constant 0 : i32
      %dma_wait3A_812 = tpu.memref_slice %arg6[%dma_wait3A_811] : memref<10000xi32, #tpu.memory_space<vmem_shared>> -> memref<10000xi32, #tpu.memory_space<vmem_shared>>
      tpu.wait_indirect_dma semaphore(%arg16 : memref<!tpu.dma_semaphore, #tpu.memory_space<semaphore_mem>>) src(%dma_wait3A_812 : memref<10000xi32, #tpu.memory_space<vmem_shared>>) dst(%dma_wait3A_807 : memref<128xi32, #tpu.memory_space<vmem>>)
      %dma_wait3A_813 = arith.constant 0 : i32
      %dma_wait3A_814 = tpu.memref_slice %arg9[%add3A_628, %dma_wait3A_813] : memref<79x128xi32, #tpu.memory_space<vmem>> -> memref<1x128xi32, #tpu.memory_space<vmem>>
      %dma_wait3A_815 = tpu.memref_squeeze %dma_wait3A_814 : memref<1x128xi32, #tpu.memory_space<vmem>> -> memref<128xi32, #tpu.memory_space<vmem>>
      %dma_wait3A_816 = arith.constant 0 : i32
      %dma_wait3A_817 = tpu.memref_slice %arg7[%add3A_624, %dma_wait3A_816] : memref<79x128xi32, #tpu.memory_space<vmem>> -> memref<1x128xi32, #tpu.memory_space<vmem>>
      %dma_wait3A_818 = tpu.memref_squeeze %dma_wait3A_817 : memref<1x128xi32, #tpu.memory_space<vmem>> -> memref<128xi32, #tpu.memory_space<vmem>>
      %dma_wait3A_819 = arith.constant 0 : i32
      %dma_wait3A_820 = tpu.memref_slice %arg6[%dma_wait3A_819] : memref<10000xi32, #tpu.memory_space<vmem_shared>> -> memref<10000xi32, #tpu.memory_space<vmem_shared>>
      tpu.wait_indirect_dma semaphore(%arg16 : memref<!tpu.dma_semaphore, #tpu.memory_space<semaphore_mem>>) src(%dma_wait3A_820 : memref<10000xi32, #tpu.memory_space<vmem_shared>>) dst(%dma_wait3A_815 : memref<128xi32, #tpu.memory_space<vmem>>)
      %dma_wait3A_821 = arith.constant 0 : i32
      %dma_wait3A_822 = tpu.memref_slice %arg9[%add3A_644, %dma_wait3A_821] : memref<79x128xi32, #tpu.memory_space<vmem>> -> memref<1x128xi32, #tpu.memory_space<vmem>>
      %dma_wait3A_823 = tpu.memref_squeeze %dma_wait3A_822 : memref<1x128xi32, #tpu.memory_space<vmem>> -> memref<128xi32, #tpu.memory_space<vmem>>
      %dma_wait3A_824 = arith.constant 0 : i32
      %dma_wait3A_825 = tpu.memref_slice %arg7[%add3A_640, %dma_wait3A_824] : memref<79x128xi32, #tpu.memory_space<vmem>> -> memref<1x128xi32, #tpu.memory_space<vmem>>
      %dma_wait3A_826 = tpu.memref_squeeze %dma_wait3A_825 : memref<1x128xi32, #tpu.memory_space<vmem>> -> memref<128xi32, #tpu.memory_space<vmem>>
      %dma_wait3A_827 = arith.constant 0 : i32
      %dma_wait3A_828 = tpu.memref_slice %arg6[%dma_wait3A_827] : memref<10000xi32, #tpu.memory_space<vmem_shared>> -> memref<10000xi32, #tpu.memory_space<vmem_shared>>
      tpu.wait_indirect_dma semaphore(%arg16 : memref<!tpu.dma_semaphore, #tpu.memory_space<semaphore_mem>>) src(%dma_wait3A_828 : memref<10000xi32, #tpu.memory_space<vmem_shared>>) dst(%dma_wait3A_823 : memref<128xi32, #tpu.memory_space<vmem>>)
      %dma_wait3A_829 = arith.constant 0 : i32
      %dma_wait3A_830 = tpu.memref_slice %arg9[%add3A_660, %dma_wait3A_829] : memref<79x128xi32, #tpu.memory_space<vmem>> -> memref<1x128xi32, #tpu.memory_space<vmem>>
      %dma_wait3A_831 = tpu.memref_squeeze %dma_wait3A_830 : memref<1x128xi32, #tpu.memory_space<vmem>> -> memref<128xi32, #tpu.memory_space<vmem>>
      %dma_wait3A_832 = arith.constant 0 : i32
      %dma_wait3A_833 = tpu.memref_slice %arg7[%add3A_656, %dma_wait3A_832] : memref<79x128xi32, #tpu.memory_space<vmem>> -> memref<1x128xi32, #tpu.memory_space<vmem>>
      %dma_wait3A_834 = tpu.memref_squeeze %dma_wait3A_833 : memref<1x128xi32, #tpu.memory_space<vmem>> -> memref<128xi32, #tpu.memory_space<vmem>>
      %dma_wait3A_835 = arith.constant 0 : i32
      %dma_wait3A_836 = tpu.memref_slice %arg6[%dma_wait3A_835] : memref<10000xi32, #tpu.memory_space<vmem_shared>> -> memref<10000xi32, #tpu.memory_space<vmem_shared>>
      tpu.wait_indirect_dma semaphore(%arg16 : memref<!tpu.dma_semaphore, #tpu.memory_space<semaphore_mem>>) src(%dma_wait3A_836 : memref<10000xi32, #tpu.memory_space<vmem_shared>>) dst(%dma_wait3A_831 : memref<128xi32, #tpu.memory_space<vmem>>)
      %dma_wait3A_837 = arith.constant 0 : i32
      %dma_wait3A_838 = tpu.memref_slice %arg9[%add3A_676, %dma_wait3A_837] : memref<79x128xi32, #tpu.memory_space<vmem>> -> memref<1x128xi32, #tpu.memory_space<vmem>>
      %dma_wait3A_839 = tpu.memref_squeeze %dma_wait3A_838 : memref<1x128xi32, #tpu.memory_space<vmem>> -> memref<128xi32, #tpu.memory_space<vmem>>
      %dma_wait3A_840 = arith.constant 0 : i32
      %dma_wait3A_841 = tpu.memref_slice %arg7[%add3A_672, %dma_wait3A_840] : memref<79x128xi32, #tpu.memory_space<vmem>> -> memref<1x128xi32, #tpu.memory_space<vmem>>
      %dma_wait3A_842 = tpu.memref_squeeze %dma_wait3A_841 : memref<1x128xi32, #tpu.memory_space<vmem>> -> memref<128xi32, #tpu.memory_space<vmem>>
      %dma_wait3A_843 = arith.constant 0 : i32
      %dma_wait3A_844 = tpu.memref_slice %arg6[%dma_wait3A_843] : memref<10000xi32, #tpu.memory_space<vmem_shared>> -> memref<10000xi32, #tpu.memory_space<vmem_shared>>
      tpu.wait_indirect_dma semaphore(%arg16 : memref<!tpu.dma_semaphore, #tpu.memory_space<semaphore_mem>>) src(%dma_wait3A_844 : memref<10000xi32, #tpu.memory_space<vmem_shared>>) dst(%dma_wait3A_839 : memref<128xi32, #tpu.memory_space<vmem>>)
      %dma_wait3A_845 = arith.constant 0 : i32
      %dma_wait3A_846 = tpu.memref_slice %arg9[%add3A_692, %dma_wait3A_845] : memref<79x128xi32, #tpu.memory_space<vmem>> -> memref<1x128xi32, #tpu.memory_space<vmem>>
      %dma_wait3A_847 = tpu.memref_squeeze %dma_wait3A_846 : memref<1x128xi32, #tpu.memory_space<vmem>> -> memref<128xi32, #tpu.memory_space<vmem>>
      %dma_wait3A_848 = arith.constant 0 : i32
      %dma_wait3A_849 = tpu.memref_slice %arg7[%add3A_688, %dma_wait3A_848] : memref<79x128xi32, #tpu.memory_space<vmem>> -> memref<1x128xi32, #tpu.memory_space<vmem>>
      %dma_wait3A_850 = tpu.memref_squeeze %dma_wait3A_849 : memref<1x128xi32, #tpu.memory_space<vmem>> -> memref<128xi32, #tpu.memory_space<vmem>>
      %dma_wait3A_851 = arith.constant 0 : i32
      %dma_wait3A_852 = tpu.memref_slice %arg6[%dma_wait3A_851] : memref<10000xi32, #tpu.memory_space<vmem_shared>> -> memref<10000xi32, #tpu.memory_space<vmem_shared>>
      tpu.wait_indirect_dma semaphore(%arg16 : memref<!tpu.dma_semaphore, #tpu.memory_space<semaphore_mem>>) src(%dma_wait3A_852 : memref<10000xi32, #tpu.memory_space<vmem_shared>>) dst(%dma_wait3A_847 : memref<128xi32, #tpu.memory_space<vmem>>)
      %dma_wait3A_853 = arith.constant 0 : i32
      %dma_wait3A_854 = tpu.memref_slice %arg9[%add3A_708, %dma_wait3A_853] : memref<79x128xi32, #tpu.memory_space<vmem>> -> memref<1x128xi32, #tpu.memory_space<vmem>>
      %dma_wait3A_855 = tpu.memref_squeeze %dma_wait3A_854 : memref<1x128xi32, #tpu.memory_space<vmem>> -> memref<128xi32, #tpu.memory_space<vmem>>
      %dma_wait3A_856 = arith.constant 0 : i32
      %dma_wait3A_857 = tpu.memref_slice %arg7[%add3A_704, %dma_wait3A_856] : memref<79x128xi32, #tpu.memory_space<vmem>> -> memref<1x128xi32, #tpu.memory_space<vmem>>
      %dma_wait3A_858 = tpu.memref_squeeze %dma_wait3A_857 : memref<1x128xi32, #tpu.memory_space<vmem>> -> memref<128xi32, #tpu.memory_space<vmem>>
      %dma_wait3A_859 = arith.constant 0 : i32
      %dma_wait3A_860 = tpu.memref_slice %arg6[%dma_wait3A_859] : memref<10000xi32, #tpu.memory_space<vmem_shared>> -> memref<10000xi32, #tpu.memory_space<vmem_shared>>
      tpu.wait_indirect_dma semaphore(%arg16 : memref<!tpu.dma_semaphore, #tpu.memory_space<semaphore_mem>>) src(%dma_wait3A_860 : memref<10000xi32, #tpu.memory_space<vmem_shared>>) dst(%dma_wait3A_855 : memref<128xi32, #tpu.memory_space<vmem>>)
      %dma_wait3A_861 = arith.constant 0 : i32
      %dma_wait3A_862 = tpu.memref_slice %arg9[%add3A_724, %dma_wait3A_861] : memref<79x128xi32, #tpu.memory_space<vmem>> -> memref<1x128xi32, #tpu.memory_space<vmem>>
      %dma_wait3A_863 = tpu.memref_squeeze %dma_wait3A_862 : memref<1x128xi32, #tpu.memory_space<vmem>> -> memref<128xi32, #tpu.memory_space<vmem>>
      %dma_wait3A_864 = arith.constant 0 : i32
      %dma_wait3A_865 = tpu.memref_slice %arg7[%add3A_720, %dma_wait3A_864] : memref<79x128xi32, #tpu.memory_space<vmem>> -> memref<1x128xi32, #tpu.memory_space<vmem>>
      %dma_wait3A_866 = tpu.memref_squeeze %dma_wait3A_865 : memref<1x128xi32, #tpu.memory_space<vmem>> -> memref<128xi32, #tpu.memory_space<vmem>>
      %dma_wait3A_867 = arith.constant 0 : i32
      %dma_wait3A_868 = tpu.memref_slice %arg6[%dma_wait3A_867] : memref<10000xi32, #tpu.memory_space<vmem_shared>> -> memref<10000xi32, #tpu.memory_space<vmem_shared>>
      tpu.wait_indirect_dma semaphore(%arg16 : memref<!tpu.dma_semaphore, #tpu.memory_space<semaphore_mem>>) src(%dma_wait3A_868 : memref<10000xi32, #tpu.memory_space<vmem_shared>>) dst(%dma_wait3A_863 : memref<128xi32, #tpu.memory_space<vmem>>)
      %dma_wait3A_869 = arith.constant 0 : i32
      %dma_wait3A_870 = tpu.memref_slice %arg9[%add3A_740, %dma_wait3A_869] : memref<79x128xi32, #tpu.memory_space<vmem>> -> memref<1x128xi32, #tpu.memory_space<vmem>>
      %dma_wait3A_871 = tpu.memref_squeeze %dma_wait3A_870 : memref<1x128xi32, #tpu.memory_space<vmem>> -> memref<128xi32, #tpu.memory_space<vmem>>
      %dma_wait3A_872 = arith.constant 0 : i32
      %dma_wait3A_873 = tpu.memref_slice %arg7[%add3A_736, %dma_wait3A_872] : memref<79x128xi32, #tpu.memory_space<vmem>> -> memref<1x128xi32, #tpu.memory_space<vmem>>
      %dma_wait3A_874 = tpu.memref_squeeze %dma_wait3A_873 : memref<1x128xi32, #tpu.memory_space<vmem>> -> memref<128xi32, #tpu.memory_space<vmem>>
      %dma_wait3A_875 = arith.constant 0 : i32
      %dma_wait3A_876 = tpu.memref_slice %arg6[%dma_wait3A_875] : memref<10000xi32, #tpu.memory_space<vmem_shared>> -> memref<10000xi32, #tpu.memory_space<vmem_shared>>
      tpu.wait_indirect_dma semaphore(%arg16 : memref<!tpu.dma_semaphore, #tpu.memory_space<semaphore_mem>>) src(%dma_wait3A_876 : memref<10000xi32, #tpu.memory_space<vmem_shared>>) dst(%dma_wait3A_871 : memref<128xi32, #tpu.memory_space<vmem>>)
      %dma_wait3A_877 = arith.constant 0 : i32
      %dma_wait3A_878 = tpu.memref_slice %arg9[%add3A_756, %dma_wait3A_877] : memref<79x128xi32, #tpu.memory_space<vmem>> -> memref<1x128xi32, #tpu.memory_space<vmem>>
      %dma_wait3A_879 = tpu.memref_squeeze %dma_wait3A_878 : memref<1x128xi32, #tpu.memory_space<vmem>> -> memref<128xi32, #tpu.memory_space<vmem>>
      %dma_wait3A_880 = arith.constant 0 : i32
      %dma_wait3A_881 = tpu.memref_slice %arg7[%add3A_752, %dma_wait3A_880] : memref<79x128xi32, #tpu.memory_space<vmem>> -> memref<1x128xi32, #tpu.memory_space<vmem>>
      %dma_wait3A_882 = tpu.memref_squeeze %dma_wait3A_881 : memref<1x128xi32, #tpu.memory_space<vmem>> -> memref<128xi32, #tpu.memory_space<vmem>>
      %dma_wait3A_883 = arith.constant 0 : i32
      %dma_wait3A_884 = tpu.memref_slice %arg6[%dma_wait3A_883] : memref<10000xi32, #tpu.memory_space<vmem_shared>> -> memref<10000xi32, #tpu.memory_space<vmem_shared>>
      tpu.wait_indirect_dma semaphore(%arg16 : memref<!tpu.dma_semaphore, #tpu.memory_space<semaphore_mem>>) src(%dma_wait3A_884 : memref<10000xi32, #tpu.memory_space<vmem_shared>>) dst(%dma_wait3A_879 : memref<128xi32, #tpu.memory_space<vmem>>)
      %dma_wait3A_885 = arith.constant 0 : i32
      %dma_wait3A_886 = tpu.memref_slice %arg9[%add3A_772, %dma_wait3A_885] : memref<79x128xi32, #tpu.memory_space<vmem>> -> memref<1x128xi32, #tpu.memory_space<vmem>>
      %dma_wait3A_887 = tpu.memref_squeeze %dma_wait3A_886 : memref<1x128xi32, #tpu.memory_space<vmem>> -> memref<128xi32, #tpu.memory_space<vmem>>
      %dma_wait3A_888 = arith.constant 0 : i32
      %dma_wait3A_889 = tpu.memref_slice %arg7[%add3A_768, %dma_wait3A_888] : memref<79x128xi32, #tpu.memory_space<vmem>> -> memref<1x128xi32, #tpu.memory_space<vmem>>
      %dma_wait3A_890 = tpu.memref_squeeze %dma_wait3A_889 : memref<1x128xi32, #tpu.memory_space<vmem>> -> memref<128xi32, #tpu.memory_space<vmem>>
      %dma_wait3A_891 = arith.constant 0 : i32
      %dma_wait3A_892 = tpu.memref_slice %arg6[%dma_wait3A_891] : memref<10000xi32, #tpu.memory_space<vmem_shared>> -> memref<10000xi32, #tpu.memory_space<vmem_shared>>
      tpu.wait_indirect_dma semaphore(%arg16 : memref<!tpu.dma_semaphore, #tpu.memory_space<semaphore_mem>>) src(%dma_wait3A_892 : memref<10000xi32, #tpu.memory_space<vmem_shared>>) dst(%dma_wait3A_887 : memref<128xi32, #tpu.memory_space<vmem>>)
      %dma_wait3A_893 = arith.constant 0 : i32
      %dma_wait3A_894 = tpu.memref_slice %arg9[%add3A_788, %dma_wait3A_893] : memref<79x128xi32, #tpu.memory_space<vmem>> -> memref<1x128xi32, #tpu.memory_space<vmem>>
      %dma_wait3A_895 = tpu.memref_squeeze %dma_wait3A_894 : memref<1x128xi32, #tpu.memory_space<vmem>> -> memref<128xi32, #tpu.memory_space<vmem>>
      %dma_wait3A_896 = arith.constant 0 : i32
      %dma_wait3A_897 = tpu.memref_slice %arg7[%add3A_784, %dma_wait3A_896] : memref<79x128xi32, #tpu.memory_space<vmem>> -> memref<1x128xi32, #tpu.memory_space<vmem>>
      %dma_wait3A_898 = tpu.memref_squeeze %dma_wait3A_897 : memref<1x128xi32, #tpu.memory_space<vmem>> -> memref<128xi32, #tpu.memory_space<vmem>>
      %dma_wait3A_899 = arith.constant 0 : i32
      %dma_wait3A_900 = tpu.memref_slice %arg6[%dma_wait3A_899] : memref<10000xi32, #tpu.memory_space<vmem_shared>> -> memref<10000xi32, #tpu.memory_space<vmem_shared>>
      tpu.wait_indirect_dma semaphore(%arg16 : memref<!tpu.dma_semaphore, #tpu.memory_space<semaphore_mem>>) src(%dma_wait3A_900 : memref<10000xi32, #tpu.memory_space<vmem_shared>>) dst(%dma_wait3A_895 : memref<128xi32, #tpu.memory_space<vmem>>)
    }
    %scan3A_268 = arith.constant 6 : i32
    %run_scoped3A_269 = arith.constant 78 : i32
    %run_scoped3A_270 = arith.constant 78 : i32
    "tpu.region"() ({
      %run_scoped3A_584 = tpu.sem_alloc : memref<!tpu.dma_semaphore, #tpu.memory_space<semaphore_mem>>
      %dma_start3A_585 = arith.constant 0 : i32
      %dma_start3A_586 = tpu.memref_slice %arg9[%run_scoped3A_270, %dma_start3A_585] : memref<79x128xi32, #tpu.memory_space<vmem>> -> memref<1x128xi32, #tpu.memory_space<vmem>>
      %dma_start3A_587 = tpu.memref_squeeze %dma_start3A_586 : memref<1x128xi32, #tpu.memory_space<vmem>> -> memref<128xi32, #tpu.memory_space<vmem>>
      %dma_start3A_588 = arith.constant 0 : i32
      %dma_start3A_589 = tpu.memref_slice %arg7[%run_scoped3A_269, %dma_start3A_588] : memref<79x128xi32, #tpu.memory_space<vmem>> -> memref<1x128xi32, #tpu.memory_space<vmem>>
      %dma_start3A_590 = tpu.memref_squeeze %dma_start3A_589 : memref<1x128xi32, #tpu.memory_space<vmem>> -> memref<128xi32, #tpu.memory_space<vmem>>
      %dma_start3A_591 = arith.constant 0 : i32
      %dma_start3A_592 = tpu.memref_slice %arg6[%dma_start3A_591] : memref<10000xi32, #tpu.memory_space<vmem_shared>> -> memref<10000xi32, #tpu.memory_space<vmem_shared>>
      tpu.enqueue_indirect_dma source(%dma_start3A_592 : memref<10000xi32, #tpu.memory_space<vmem_shared>>) target(%dma_start3A_587 : memref<128xi32, #tpu.memory_space<vmem>>) offsets(%dma_start3A_590 : memref<128xi32, #tpu.memory_space<vmem>>) semaphore(%run_scoped3A_584 : memref<!tpu.dma_semaphore, #tpu.memory_space<semaphore_mem>>)
      %dma_wait3A_593 = arith.constant 0 : i32
      %dma_wait3A_594 = tpu.memref_slice %arg9[%run_scoped3A_270, %dma_wait3A_593] : memref<79x128xi32, #tpu.memory_space<vmem>> -> memref<1x128xi32, #tpu.memory_space<vmem>>
      %dma_wait3A_595 = tpu.memref_squeeze %dma_wait3A_594 : memref<1x128xi32, #tpu.memory_space<vmem>> -> memref<128xi32, #tpu.memory_space<vmem>>
      %dma_wait3A_596 = arith.constant 0 : i32
      %dma_wait3A_597 = tpu.memref_slice %arg7[%run_scoped3A_269, %dma_wait3A_596] : memref<79x128xi32, #tpu.memory_space<vmem>> -> memref<1x128xi32, #tpu.memory_space<vmem>>
      %dma_wait3A_598 = tpu.memref_squeeze %dma_wait3A_597 : memref<1x128xi32, #tpu.memory_space<vmem>> -> memref<128xi32, #tpu.memory_space<vmem>>
      %dma_wait3A_599 = arith.constant 0 : i32
      %dma_wait3A_600 = tpu.memref_slice %arg6[%dma_wait3A_599] : memref<10000xi32, #tpu.memory_space<vmem_shared>> -> memref<10000xi32, #tpu.memory_space<vmem_shared>>
      tpu.wait_indirect_dma semaphore(%run_scoped3A_584 : memref<!tpu.dma_semaphore, #tpu.memory_space<semaphore_mem>>) src(%dma_wait3A_600 : memref<10000xi32, #tpu.memory_space<vmem_shared>>) dst(%dma_wait3A_595 : memref<128xi32, #tpu.memory_space<vmem>>)
      tpu.yield
    }) : () -> ()
    %scan3A_271 = arith.constant 0 : i32
    %scan3A_272 = arith.constant 625 : i32
    %scan3A_273 = arith.addi %scan3A_271, %scan3A_272 : i32
    %scan3A_274 = arith.constant 1 : i32
    scf.for %scan3A_584 = %scan3A_271 to %scan3A_273 step %scan3A_274  : i32 {
      %mul3A_585 = arith.constant 1 : i32
      %mul3A_586 = arith.muli %scan3A_584, %mul3A_585 : i32
      %add3A_587 = arith.constant 0 : i32
      %add3A_588 = arith.addi %add3A_587, %mul3A_586 : i32
      %jit3A = arith.constant 8 : i32
      %div3A = arith.divsi %add3A_588, %jit3A : i32
      %sign3A = arith.constant 0 : i32
      %sign3A_589 = arith.cmpi sgt, %add3A_588, %sign3A : i32
      %sign3A_590 = arith.extui %sign3A_589 : i1 to i32
      %sign3A_591 = arith.constant 0 : i32
      %sign3A_592 = arith.cmpi slt, %add3A_588, %sign3A_591 : i32
      %sign3A_593 = arith.extui %sign3A_592 : i1 to i32
      %sign3A_594 = arith.subi %sign3A_590, %sign3A_593 : i32
      %sign3A_595 = arith.constant 0 : i32
      %sign3A_596 = arith.cmpi sgt, %jit3A, %sign3A_595 : i32
      %sign3A_597 = arith.extui %sign3A_596 : i1 to i32
      %sign3A_598 = arith.constant 0 : i32
      %sign3A_599 = arith.cmpi slt, %jit3A, %sign3A_598 : i32
      %sign3A_600 = arith.extui %sign3A_599 : i1 to i32
      %sign3A_601 = arith.subi %sign3A_597, %sign3A_600 : i32
      %ne3A = arith.cmpi ne, %sign3A_594, %sign3A_601 : i32
      %rem3A = arith.remsi %add3A_588, %jit3A : i32
      %ne3A_602 = arith.constant 0 : i32
      %ne3A_603 = arith.cmpi ne, %rem3A, %ne3A_602 : i32
      %and3A = arith.andi %ne3A, %ne3A_603 : i1
      %sub3A = arith.constant 1 : i32
      %sub3A_604 = arith.subi %div3A, %sub3A : i32
      %select_n3A = arith.select %and3A, %sub3A_604, %div3A : i32
      %jit3A_605 = arith.constant 8 : i32
      %eq3A = arith.constant 0 : i32
      %eq3A_606 = arith.cmpi eq, %jit3A_605, %eq3A : i32
      %jit3A_607 = arith.constant 1 : i32
      %select_n3A_608 = arith.select %eq3A_606, %jit3A_607, %jit3A_605 : i32
      %rem3A_609 = arith.remsi %add3A_588, %select_n3A_608 : i32
      %ne3A_610 = arith.constant 0 : i32
      %ne3A_611 = arith.cmpi ne, %rem3A_609, %ne3A_610 : i32
      %lt3A_612 = arith.constant 0 : i32
      %lt3A_613 = arith.cmpi slt, %rem3A_609, %lt3A_612 : i32
      %lt3A_614 = arith.constant 0 : i32
      %lt3A_615 = arith.cmpi slt, %select_n3A_608, %lt3A_614 : i32
      %ne3A_616 = arith.xori %lt3A_613, %lt3A_615 : i1
      %and3A_617 = arith.andi %ne3A_616, %ne3A_611 : i1
      %add3A_618 = arith.addi %rem3A_609, %select_n3A_608 : i32
      %select_n3A_619 = arith.select %and3A_617, %add3A_618, %rem3A_609 : i32
      %mul3A_620 = arith.constant 16 : i32
      %mul3A_621 = arith.muli %select_n3A_619, %mul3A_620 : i32
      %get3A = arith.index_cast %select_n3A : i32 to index
      %get3A_622 = arith.index_cast %mul3A_621 : i32 to index
      %get3A_623 = tpu.vector_load %arg9[%get3A, %get3A_622] {strides = array<i32>} : memref<79x128xi32, #tpu.memory_space<vmem>>, vector<1x16xi32>,
      %get3A_624 = vector.shape_cast %get3A_623 : vector<1x16xi32> to vector<16xi32>
      %get3A_625 = arith.index_cast %select_n3A : i32 to index
      %get3A_626 = arith.index_cast %mul3A_621 : i32 to index
      %get3A_627 = tpu.vector_load %arg8[%get3A_625, %get3A_626] {strides = array<i32>} : memref<79x128xi32, #tpu.memory_space<vmem>>, vector<1x16xi32>,
      %get3A_628 = vector.shape_cast %get3A_627 : vector<1x16xi32> to vector<16xi32>
      %mul3A_629 = arith.constant 128 : i32
      %mul3A_630 = vector.broadcast %mul3A_629 : i32 to vector<16xi32>
      %mul3A_631 = arith.muli %get3A_628, %mul3A_630 : vector<16xi32>
      %add3A_632 = arith.addi %mul3A_631, %get3A_624 : vector<16xi32>
      %swap3A_633 = arith.index_cast %select_n3A : i32 to index
      %swap3A_634 = arith.index_cast %mul3A_621 : i32 to index
      %swap3A_635 = tpu.vector_load %arg8[%swap3A_633, %swap3A_634] {strides = array<i32>} : memref<79x128xi32, #tpu.memory_space<vmem>>, vector<1x16xi32>,
      %swap3A_636 = vector.shape_cast %swap3A_635 : vector<1x16xi32> to vector<16xi32>
      %swap3A_637 = vector.shape_cast %add3A_632 : vector<16xi32> to vector<1x16xi32>
      tpu.vector_store %arg8[%swap3A_633, %swap3A_634], %swap3A_637 {strides = array<i32>} : memref<79x128xi32, #tpu.memory_space<vmem>>, vector<1x16xi32>,
    }
    %scan3A_275 = arith.constant 625 : i32
    %scan3A_276 = arith.constant 0 : i32
    %scan3A_277 = arith.constant 6 : i32
    %scan3A_278 = arith.addi %scan3A_276, %scan3A_277 : i32
    %scan3A_279 = arith.constant 1 : i32
    scf.for %scan3A_584 = %scan3A_276 to %scan3A_278 step %scan3A_279  : i32 {
      %mul3A_585 = arith.constant 1 : i32
      %mul3A_586 = arith.muli %scan3A_584, %mul3A_585 : i32
      %add3A_587 = arith.constant 0 : i32
      %add3A_588 = arith.addi %add3A_587, %mul3A_586 : i32
      %mul3A_589 = arith.constant 13 : i32
      %mul3A_590 = arith.muli %add3A_588, %mul3A_589 : i32
      %add3A_591 = arith.constant 0 : i32
      %add3A_592 = arith.addi %mul3A_590, %add3A_591 : i32
      %dma_start3A_593 = arith.constant 0 : i32
      %dma_start3A_594 = arith.constant 0 : i32
      %dma_start3A_595 = tpu.memref_slice %arg10[%dma_start3A_593, %dma_start3A_594] : memref<2x128xf32, #tpu.memory_space<vmem>> -> memref<1x128xf32, #tpu.memory_space<vmem>>
      %dma_start3A_596 = tpu.memref_squeeze %dma_start3A_595 : memref<1x128xf32, #tpu.memory_space<vmem>> -> memref<128xf32, #tpu.memory_space<vmem>>
      %dma_start3A_597 = arith.constant 0 : i32
      %dma_start3A_598 = tpu.memref_slice %arg8[%add3A_592, %dma_start3A_597] : memref<79x128xi32, #tpu.memory_space<vmem>> -> memref<1x128xi32, #tpu.memory_space<vmem>>
      %dma_start3A_599 = tpu.memref_squeeze %dma_start3A_598 : memref<1x128xi32, #tpu.memory_space<vmem>> -> memref<128xi32, #tpu.memory_space<vmem>>
      %dma_start3A_600 = arith.constant 0 : i32
      %dma_start3A_601 = tpu.memref_slice %arg5[%dma_start3A_600] : memref<1280000xf32, #tpu.memory_space<vmem_shared>> -> memref<1280000xf32, #tpu.memory_space<vmem_shared>>
      tpu.enqueue_indirect_dma source(%dma_start3A_596 : memref<128xf32, #tpu.memory_space<vmem>>) target(%dma_start3A_601 : memref<1280000xf32, #tpu.memory_space<vmem_shared>>) offsets(%dma_start3A_599 : memref<128xi32, #tpu.memory_space<vmem>>) semaphore(%arg16 : memref<!tpu.dma_semaphore, #tpu.memory_space<semaphore_mem>>) {add = true}
      %mul3A_602 = arith.constant 13 : i32
      %mul3A_603 = arith.muli %add3A_588, %mul3A_602 : i32
      %add3A_604 = arith.constant 1 : i32
      %add3A_605 = arith.addi %mul3A_603, %add3A_604 : i32
      %dma_start3A_606 = arith.constant 0 : i32
      %dma_start3A_607 = arith.constant 0 : i32
      %dma_start3A_608 = tpu.memref_slice %arg10[%dma_start3A_606, %dma_start3A_607] : memref<2x128xf32, #tpu.memory_space<vmem>> -> memref<1x128xf32, #tpu.memory_space<vmem>>
      %dma_start3A_609 = tpu.memref_squeeze %dma_start3A_608 : memref<1x128xf32, #tpu.memory_space<vmem>> -> memref<128xf32, #tpu.memory_space<vmem>>
      %dma_start3A_610 = arith.constant 0 : i32
      %dma_start3A_611 = tpu.memref_slice %arg8[%add3A_605, %dma_start3A_610] : memref<79x128xi32, #tpu.memory_space<vmem>> -> memref<1x128xi32, #tpu.memory_space<vmem>>
      %dma_start3A_612 = tpu.memref_squeeze %dma_start3A_611 : memref<1x128xi32, #tpu.memory_space<vmem>> -> memref<128xi32, #tpu.memory_space<vmem>>
      %dma_start3A_613 = arith.constant 0 : i32
      %dma_start3A_614 = tpu.memref_slice %arg5[%dma_start3A_613] : memref<1280000xf32, #tpu.memory_space<vmem_shared>> -> memref<1280000xf32, #tpu.memory_space<vmem_shared>>
      tpu.enqueue_indirect_dma source(%dma_start3A_609 : memref<128xf32, #tpu.memory_space<vmem>>) target(%dma_start3A_614 : memref<1280000xf32, #tpu.memory_space<vmem_shared>>) offsets(%dma_start3A_612 : memref<128xi32, #tpu.memory_space<vmem>>) semaphore(%arg16 : memref<!tpu.dma_semaphore, #tpu.memory_space<semaphore_mem>>) {add = true}
      %mul3A_615 = arith.constant 13 : i32
      %mul3A_616 = arith.muli %add3A_588, %mul3A_615 : i32
      %add3A_617 = arith.constant 2 : i32
      %add3A_618 = arith.addi %mul3A_616, %add3A_617 : i32
      %dma_start3A_619 = arith.constant 0 : i32
      %dma_start3A_620 = arith.constant 0 : i32
      %dma_start3A_621 = tpu.memref_slice %arg10[%dma_start3A_619, %dma_start3A_620] : memref<2x128xf32, #tpu.memory_space<vmem>> -> memref<1x128xf32, #tpu.memory_space<vmem>>
      %dma_start3A_622 = tpu.memref_squeeze %dma_start3A_621 : memref<1x128xf32, #tpu.memory_space<vmem>> -> memref<128xf32, #tpu.memory_space<vmem>>
      %dma_start3A_623 = arith.constant 0 : i32
      %dma_start3A_624 = tpu.memref_slice %arg8[%add3A_618, %dma_start3A_623] : memref<79x128xi32, #tpu.memory_space<vmem>> -> memref<1x128xi32, #tpu.memory_space<vmem>>
      %dma_start3A_625 = tpu.memref_squeeze %dma_start3A_624 : memref<1x128xi32, #tpu.memory_space<vmem>> -> memref<128xi32, #tpu.memory_space<vmem>>
      %dma_start3A_626 = arith.constant 0 : i32
      %dma_start3A_627 = tpu.memref_slice %arg5[%dma_start3A_626] : memref<1280000xf32, #tpu.memory_space<vmem_shared>> -> memref<1280000xf32, #tpu.memory_space<vmem_shared>>
      tpu.enqueue_indirect_dma source(%dma_start3A_622 : memref<128xf32, #tpu.memory_space<vmem>>) target(%dma_start3A_627 : memref<1280000xf32, #tpu.memory_space<vmem_shared>>) offsets(%dma_start3A_625 : memref<128xi32, #tpu.memory_space<vmem>>) semaphore(%arg16 : memref<!tpu.dma_semaphore, #tpu.memory_space<semaphore_mem>>) {add = true}
      %mul3A_628 = arith.constant 13 : i32
      %mul3A_629 = arith.muli %add3A_588, %mul3A_628 : i32
      %add3A_630 = arith.constant 3 : i32
      %add3A_631 = arith.addi %mul3A_629, %add3A_630 : i32
      %dma_start3A_632 = arith.constant 0 : i32
      %dma_start3A_633 = arith.constant 0 : i32
      %dma_start3A_634 = tpu.memref_slice %arg10[%dma_start3A_632, %dma_start3A_633] : memref<2x128xf32, #tpu.memory_space<vmem>> -> memref<1x128xf32, #tpu.memory_space<vmem>>
      %dma_start3A_635 = tpu.memref_squeeze %dma_start3A_634 : memref<1x128xf32, #tpu.memory_space<vmem>> -> memref<128xf32, #tpu.memory_space<vmem>>
      %dma_start3A_636 = arith.constant 0 : i32
      %dma_start3A_637 = tpu.memref_slice %arg8[%add3A_631, %dma_start3A_636] : memref<79x128xi32, #tpu.memory_space<vmem>> -> memref<1x128xi32, #tpu.memory_space<vmem>>
      %dma_start3A_638 = tpu.memref_squeeze %dma_start3A_637 : memref<1x128xi32, #tpu.memory_space<vmem>> -> memref<128xi32, #tpu.memory_space<vmem>>
      %dma_start3A_639 = arith.constant 0 : i32
      %dma_start3A_640 = tpu.memref_slice %arg5[%dma_start3A_639] : memref<1280000xf32, #tpu.memory_space<vmem_shared>> -> memref<1280000xf32, #tpu.memory_space<vmem_shared>>
      tpu.enqueue_indirect_dma source(%dma_start3A_635 : memref<128xf32, #tpu.memory_space<vmem>>) target(%dma_start3A_640 : memref<1280000xf32, #tpu.memory_space<vmem_shared>>) offsets(%dma_start3A_638 : memref<128xi32, #tpu.memory_space<vmem>>) semaphore(%arg16 : memref<!tpu.dma_semaphore, #tpu.memory_space<semaphore_mem>>) {add = true}
      %mul3A_641 = arith.constant 13 : i32
      %mul3A_642 = arith.muli %add3A_588, %mul3A_641 : i32
      %add3A_643 = arith.constant 4 : i32
      %add3A_644 = arith.addi %mul3A_642, %add3A_643 : i32
      %dma_start3A_645 = arith.constant 0 : i32
      %dma_start3A_646 = arith.constant 0 : i32
      %dma_start3A_647 = tpu.memref_slice %arg10[%dma_start3A_645, %dma_start3A_646] : memref<2x128xf32, #tpu.memory_space<vmem>> -> memref<1x128xf32, #tpu.memory_space<vmem>>
      %dma_start3A_648 = tpu.memref_squeeze %dma_start3A_647 : memref<1x128xf32, #tpu.memory_space<vmem>> -> memref<128xf32, #tpu.memory_space<vmem>>
      %dma_start3A_649 = arith.constant 0 : i32
      %dma_start3A_650 = tpu.memref_slice %arg8[%add3A_644, %dma_start3A_649] : memref<79x128xi32, #tpu.memory_space<vmem>> -> memref<1x128xi32, #tpu.memory_space<vmem>>
      %dma_start3A_651 = tpu.memref_squeeze %dma_start3A_650 : memref<1x128xi32, #tpu.memory_space<vmem>> -> memref<128xi32, #tpu.memory_space<vmem>>
      %dma_start3A_652 = arith.constant 0 : i32
      %dma_start3A_653 = tpu.memref_slice %arg5[%dma_start3A_652] : memref<1280000xf32, #tpu.memory_space<vmem_shared>> -> memref<1280000xf32, #tpu.memory_space<vmem_shared>>
      tpu.enqueue_indirect_dma source(%dma_start3A_648 : memref<128xf32, #tpu.memory_space<vmem>>) target(%dma_start3A_653 : memref<1280000xf32, #tpu.memory_space<vmem_shared>>) offsets(%dma_start3A_651 : memref<128xi32, #tpu.memory_space<vmem>>) semaphore(%arg16 : memref<!tpu.dma_semaphore, #tpu.memory_space<semaphore_mem>>) {add = true}
      %mul3A_654 = arith.constant 13 : i32
      %mul3A_655 = arith.muli %add3A_588, %mul3A_654 : i32
      %add3A_656 = arith.constant 5 : i32
      %add3A_657 = arith.addi %mul3A_655, %add3A_656 : i32
      %dma_start3A_658 = arith.constant 0 : i32
      %dma_start3A_659 = arith.constant 0 : i32
      %dma_start3A_660 = tpu.memref_slice %arg10[%dma_start3A_658, %dma_start3A_659] : memref<2x128xf32, #tpu.memory_space<vmem>> -> memref<1x128xf32, #tpu.memory_space<vmem>>
      %dma_start3A_661 = tpu.memref_squeeze %dma_start3A_660 : memref<1x128xf32, #tpu.memory_space<vmem>> -> memref<128xf32, #tpu.memory_space<vmem>>
      %dma_start3A_662 = arith.constant 0 : i32
      %dma_start3A_663 = tpu.memref_slice %arg8[%add3A_657, %dma_start3A_662] : memref<79x128xi32, #tpu.memory_space<vmem>> -> memref<1x128xi32, #tpu.memory_space<vmem>>
      %dma_start3A_664 = tpu.memref_squeeze %dma_start3A_663 : memref<1x128xi32, #tpu.memory_space<vmem>> -> memref<128xi32, #tpu.memory_space<vmem>>
      %dma_start3A_665 = arith.constant 0 : i32
      %dma_start3A_666 = tpu.memref_slice %arg5[%dma_start3A_665] : memref<1280000xf32, #tpu.memory_space<vmem_shared>> -> memref<1280000xf32, #tpu.memory_space<vmem_shared>>
      tpu.enqueue_indirect_dma source(%dma_start3A_661 : memref<128xf32, #tpu.memory_space<vmem>>) target(%dma_start3A_666 : memref<1280000xf32, #tpu.memory_space<vmem_shared>>) offsets(%dma_start3A_664 : memref<128xi32, #tpu.memory_space<vmem>>) semaphore(%arg16 : memref<!tpu.dma_semaphore, #tpu.memory_space<semaphore_mem>>) {add = true}
      %mul3A_667 = arith.constant 13 : i32
      %mul3A_668 = arith.muli %add3A_588, %mul3A_667 : i32
      %add3A_669 = arith.constant 6 : i32
      %add3A_670 = arith.addi %mul3A_668, %add3A_669 : i32
      %dma_start3A_671 = arith.constant 0 : i32
      %dma_start3A_672 = arith.constant 0 : i32
      %dma_start3A_673 = tpu.memref_slice %arg10[%dma_start3A_671, %dma_start3A_672] : memref<2x128xf32, #tpu.memory_space<vmem>> -> memref<1x128xf32, #tpu.memory_space<vmem>>
      %dma_start3A_674 = tpu.memref_squeeze %dma_start3A_673 : memref<1x128xf32, #tpu.memory_space<vmem>> -> memref<128xf32, #tpu.memory_space<vmem>>
      %dma_start3A_675 = arith.constant 0 : i32
      %dma_start3A_676 = tpu.memref_slice %arg8[%add3A_670, %dma_start3A_675] : memref<79x128xi32, #tpu.memory_space<vmem>> -> memref<1x128xi32, #tpu.memory_space<vmem>>
      %dma_start3A_677 = tpu.memref_squeeze %dma_start3A_676 : memref<1x128xi32, #tpu.memory_space<vmem>> -> memref<128xi32, #tpu.memory_space<vmem>>
      %dma_start3A_678 = arith.constant 0 : i32
      %dma_start3A_679 = tpu.memref_slice %arg5[%dma_start3A_678] : memref<1280000xf32, #tpu.memory_space<vmem_shared>> -> memref<1280000xf32, #tpu.memory_space<vmem_shared>>
      tpu.enqueue_indirect_dma source(%dma_start3A_674 : memref<128xf32, #tpu.memory_space<vmem>>) target(%dma_start3A_679 : memref<1280000xf32, #tpu.memory_space<vmem_shared>>) offsets(%dma_start3A_677 : memref<128xi32, #tpu.memory_space<vmem>>) semaphore(%arg16 : memref<!tpu.dma_semaphore, #tpu.memory_space<semaphore_mem>>) {add = true}
      %mul3A_680 = arith.constant 13 : i32
      %mul3A_681 = arith.muli %add3A_588, %mul3A_680 : i32
      %add3A_682 = arith.constant 7 : i32
      %add3A_683 = arith.addi %mul3A_681, %add3A_682 : i32
      %dma_start3A_684 = arith.constant 0 : i32
      %dma_start3A_685 = arith.constant 0 : i32
      %dma_start3A_686 = tpu.memref_slice %arg10[%dma_start3A_684, %dma_start3A_685] : memref<2x128xf32, #tpu.memory_space<vmem>> -> memref<1x128xf32, #tpu.memory_space<vmem>>
      %dma_start3A_687 = tpu.memref_squeeze %dma_start3A_686 : memref<1x128xf32, #tpu.memory_space<vmem>> -> memref<128xf32, #tpu.memory_space<vmem>>
      %dma_start3A_688 = arith.constant 0 : i32
      %dma_start3A_689 = tpu.memref_slice %arg8[%add3A_683, %dma_start3A_688] : memref<79x128xi32, #tpu.memory_space<vmem>> -> memref<1x128xi32, #tpu.memory_space<vmem>>
      %dma_start3A_690 = tpu.memref_squeeze %dma_start3A_689 : memref<1x128xi32, #tpu.memory_space<vmem>> -> memref<128xi32, #tpu.memory_space<vmem>>
      %dma_start3A_691 = arith.constant 0 : i32
      %dma_start3A_692 = tpu.memref_slice %arg5[%dma_start3A_691] : memref<1280000xf32, #tpu.memory_space<vmem_shared>> -> memref<1280000xf32, #tpu.memory_space<vmem_shared>>
      tpu.enqueue_indirect_dma source(%dma_start3A_687 : memref<128xf32, #tpu.memory_space<vmem>>) target(%dma_start3A_692 : memref<1280000xf32, #tpu.memory_space<vmem_shared>>) offsets(%dma_start3A_690 : memref<128xi32, #tpu.memory_space<vmem>>) semaphore(%arg16 : memref<!tpu.dma_semaphore, #tpu.memory_space<semaphore_mem>>) {add = true}
      %mul3A_693 = arith.constant 13 : i32
      %mul3A_694 = arith.muli %add3A_588, %mul3A_693 : i32
      %add3A_695 = arith.constant 8 : i32
      %add3A_696 = arith.addi %mul3A_694, %add3A_695 : i32
      %dma_start3A_697 = arith.constant 0 : i32
      %dma_start3A_698 = arith.constant 0 : i32
      %dma_start3A_699 = tpu.memref_slice %arg10[%dma_start3A_697, %dma_start3A_698] : memref<2x128xf32, #tpu.memory_space<vmem>> -> memref<1x128xf32, #tpu.memory_space<vmem>>
      %dma_start3A_700 = tpu.memref_squeeze %dma_start3A_699 : memref<1x128xf32, #tpu.memory_space<vmem>> -> memref<128xf32, #tpu.memory_space<vmem>>
      %dma_start3A_701 = arith.constant 0 : i32
      %dma_start3A_702 = tpu.memref_slice %arg8[%add3A_696, %dma_start3A_701] : memref<79x128xi32, #tpu.memory_space<vmem>> -> memref<1x128xi32, #tpu.memory_space<vmem>>
      %dma_start3A_703 = tpu.memref_squeeze %dma_start3A_702 : memref<1x128xi32, #tpu.memory_space<vmem>> -> memref<128xi32, #tpu.memory_space<vmem>>
      %dma_start3A_704 = arith.constant 0 : i32
      %dma_start3A_705 = tpu.memref_slice %arg5[%dma_start3A_704] : memref<1280000xf32, #tpu.memory_space<vmem_shared>> -> memref<1280000xf32, #tpu.memory_space<vmem_shared>>
      tpu.enqueue_indirect_dma source(%dma_start3A_700 : memref<128xf32, #tpu.memory_space<vmem>>) target(%dma_start3A_705 : memref<1280000xf32, #tpu.memory_space<vmem_shared>>) offsets(%dma_start3A_703 : memref<128xi32, #tpu.memory_space<vmem>>) semaphore(%arg16 : memref<!tpu.dma_semaphore, #tpu.memory_space<semaphore_mem>>) {add = true}
      %mul3A_706 = arith.constant 13 : i32
      %mul3A_707 = arith.muli %add3A_588, %mul3A_706 : i32
      %add3A_708 = arith.constant 9 : i32
      %add3A_709 = arith.addi %mul3A_707, %add3A_708 : i32
      %dma_start3A_710 = arith.constant 0 : i32
      %dma_start3A_711 = arith.constant 0 : i32
      %dma_start3A_712 = tpu.memref_slice %arg10[%dma_start3A_710, %dma_start3A_711] : memref<2x128xf32, #tpu.memory_space<vmem>> -> memref<1x128xf32, #tpu.memory_space<vmem>>
      %dma_start3A_713 = tpu.memref_squeeze %dma_start3A_712 : memref<1x128xf32, #tpu.memory_space<vmem>> -> memref<128xf32, #tpu.memory_space<vmem>>
      %dma_start3A_714 = arith.constant 0 : i32
      %dma_start3A_715 = tpu.memref_slice %arg8[%add3A_709, %dma_start3A_714] : memref<79x128xi32, #tpu.memory_space<vmem>> -> memref<1x128xi32, #tpu.memory_space<vmem>>
      %dma_start3A_716 = tpu.memref_squeeze %dma_start3A_715 : memref<1x128xi32, #tpu.memory_space<vmem>> -> memref<128xi32, #tpu.memory_space<vmem>>
      %dma_start3A_717 = arith.constant 0 : i32
      %dma_start3A_718 = tpu.memref_slice %arg5[%dma_start3A_717] : memref<1280000xf32, #tpu.memory_space<vmem_shared>> -> memref<1280000xf32, #tpu.memory_space<vmem_shared>>
      tpu.enqueue_indirect_dma source(%dma_start3A_713 : memref<128xf32, #tpu.memory_space<vmem>>) target(%dma_start3A_718 : memref<1280000xf32, #tpu.memory_space<vmem_shared>>) offsets(%dma_start3A_716 : memref<128xi32, #tpu.memory_space<vmem>>) semaphore(%arg16 : memref<!tpu.dma_semaphore, #tpu.memory_space<semaphore_mem>>) {add = true}
      %mul3A_719 = arith.constant 13 : i32
      %mul3A_720 = arith.muli %add3A_588, %mul3A_719 : i32
      %add3A_721 = arith.constant 10 : i32
      %add3A_722 = arith.addi %mul3A_720, %add3A_721 : i32
      %dma_start3A_723 = arith.constant 0 : i32
      %dma_start3A_724 = arith.constant 0 : i32
      %dma_start3A_725 = tpu.memref_slice %arg10[%dma_start3A_723, %dma_start3A_724] : memref<2x128xf32, #tpu.memory_space<vmem>> -> memref<1x128xf32, #tpu.memory_space<vmem>>
      %dma_start3A_726 = tpu.memref_squeeze %dma_start3A_725 : memref<1x128xf32, #tpu.memory_space<vmem>> -> memref<128xf32, #tpu.memory_space<vmem>>
      %dma_start3A_727 = arith.constant 0 : i32
      %dma_start3A_728 = tpu.memref_slice %arg8[%add3A_722, %dma_start3A_727] : memref<79x128xi32, #tpu.memory_space<vmem>> -> memref<1x128xi32, #tpu.memory_space<vmem>>
      %dma_start3A_729 = tpu.memref_squeeze %dma_start3A_728 : memref<1x128xi32, #tpu.memory_space<vmem>> -> memref<128xi32, #tpu.memory_space<vmem>>
      %dma_start3A_730 = arith.constant 0 : i32
      %dma_start3A_731 = tpu.memref_slice %arg5[%dma_start3A_730] : memref<1280000xf32, #tpu.memory_space<vmem_shared>> -> memref<1280000xf32, #tpu.memory_space<vmem_shared>>
      tpu.enqueue_indirect_dma source(%dma_start3A_726 : memref<128xf32, #tpu.memory_space<vmem>>) target(%dma_start3A_731 : memref<1280000xf32, #tpu.memory_space<vmem_shared>>) offsets(%dma_start3A_729 : memref<128xi32, #tpu.memory_space<vmem>>) semaphore(%arg16 : memref<!tpu.dma_semaphore, #tpu.memory_space<semaphore_mem>>) {add = true}
      %mul3A_732 = arith.constant 13 : i32
      %mul3A_733 = arith.muli %add3A_588, %mul3A_732 : i32
      %add3A_734 = arith.constant 11 : i32
      %add3A_735 = arith.addi %mul3A_733, %add3A_734 : i32
      %dma_start3A_736 = arith.constant 0 : i32
      %dma_start3A_737 = arith.constant 0 : i32
      %dma_start3A_738 = tpu.memref_slice %arg10[%dma_start3A_736, %dma_start3A_737] : memref<2x128xf32, #tpu.memory_space<vmem>> -> memref<1x128xf32, #tpu.memory_space<vmem>>
      %dma_start3A_739 = tpu.memref_squeeze %dma_start3A_738 : memref<1x128xf32, #tpu.memory_space<vmem>> -> memref<128xf32, #tpu.memory_space<vmem>>
      %dma_start3A_740 = arith.constant 0 : i32
      %dma_start3A_741 = tpu.memref_slice %arg8[%add3A_735, %dma_start3A_740] : memref<79x128xi32, #tpu.memory_space<vmem>> -> memref<1x128xi32, #tpu.memory_space<vmem>>
      %dma_start3A_742 = tpu.memref_squeeze %dma_start3A_741 : memref<1x128xi32, #tpu.memory_space<vmem>> -> memref<128xi32, #tpu.memory_space<vmem>>
      %dma_start3A_743 = arith.constant 0 : i32
      %dma_start3A_744 = tpu.memref_slice %arg5[%dma_start3A_743] : memref<1280000xf32, #tpu.memory_space<vmem_shared>> -> memref<1280000xf32, #tpu.memory_space<vmem_shared>>
      tpu.enqueue_indirect_dma source(%dma_start3A_739 : memref<128xf32, #tpu.memory_space<vmem>>) target(%dma_start3A_744 : memref<1280000xf32, #tpu.memory_space<vmem_shared>>) offsets(%dma_start3A_742 : memref<128xi32, #tpu.memory_space<vmem>>) semaphore(%arg16 : memref<!tpu.dma_semaphore, #tpu.memory_space<semaphore_mem>>) {add = true}
      %mul3A_745 = arith.constant 13 : i32
      %mul3A_746 = arith.muli %add3A_588, %mul3A_745 : i32
      %add3A_747 = arith.constant 12 : i32
      %add3A_748 = arith.addi %mul3A_746, %add3A_747 : i32
      %dma_start3A_749 = arith.constant 0 : i32
      %dma_start3A_750 = arith.constant 0 : i32
      %dma_start3A_751 = tpu.memref_slice %arg10[%dma_start3A_749, %dma_start3A_750] : memref<2x128xf32, #tpu.memory_space<vmem>> -> memref<1x128xf32, #tpu.memory_space<vmem>>
      %dma_start3A_752 = tpu.memref_squeeze %dma_start3A_751 : memref<1x128xf32, #tpu.memory_space<vmem>> -> memref<128xf32, #tpu.memory_space<vmem>>
      %dma_start3A_753 = arith.constant 0 : i32
      %dma_start3A_754 = tpu.memref_slice %arg8[%add3A_748, %dma_start3A_753] : memref<79x128xi32, #tpu.memory_space<vmem>> -> memref<1x128xi32, #tpu.memory_space<vmem>>
      %dma_start3A_755 = tpu.memref_squeeze %dma_start3A_754 : memref<1x128xi32, #tpu.memory_space<vmem>> -> memref<128xi32, #tpu.memory_space<vmem>>
      %dma_start3A_756 = arith.constant 0 : i32
      %dma_start3A_757 = tpu.memref_slice %arg5[%dma_start3A_756] : memref<1280000xf32, #tpu.memory_space<vmem_shared>> -> memref<1280000xf32, #tpu.memory_space<vmem_shared>>
      tpu.enqueue_indirect_dma source(%dma_start3A_752 : memref<128xf32, #tpu.memory_space<vmem>>) target(%dma_start3A_757 : memref<1280000xf32, #tpu.memory_space<vmem_shared>>) offsets(%dma_start3A_755 : memref<128xi32, #tpu.memory_space<vmem>>) semaphore(%arg16 : memref<!tpu.dma_semaphore, #tpu.memory_space<semaphore_mem>>) {add = true}
      %dma_wait3A_758 = arith.constant 0 : i32
      %dma_wait3A_759 = arith.constant 0 : i32
      %dma_wait3A_760 = tpu.memref_slice %arg10[%dma_wait3A_758, %dma_wait3A_759] : memref<2x128xf32, #tpu.memory_space<vmem>> -> memref<1x128xf32, #tpu.memory_space<vmem>>
      %dma_wait3A_761 = tpu.memref_squeeze %dma_wait3A_760 : memref<1x128xf32, #tpu.memory_space<vmem>> -> memref<128xf32, #tpu.memory_space<vmem>>
      %dma_wait3A_762 = arith.constant 0 : i32
      %dma_wait3A_763 = tpu.memref_slice %arg8[%add3A_592, %dma_wait3A_762] : memref<79x128xi32, #tpu.memory_space<vmem>> -> memref<1x128xi32, #tpu.memory_space<vmem>>
      %dma_wait3A_764 = tpu.memref_squeeze %dma_wait3A_763 : memref<1x128xi32, #tpu.memory_space<vmem>> -> memref<128xi32, #tpu.memory_space<vmem>>
      %dma_wait3A_765 = arith.constant 0 : i32
      %dma_wait3A_766 = tpu.memref_slice %arg5[%dma_wait3A_765] : memref<1280000xf32, #tpu.memory_space<vmem_shared>> -> memref<1280000xf32, #tpu.memory_space<vmem_shared>>
      tpu.wait_indirect_dma semaphore(%arg16 : memref<!tpu.dma_semaphore, #tpu.memory_space<semaphore_mem>>) src(%dma_wait3A_761 : memref<128xf32, #tpu.memory_space<vmem>>) dst(%dma_wait3A_766 : memref<1280000xf32, #tpu.memory_space<vmem_shared>>)
      %dma_wait3A_767 = arith.constant 0 : i32
      %dma_wait3A_768 = arith.constant 0 : i32
      %dma_wait3A_769 = tpu.memref_slice %arg10[%dma_wait3A_767, %dma_wait3A_768] : memref<2x128xf32, #tpu.memory_space<vmem>> -> memref<1x128xf32, #tpu.memory_space<vmem>>
      %dma_wait3A_770 = tpu.memref_squeeze %dma_wait3A_769 : memref<1x128xf32, #tpu.memory_space<vmem>> -> memref<128xf32, #tpu.memory_space<vmem>>
      %dma_wait3A_771 = arith.constant 0 : i32
      %dma_wait3A_772 = tpu.memref_slice %arg8[%add3A_605, %dma_wait3A_771] : memref<79x128xi32, #tpu.memory_space<vmem>> -> memref<1x128xi32, #tpu.memory_space<vmem>>
      %dma_wait3A_773 = tpu.memref_squeeze %dma_wait3A_772 : memref<1x128xi32, #tpu.memory_space<vmem>> -> memref<128xi32, #tpu.memory_space<vmem>>
      %dma_wait3A_774 = arith.constant 0 : i32
      %dma_wait3A_775 = tpu.memref_slice %arg5[%dma_wait3A_774] : memref<1280000xf32, #tpu.memory_space<vmem_shared>> -> memref<1280000xf32, #tpu.memory_space<vmem_shared>>
      tpu.wait_indirect_dma semaphore(%arg16 : memref<!tpu.dma_semaphore, #tpu.memory_space<semaphore_mem>>) src(%dma_wait3A_770 : memref<128xf32, #tpu.memory_space<vmem>>) dst(%dma_wait3A_775 : memref<1280000xf32, #tpu.memory_space<vmem_shared>>)
      %dma_wait3A_776 = arith.constant 0 : i32
      %dma_wait3A_777 = arith.constant 0 : i32
      %dma_wait3A_778 = tpu.memref_slice %arg10[%dma_wait3A_776, %dma_wait3A_777] : memref<2x128xf32, #tpu.memory_space<vmem>> -> memref<1x128xf32, #tpu.memory_space<vmem>>
      %dma_wait3A_779 = tpu.memref_squeeze %dma_wait3A_778 : memref<1x128xf32, #tpu.memory_space<vmem>> -> memref<128xf32, #tpu.memory_space<vmem>>
      %dma_wait3A_780 = arith.constant 0 : i32
      %dma_wait3A_781 = tpu.memref_slice %arg8[%add3A_618, %dma_wait3A_780] : memref<79x128xi32, #tpu.memory_space<vmem>> -> memref<1x128xi32, #tpu.memory_space<vmem>>
      %dma_wait3A_782 = tpu.memref_squeeze %dma_wait3A_781 : memref<1x128xi32, #tpu.memory_space<vmem>> -> memref<128xi32, #tpu.memory_space<vmem>>
      %dma_wait3A_783 = arith.constant 0 : i32
      %dma_wait3A_784 = tpu.memref_slice %arg5[%dma_wait3A_783] : memref<1280000xf32, #tpu.memory_space<vmem_shared>> -> memref<1280000xf32, #tpu.memory_space<vmem_shared>>
      tpu.wait_indirect_dma semaphore(%arg16 : memref<!tpu.dma_semaphore, #tpu.memory_space<semaphore_mem>>) src(%dma_wait3A_779 : memref<128xf32, #tpu.memory_space<vmem>>) dst(%dma_wait3A_784 : memref<1280000xf32, #tpu.memory_space<vmem_shared>>)
      %dma_wait3A_785 = arith.constant 0 : i32
      %dma_wait3A_786 = arith.constant 0 : i32
      %dma_wait3A_787 = tpu.memref_slice %arg10[%dma_wait3A_785, %dma_wait3A_786] : memref<2x128xf32, #tpu.memory_space<vmem>> -> memref<1x128xf32, #tpu.memory_space<vmem>>
      %dma_wait3A_788 = tpu.memref_squeeze %dma_wait3A_787 : memref<1x128xf32, #tpu.memory_space<vmem>> -> memref<128xf32, #tpu.memory_space<vmem>>
      %dma_wait3A_789 = arith.constant 0 : i32
      %dma_wait3A_790 = tpu.memref_slice %arg8[%add3A_631, %dma_wait3A_789] : memref<79x128xi32, #tpu.memory_space<vmem>> -> memref<1x128xi32, #tpu.memory_space<vmem>>
      %dma_wait3A_791 = tpu.memref_squeeze %dma_wait3A_790 : memref<1x128xi32, #tpu.memory_space<vmem>> -> memref<128xi32, #tpu.memory_space<vmem>>
      %dma_wait3A_792 = arith.constant 0 : i32
      %dma_wait3A_793 = tpu.memref_slice %arg5[%dma_wait3A_792] : memref<1280000xf32, #tpu.memory_space<vmem_shared>> -> memref<1280000xf32, #tpu.memory_space<vmem_shared>>
      tpu.wait_indirect_dma semaphore(%arg16 : memref<!tpu.dma_semaphore, #tpu.memory_space<semaphore_mem>>) src(%dma_wait3A_788 : memref<128xf32, #tpu.memory_space<vmem>>) dst(%dma_wait3A_793 : memref<1280000xf32, #tpu.memory_space<vmem_shared>>)
      %dma_wait3A_794 = arith.constant 0 : i32
      %dma_wait3A_795 = arith.constant 0 : i32
      %dma_wait3A_796 = tpu.memref_slice %arg10[%dma_wait3A_794, %dma_wait3A_795] : memref<2x128xf32, #tpu.memory_space<vmem>> -> memref<1x128xf32, #tpu.memory_space<vmem>>
      %dma_wait3A_797 = tpu.memref_squeeze %dma_wait3A_796 : memref<1x128xf32, #tpu.memory_space<vmem>> -> memref<128xf32, #tpu.memory_space<vmem>>
      %dma_wait3A_798 = arith.constant 0 : i32
      %dma_wait3A_799 = tpu.memref_slice %arg8[%add3A_644, %dma_wait3A_798] : memref<79x128xi32, #tpu.memory_space<vmem>> -> memref<1x128xi32, #tpu.memory_space<vmem>>
      %dma_wait3A_800 = tpu.memref_squeeze %dma_wait3A_799 : memref<1x128xi32, #tpu.memory_space<vmem>> -> memref<128xi32, #tpu.memory_space<vmem>>
      %dma_wait3A_801 = arith.constant 0 : i32
      %dma_wait3A_802 = tpu.memref_slice %arg5[%dma_wait3A_801] : memref<1280000xf32, #tpu.memory_space<vmem_shared>> -> memref<1280000xf32, #tpu.memory_space<vmem_shared>>
      tpu.wait_indirect_dma semaphore(%arg16 : memref<!tpu.dma_semaphore, #tpu.memory_space<semaphore_mem>>) src(%dma_wait3A_797 : memref<128xf32, #tpu.memory_space<vmem>>) dst(%dma_wait3A_802 : memref<1280000xf32, #tpu.memory_space<vmem_shared>>)
      %dma_wait3A_803 = arith.constant 0 : i32
      %dma_wait3A_804 = arith.constant 0 : i32
      %dma_wait3A_805 = tpu.memref_slice %arg10[%dma_wait3A_803, %dma_wait3A_804] : memref<2x128xf32, #tpu.memory_space<vmem>> -> memref<1x128xf32, #tpu.memory_space<vmem>>
      %dma_wait3A_806 = tpu.memref_squeeze %dma_wait3A_805 : memref<1x128xf32, #tpu.memory_space<vmem>> -> memref<128xf32, #tpu.memory_space<vmem>>
      %dma_wait3A_807 = arith.constant 0 : i32
      %dma_wait3A_808 = tpu.memref_slice %arg8[%add3A_657, %dma_wait3A_807] : memref<79x128xi32, #tpu.memory_space<vmem>> -> memref<1x128xi32, #tpu.memory_space<vmem>>
      %dma_wait3A_809 = tpu.memref_squeeze %dma_wait3A_808 : memref<1x128xi32, #tpu.memory_space<vmem>> -> memref<128xi32, #tpu.memory_space<vmem>>
      %dma_wait3A_810 = arith.constant 0 : i32
      %dma_wait3A_811 = tpu.memref_slice %arg5[%dma_wait3A_810] : memref<1280000xf32, #tpu.memory_space<vmem_shared>> -> memref<1280000xf32, #tpu.memory_space<vmem_shared>>
      tpu.wait_indirect_dma semaphore(%arg16 : memref<!tpu.dma_semaphore, #tpu.memory_space<semaphore_mem>>) src(%dma_wait3A_806 : memref<128xf32, #tpu.memory_space<vmem>>) dst(%dma_wait3A_811 : memref<1280000xf32, #tpu.memory_space<vmem_shared>>)
      %dma_wait3A_812 = arith.constant 0 : i32
      %dma_wait3A_813 = arith.constant 0 : i32
      %dma_wait3A_814 = tpu.memref_slice %arg10[%dma_wait3A_812, %dma_wait3A_813] : memref<2x128xf32, #tpu.memory_space<vmem>> -> memref<1x128xf32, #tpu.memory_space<vmem>>
      %dma_wait3A_815 = tpu.memref_squeeze %dma_wait3A_814 : memref<1x128xf32, #tpu.memory_space<vmem>> -> memref<128xf32, #tpu.memory_space<vmem>>
      %dma_wait3A_816 = arith.constant 0 : i32
      %dma_wait3A_817 = tpu.memref_slice %arg8[%add3A_670, %dma_wait3A_816] : memref<79x128xi32, #tpu.memory_space<vmem>> -> memref<1x128xi32, #tpu.memory_space<vmem>>
      %dma_wait3A_818 = tpu.memref_squeeze %dma_wait3A_817 : memref<1x128xi32, #tpu.memory_space<vmem>> -> memref<128xi32, #tpu.memory_space<vmem>>
      %dma_wait3A_819 = arith.constant 0 : i32
      %dma_wait3A_820 = tpu.memref_slice %arg5[%dma_wait3A_819] : memref<1280000xf32, #tpu.memory_space<vmem_shared>> -> memref<1280000xf32, #tpu.memory_space<vmem_shared>>
      tpu.wait_indirect_dma semaphore(%arg16 : memref<!tpu.dma_semaphore, #tpu.memory_space<semaphore_mem>>) src(%dma_wait3A_815 : memref<128xf32, #tpu.memory_space<vmem>>) dst(%dma_wait3A_820 : memref<1280000xf32, #tpu.memory_space<vmem_shared>>)
      %dma_wait3A_821 = arith.constant 0 : i32
      %dma_wait3A_822 = arith.constant 0 : i32
      %dma_wait3A_823 = tpu.memref_slice %arg10[%dma_wait3A_821, %dma_wait3A_822] : memref<2x128xf32, #tpu.memory_space<vmem>> -> memref<1x128xf32, #tpu.memory_space<vmem>>
      %dma_wait3A_824 = tpu.memref_squeeze %dma_wait3A_823 : memref<1x128xf32, #tpu.memory_space<vmem>> -> memref<128xf32, #tpu.memory_space<vmem>>
      %dma_wait3A_825 = arith.constant 0 : i32
      %dma_wait3A_826 = tpu.memref_slice %arg8[%add3A_683, %dma_wait3A_825] : memref<79x128xi32, #tpu.memory_space<vmem>> -> memref<1x128xi32, #tpu.memory_space<vmem>>
      %dma_wait3A_827 = tpu.memref_squeeze %dma_wait3A_826 : memref<1x128xi32, #tpu.memory_space<vmem>> -> memref<128xi32, #tpu.memory_space<vmem>>
      %dma_wait3A_828 = arith.constant 0 : i32
      %dma_wait3A_829 = tpu.memref_slice %arg5[%dma_wait3A_828] : memref<1280000xf32, #tpu.memory_space<vmem_shared>> -> memref<1280000xf32, #tpu.memory_space<vmem_shared>>
      tpu.wait_indirect_dma semaphore(%arg16 : memref<!tpu.dma_semaphore, #tpu.memory_space<semaphore_mem>>) src(%dma_wait3A_824 : memref<128xf32, #tpu.memory_space<vmem>>) dst(%dma_wait3A_829 : memref<1280000xf32, #tpu.memory_space<vmem_shared>>)
      %dma_wait3A_830 = arith.constant 0 : i32
      %dma_wait3A_831 = arith.constant 0 : i32
      %dma_wait3A_832 = tpu.memref_slice %arg10[%dma_wait3A_830, %dma_wait3A_831] : memref<2x128xf32, #tpu.memory_space<vmem>> -> memref<1x128xf32, #tpu.memory_space<vmem>>
      %dma_wait3A_833 = tpu.memref_squeeze %dma_wait3A_832 : memref<1x128xf32, #tpu.memory_space<vmem>> -> memref<128xf32, #tpu.memory_space<vmem>>
      %dma_wait3A_834 = arith.constant 0 : i32
      %dma_wait3A_835 = tpu.memref_slice %arg8[%add3A_696, %dma_wait3A_834] : memref<79x128xi32, #tpu.memory_space<vmem>> -> memref<1x128xi32, #tpu.memory_space<vmem>>
      %dma_wait3A_836 = tpu.memref_squeeze %dma_wait3A_835 : memref<1x128xi32, #tpu.memory_space<vmem>> -> memref<128xi32, #tpu.memory_space<vmem>>
      %dma_wait3A_837 = arith.constant 0 : i32
      %dma_wait3A_838 = tpu.memref_slice %arg5[%dma_wait3A_837] : memref<1280000xf32, #tpu.memory_space<vmem_shared>> -> memref<1280000xf32, #tpu.memory_space<vmem_shared>>
      tpu.wait_indirect_dma semaphore(%arg16 : memref<!tpu.dma_semaphore, #tpu.memory_space<semaphore_mem>>) src(%dma_wait3A_833 : memref<128xf32, #tpu.memory_space<vmem>>) dst(%dma_wait3A_838 : memref<1280000xf32, #tpu.memory_space<vmem_shared>>)
      %dma_wait3A_839 = arith.constant 0 : i32
      %dma_wait3A_840 = arith.constant 0 : i32
      %dma_wait3A_841 = tpu.memref_slice %arg10[%dma_wait3A_839, %dma_wait3A_840] : memref<2x128xf32, #tpu.memory_space<vmem>> -> memref<1x128xf32, #tpu.memory_space<vmem>>
      %dma_wait3A_842 = tpu.memref_squeeze %dma_wait3A_841 : memref<1x128xf32, #tpu.memory_space<vmem>> -> memref<128xf32, #tpu.memory_space<vmem>>
      %dma_wait3A_843 = arith.constant 0 : i32
      %dma_wait3A_844 = tpu.memref_slice %arg8[%add3A_709, %dma_wait3A_843] : memref<79x128xi32, #tpu.memory_space<vmem>> -> memref<1x128xi32, #tpu.memory_space<vmem>>
      %dma_wait3A_845 = tpu.memref_squeeze %dma_wait3A_844 : memref<1x128xi32, #tpu.memory_space<vmem>> -> memref<128xi32, #tpu.memory_space<vmem>>
      %dma_wait3A_846 = arith.constant 0 : i32
      %dma_wait3A_847 = tpu.memref_slice %arg5[%dma_wait3A_846] : memref<1280000xf32, #tpu.memory_space<vmem_shared>> -> memref<1280000xf32, #tpu.memory_space<vmem_shared>>
      tpu.wait_indirect_dma semaphore(%arg16 : memref<!tpu.dma_semaphore, #tpu.memory_space<semaphore_mem>>) src(%dma_wait3A_842 : memref<128xf32, #tpu.memory_space<vmem>>) dst(%dma_wait3A_847 : memref<1280000xf32, #tpu.memory_space<vmem_shared>>)
      %dma_wait3A_848 = arith.constant 0 : i32
      %dma_wait3A_849 = arith.constant 0 : i32
      %dma_wait3A_850 = tpu.memref_slice %arg10[%dma_wait3A_848, %dma_wait3A_849] : memref<2x128xf32, #tpu.memory_space<vmem>> -> memref<1x128xf32, #tpu.memory_space<vmem>>
      %dma_wait3A_851 = tpu.memref_squeeze %dma_wait3A_850 : memref<1x128xf32, #tpu.memory_space<vmem>> -> memref<128xf32, #tpu.memory_space<vmem>>
      %dma_wait3A_852 = arith.constant 0 : i32
      %dma_wait3A_853 = tpu.memref_slice %arg8[%add3A_722, %dma_wait3A_852] : memref<79x128xi32, #tpu.memory_space<vmem>> -> memref<1x128xi32, #tpu.memory_space<vmem>>
      %dma_wait3A_854 = tpu.memref_squeeze %dma_wait3A_853 : memref<1x128xi32, #tpu.memory_space<vmem>> -> memref<128xi32, #tpu.memory_space<vmem>>
      %dma_wait3A_855 = arith.constant 0 : i32
      %dma_wait3A_856 = tpu.memref_slice %arg5[%dma_wait3A_855] : memref<1280000xf32, #tpu.memory_space<vmem_shared>> -> memref<1280000xf32, #tpu.memory_space<vmem_shared>>
      tpu.wait_indirect_dma semaphore(%arg16 : memref<!tpu.dma_semaphore, #tpu.memory_space<semaphore_mem>>) src(%dma_wait3A_851 : memref<128xf32, #tpu.memory_space<vmem>>) dst(%dma_wait3A_856 : memref<1280000xf32, #tpu.memory_space<vmem_shared>>)
      %dma_wait3A_857 = arith.constant 0 : i32
      %dma_wait3A_858 = arith.constant 0 : i32
      %dma_wait3A_859 = tpu.memref_slice %arg10[%dma_wait3A_857, %dma_wait3A_858] : memref<2x128xf32, #tpu.memory_space<vmem>> -> memref<1x128xf32, #tpu.memory_space<vmem>>
      %dma_wait3A_860 = tpu.memref_squeeze %dma_wait3A_859 : memref<1x128xf32, #tpu.memory_space<vmem>> -> memref<128xf32, #tpu.memory_space<vmem>>
      %dma_wait3A_861 = arith.constant 0 : i32
      %dma_wait3A_862 = tpu.memref_slice %arg8[%add3A_735, %dma_wait3A_861] : memref<79x128xi32, #tpu.memory_space<vmem>> -> memref<1x128xi32, #tpu.memory_space<vmem>>
      %dma_wait3A_863 = tpu.memref_squeeze %dma_wait3A_862 : memref<1x128xi32, #tpu.memory_space<vmem>> -> memref<128xi32, #tpu.memory_space<vmem>>
      %dma_wait3A_864 = arith.constant 0 : i32
      %dma_wait3A_865 = tpu.memref_slice %arg5[%dma_wait3A_864] : memref<1280000xf32, #tpu.memory_space<vmem_shared>> -> memref<1280000xf32, #tpu.memory_space<vmem_shared>>
      tpu.wait_indirect_dma semaphore(%arg16 : memref<!tpu.dma_semaphore, #tpu.memory_space<semaphore_mem>>) src(%dma_wait3A_860 : memref<128xf32, #tpu.memory_space<vmem>>) dst(%dma_wait3A_865 : memref<1280000xf32, #tpu.memory_space<vmem_shared>>)
      %dma_wait3A_866 = arith.constant 0 : i32
      %dma_wait3A_867 = arith.constant 0 : i32
      %dma_wait3A_868 = tpu.memref_slice %arg10[%dma_wait3A_866, %dma_wait3A_867] : memref<2x128xf32, #tpu.memory_space<vmem>> -> memref<1x128xf32, #tpu.memory_space<vmem>>
      %dma_wait3A_869 = tpu.memref_squeeze %dma_wait3A_868 : memref<1x128xf32, #tpu.memory_space<vmem>> -> memref<128xf32, #tpu.memory_space<vmem>>
      %dma_wait3A_870 = arith.constant 0 : i32
      %dma_wait3A_871 = tpu.memref_slice %arg8[%add3A_748, %dma_wait3A_870] : memref<79x128xi32, #tpu.memory_space<vmem>> -> memref<1x128xi32, #tpu.memory_space<vmem>>
      %dma_wait3A_872 = tpu.memref_squeeze %dma_wait3A_871 : memref<1x128xi32, #tpu.memory_space<vmem>> -> memref<128xi32, #tpu.memory_space<vmem>>
      %dma_wait3A_873 = arith.constant 0 : i32
      %dma_wait3A_874 = tpu.memref_slice %arg5[%dma_wait3A_873] : memref<1280000xf32, #tpu.memory_space<vmem_shared>> -> memref<1280000xf32, #tpu.memory_space<vmem_shared>>
      tpu.wait_indirect_dma semaphore(%arg16 : memref<!tpu.dma_semaphore, #tpu.memory_space<semaphore_mem>>) src(%dma_wait3A_869 : memref<128xf32, #tpu.memory_space<vmem>>) dst(%dma_wait3A_874 : memref<1280000xf32, #tpu.memory_space<vmem_shared>>)
    }
    %scan3A_280 = arith.constant 6 : i32
    %run_scoped3A_281 = arith.constant 1 : i32
    %run_scoped3A_282 = arith.constant 78 : i32
    "tpu.region"() ({
      %run_scoped3A_584 = tpu.sem_alloc : memref<!tpu.dma_semaphore, #tpu.memory_space<semaphore_mem>>
      %dma_start3A_585 = arith.constant 0 : i32
      %dma_start3A_586 = tpu.memref_slice %arg10[%run_scoped3A_281, %dma_start3A_585] : memref<2x128xf32, #tpu.memory_space<vmem>> -> memref<1x128xf32, #tpu.memory_space<vmem>>
      %dma_start3A_587 = tpu.memref_squeeze %dma_start3A_586 : memref<1x128xf32, #tpu.memory_space<vmem>> -> memref<128xf32, #tpu.memory_space<vmem>>
      %dma_start3A_588 = arith.constant 0 : i32
      %dma_start3A_589 = tpu.memref_slice %arg8[%run_scoped3A_282, %dma_start3A_588] : memref<79x128xi32, #tpu.memory_space<vmem>> -> memref<1x128xi32, #tpu.memory_space<vmem>>
      %dma_start3A_590 = tpu.memref_squeeze %dma_start3A_589 : memref<1x128xi32, #tpu.memory_space<vmem>> -> memref<128xi32, #tpu.memory_space<vmem>>
      %dma_start3A_591 = arith.constant 0 : i32
      %dma_start3A_592 = tpu.memref_slice %arg5[%dma_start3A_591] : memref<1280000xf32, #tpu.memory_space<vmem_shared>> -> memref<1280000xf32, #tpu.memory_space<vmem_shared>>
      tpu.enqueue_indirect_dma source(%dma_start3A_587 : memref<128xf32, #tpu.memory_space<vmem>>) target(%dma_start3A_592 : memref<1280000xf32, #tpu.memory_space<vmem_shared>>) offsets(%dma_start3A_590 : memref<128xi32, #tpu.memory_space<vmem>>) semaphore(%run_scoped3A_584 : memref<!tpu.dma_semaphore, #tpu.memory_space<semaphore_mem>>) {add = true}
      %dma_wait3A_593 = arith.constant 0 : i32
      %dma_wait3A_594 = tpu.memref_slice %arg10[%run_scoped3A_281, %dma_wait3A_593] : memref<2x128xf32, #tpu.memory_space<vmem>> -> memref<1x128xf32, #tpu.memory_space<vmem>>
      %dma_wait3A_595 = tpu.memref_squeeze %dma_wait3A_594 : memref<1x128xf32, #tpu.memory_space<vmem>> -> memref<128xf32, #tpu.memory_space<vmem>>
      %dma_wait3A_596 = arith.constant 0 : i32
      %dma_wait3A_597 = tpu.memref_slice %arg8[%run_scoped3A_282, %dma_wait3A_596] : memref<79x128xi32, #tpu.memory_space<vmem>> -> memref<1x128xi32, #tpu.memory_space<vmem>>
      %dma_wait3A_598 = tpu.memref_squeeze %dma_wait3A_597 : memref<1x128xi32, #tpu.memory_space<vmem>> -> memref<128xi32, #tpu.memory_space<vmem>>
      %dma_wait3A_599 = arith.constant 0 : i32
      %dma_wait3A_600 = tpu.memref_slice %arg5[%dma_wait3A_599] : memref<1280000xf32, #tpu.memory_space<vmem_shared>> -> memref<1280000xf32, #tpu.memory_space<vmem_shared>>
      tpu.wait_indirect_dma semaphore(%run_scoped3A_584 : memref<!tpu.dma_semaphore, #tpu.memory_space<semaphore_mem>>) src(%dma_wait3A_595 : memref<128xf32, #tpu.memory_space<vmem>>) dst(%dma_wait3A_600 : memref<1280000xf32, #tpu.memory_space<vmem_shared>>)
      tpu.yield
    }) : () -> ()
    %barrier3A_283 = arith.constant 0 : index
    tpu.barrier barrier_id(%barrier3A_283)
    %mul3A_284 = arith.constant 80000 : i32
    %mul3A_285 = arith.muli %arg1, %mul3A_284 : i32
    %add3A_286 = arith.constant 0 : i32
    %add3A_287 = arith.addi %mul3A_285, %add3A_286 : i32
    %dma_start3A_288 = tpu.memref_slice %arg5[%add3A_287] : memref<1280000xf32, #tpu.memory_space<vmem_shared>> -> memref<4000xf32, #tpu.memory_space<vmem_shared>>
    %dma_start3A_289 = tpu.memref_slice %arg5[%add3A_287] : memref<1280000xf32, #tpu.memory_space<vmem_shared>> -> memref<4000xf32, #tpu.memory_space<vmem_shared>>
    tpu.enqueue_dma source(%dma_start3A_289 : memref<4000xf32, #tpu.memory_space<vmem_shared>>) target(%arg14 : memref<4000xf32, #tpu.memory_space<vmem>>) target_semaphore(%arg16 : memref<!tpu.dma_semaphore, #tpu.memory_space<semaphore_mem>>)
    %dma_wait3A_290 = tpu.memref_slice %arg5[%add3A_287] : memref<1280000xf32, #tpu.memory_space<vmem_shared>> -> memref<4000xf32, #tpu.memory_space<vmem_shared>>
    %dma_wait3A_291 = tpu.memref_slice %arg5[%add3A_287] : memref<1280000xf32, #tpu.memory_space<vmem_shared>> -> memref<4000xf32, #tpu.memory_space<vmem_shared>>
    tpu.wait_dma2 semaphore(%arg16 : memref<!tpu.dma_semaphore, #tpu.memory_space<semaphore_mem>>) src(%dma_wait3A_291 : memref<4000xf32, #tpu.memory_space<vmem_shared>>) dst(%arg14 : memref<4000xf32, #tpu.memory_space<vmem>>)
    %mul3A_292 = arith.constant 1280000 : i32
    %mul3A_293 = arith.muli %arg0, %mul3A_292 : i32
    %add3A_294 = arith.addi %mul3A_293, %add3A_287 : i32
    %dma_start3A_295 = tpu.memref_slice %arg4[%add3A_294] : memref<2560000xf32, #tpu.memory_space<hbm>> -> memref<4000xf32, #tpu.memory_space<hbm>>
    %dma_start3A_296 = tpu.memref_slice %arg4[%add3A_294] : memref<2560000xf32, #tpu.memory_space<hbm>> -> memref<4000xf32, #tpu.memory_space<hbm>>
    tpu.enqueue_dma source(%arg14 : memref<4000xf32, #tpu.memory_space<vmem>>) target(%dma_start3A_296 : memref<4000xf32, #tpu.memory_space<hbm>>) target_semaphore(%arg17 : memref<!tpu.dma_semaphore, #tpu.memory_space<semaphore_mem>>)
    %mul3A_297 = arith.constant 80000 : i32
    %mul3A_298 = arith.muli %arg1, %mul3A_297 : i32
    %add3A_299 = arith.constant 4000 : i32
    %add3A_300 = arith.addi %mul3A_298, %add3A_299 : i32
    %dma_start3A_301 = tpu.memref_slice %arg5[%add3A_300] : memref<1280000xf32, #tpu.memory_space<vmem_shared>> -> memref<4000xf32, #tpu.memory_space<vmem_shared>>
    %dma_start3A_302 = tpu.memref_slice %arg5[%add3A_300] : memref<1280000xf32, #tpu.memory_space<vmem_shared>> -> memref<4000xf32, #tpu.memory_space<vmem_shared>>
    tpu.enqueue_dma source(%dma_start3A_302 : memref<4000xf32, #tpu.memory_space<vmem_shared>>) target(%arg15 : memref<4000xf32, #tpu.memory_space<vmem>>) target_semaphore(%arg16 : memref<!tpu.dma_semaphore, #tpu.memory_space<semaphore_mem>>)
    %dma_wait3A_303 = tpu.memref_slice %arg5[%add3A_300] : memref<1280000xf32, #tpu.memory_space<vmem_shared>> -> memref<4000xf32, #tpu.memory_space<vmem_shared>>
    %dma_wait3A_304 = tpu.memref_slice %arg5[%add3A_300] : memref<1280000xf32, #tpu.memory_space<vmem_shared>> -> memref<4000xf32, #tpu.memory_space<vmem_shared>>
    tpu.wait_dma2 semaphore(%arg16 : memref<!tpu.dma_semaphore, #tpu.memory_space<semaphore_mem>>) src(%dma_wait3A_304 : memref<4000xf32, #tpu.memory_space<vmem_shared>>) dst(%arg15 : memref<4000xf32, #tpu.memory_space<vmem>>)
    %mul3A_305 = arith.constant 1280000 : i32
    %mul3A_306 = arith.muli %arg0, %mul3A_305 : i32
    %add3A_307 = arith.addi %mul3A_306, %add3A_300 : i32
    %dma_start3A_308 = tpu.memref_slice %arg4[%add3A_307] : memref<2560000xf32, #tpu.memory_space<hbm>> -> memref<4000xf32, #tpu.memory_space<hbm>>
    %dma_start3A_309 = tpu.memref_slice %arg4[%add3A_307] : memref<2560000xf32, #tpu.memory_space<hbm>> -> memref<4000xf32, #tpu.memory_space<hbm>>
    tpu.enqueue_dma source(%arg15 : memref<4000xf32, #tpu.memory_space<vmem>>) target(%dma_start3A_309 : memref<4000xf32, #tpu.memory_space<hbm>>) target_semaphore(%arg18 : memref<!tpu.dma_semaphore, #tpu.memory_space<semaphore_mem>>)
    %dma_wait3A_310 = tpu.memref_slice %arg4[%add3A_294] : memref<2560000xf32, #tpu.memory_space<hbm>> -> memref<4000xf32, #tpu.memory_space<hbm>>
    %dma_wait3A_311 = tpu.memref_slice %arg4[%add3A_294] : memref<2560000xf32, #tpu.memory_space<hbm>> -> memref<4000xf32, #tpu.memory_space<hbm>>
    tpu.wait_dma2 semaphore(%arg17 : memref<!tpu.dma_semaphore, #tpu.memory_space<semaphore_mem>>) src(%arg14 : memref<4000xf32, #tpu.memory_space<vmem>>) dst(%dma_wait3A_311 : memref<4000xf32, #tpu.memory_space<hbm>>)
    %mul3A_312 = arith.constant 80000 : i32
    %mul3A_313 = arith.muli %arg1, %mul3A_312 : i32
    %add3A_314 = arith.constant 8000 : i32
    %add3A_315 = arith.addi %mul3A_313, %add3A_314 : i32
    %dma_start3A_316 = tpu.memref_slice %arg5[%add3A_315] : memref<1280000xf32, #tpu.memory_space<vmem_shared>> -> memref<4000xf32, #tpu.memory_space<vmem_shared>>
    %dma_start3A_317 = tpu.memref_slice %arg5[%add3A_315] : memref<1280000xf32, #tpu.memory_space<vmem_shared>> -> memref<4000xf32, #tpu.memory_space<vmem_shared>>
    tpu.enqueue_dma source(%dma_start3A_317 : memref<4000xf32, #tpu.memory_space<vmem_shared>>) target(%arg14 : memref<4000xf32, #tpu.memory_space<vmem>>) target_semaphore(%arg16 : memref<!tpu.dma_semaphore, #tpu.memory_space<semaphore_mem>>)
    %dma_wait3A_318 = tpu.memref_slice %arg5[%add3A_315] : memref<1280000xf32, #tpu.memory_space<vmem_shared>> -> memref<4000xf32, #tpu.memory_space<vmem_shared>>
    %dma_wait3A_319 = tpu.memref_slice %arg5[%add3A_315] : memref<1280000xf32, #tpu.memory_space<vmem_shared>> -> memref<4000xf32, #tpu.memory_space<vmem_shared>>
    tpu.wait_dma2 semaphore(%arg16 : memref<!tpu.dma_semaphore, #tpu.memory_space<semaphore_mem>>) src(%dma_wait3A_319 : memref<4000xf32, #tpu.memory_space<vmem_shared>>) dst(%arg14 : memref<4000xf32, #tpu.memory_space<vmem>>)
    %mul3A_320 = arith.constant 1280000 : i32
    %mul3A_321 = arith.muli %arg0, %mul3A_320 : i32
    %add3A_322 = arith.addi %mul3A_321, %add3A_315 : i32
    %dma_start3A_323 = tpu.memref_slice %arg4[%add3A_322] : memref<2560000xf32, #tpu.memory_space<hbm>> -> memref<4000xf32, #tpu.memory_space<hbm>>
    %dma_start3A_324 = tpu.memref_slice %arg4[%add3A_322] : memref<2560000xf32, #tpu.memory_space<hbm>> -> memref<4000xf32, #tpu.memory_space<hbm>>
    tpu.enqueue_dma source(%arg14 : memref<4000xf32, #tpu.memory_space<vmem>>) target(%dma_start3A_324 : memref<4000xf32, #tpu.memory_space<hbm>>) target_semaphore(%arg17 : memref<!tpu.dma_semaphore, #tpu.memory_space<semaphore_mem>>)
    %dma_wait3A_325 = tpu.memref_slice %arg4[%add3A_307] : memref<2560000xf32, #tpu.memory_space<hbm>> -> memref<4000xf32, #tpu.memory_space<hbm>>
    %dma_wait3A_326 = tpu.memref_slice %arg4[%add3A_307] : memref<2560000xf32, #tpu.memory_space<hbm>> -> memref<4000xf32, #tpu.memory_space<hbm>>
    tpu.wait_dma2 semaphore(%arg18 : memref<!tpu.dma_semaphore, #tpu.memory_space<semaphore_mem>>) src(%arg15 : memref<4000xf32, #tpu.memory_space<vmem>>) dst(%dma_wait3A_326 : memref<4000xf32, #tpu.memory_space<hbm>>)
    %mul3A_327 = arith.constant 80000 : i32
    %mul3A_328 = arith.muli %arg1, %mul3A_327 : i32
    %add3A_329 = arith.constant 12000 : i32
    %add3A_330 = arith.addi %mul3A_328, %add3A_329 : i32
    %dma_start3A_331 = tpu.memref_slice %arg5[%add3A_330] : memref<1280000xf32, #tpu.memory_space<vmem_shared>> -> memref<4000xf32, #tpu.memory_space<vmem_shared>>
    %dma_start3A_332 = tpu.memref_slice %arg5[%add3A_330] : memref<1280000xf32, #tpu.memory_space<vmem_shared>> -> memref<4000xf32, #tpu.memory_space<vmem_shared>>
    tpu.enqueue_dma source(%dma_start3A_332 : memref<4000xf32, #tpu.memory_space<vmem_shared>>) target(%arg15 : memref<4000xf32, #tpu.memory_space<vmem>>) target_semaphore(%arg16 : memref<!tpu.dma_semaphore, #tpu.memory_space<semaphore_mem>>)
    %dma_wait3A_333 = tpu.memref_slice %arg5[%add3A_330] : memref<1280000xf32, #tpu.memory_space<vmem_shared>> -> memref<4000xf32, #tpu.memory_space<vmem_shared>>
    %dma_wait3A_334 = tpu.memref_slice %arg5[%add3A_330] : memref<1280000xf32, #tpu.memory_space<vmem_shared>> -> memref<4000xf32, #tpu.memory_space<vmem_shared>>
    tpu.wait_dma2 semaphore(%arg16 : memref<!tpu.dma_semaphore, #tpu.memory_space<semaphore_mem>>) src(%dma_wait3A_334 : memref<4000xf32, #tpu.memory_space<vmem_shared>>) dst(%arg15 : memref<4000xf32, #tpu.memory_space<vmem>>)
    %mul3A_335 = arith.constant 1280000 : i32
    %mul3A_336 = arith.muli %arg0, %mul3A_335 : i32
    %add3A_337 = arith.addi %mul3A_336, %add3A_330 : i32
    %dma_start3A_338 = tpu.memref_slice %arg4[%add3A_337] : memref<2560000xf32, #tpu.memory_space<hbm>> -> memref<4000xf32, #tpu.memory_space<hbm>>
    %dma_start3A_339 = tpu.memref_slice %arg4[%add3A_337] : memref<2560000xf32, #tpu.memory_space<hbm>> -> memref<4000xf32, #tpu.memory_space<hbm>>
    tpu.enqueue_dma source(%arg15 : memref<4000xf32, #tpu.memory_space<vmem>>) target(%dma_start3A_339 : memref<4000xf32, #tpu.memory_space<hbm>>) target_semaphore(%arg18 : memref<!tpu.dma_semaphore, #tpu.memory_space<semaphore_mem>>)
    %dma_wait3A_340 = tpu.memref_slice %arg4[%add3A_322] : memref<2560000xf32, #tpu.memory_space<hbm>> -> memref<4000xf32, #tpu.memory_space<hbm>>
    %dma_wait3A_341 = tpu.memref_slice %arg4[%add3A_322] : memref<2560000xf32, #tpu.memory_space<hbm>> -> memref<4000xf32, #tpu.memory_space<hbm>>
    tpu.wait_dma2 semaphore(%arg17 : memref<!tpu.dma_semaphore, #tpu.memory_space<semaphore_mem>>) src(%arg14 : memref<4000xf32, #tpu.memory_space<vmem>>) dst(%dma_wait3A_341 : memref<4000xf32, #tpu.memory_space<hbm>>)
    %mul3A_342 = arith.constant 80000 : i32
    %mul3A_343 = arith.muli %arg1, %mul3A_342 : i32
    %add3A_344 = arith.constant 16000 : i32
    %add3A_345 = arith.addi %mul3A_343, %add3A_344 : i32
    %dma_start3A_346 = tpu.memref_slice %arg5[%add3A_345] : memref<1280000xf32, #tpu.memory_space<vmem_shared>> -> memref<4000xf32, #tpu.memory_space<vmem_shared>>
    %dma_start3A_347 = tpu.memref_slice %arg5[%add3A_345] : memref<1280000xf32, #tpu.memory_space<vmem_shared>> -> memref<4000xf32, #tpu.memory_space<vmem_shared>>
    tpu.enqueue_dma source(%dma_start3A_347 : memref<4000xf32, #tpu.memory_space<vmem_shared>>) target(%arg14 : memref<4000xf32, #tpu.memory_space<vmem>>) target_semaphore(%arg16 : memref<!tpu.dma_semaphore, #tpu.memory_space<semaphore_mem>>)
    %dma_wait3A_348 = tpu.memref_slice %arg5[%add3A_345] : memref<1280000xf32, #tpu.memory_space<vmem_shared>> -> memref<4000xf32, #tpu.memory_space<vmem_shared>>
    %dma_wait3A_349 = tpu.memref_slice %arg5[%add3A_345] : memref<1280000xf32, #tpu.memory_space<vmem_shared>> -> memref<4000xf32, #tpu.memory_space<vmem_shared>>
    tpu.wait_dma2 semaphore(%arg16 : memref<!tpu.dma_semaphore, #tpu.memory_space<semaphore_mem>>) src(%dma_wait3A_349 : memref<4000xf32, #tpu.memory_space<vmem_shared>>) dst(%arg14 : memref<4000xf32, #tpu.memory_space<vmem>>)
    %mul3A_350 = arith.constant 1280000 : i32
    %mul3A_351 = arith.muli %arg0, %mul3A_350 : i32
    %add3A_352 = arith.addi %mul3A_351, %add3A_345 : i32
    %dma_start3A_353 = tpu.memref_slice %arg4[%add3A_352] : memref<2560000xf32, #tpu.memory_space<hbm>> -> memref<4000xf32, #tpu.memory_space<hbm>>
    %dma_start3A_354 = tpu.memref_slice %arg4[%add3A_352] : memref<2560000xf32, #tpu.memory_space<hbm>> -> memref<4000xf32, #tpu.memory_space<hbm>>
    tpu.enqueue_dma source(%arg14 : memref<4000xf32, #tpu.memory_space<vmem>>) target(%dma_start3A_354 : memref<4000xf32, #tpu.memory_space<hbm>>) target_semaphore(%arg17 : memref<!tpu.dma_semaphore, #tpu.memory_space<semaphore_mem>>)
    %dma_wait3A_355 = tpu.memref_slice %arg4[%add3A_337] : memref<2560000xf32, #tpu.memory_space<hbm>> -> memref<4000xf32, #tpu.memory_space<hbm>>
    %dma_wait3A_356 = tpu.memref_slice %arg4[%add3A_337] : memref<2560000xf32, #tpu.memory_space<hbm>> -> memref<4000xf32, #tpu.memory_space<hbm>>
    tpu.wait_dma2 semaphore(%arg18 : memref<!tpu.dma_semaphore, #tpu.memory_space<semaphore_mem>>) src(%arg15 : memref<4000xf32, #tpu.memory_space<vmem>>) dst(%dma_wait3A_356 : memref<4000xf32, #tpu.memory_space<hbm>>)
    %mul3A_357 = arith.constant 80000 : i32
    %mul3A_358 = arith.muli %arg1, %mul3A_357 : i32
    %add3A_359 = arith.constant 20000 : i32
    %add3A_360 = arith.addi %mul3A_358, %add3A_359 : i32
    %dma_start3A_361 = tpu.memref_slice %arg5[%add3A_360] : memref<1280000xf32, #tpu.memory_space<vmem_shared>> -> memref<4000xf32, #tpu.memory_space<vmem_shared>>
    %dma_start3A_362 = tpu.memref_slice %arg5[%add3A_360] : memref<1280000xf32, #tpu.memory_space<vmem_shared>> -> memref<4000xf32, #tpu.memory_space<vmem_shared>>
    tpu.enqueue_dma source(%dma_start3A_362 : memref<4000xf32, #tpu.memory_space<vmem_shared>>) target(%arg15 : memref<4000xf32, #tpu.memory_space<vmem>>) target_semaphore(%arg16 : memref<!tpu.dma_semaphore, #tpu.memory_space<semaphore_mem>>)
    %dma_wait3A_363 = tpu.memref_slice %arg5[%add3A_360] : memref<1280000xf32, #tpu.memory_space<vmem_shared>> -> memref<4000xf32, #tpu.memory_space<vmem_shared>>
    %dma_wait3A_364 = tpu.memref_slice %arg5[%add3A_360] : memref<1280000xf32, #tpu.memory_space<vmem_shared>> -> memref<4000xf32, #tpu.memory_space<vmem_shared>>
    tpu.wait_dma2 semaphore(%arg16 : memref<!tpu.dma_semaphore, #tpu.memory_space<semaphore_mem>>) src(%dma_wait3A_364 : memref<4000xf32, #tpu.memory_space<vmem_shared>>) dst(%arg15 : memref<4000xf32, #tpu.memory_space<vmem>>)
    %mul3A_365 = arith.constant 1280000 : i32
    %mul3A_366 = arith.muli %arg0, %mul3A_365 : i32
    %add3A_367 = arith.addi %mul3A_366, %add3A_360 : i32
    %dma_start3A_368 = tpu.memref_slice %arg4[%add3A_367] : memref<2560000xf32, #tpu.memory_space<hbm>> -> memref<4000xf32, #tpu.memory_space<hbm>>
    %dma_start3A_369 = tpu.memref_slice %arg4[%add3A_367] : memref<2560000xf32, #tpu.memory_space<hbm>> -> memref<4000xf32, #tpu.memory_space<hbm>>
    tpu.enqueue_dma source(%arg15 : memref<4000xf32, #tpu.memory_space<vmem>>) target(%dma_start3A_369 : memref<4000xf32, #tpu.memory_space<hbm>>) target_semaphore(%arg18 : memref<!tpu.dma_semaphore, #tpu.memory_space<semaphore_mem>>)
    %dma_wait3A_370 = tpu.memref_slice %arg4[%add3A_352] : memref<2560000xf32, #tpu.memory_space<hbm>> -> memref<4000xf32, #tpu.memory_space<hbm>>
    %dma_wait3A_371 = tpu.memref_slice %arg4[%add3A_352] : memref<2560000xf32, #tpu.memory_space<hbm>> -> memref<4000xf32, #tpu.memory_space<hbm>>
    tpu.wait_dma2 semaphore(%arg17 : memref<!tpu.dma_semaphore, #tpu.memory_space<semaphore_mem>>) src(%arg14 : memref<4000xf32, #tpu.memory_space<vmem>>) dst(%dma_wait3A_371 : memref<4000xf32, #tpu.memory_space<hbm>>)
    %mul3A_372 = arith.constant 80000 : i32
    %mul3A_373 = arith.muli %arg1, %mul3A_372 : i32
    %add3A_374 = arith.constant 24000 : i32
    %add3A_375 = arith.addi %mul3A_373, %add3A_374 : i32
    %dma_start3A_376 = tpu.memref_slice %arg5[%add3A_375] : memref<1280000xf32, #tpu.memory_space<vmem_shared>> -> memref<4000xf32, #tpu.memory_space<vmem_shared>>
    %dma_start3A_377 = tpu.memref_slice %arg5[%add3A_375] : memref<1280000xf32, #tpu.memory_space<vmem_shared>> -> memref<4000xf32, #tpu.memory_space<vmem_shared>>
    tpu.enqueue_dma source(%dma_start3A_377 : memref<4000xf32, #tpu.memory_space<vmem_shared>>) target(%arg14 : memref<4000xf32, #tpu.memory_space<vmem>>) target_semaphore(%arg16 : memref<!tpu.dma_semaphore, #tpu.memory_space<semaphore_mem>>)
    %dma_wait3A_378 = tpu.memref_slice %arg5[%add3A_375] : memref<1280000xf32, #tpu.memory_space<vmem_shared>> -> memref<4000xf32, #tpu.memory_space<vmem_shared>>
    %dma_wait3A_379 = tpu.memref_slice %arg5[%add3A_375] : memref<1280000xf32, #tpu.memory_space<vmem_shared>> -> memref<4000xf32, #tpu.memory_space<vmem_shared>>
    tpu.wait_dma2 semaphore(%arg16 : memref<!tpu.dma_semaphore, #tpu.memory_space<semaphore_mem>>) src(%dma_wait3A_379 : memref<4000xf32, #tpu.memory_space<vmem_shared>>) dst(%arg14 : memref<4000xf32, #tpu.memory_space<vmem>>)
    %mul3A_380 = arith.constant 1280000 : i32
    %mul3A_381 = arith.muli %arg0, %mul3A_380 : i32
    %add3A_382 = arith.addi %mul3A_381, %add3A_375 : i32
    %dma_start3A_383 = tpu.memref_slice %arg4[%add3A_382] : memref<2560000xf32, #tpu.memory_space<hbm>> -> memref<4000xf32, #tpu.memory_space<hbm>>
    %dma_start3A_384 = tpu.memref_slice %arg4[%add3A_382] : memref<2560000xf32, #tpu.memory_space<hbm>> -> memref<4000xf32, #tpu.memory_space<hbm>>
    tpu.enqueue_dma source(%arg14 : memref<4000xf32, #tpu.memory_space<vmem>>) target(%dma_start3A_384 : memref<4000xf32, #tpu.memory_space<hbm>>) target_semaphore(%arg17 : memref<!tpu.dma_semaphore, #tpu.memory_space<semaphore_mem>>)
    %dma_wait3A_385 = tpu.memref_slice %arg4[%add3A_367] : memref<2560000xf32, #tpu.memory_space<hbm>> -> memref<4000xf32, #tpu.memory_space<hbm>>
    %dma_wait3A_386 = tpu.memref_slice %arg4[%add3A_367] : memref<2560000xf32, #tpu.memory_space<hbm>> -> memref<4000xf32, #tpu.memory_space<hbm>>
    tpu.wait_dma2 semaphore(%arg18 : memref<!tpu.dma_semaphore, #tpu.memory_space<semaphore_mem>>) src(%arg15 : memref<4000xf32, #tpu.memory_space<vmem>>) dst(%dma_wait3A_386 : memref<4000xf32, #tpu.memory_space<hbm>>)
    %mul3A_387 = arith.constant 80000 : i32
    %mul3A_388 = arith.muli %arg1, %mul3A_387 : i32
    %add3A_389 = arith.constant 28000 : i32
    %add3A_390 = arith.addi %mul3A_388, %add3A_389 : i32
    %dma_start3A_391 = tpu.memref_slice %arg5[%add3A_390] : memref<1280000xf32, #tpu.memory_space<vmem_shared>> -> memref<4000xf32, #tpu.memory_space<vmem_shared>>
    %dma_start3A_392 = tpu.memref_slice %arg5[%add3A_390] : memref<1280000xf32, #tpu.memory_space<vmem_shared>> -> memref<4000xf32, #tpu.memory_space<vmem_shared>>
    tpu.enqueue_dma source(%dma_start3A_392 : memref<4000xf32, #tpu.memory_space<vmem_shared>>) target(%arg15 : memref<4000xf32, #tpu.memory_space<vmem>>) target_semaphore(%arg16 : memref<!tpu.dma_semaphore, #tpu.memory_space<semaphore_mem>>)
    %dma_wait3A_393 = tpu.memref_slice %arg5[%add3A_390] : memref<1280000xf32, #tpu.memory_space<vmem_shared>> -> memref<4000xf32, #tpu.memory_space<vmem_shared>>
    %dma_wait3A_394 = tpu.memref_slice %arg5[%add3A_390] : memref<1280000xf32, #tpu.memory_space<vmem_shared>> -> memref<4000xf32, #tpu.memory_space<vmem_shared>>
    tpu.wait_dma2 semaphore(%arg16 : memref<!tpu.dma_semaphore, #tpu.memory_space<semaphore_mem>>) src(%dma_wait3A_394 : memref<4000xf32, #tpu.memory_space<vmem_shared>>) dst(%arg15 : memref<4000xf32, #tpu.memory_space<vmem>>)
    %mul3A_395 = arith.constant 1280000 : i32
    %mul3A_396 = arith.muli %arg0, %mul3A_395 : i32
    %add3A_397 = arith.addi %mul3A_396, %add3A_390 : i32
    %dma_start3A_398 = tpu.memref_slice %arg4[%add3A_397] : memref<2560000xf32, #tpu.memory_space<hbm>> -> memref<4000xf32, #tpu.memory_space<hbm>>
    %dma_start3A_399 = tpu.memref_slice %arg4[%add3A_397] : memref<2560000xf32, #tpu.memory_space<hbm>> -> memref<4000xf32, #tpu.memory_space<hbm>>
    tpu.enqueue_dma source(%arg15 : memref<4000xf32, #tpu.memory_space<vmem>>) target(%dma_start3A_399 : memref<4000xf32, #tpu.memory_space<hbm>>) target_semaphore(%arg18 : memref<!tpu.dma_semaphore, #tpu.memory_space<semaphore_mem>>)
    %dma_wait3A_400 = tpu.memref_slice %arg4[%add3A_382] : memref<2560000xf32, #tpu.memory_space<hbm>> -> memref<4000xf32, #tpu.memory_space<hbm>>
    %dma_wait3A_401 = tpu.memref_slice %arg4[%add3A_382] : memref<2560000xf32, #tpu.memory_space<hbm>> -> memref<4000xf32, #tpu.memory_space<hbm>>
    tpu.wait_dma2 semaphore(%arg17 : memref<!tpu.dma_semaphore, #tpu.memory_space<semaphore_mem>>) src(%arg14 : memref<4000xf32, #tpu.memory_space<vmem>>) dst(%dma_wait3A_401 : memref<4000xf32, #tpu.memory_space<hbm>>)
    %mul3A_402 = arith.constant 80000 : i32
    %mul3A_403 = arith.muli %arg1, %mul3A_402 : i32
    %add3A_404 = arith.constant 32000 : i32
    %add3A_405 = arith.addi %mul3A_403, %add3A_404 : i32
    %dma_start3A_406 = tpu.memref_slice %arg5[%add3A_405] : memref<1280000xf32, #tpu.memory_space<vmem_shared>> -> memref<4000xf32, #tpu.memory_space<vmem_shared>>
    %dma_start3A_407 = tpu.memref_slice %arg5[%add3A_405] : memref<1280000xf32, #tpu.memory_space<vmem_shared>> -> memref<4000xf32, #tpu.memory_space<vmem_shared>>
    tpu.enqueue_dma source(%dma_start3A_407 : memref<4000xf32, #tpu.memory_space<vmem_shared>>) target(%arg14 : memref<4000xf32, #tpu.memory_space<vmem>>) target_semaphore(%arg16 : memref<!tpu.dma_semaphore, #tpu.memory_space<semaphore_mem>>)
    %dma_wait3A_408 = tpu.memref_slice %arg5[%add3A_405] : memref<1280000xf32, #tpu.memory_space<vmem_shared>> -> memref<4000xf32, #tpu.memory_space<vmem_shared>>
    %dma_wait3A_409 = tpu.memref_slice %arg5[%add3A_405] : memref<1280000xf32, #tpu.memory_space<vmem_shared>> -> memref<4000xf32, #tpu.memory_space<vmem_shared>>
    tpu.wait_dma2 semaphore(%arg16 : memref<!tpu.dma_semaphore, #tpu.memory_space<semaphore_mem>>) src(%dma_wait3A_409 : memref<4000xf32, #tpu.memory_space<vmem_shared>>) dst(%arg14 : memref<4000xf32, #tpu.memory_space<vmem>>)
    %mul3A_410 = arith.constant 1280000 : i32
    %mul3A_411 = arith.muli %arg0, %mul3A_410 : i32
    %add3A_412 = arith.addi %mul3A_411, %add3A_405 : i32
    %dma_start3A_413 = tpu.memref_slice %arg4[%add3A_412] : memref<2560000xf32, #tpu.memory_space<hbm>> -> memref<4000xf32, #tpu.memory_space<hbm>>
    %dma_start3A_414 = tpu.memref_slice %arg4[%add3A_412] : memref<2560000xf32, #tpu.memory_space<hbm>> -> memref<4000xf32, #tpu.memory_space<hbm>>
    tpu.enqueue_dma source(%arg14 : memref<4000xf32, #tpu.memory_space<vmem>>) target(%dma_start3A_414 : memref<4000xf32, #tpu.memory_space<hbm>>) target_semaphore(%arg17 : memref<!tpu.dma_semaphore, #tpu.memory_space<semaphore_mem>>)
    %dma_wait3A_415 = tpu.memref_slice %arg4[%add3A_397] : memref<2560000xf32, #tpu.memory_space<hbm>> -> memref<4000xf32, #tpu.memory_space<hbm>>
    %dma_wait3A_416 = tpu.memref_slice %arg4[%add3A_397] : memref<2560000xf32, #tpu.memory_space<hbm>> -> memref<4000xf32, #tpu.memory_space<hbm>>
    tpu.wait_dma2 semaphore(%arg18 : memref<!tpu.dma_semaphore, #tpu.memory_space<semaphore_mem>>) src(%arg15 : memref<4000xf32, #tpu.memory_space<vmem>>) dst(%dma_wait3A_416 : memref<4000xf32, #tpu.memory_space<hbm>>)
    %mul3A_417 = arith.constant 80000 : i32
    %mul3A_418 = arith.muli %arg1, %mul3A_417 : i32
    %add3A_419 = arith.constant 36000 : i32
    %add3A_420 = arith.addi %mul3A_418, %add3A_419 : i32
    %dma_start3A_421 = tpu.memref_slice %arg5[%add3A_420] : memref<1280000xf32, #tpu.memory_space<vmem_shared>> -> memref<4000xf32, #tpu.memory_space<vmem_shared>>
    %dma_start3A_422 = tpu.memref_slice %arg5[%add3A_420] : memref<1280000xf32, #tpu.memory_space<vmem_shared>> -> memref<4000xf32, #tpu.memory_space<vmem_shared>>
    tpu.enqueue_dma source(%dma_start3A_422 : memref<4000xf32, #tpu.memory_space<vmem_shared>>) target(%arg15 : memref<4000xf32, #tpu.memory_space<vmem>>) target_semaphore(%arg16 : memref<!tpu.dma_semaphore, #tpu.memory_space<semaphore_mem>>)
    %dma_wait3A_423 = tpu.memref_slice %arg5[%add3A_420] : memref<1280000xf32, #tpu.memory_space<vmem_shared>> -> memref<4000xf32, #tpu.memory_space<vmem_shared>>
    %dma_wait3A_424 = tpu.memref_slice %arg5[%add3A_420] : memref<1280000xf32, #tpu.memory_space<vmem_shared>> -> memref<4000xf32, #tpu.memory_space<vmem_shared>>
    tpu.wait_dma2 semaphore(%arg16 : memref<!tpu.dma_semaphore, #tpu.memory_space<semaphore_mem>>) src(%dma_wait3A_424 : memref<4000xf32, #tpu.memory_space<vmem_shared>>) dst(%arg15 : memref<4000xf32, #tpu.memory_space<vmem>>)
    %mul3A_425 = arith.constant 1280000 : i32
    %mul3A_426 = arith.muli %arg0, %mul3A_425 : i32
    %add3A_427 = arith.addi %mul3A_426, %add3A_420 : i32
    %dma_start3A_428 = tpu.memref_slice %arg4[%add3A_427] : memref<2560000xf32, #tpu.memory_space<hbm>> -> memref<4000xf32, #tpu.memory_space<hbm>>
    %dma_start3A_429 = tpu.memref_slice %arg4[%add3A_427] : memref<2560000xf32, #tpu.memory_space<hbm>> -> memref<4000xf32, #tpu.memory_space<hbm>>
    tpu.enqueue_dma source(%arg15 : memref<4000xf32, #tpu.memory_space<vmem>>) target(%dma_start3A_429 : memref<4000xf32, #tpu.memory_space<hbm>>) target_semaphore(%arg18 : memref<!tpu.dma_semaphore, #tpu.memory_space<semaphore_mem>>)
    %dma_wait3A_430 = tpu.memref_slice %arg4[%add3A_412] : memref<2560000xf32, #tpu.memory_space<hbm>> -> memref<4000xf32, #tpu.memory_space<hbm>>
    %dma_wait3A_431 = tpu.memref_slice %arg4[%add3A_412] : memref<2560000xf32, #tpu.memory_space<hbm>> -> memref<4000xf32, #tpu.memory_space<hbm>>
    tpu.wait_dma2 semaphore(%arg17 : memref<!tpu.dma_semaphore, #tpu.memory_space<semaphore_mem>>) src(%arg14 : memref<4000xf32, #tpu.memory_space<vmem>>) dst(%dma_wait3A_431 : memref<4000xf32, #tpu.memory_space<hbm>>)
    %mul3A_432 = arith.constant 80000 : i32
    %mul3A_433 = arith.muli %arg1, %mul3A_432 : i32
    %add3A_434 = arith.constant 40000 : i32
    %add3A_435 = arith.addi %mul3A_433, %add3A_434 : i32
    %dma_start3A_436 = tpu.memref_slice %arg5[%add3A_435] : memref<1280000xf32, #tpu.memory_space<vmem_shared>> -> memref<4000xf32, #tpu.memory_space<vmem_shared>>
    %dma_start3A_437 = tpu.memref_slice %arg5[%add3A_435] : memref<1280000xf32, #tpu.memory_space<vmem_shared>> -> memref<4000xf32, #tpu.memory_space<vmem_shared>>
    tpu.enqueue_dma source(%dma_start3A_437 : memref<4000xf32, #tpu.memory_space<vmem_shared>>) target(%arg14 : memref<4000xf32, #tpu.memory_space<vmem>>) target_semaphore(%arg16 : memref<!tpu.dma_semaphore, #tpu.memory_space<semaphore_mem>>)
    %dma_wait3A_438 = tpu.memref_slice %arg5[%add3A_435] : memref<1280000xf32, #tpu.memory_space<vmem_shared>> -> memref<4000xf32, #tpu.memory_space<vmem_shared>>
    %dma_wait3A_439 = tpu.memref_slice %arg5[%add3A_435] : memref<1280000xf32, #tpu.memory_space<vmem_shared>> -> memref<4000xf32, #tpu.memory_space<vmem_shared>>
    tpu.wait_dma2 semaphore(%arg16 : memref<!tpu.dma_semaphore, #tpu.memory_space<semaphore_mem>>) src(%dma_wait3A_439 : memref<4000xf32, #tpu.memory_space<vmem_shared>>) dst(%arg14 : memref<4000xf32, #tpu.memory_space<vmem>>)
    %mul3A_440 = arith.constant 1280000 : i32
    %mul3A_441 = arith.muli %arg0, %mul3A_440 : i32
    %add3A_442 = arith.addi %mul3A_441, %add3A_435 : i32
    %dma_start3A_443 = tpu.memref_slice %arg4[%add3A_442] : memref<2560000xf32, #tpu.memory_space<hbm>> -> memref<4000xf32, #tpu.memory_space<hbm>>
    %dma_start3A_444 = tpu.memref_slice %arg4[%add3A_442] : memref<2560000xf32, #tpu.memory_space<hbm>> -> memref<4000xf32, #tpu.memory_space<hbm>>
    tpu.enqueue_dma source(%arg14 : memref<4000xf32, #tpu.memory_space<vmem>>) target(%dma_start3A_444 : memref<4000xf32, #tpu.memory_space<hbm>>) target_semaphore(%arg17 : memref<!tpu.dma_semaphore, #tpu.memory_space<semaphore_mem>>)
    %dma_wait3A_445 = tpu.memref_slice %arg4[%add3A_427] : memref<2560000xf32, #tpu.memory_space<hbm>> -> memref<4000xf32, #tpu.memory_space<hbm>>
    %dma_wait3A_446 = tpu.memref_slice %arg4[%add3A_427] : memref<2560000xf32, #tpu.memory_space<hbm>> -> memref<4000xf32, #tpu.memory_space<hbm>>
    tpu.wait_dma2 semaphore(%arg18 : memref<!tpu.dma_semaphore, #tpu.memory_space<semaphore_mem>>) src(%arg15 : memref<4000xf32, #tpu.memory_space<vmem>>) dst(%dma_wait3A_446 : memref<4000xf32, #tpu.memory_space<hbm>>)
    %mul3A_447 = arith.constant 80000 : i32
    %mul3A_448 = arith.muli %arg1, %mul3A_447 : i32
    %add3A_449 = arith.constant 44000 : i32
    %add3A_450 = arith.addi %mul3A_448, %add3A_449 : i32
    %dma_start3A_451 = tpu.memref_slice %arg5[%add3A_450] : memref<1280000xf32, #tpu.memory_space<vmem_shared>> -> memref<4000xf32, #tpu.memory_space<vmem_shared>>
    %dma_start3A_452 = tpu.memref_slice %arg5[%add3A_450] : memref<1280000xf32, #tpu.memory_space<vmem_shared>> -> memref<4000xf32, #tpu.memory_space<vmem_shared>>
    tpu.enqueue_dma source(%dma_start3A_452 : memref<4000xf32, #tpu.memory_space<vmem_shared>>) target(%arg15 : memref<4000xf32, #tpu.memory_space<vmem>>) target_semaphore(%arg16 : memref<!tpu.dma_semaphore, #tpu.memory_space<semaphore_mem>>)
    %dma_wait3A_453 = tpu.memref_slice %arg5[%add3A_450] : memref<1280000xf32, #tpu.memory_space<vmem_shared>> -> memref<4000xf32, #tpu.memory_space<vmem_shared>>
    %dma_wait3A_454 = tpu.memref_slice %arg5[%add3A_450] : memref<1280000xf32, #tpu.memory_space<vmem_shared>> -> memref<4000xf32, #tpu.memory_space<vmem_shared>>
    tpu.wait_dma2 semaphore(%arg16 : memref<!tpu.dma_semaphore, #tpu.memory_space<semaphore_mem>>) src(%dma_wait3A_454 : memref<4000xf32, #tpu.memory_space<vmem_shared>>) dst(%arg15 : memref<4000xf32, #tpu.memory_space<vmem>>)
    %mul3A_455 = arith.constant 1280000 : i32
    %mul3A_456 = arith.muli %arg0, %mul3A_455 : i32
    %add3A_457 = arith.addi %mul3A_456, %add3A_450 : i32
    %dma_start3A_458 = tpu.memref_slice %arg4[%add3A_457] : memref<2560000xf32, #tpu.memory_space<hbm>> -> memref<4000xf32, #tpu.memory_space<hbm>>
    %dma_start3A_459 = tpu.memref_slice %arg4[%add3A_457] : memref<2560000xf32, #tpu.memory_space<hbm>> -> memref<4000xf32, #tpu.memory_space<hbm>>
    tpu.enqueue_dma source(%arg15 : memref<4000xf32, #tpu.memory_space<vmem>>) target(%dma_start3A_459 : memref<4000xf32, #tpu.memory_space<hbm>>) target_semaphore(%arg18 : memref<!tpu.dma_semaphore, #tpu.memory_space<semaphore_mem>>)
    %dma_wait3A_460 = tpu.memref_slice %arg4[%add3A_442] : memref<2560000xf32, #tpu.memory_space<hbm>> -> memref<4000xf32, #tpu.memory_space<hbm>>
    %dma_wait3A_461 = tpu.memref_slice %arg4[%add3A_442] : memref<2560000xf32, #tpu.memory_space<hbm>> -> memref<4000xf32, #tpu.memory_space<hbm>>
    tpu.wait_dma2 semaphore(%arg17 : memref<!tpu.dma_semaphore, #tpu.memory_space<semaphore_mem>>) src(%arg14 : memref<4000xf32, #tpu.memory_space<vmem>>) dst(%dma_wait3A_461 : memref<4000xf32, #tpu.memory_space<hbm>>)
    %mul3A_462 = arith.constant 80000 : i32
    %mul3A_463 = arith.muli %arg1, %mul3A_462 : i32
    %add3A_464 = arith.constant 48000 : i32
    %add3A_465 = arith.addi %mul3A_463, %add3A_464 : i32
    %dma_start3A_466 = tpu.memref_slice %arg5[%add3A_465] : memref<1280000xf32, #tpu.memory_space<vmem_shared>> -> memref<4000xf32, #tpu.memory_space<vmem_shared>>
    %dma_start3A_467 = tpu.memref_slice %arg5[%add3A_465] : memref<1280000xf32, #tpu.memory_space<vmem_shared>> -> memref<4000xf32, #tpu.memory_space<vmem_shared>>
    tpu.enqueue_dma source(%dma_start3A_467 : memref<4000xf32, #tpu.memory_space<vmem_shared>>) target(%arg14 : memref<4000xf32, #tpu.memory_space<vmem>>) target_semaphore(%arg16 : memref<!tpu.dma_semaphore, #tpu.memory_space<semaphore_mem>>)
    %dma_wait3A_468 = tpu.memref_slice %arg5[%add3A_465] : memref<1280000xf32, #tpu.memory_space<vmem_shared>> -> memref<4000xf32, #tpu.memory_space<vmem_shared>>
    %dma_wait3A_469 = tpu.memref_slice %arg5[%add3A_465] : memref<1280000xf32, #tpu.memory_space<vmem_shared>> -> memref<4000xf32, #tpu.memory_space<vmem_shared>>
    tpu.wait_dma2 semaphore(%arg16 : memref<!tpu.dma_semaphore, #tpu.memory_space<semaphore_mem>>) src(%dma_wait3A_469 : memref<4000xf32, #tpu.memory_space<vmem_shared>>) dst(%arg14 : memref<4000xf32, #tpu.memory_space<vmem>>)
    %mul3A_470 = arith.constant 1280000 : i32
    %mul3A_471 = arith.muli %arg0, %mul3A_470 : i32
    %add3A_472 = arith.addi %mul3A_471, %add3A_465 : i32
    %dma_start3A_473 = tpu.memref_slice %arg4[%add3A_472] : memref<2560000xf32, #tpu.memory_space<hbm>> -> memref<4000xf32, #tpu.memory_space<hbm>>
    %dma_start3A_474 = tpu.memref_slice %arg4[%add3A_472] : memref<2560000xf32, #tpu.memory_space<hbm>> -> memref<4000xf32, #tpu.memory_space<hbm>>
    tpu.enqueue_dma source(%arg14 : memref<4000xf32, #tpu.memory_space<vmem>>) target(%dma_start3A_474 : memref<4000xf32, #tpu.memory_space<hbm>>) target_semaphore(%arg17 : memref<!tpu.dma_semaphore, #tpu.memory_space<semaphore_mem>>)
    %dma_wait3A_475 = tpu.memref_slice %arg4[%add3A_457] : memref<2560000xf32, #tpu.memory_space<hbm>> -> memref<4000xf32, #tpu.memory_space<hbm>>
    %dma_wait3A_476 = tpu.memref_slice %arg4[%add3A_457] : memref<2560000xf32, #tpu.memory_space<hbm>> -> memref<4000xf32, #tpu.memory_space<hbm>>
    tpu.wait_dma2 semaphore(%arg18 : memref<!tpu.dma_semaphore, #tpu.memory_space<semaphore_mem>>) src(%arg15 : memref<4000xf32, #tpu.memory_space<vmem>>) dst(%dma_wait3A_476 : memref<4000xf32, #tpu.memory_space<hbm>>)
    %mul3A_477 = arith.constant 80000 : i32
    %mul3A_478 = arith.muli %arg1, %mul3A_477 : i32
    %add3A_479 = arith.constant 52000 : i32
    %add3A_480 = arith.addi %mul3A_478, %add3A_479 : i32
    %dma_start3A_481 = tpu.memref_slice %arg5[%add3A_480] : memref<1280000xf32, #tpu.memory_space<vmem_shared>> -> memref<4000xf32, #tpu.memory_space<vmem_shared>>
    %dma_start3A_482 = tpu.memref_slice %arg5[%add3A_480] : memref<1280000xf32, #tpu.memory_space<vmem_shared>> -> memref<4000xf32, #tpu.memory_space<vmem_shared>>
    tpu.enqueue_dma source(%dma_start3A_482 : memref<4000xf32, #tpu.memory_space<vmem_shared>>) target(%arg15 : memref<4000xf32, #tpu.memory_space<vmem>>) target_semaphore(%arg16 : memref<!tpu.dma_semaphore, #tpu.memory_space<semaphore_mem>>)
    %dma_wait3A_483 = tpu.memref_slice %arg5[%add3A_480] : memref<1280000xf32, #tpu.memory_space<vmem_shared>> -> memref<4000xf32, #tpu.memory_space<vmem_shared>>
    %dma_wait3A_484 = tpu.memref_slice %arg5[%add3A_480] : memref<1280000xf32, #tpu.memory_space<vmem_shared>> -> memref<4000xf32, #tpu.memory_space<vmem_shared>>
    tpu.wait_dma2 semaphore(%arg16 : memref<!tpu.dma_semaphore, #tpu.memory_space<semaphore_mem>>) src(%dma_wait3A_484 : memref<4000xf32, #tpu.memory_space<vmem_shared>>) dst(%arg15 : memref<4000xf32, #tpu.memory_space<vmem>>)
    %mul3A_485 = arith.constant 1280000 : i32
    %mul3A_486 = arith.muli %arg0, %mul3A_485 : i32
    %add3A_487 = arith.addi %mul3A_486, %add3A_480 : i32
    %dma_start3A_488 = tpu.memref_slice %arg4[%add3A_487] : memref<2560000xf32, #tpu.memory_space<hbm>> -> memref<4000xf32, #tpu.memory_space<hbm>>
    %dma_start3A_489 = tpu.memref_slice %arg4[%add3A_487] : memref<2560000xf32, #tpu.memory_space<hbm>> -> memref<4000xf32, #tpu.memory_space<hbm>>
    tpu.enqueue_dma source(%arg15 : memref<4000xf32, #tpu.memory_space<vmem>>) target(%dma_start3A_489 : memref<4000xf32, #tpu.memory_space<hbm>>) target_semaphore(%arg18 : memref<!tpu.dma_semaphore, #tpu.memory_space<semaphore_mem>>)
    %dma_wait3A_490 = tpu.memref_slice %arg4[%add3A_472] : memref<2560000xf32, #tpu.memory_space<hbm>> -> memref<4000xf32, #tpu.memory_space<hbm>>
    %dma_wait3A_491 = tpu.memref_slice %arg4[%add3A_472] : memref<2560000xf32, #tpu.memory_space<hbm>> -> memref<4000xf32, #tpu.memory_space<hbm>>
    tpu.wait_dma2 semaphore(%arg17 : memref<!tpu.dma_semaphore, #tpu.memory_space<semaphore_mem>>) src(%arg14 : memref<4000xf32, #tpu.memory_space<vmem>>) dst(%dma_wait3A_491 : memref<4000xf32, #tpu.memory_space<hbm>>)
    %mul3A_492 = arith.constant 80000 : i32
    %mul3A_493 = arith.muli %arg1, %mul3A_492 : i32
    %add3A_494 = arith.constant 56000 : i32
    %add3A_495 = arith.addi %mul3A_493, %add3A_494 : i32
    %dma_start3A_496 = tpu.memref_slice %arg5[%add3A_495] : memref<1280000xf32, #tpu.memory_space<vmem_shared>> -> memref<4000xf32, #tpu.memory_space<vmem_shared>>
    %dma_start3A_497 = tpu.memref_slice %arg5[%add3A_495] : memref<1280000xf32, #tpu.memory_space<vmem_shared>> -> memref<4000xf32, #tpu.memory_space<vmem_shared>>
    tpu.enqueue_dma source(%dma_start3A_497 : memref<4000xf32, #tpu.memory_space<vmem_shared>>) target(%arg14 : memref<4000xf32, #tpu.memory_space<vmem>>) target_semaphore(%arg16 : memref<!tpu.dma_semaphore, #tpu.memory_space<semaphore_mem>>)
    %dma_wait3A_498 = tpu.memref_slice %arg5[%add3A_495] : memref<1280000xf32, #tpu.memory_space<vmem_shared>> -> memref<4000xf32, #tpu.memory_space<vmem_shared>>
    %dma_wait3A_499 = tpu.memref_slice %arg5[%add3A_495] : memref<1280000xf32, #tpu.memory_space<vmem_shared>> -> memref<4000xf32, #tpu.memory_space<vmem_shared>>
    tpu.wait_dma2 semaphore(%arg16 : memref<!tpu.dma_semaphore, #tpu.memory_space<semaphore_mem>>) src(%dma_wait3A_499 : memref<4000xf32, #tpu.memory_space<vmem_shared>>) dst(%arg14 : memref<4000xf32, #tpu.memory_space<vmem>>)
    %mul3A_500 = arith.constant 1280000 : i32
    %mul3A_501 = arith.muli %arg0, %mul3A_500 : i32
    %add3A_502 = arith.addi %mul3A_501, %add3A_495 : i32
    %dma_start3A_503 = tpu.memref_slice %arg4[%add3A_502] : memref<2560000xf32, #tpu.memory_space<hbm>> -> memref<4000xf32, #tpu.memory_space<hbm>>
    %dma_start3A_504 = tpu.memref_slice %arg4[%add3A_502] : memref<2560000xf32, #tpu.memory_space<hbm>> -> memref<4000xf32, #tpu.memory_space<hbm>>
    tpu.enqueue_dma source(%arg14 : memref<4000xf32, #tpu.memory_space<vmem>>) target(%dma_start3A_504 : memref<4000xf32, #tpu.memory_space<hbm>>) target_semaphore(%arg17 : memref<!tpu.dma_semaphore, #tpu.memory_space<semaphore_mem>>)
    %dma_wait3A_505 = tpu.memref_slice %arg4[%add3A_487] : memref<2560000xf32, #tpu.memory_space<hbm>> -> memref<4000xf32, #tpu.memory_space<hbm>>
    %dma_wait3A_506 = tpu.memref_slice %arg4[%add3A_487] : memref<2560000xf32, #tpu.memory_space<hbm>> -> memref<4000xf32, #tpu.memory_space<hbm>>
    tpu.wait_dma2 semaphore(%arg18 : memref<!tpu.dma_semaphore, #tpu.memory_space<semaphore_mem>>) src(%arg15 : memref<4000xf32, #tpu.memory_space<vmem>>) dst(%dma_wait3A_506 : memref<4000xf32, #tpu.memory_space<hbm>>)
    %mul3A_507 = arith.constant 80000 : i32
    %mul3A_508 = arith.muli %arg1, %mul3A_507 : i32
    %add3A_509 = arith.constant 60000 : i32
    %add3A_510 = arith.addi %mul3A_508, %add3A_509 : i32
    %dma_start3A_511 = tpu.memref_slice %arg5[%add3A_510] : memref<1280000xf32, #tpu.memory_space<vmem_shared>> -> memref<4000xf32, #tpu.memory_space<vmem_shared>>
    %dma_start3A_512 = tpu.memref_slice %arg5[%add3A_510] : memref<1280000xf32, #tpu.memory_space<vmem_shared>> -> memref<4000xf32, #tpu.memory_space<vmem_shared>>
    tpu.enqueue_dma source(%dma_start3A_512 : memref<4000xf32, #tpu.memory_space<vmem_shared>>) target(%arg15 : memref<4000xf32, #tpu.memory_space<vmem>>) target_semaphore(%arg16 : memref<!tpu.dma_semaphore, #tpu.memory_space<semaphore_mem>>)
    %dma_wait3A_513 = tpu.memref_slice %arg5[%add3A_510] : memref<1280000xf32, #tpu.memory_space<vmem_shared>> -> memref<4000xf32, #tpu.memory_space<vmem_shared>>
    %dma_wait3A_514 = tpu.memref_slice %arg5[%add3A_510] : memref<1280000xf32, #tpu.memory_space<vmem_shared>> -> memref<4000xf32, #tpu.memory_space<vmem_shared>>
    tpu.wait_dma2 semaphore(%arg16 : memref<!tpu.dma_semaphore, #tpu.memory_space<semaphore_mem>>) src(%dma_wait3A_514 : memref<4000xf32, #tpu.memory_space<vmem_shared>>) dst(%arg15 : memref<4000xf32, #tpu.memory_space<vmem>>)
    %mul3A_515 = arith.constant 1280000 : i32
    %mul3A_516 = arith.muli %arg0, %mul3A_515 : i32
    %add3A_517 = arith.addi %mul3A_516, %add3A_510 : i32
    %dma_start3A_518 = tpu.memref_slice %arg4[%add3A_517] : memref<2560000xf32, #tpu.memory_space<hbm>> -> memref<4000xf32, #tpu.memory_space<hbm>>
    %dma_start3A_519 = tpu.memref_slice %arg4[%add3A_517] : memref<2560000xf32, #tpu.memory_space<hbm>> -> memref<4000xf32, #tpu.memory_space<hbm>>
    tpu.enqueue_dma source(%arg15 : memref<4000xf32, #tpu.memory_space<vmem>>) target(%dma_start3A_519 : memref<4000xf32, #tpu.memory_space<hbm>>) target_semaphore(%arg18 : memref<!tpu.dma_semaphore, #tpu.memory_space<semaphore_mem>>)
    %dma_wait3A_520 = tpu.memref_slice %arg4[%add3A_502] : memref<2560000xf32, #tpu.memory_space<hbm>> -> memref<4000xf32, #tpu.memory_space<hbm>>
    %dma_wait3A_521 = tpu.memref_slice %arg4[%add3A_502] : memref<2560000xf32, #tpu.memory_space<hbm>> -> memref<4000xf32, #tpu.memory_space<hbm>>
    tpu.wait_dma2 semaphore(%arg17 : memref<!tpu.dma_semaphore, #tpu.memory_space<semaphore_mem>>) src(%arg14 : memref<4000xf32, #tpu.memory_space<vmem>>) dst(%dma_wait3A_521 : memref<4000xf32, #tpu.memory_space<hbm>>)
    %mul3A_522 = arith.constant 80000 : i32
    %mul3A_523 = arith.muli %arg1, %mul3A_522 : i32
    %add3A_524 = arith.constant 64000 : i32
    %add3A_525 = arith.addi %mul3A_523, %add3A_524 : i32
    %dma_start3A_526 = tpu.memref_slice %arg5[%add3A_525] : memref<1280000xf32, #tpu.memory_space<vmem_shared>> -> memref<4000xf32, #tpu.memory_space<vmem_shared>>
    %dma_start3A_527 = tpu.memref_slice %arg5[%add3A_525] : memref<1280000xf32, #tpu.memory_space<vmem_shared>> -> memref<4000xf32, #tpu.memory_space<vmem_shared>>
    tpu.enqueue_dma source(%dma_start3A_527 : memref<4000xf32, #tpu.memory_space<vmem_shared>>) target(%arg14 : memref<4000xf32, #tpu.memory_space<vmem>>) target_semaphore(%arg16 : memref<!tpu.dma_semaphore, #tpu.memory_space<semaphore_mem>>)
    %dma_wait3A_528 = tpu.memref_slice %arg5[%add3A_525] : memref<1280000xf32, #tpu.memory_space<vmem_shared>> -> memref<4000xf32, #tpu.memory_space<vmem_shared>>
    %dma_wait3A_529 = tpu.memref_slice %arg5[%add3A_525] : memref<1280000xf32, #tpu.memory_space<vmem_shared>> -> memref<4000xf32, #tpu.memory_space<vmem_shared>>
    tpu.wait_dma2 semaphore(%arg16 : memref<!tpu.dma_semaphore, #tpu.memory_space<semaphore_mem>>) src(%dma_wait3A_529 : memref<4000xf32, #tpu.memory_space<vmem_shared>>) dst(%arg14 : memref<4000xf32, #tpu.memory_space<vmem>>)
    %mul3A_530 = arith.constant 1280000 : i32
    %mul3A_531 = arith.muli %arg0, %mul3A_530 : i32
    %add3A_532 = arith.addi %mul3A_531, %add3A_525 : i32
    %dma_start3A_533 = tpu.memref_slice %arg4[%add3A_532] : memref<2560000xf32, #tpu.memory_space<hbm>> -> memref<4000xf32, #tpu.memory_space<hbm>>
    %dma_start3A_534 = tpu.memref_slice %arg4[%add3A_532] : memref<2560000xf32, #tpu.memory_space<hbm>> -> memref<4000xf32, #tpu.memory_space<hbm>>
    tpu.enqueue_dma source(%arg14 : memref<4000xf32, #tpu.memory_space<vmem>>) target(%dma_start3A_534 : memref<4000xf32, #tpu.memory_space<hbm>>) target_semaphore(%arg17 : memref<!tpu.dma_semaphore, #tpu.memory_space<semaphore_mem>>)
    %dma_wait3A_535 = tpu.memref_slice %arg4[%add3A_517] : memref<2560000xf32, #tpu.memory_space<hbm>> -> memref<4000xf32, #tpu.memory_space<hbm>>
    %dma_wait3A_536 = tpu.memref_slice %arg4[%add3A_517] : memref<2560000xf32, #tpu.memory_space<hbm>> -> memref<4000xf32, #tpu.memory_space<hbm>>
    tpu.wait_dma2 semaphore(%arg18 : memref<!tpu.dma_semaphore, #tpu.memory_space<semaphore_mem>>) src(%arg15 : memref<4000xf32, #tpu.memory_space<vmem>>) dst(%dma_wait3A_536 : memref<4000xf32, #tpu.memory_space<hbm>>)
    %mul3A_537 = arith.constant 80000 : i32
    %mul3A_538 = arith.muli %arg1, %mul3A_537 : i32
    %add3A_539 = arith.constant 68000 : i32
    %add3A_540 = arith.addi %mul3A_538, %add3A_539 : i32
    %dma_start3A_541 = tpu.memref_slice %arg5[%add3A_540] : memref<1280000xf32, #tpu.memory_space<vmem_shared>> -> memref<4000xf32, #tpu.memory_space<vmem_shared>>
    %dma_start3A_542 = tpu.memref_slice %arg5[%add3A_540] : memref<1280000xf32, #tpu.memory_space<vmem_shared>> -> memref<4000xf32, #tpu.memory_space<vmem_shared>>
    tpu.enqueue_dma source(%dma_start3A_542 : memref<4000xf32, #tpu.memory_space<vmem_shared>>) target(%arg15 : memref<4000xf32, #tpu.memory_space<vmem>>) target_semaphore(%arg16 : memref<!tpu.dma_semaphore, #tpu.memory_space<semaphore_mem>>)
    %dma_wait3A_543 = tpu.memref_slice %arg5[%add3A_540] : memref<1280000xf32, #tpu.memory_space<vmem_shared>> -> memref<4000xf32, #tpu.memory_space<vmem_shared>>
    %dma_wait3A_544 = tpu.memref_slice %arg5[%add3A_540] : memref<1280000xf32, #tpu.memory_space<vmem_shared>> -> memref<4000xf32, #tpu.memory_space<vmem_shared>>
    tpu.wait_dma2 semaphore(%arg16 : memref<!tpu.dma_semaphore, #tpu.memory_space<semaphore_mem>>) src(%dma_wait3A_544 : memref<4000xf32, #tpu.memory_space<vmem_shared>>) dst(%arg15 : memref<4000xf32, #tpu.memory_space<vmem>>)
    %mul3A_545 = arith.constant 1280000 : i32
    %mul3A_546 = arith.muli %arg0, %mul3A_545 : i32
    %add3A_547 = arith.addi %mul3A_546, %add3A_540 : i32
    %dma_start3A_548 = tpu.memref_slice %arg4[%add3A_547] : memref<2560000xf32, #tpu.memory_space<hbm>> -> memref<4000xf32, #tpu.memory_space<hbm>>
    %dma_start3A_549 = tpu.memref_slice %arg4[%add3A_547] : memref<2560000xf32, #tpu.memory_space<hbm>> -> memref<4000xf32, #tpu.memory_space<hbm>>
    tpu.enqueue_dma source(%arg15 : memref<4000xf32, #tpu.memory_space<vmem>>) target(%dma_start3A_549 : memref<4000xf32, #tpu.memory_space<hbm>>) target_semaphore(%arg18 : memref<!tpu.dma_semaphore, #tpu.memory_space<semaphore_mem>>)
    %dma_wait3A_550 = tpu.memref_slice %arg4[%add3A_532] : memref<2560000xf32, #tpu.memory_space<hbm>> -> memref<4000xf32, #tpu.memory_space<hbm>>
    %dma_wait3A_551 = tpu.memref_slice %arg4[%add3A_532] : memref<2560000xf32, #tpu.memory_space<hbm>> -> memref<4000xf32, #tpu.memory_space<hbm>>
    tpu.wait_dma2 semaphore(%arg17 : memref<!tpu.dma_semaphore, #tpu.memory_space<semaphore_mem>>) src(%arg14 : memref<4000xf32, #tpu.memory_space<vmem>>) dst(%dma_wait3A_551 : memref<4000xf32, #tpu.memory_space<hbm>>)
    %mul3A_552 = arith.constant 80000 : i32
    %mul3A_553 = arith.muli %arg1, %mul3A_552 : i32
    %add3A_554 = arith.constant 72000 : i32
    %add3A_555 = arith.addi %mul3A_553, %add3A_554 : i32
    %dma_start3A_556 = tpu.memref_slice %arg5[%add3A_555] : memref<1280000xf32, #tpu.memory_space<vmem_shared>> -> memref<4000xf32, #tpu.memory_space<vmem_shared>>
    %dma_start3A_557 = tpu.memref_slice %arg5[%add3A_555] : memref<1280000xf32, #tpu.memory_space<vmem_shared>> -> memref<4000xf32, #tpu.memory_space<vmem_shared>>
    tpu.enqueue_dma source(%dma_start3A_557 : memref<4000xf32, #tpu.memory_space<vmem_shared>>) target(%arg14 : memref<4000xf32, #tpu.memory_space<vmem>>) target_semaphore(%arg16 : memref<!tpu.dma_semaphore, #tpu.memory_space<semaphore_mem>>)
    %dma_wait3A_558 = tpu.memref_slice %arg5[%add3A_555] : memref<1280000xf32, #tpu.memory_space<vmem_shared>> -> memref<4000xf32, #tpu.memory_space<vmem_shared>>
    %dma_wait3A_559 = tpu.memref_slice %arg5[%add3A_555] : memref<1280000xf32, #tpu.memory_space<vmem_shared>> -> memref<4000xf32, #tpu.memory_space<vmem_shared>>
    tpu.wait_dma2 semaphore(%arg16 : memref<!tpu.dma_semaphore, #tpu.memory_space<semaphore_mem>>) src(%dma_wait3A_559 : memref<4000xf32, #tpu.memory_space<vmem_shared>>) dst(%arg14 : memref<4000xf32, #tpu.memory_space<vmem>>)
    %mul3A_560 = arith.constant 1280000 : i32
    %mul3A_561 = arith.muli %arg0, %mul3A_560 : i32
    %add3A_562 = arith.addi %mul3A_561, %add3A_555 : i32
    %dma_start3A_563 = tpu.memref_slice %arg4[%add3A_562] : memref<2560000xf32, #tpu.memory_space<hbm>> -> memref<4000xf32, #tpu.memory_space<hbm>>
    %dma_start3A_564 = tpu.memref_slice %arg4[%add3A_562] : memref<2560000xf32, #tpu.memory_space<hbm>> -> memref<4000xf32, #tpu.memory_space<hbm>>
    tpu.enqueue_dma source(%arg14 : memref<4000xf32, #tpu.memory_space<vmem>>) target(%dma_start3A_564 : memref<4000xf32, #tpu.memory_space<hbm>>) target_semaphore(%arg17 : memref<!tpu.dma_semaphore, #tpu.memory_space<semaphore_mem>>)
    %dma_wait3A_565 = tpu.memref_slice %arg4[%add3A_547] : memref<2560000xf32, #tpu.memory_space<hbm>> -> memref<4000xf32, #tpu.memory_space<hbm>>
    %dma_wait3A_566 = tpu.memref_slice %arg4[%add3A_547] : memref<2560000xf32, #tpu.memory_space<hbm>> -> memref<4000xf32, #tpu.memory_space<hbm>>
    tpu.wait_dma2 semaphore(%arg18 : memref<!tpu.dma_semaphore, #tpu.memory_space<semaphore_mem>>) src(%arg15 : memref<4000xf32, #tpu.memory_space<vmem>>) dst(%dma_wait3A_566 : memref<4000xf32, #tpu.memory_space<hbm>>)
    %mul3A_567 = arith.constant 80000 : i32
    %mul3A_568 = arith.muli %arg1, %mul3A_567 : i32
    %add3A_569 = arith.constant 76000 : i32
    %add3A_570 = arith.addi %mul3A_568, %add3A_569 : i32
    %dma_start3A_571 = tpu.memref_slice %arg5[%add3A_570] : memref<1280000xf32, #tpu.memory_space<vmem_shared>> -> memref<4000xf32, #tpu.memory_space<vmem_shared>>
    %dma_start3A_572 = tpu.memref_slice %arg5[%add3A_570] : memref<1280000xf32, #tpu.memory_space<vmem_shared>> -> memref<4000xf32, #tpu.memory_space<vmem_shared>>
    tpu.enqueue_dma source(%dma_start3A_572 : memref<4000xf32, #tpu.memory_space<vmem_shared>>) target(%arg15 : memref<4000xf32, #tpu.memory_space<vmem>>) target_semaphore(%arg16 : memref<!tpu.dma_semaphore, #tpu.memory_space<semaphore_mem>>)
    %dma_wait3A_573 = tpu.memref_slice %arg5[%add3A_570] : memref<1280000xf32, #tpu.memory_space<vmem_shared>> -> memref<4000xf32, #tpu.memory_space<vmem_shared>>
    %dma_wait3A_574 = tpu.memref_slice %arg5[%add3A_570] : memref<1280000xf32, #tpu.memory_space<vmem_shared>> -> memref<4000xf32, #tpu.memory_space<vmem_shared>>
    tpu.wait_dma2 semaphore(%arg16 : memref<!tpu.dma_semaphore, #tpu.memory_space<semaphore_mem>>) src(%dma_wait3A_574 : memref<4000xf32, #tpu.memory_space<vmem_shared>>) dst(%arg15 : memref<4000xf32, #tpu.memory_space<vmem>>)
    %mul3A_575 = arith.constant 1280000 : i32
    %mul3A_576 = arith.muli %arg0, %mul3A_575 : i32
    %add3A_577 = arith.addi %mul3A_576, %add3A_570 : i32
    %dma_start3A_578 = tpu.memref_slice %arg4[%add3A_577] : memref<2560000xf32, #tpu.memory_space<hbm>> -> memref<4000xf32, #tpu.memory_space<hbm>>
    %dma_start3A_579 = tpu.memref_slice %arg4[%add3A_577] : memref<2560000xf32, #tpu.memory_space<hbm>> -> memref<4000xf32, #tpu.memory_space<hbm>>
    tpu.enqueue_dma source(%arg15 : memref<4000xf32, #tpu.memory_space<vmem>>) target(%dma_start3A_579 : memref<4000xf32, #tpu.memory_space<hbm>>) target_semaphore(%arg18 : memref<!tpu.dma_semaphore, #tpu.memory_space<semaphore_mem>>)
    %dma_wait3A_580 = tpu.memref_slice %arg4[%add3A_562] : memref<2560000xf32, #tpu.memory_space<hbm>> -> memref<4000xf32, #tpu.memory_space<hbm>>
    %dma_wait3A_581 = tpu.memref_slice %arg4[%add3A_562] : memref<2560000xf32, #tpu.memory_space<hbm>> -> memref<4000xf32, #tpu.memory_space<hbm>>
    tpu.wait_dma2 semaphore(%arg17 : memref<!tpu.dma_semaphore, #tpu.memory_space<semaphore_mem>>) src(%arg14 : memref<4000xf32, #tpu.memory_space<vmem>>) dst(%dma_wait3A_581 : memref<4000xf32, #tpu.memory_space<hbm>>)
    %dma_wait3A_582 = tpu.memref_slice %arg4[%add3A_577] : memref<2560000xf32, #tpu.memory_space<hbm>> -> memref<4000xf32, #tpu.memory_space<hbm>>
    %dma_wait3A_583 = tpu.memref_slice %arg4[%add3A_577] : memref<2560000xf32, #tpu.memory_space<hbm>> -> memref<4000xf32, #tpu.memory_space<hbm>>
    tpu.wait_dma2 semaphore(%arg18 : memref<!tpu.dma_semaphore, #tpu.memory_space<semaphore_mem>>) src(%arg15 : memref<4000xf32, #tpu.memory_space<vmem>>) dst(%dma_wait3A_583 : memref<4000xf32, #tpu.memory_space<hbm>>)
    return
  }
}

#map = affine_map<(d0, d1) -> (0, 0, 0, 0)>
#map1 = affine_map<(d0, d1) -> (0)>
module attributes {stable_mosaic.version = 14 : i64} {
  func.func @_sc_degree_body(%arg0: i32, %arg1: i32, %arg2: memref<2x32x79x128xi32, #tpu.memory_space<hbm>>, %arg3: memref<20000xf32, #tpu.memory_space<hbm>>, %arg4: memref<10000xf32, #tpu.memory_space<vmem_shared>>, %arg5: memref<79x128xi32, #tpu.memory_space<vmem>>, %arg6: memref<2x128xf32, #tpu.memory_space<vmem>>, %arg7: memref<2000xf32, #tpu.memory_space<vmem>>, %arg8: memref<!tpu.dma_semaphore, #tpu.memory_space<semaphore_mem>>) attributes {dimension_semantics = [#tpu.dimension_semantics<core_parallel>, #tpu.dimension_semantics<subcore_parallel>], iteration_bounds = array<i64: 2, 16>, scalar_prefetch = 0 : i64, scratch_operands = 5 : i64, tpu.core_type = #tpu.core_type<sc_vector_subcore>, window_params = [{transform_indices = #map}, {transform_indices = #map1}]} {
    %mul3A = arith.constant 16 : i32
    %mul3A_0 = arith.muli %arg0, %mul3A : i32
    %add3A = arith.addi %mul3A_0, %arg1 : i32
    %broadcast_in_dim3A = arith.constant 1.000000e+00 : f32
    %broadcast_in_dim3A_1 = vector.broadcast %broadcast_in_dim3A : f32 to vector<16xf32>
    %broadcast_in_dim3A_2 = arith.constant 0.000000e+00 : f32
    %broadcast_in_dim3A_3 = vector.broadcast %broadcast_in_dim3A_2 : f32 to vector<16xf32>
    %swap3A = arith.constant 0 : i32
    %swap3A_4 = arith.index_cast %swap3A : i32 to index
    %swap3A_5 = arith.constant 0 : index
    %swap3A_6 = tpu.vector_load %arg6[%swap3A_4, %swap3A_5] {strides = array<i32>} : memref<2x128xf32, #tpu.memory_space<vmem>>, vector<1x16xf32>,
    %swap3A_7 = vector.shape_cast %swap3A_6 : vector<1x16xf32> to vector<16xf32>
    %swap3A_8 = vector.shape_cast %broadcast_in_dim3A_1 : vector<16xf32> to vector<1x16xf32>
    tpu.vector_store %arg6[%swap3A_4, %swap3A_5], %swap3A_8 {strides = array<i32>} : memref<2x128xf32, #tpu.memory_space<vmem>>, vector<1x16xf32>,
    %swap3A_9 = arith.constant 1 : i32
    %swap3A_10 = arith.index_cast %swap3A_9 : i32 to index
    %swap3A_11 = arith.constant 0 : index
    %swap3A_12 = tpu.vector_load %arg6[%swap3A_10, %swap3A_11] {strides = array<i32>} : memref<2x128xf32, #tpu.memory_space<vmem>>, vector<1x16xf32>,
    %swap3A_13 = vector.shape_cast %swap3A_12 : vector<1x16xf32> to vector<16xf32>
    %swap3A_14 = vector.shape_cast %broadcast_in_dim3A_1 : vector<16xf32> to vector<1x16xf32>
    tpu.vector_store %arg6[%swap3A_10, %swap3A_11], %swap3A_14 {strides = array<i32>} : memref<2x128xf32, #tpu.memory_space<vmem>>, vector<1x16xf32>,
    %swap3A_15 = arith.constant 0 : i32
    %swap3A_16 = arith.index_cast %swap3A_15 : i32 to index
    %swap3A_17 = arith.constant 16 : index
    %swap3A_18 = tpu.vector_load %arg6[%swap3A_16, %swap3A_17] {strides = array<i32>} : memref<2x128xf32, #tpu.memory_space<vmem>>, vector<1x16xf32>,
    %swap3A_19 = vector.shape_cast %swap3A_18 : vector<1x16xf32> to vector<16xf32>
    %swap3A_20 = vector.shape_cast %broadcast_in_dim3A_1 : vector<16xf32> to vector<1x16xf32>
    tpu.vector_store %arg6[%swap3A_16, %swap3A_17], %swap3A_20 {strides = array<i32>} : memref<2x128xf32, #tpu.memory_space<vmem>>, vector<1x16xf32>,
    %swap3A_21 = arith.constant 1 : i32
    %swap3A_22 = arith.index_cast %swap3A_21 : i32 to index
    %swap3A_23 = arith.constant 16 : index
    %swap3A_24 = tpu.vector_load %arg6[%swap3A_22, %swap3A_23] {strides = array<i32>} : memref<2x128xf32, #tpu.memory_space<vmem>>, vector<1x16xf32>,
    %swap3A_25 = vector.shape_cast %swap3A_24 : vector<1x16xf32> to vector<16xf32>
    %swap3A_26 = vector.shape_cast %broadcast_in_dim3A_3 : vector<16xf32> to vector<1x16xf32>
    tpu.vector_store %arg6[%swap3A_22, %swap3A_23], %swap3A_26 {strides = array<i32>} : memref<2x128xf32, #tpu.memory_space<vmem>>, vector<1x16xf32>,
    %swap3A_27 = arith.constant 0 : i32
    %swap3A_28 = arith.index_cast %swap3A_27 : i32 to index
    %swap3A_29 = arith.constant 32 : index
    %swap3A_30 = tpu.vector_load %arg6[%swap3A_28, %swap3A_29] {strides = array<i32>} : memref<2x128xf32, #tpu.memory_space<vmem>>, vector<1x16xf32>,
    %swap3A_31 = vector.shape_cast %swap3A_30 : vector<1x16xf32> to vector<16xf32>
    %swap3A_32 = vector.shape_cast %broadcast_in_dim3A_1 : vector<16xf32> to vector<1x16xf32>
    tpu.vector_store %arg6[%swap3A_28, %swap3A_29], %swap3A_32 {strides = array<i32>} : memref<2x128xf32, #tpu.memory_space<vmem>>, vector<1x16xf32>,
    %swap3A_33 = arith.constant 1 : i32
    %swap3A_34 = arith.index_cast %swap3A_33 : i32 to index
    %swap3A_35 = arith.constant 32 : index
    %swap3A_36 = tpu.vector_load %arg6[%swap3A_34, %swap3A_35] {strides = array<i32>} : memref<2x128xf32, #tpu.memory_space<vmem>>, vector<1x16xf32>,
    %swap3A_37 = vector.shape_cast %swap3A_36 : vector<1x16xf32> to vector<16xf32>
    %swap3A_38 = vector.shape_cast %broadcast_in_dim3A_3 : vector<16xf32> to vector<1x16xf32>
    tpu.vector_store %arg6[%swap3A_34, %swap3A_35], %swap3A_38 {strides = array<i32>} : memref<2x128xf32, #tpu.memory_space<vmem>>, vector<1x16xf32>,
    %swap3A_39 = arith.constant 0 : i32
    %swap3A_40 = arith.index_cast %swap3A_39 : i32 to index
    %swap3A_41 = arith.constant 48 : index
    %swap3A_42 = tpu.vector_load %arg6[%swap3A_40, %swap3A_41] {strides = array<i32>} : memref<2x128xf32, #tpu.memory_space<vmem>>, vector<1x16xf32>,
    %swap3A_43 = vector.shape_cast %swap3A_42 : vector<1x16xf32> to vector<16xf32>
    %swap3A_44 = vector.shape_cast %broadcast_in_dim3A_1 : vector<16xf32> to vector<1x16xf32>
    tpu.vector_store %arg6[%swap3A_40, %swap3A_41], %swap3A_44 {strides = array<i32>} : memref<2x128xf32, #tpu.memory_space<vmem>>, vector<1x16xf32>,
    %swap3A_45 = arith.constant 1 : i32
    %swap3A_46 = arith.index_cast %swap3A_45 : i32 to index
    %swap3A_47 = arith.constant 48 : index
    %swap3A_48 = tpu.vector_load %arg6[%swap3A_46, %swap3A_47] {strides = array<i32>} : memref<2x128xf32, #tpu.memory_space<vmem>>, vector<1x16xf32>,
    %swap3A_49 = vector.shape_cast %swap3A_48 : vector<1x16xf32> to vector<16xf32>
    %swap3A_50 = vector.shape_cast %broadcast_in_dim3A_3 : vector<16xf32> to vector<1x16xf32>
    tpu.vector_store %arg6[%swap3A_46, %swap3A_47], %swap3A_50 {strides = array<i32>} : memref<2x128xf32, #tpu.memory_space<vmem>>, vector<1x16xf32>,
    %swap3A_51 = arith.constant 0 : i32
    %swap3A_52 = arith.index_cast %swap3A_51 : i32 to index
    %swap3A_53 = arith.constant 64 : index
    %swap3A_54 = tpu.vector_load %arg6[%swap3A_52, %swap3A_53] {strides = array<i32>} : memref<2x128xf32, #tpu.memory_space<vmem>>, vector<1x16xf32>,
    %swap3A_55 = vector.shape_cast %swap3A_54 : vector<1x16xf32> to vector<16xf32>
    %swap3A_56 = vector.shape_cast %broadcast_in_dim3A_1 : vector<16xf32> to vector<1x16xf32>
    tpu.vector_store %arg6[%swap3A_52, %swap3A_53], %swap3A_56 {strides = array<i32>} : memref<2x128xf32, #tpu.memory_space<vmem>>, vector<1x16xf32>,
    %swap3A_57 = arith.constant 1 : i32
    %swap3A_58 = arith.index_cast %swap3A_57 : i32 to index
    %swap3A_59 = arith.constant 64 : index
    %swap3A_60 = tpu.vector_load %arg6[%swap3A_58, %swap3A_59] {strides = array<i32>} : memref<2x128xf32, #tpu.memory_space<vmem>>, vector<1x16xf32>,
    %swap3A_61 = vector.shape_cast %swap3A_60 : vector<1x16xf32> to vector<16xf32>
    %swap3A_62 = vector.shape_cast %broadcast_in_dim3A_3 : vector<16xf32> to vector<1x16xf32>
    tpu.vector_store %arg6[%swap3A_58, %swap3A_59], %swap3A_62 {strides = array<i32>} : memref<2x128xf32, #tpu.memory_space<vmem>>, vector<1x16xf32>,
    %swap3A_63 = arith.constant 0 : i32
    %swap3A_64 = arith.index_cast %swap3A_63 : i32 to index
    %swap3A_65 = arith.constant 80 : index
    %swap3A_66 = tpu.vector_load %arg6[%swap3A_64, %swap3A_65] {strides = array<i32>} : memref<2x128xf32, #tpu.memory_space<vmem>>, vector<1x16xf32>,
    %swap3A_67 = vector.shape_cast %swap3A_66 : vector<1x16xf32> to vector<16xf32>
    %swap3A_68 = vector.shape_cast %broadcast_in_dim3A_1 : vector<16xf32> to vector<1x16xf32>
    tpu.vector_store %arg6[%swap3A_64, %swap3A_65], %swap3A_68 {strides = array<i32>} : memref<2x128xf32, #tpu.memory_space<vmem>>, vector<1x16xf32>,
    %swap3A_69 = arith.constant 1 : i32
    %swap3A_70 = arith.index_cast %swap3A_69 : i32 to index
    %swap3A_71 = arith.constant 80 : index
    %swap3A_72 = tpu.vector_load %arg6[%swap3A_70, %swap3A_71] {strides = array<i32>} : memref<2x128xf32, #tpu.memory_space<vmem>>, vector<1x16xf32>,
    %swap3A_73 = vector.shape_cast %swap3A_72 : vector<1x16xf32> to vector<16xf32>
    %swap3A_74 = vector.shape_cast %broadcast_in_dim3A_3 : vector<16xf32> to vector<1x16xf32>
    tpu.vector_store %arg6[%swap3A_70, %swap3A_71], %swap3A_74 {strides = array<i32>} : memref<2x128xf32, #tpu.memory_space<vmem>>, vector<1x16xf32>,
    %swap3A_75 = arith.constant 0 : i32
    %swap3A_76 = arith.index_cast %swap3A_75 : i32 to index
    %swap3A_77 = arith.constant 96 : index
    %swap3A_78 = tpu.vector_load %arg6[%swap3A_76, %swap3A_77] {strides = array<i32>} : memref<2x128xf32, #tpu.memory_space<vmem>>, vector<1x16xf32>,
    %swap3A_79 = vector.shape_cast %swap3A_78 : vector<1x16xf32> to vector<16xf32>
    %swap3A_80 = vector.shape_cast %broadcast_in_dim3A_1 : vector<16xf32> to vector<1x16xf32>
    tpu.vector_store %arg6[%swap3A_76, %swap3A_77], %swap3A_80 {strides = array<i32>} : memref<2x128xf32, #tpu.memory_space<vmem>>, vector<1x16xf32>,
    %swap3A_81 = arith.constant 1 : i32
    %swap3A_82 = arith.index_cast %swap3A_81 : i32 to index
    %swap3A_83 = arith.constant 96 : index
    %swap3A_84 = tpu.vector_load %arg6[%swap3A_82, %swap3A_83] {strides = array<i32>} : memref<2x128xf32, #tpu.memory_space<vmem>>, vector<1x16xf32>,
    %swap3A_85 = vector.shape_cast %swap3A_84 : vector<1x16xf32> to vector<16xf32>
    %swap3A_86 = vector.shape_cast %broadcast_in_dim3A_3 : vector<16xf32> to vector<1x16xf32>
    tpu.vector_store %arg6[%swap3A_82, %swap3A_83], %swap3A_86 {strides = array<i32>} : memref<2x128xf32, #tpu.memory_space<vmem>>, vector<1x16xf32>,
    %swap3A_87 = arith.constant 0 : i32
    %swap3A_88 = arith.index_cast %swap3A_87 : i32 to index
    %swap3A_89 = arith.constant 112 : index
    %swap3A_90 = tpu.vector_load %arg6[%swap3A_88, %swap3A_89] {strides = array<i32>} : memref<2x128xf32, #tpu.memory_space<vmem>>, vector<1x16xf32>,
    %swap3A_91 = vector.shape_cast %swap3A_90 : vector<1x16xf32> to vector<16xf32>
    %swap3A_92 = vector.shape_cast %broadcast_in_dim3A_1 : vector<16xf32> to vector<1x16xf32>
    tpu.vector_store %arg6[%swap3A_88, %swap3A_89], %swap3A_92 {strides = array<i32>} : memref<2x128xf32, #tpu.memory_space<vmem>>, vector<1x16xf32>,
    %swap3A_93 = arith.constant 1 : i32
    %swap3A_94 = arith.index_cast %swap3A_93 : i32 to index
    %swap3A_95 = arith.constant 112 : index
    %swap3A_96 = tpu.vector_load %arg6[%swap3A_94, %swap3A_95] {strides = array<i32>} : memref<2x128xf32, #tpu.memory_space<vmem>>, vector<1x16xf32>,
    %swap3A_97 = vector.shape_cast %swap3A_96 : vector<1x16xf32> to vector<16xf32>
    %swap3A_98 = vector.shape_cast %broadcast_in_dim3A_3 : vector<16xf32> to vector<1x16xf32>
    tpu.vector_store %arg6[%swap3A_94, %swap3A_95], %swap3A_98 {strides = array<i32>} : memref<2x128xf32, #tpu.memory_space<vmem>>, vector<1x16xf32>,
    %scan3A = arith.constant 0 : i32
    %scan3A_99 = arith.constant 125 : i32
    %scan3A_100 = arith.addi %scan3A, %scan3A_99 : i32
    %scan3A_101 = arith.constant 1 : i32
    scf.for %scan3A_118 = %scan3A to %scan3A_100 step %scan3A_101  : i32 {
      %mul3A_119 = arith.constant 1 : i32
      %mul3A_120 = arith.muli %scan3A_118, %mul3A_119 : i32
      %add3A_121 = arith.constant 0 : i32
      %add3A_122 = arith.addi %add3A_121, %mul3A_120 : i32
      %broadcast_in_dim3A_123 = arith.constant 0.000000e+00 : f32
      %broadcast_in_dim3A_124 = vector.broadcast %broadcast_in_dim3A_123 : f32 to vector<16xf32>
      %mul3A_125 = arith.constant 16 : i32
      %mul3A_126 = arith.muli %add3A_122, %mul3A_125 : i32
      %swap3A_127 = arith.index_cast %mul3A_126 : i32 to index
      %swap3A_128 = tpu.vector_load %arg7[%swap3A_127] {strides = array<i32>} : memref<2000xf32, #tpu.memory_space<vmem>>, vector<16xf32>,
      %swap3A_129 = vector.shape_cast %swap3A_128 : vector<16xf32> to vector<16xf32>
      %swap3A_130 = vector.shape_cast %broadcast_in_dim3A_124 : vector<16xf32> to vector<16xf32>
      tpu.vector_store %arg7[%swap3A_127], %swap3A_130 {strides = array<i32>} : memref<2000xf32, #tpu.memory_space<vmem>>, vector<16xf32>,
    }
    %scan3A_102 = arith.constant 125 : i32
    %eq3A = arith.constant 0 : i32
    %eq3A_103 = arith.cmpi eq, %arg1, %eq3A : i32
    %convert_element_type3A = arith.extui %eq3A_103 : i1 to i32
    %cond3A = arith.constant 0 : i32
    %cond3A_104 = arith.cmpi ne, %convert_element_type3A, %cond3A : i32
    scf.if %cond3A_104 {
      %scan3A_118 = arith.constant 0 : i32
      %scan3A_119 = arith.constant 5 : i32
      %scan3A_120 = arith.addi %scan3A_118, %scan3A_119 : i32
      %scan3A_121 = arith.constant 1 : i32
      scf.for %scan3A_123 = %scan3A_118 to %scan3A_120 step %scan3A_121  : i32 {
        %mul3A_124 = arith.constant 1 : i32
        %mul3A_125 = arith.muli %scan3A_123, %mul3A_124 : i32
        %add3A_126 = arith.constant 0 : i32
        %add3A_127 = arith.addi %add3A_126, %mul3A_125 : i32
        %mul3A_128 = arith.constant 2000 : i32
        %mul3A_129 = arith.muli %add3A_127, %mul3A_128 : i32
        "tpu.region"() ({
          %run_scoped3A_130 = tpu.sem_alloc : memref<!tpu.dma_semaphore, #tpu.memory_space<semaphore_mem>>
          %dma_start3A = tpu.memref_slice %arg4[%mul3A_129] : memref<10000xf32, #tpu.memory_space<vmem_shared>> -> memref<2000xf32, #tpu.memory_space<vmem_shared>>
          %dma_start3A_131 = tpu.memref_slice %arg4[%mul3A_129] : memref<10000xf32, #tpu.memory_space<vmem_shared>> -> memref<2000xf32, #tpu.memory_space<vmem_shared>>
          tpu.enqueue_dma source(%arg7 : memref<2000xf32, #tpu.memory_space<vmem>>) target(%dma_start3A_131 : memref<2000xf32, #tpu.memory_space<vmem_shared>>) target_semaphore(%run_scoped3A_130 : memref<!tpu.dma_semaphore, #tpu.memory_space<semaphore_mem>>)
          %dma_wait3A = tpu.memref_slice %arg4[%mul3A_129] : memref<10000xf32, #tpu.memory_space<vmem_shared>> -> memref<2000xf32, #tpu.memory_space<vmem_shared>>
          %dma_wait3A_132 = tpu.memref_slice %arg4[%mul3A_129] : memref<10000xf32, #tpu.memory_space<vmem_shared>> -> memref<2000xf32, #tpu.memory_space<vmem_shared>>
          tpu.wait_dma2 semaphore(%run_scoped3A_130 : memref<!tpu.dma_semaphore, #tpu.memory_space<semaphore_mem>>) src(%arg7 : memref<2000xf32, #tpu.memory_space<vmem>>) dst(%dma_wait3A_132 : memref<2000xf32, #tpu.memory_space<vmem_shared>>)
          tpu.yield
        }) : () -> ()
      }
      %scan3A_122 = arith.constant 5 : i32
    } else {
    }
    %run_scoped3A = arith.constant 1 : i32
    "tpu.region"() ({
      %run_scoped3A_118 = tpu.sem_alloc : memref<!tpu.dma_semaphore, #tpu.memory_space<semaphore_mem>>
      %dma_start3A = arith.constant 0 : i32
      %dma_start3A_119 = arith.constant 0 : i32
      %dma_start3A_120 = tpu.memref_slice %arg2[%run_scoped3A, %add3A, %dma_start3A, %dma_start3A_119] : memref<2x32x79x128xi32, #tpu.memory_space<hbm>> -> memref<1x1x79x128xi32, #tpu.memory_space<hbm>>
      %dma_start3A_121 = tpu.memref_squeeze %dma_start3A_120 : memref<1x1x79x128xi32, #tpu.memory_space<hbm>> -> memref<79x128xi32, #tpu.memory_space<hbm>>
      %dma_start3A_122 = arith.constant 0 : i32
      %dma_start3A_123 = arith.constant 0 : i32
      %dma_start3A_124 = tpu.memref_slice %arg2[%run_scoped3A, %add3A, %dma_start3A_122, %dma_start3A_123] : memref<2x32x79x128xi32, #tpu.memory_space<hbm>> -> memref<1x1x79x128xi32, #tpu.memory_space<hbm>>
      %dma_start3A_125 = tpu.memref_squeeze %dma_start3A_124 : memref<1x1x79x128xi32, #tpu.memory_space<hbm>> -> memref<79x128xi32, #tpu.memory_space<hbm>>
      tpu.enqueue_dma source(%dma_start3A_125 : memref<79x128xi32, #tpu.memory_space<hbm>>) target(%arg5 : memref<79x128xi32, #tpu.memory_space<vmem>>) target_semaphore(%run_scoped3A_118 : memref<!tpu.dma_semaphore, #tpu.memory_space<semaphore_mem>>)
      %dma_wait3A = arith.constant 0 : i32
      %dma_wait3A_126 = arith.constant 0 : i32
      %dma_wait3A_127 = tpu.memref_slice %arg2[%run_scoped3A, %add3A, %dma_wait3A, %dma_wait3A_126] : memref<2x32x79x128xi32, #tpu.memory_space<hbm>> -> memref<1x1x79x128xi32, #tpu.memory_space<hbm>>
      %dma_wait3A_128 = tpu.memref_squeeze %dma_wait3A_127 : memref<1x1x79x128xi32, #tpu.memory_space<hbm>> -> memref<79x128xi32, #tpu.memory_space<hbm>>
      %dma_wait3A_129 = arith.constant 0 : i32
      %dma_wait3A_130 = arith.constant 0 : i32
      %dma_wait3A_131 = tpu.memref_slice %arg2[%run_scoped3A, %add3A, %dma_wait3A_129, %dma_wait3A_130] : memref<2x32x79x128xi32, #tpu.memory_space<hbm>> -> memref<1x1x79x128xi32, #tpu.memory_space<hbm>>
      %dma_wait3A_132 = tpu.memref_squeeze %dma_wait3A_131 : memref<1x1x79x128xi32, #tpu.memory_space<hbm>> -> memref<79x128xi32, #tpu.memory_space<hbm>>
      tpu.wait_dma2 semaphore(%run_scoped3A_118 : memref<!tpu.dma_semaphore, #tpu.memory_space<semaphore_mem>>) src(%dma_wait3A_132 : memref<79x128xi32, #tpu.memory_space<hbm>>) dst(%arg5 : memref<79x128xi32, #tpu.memory_space<vmem>>)
      tpu.yield
    }) : () -> ()
    %barrier3A = arith.constant 0 : index
    tpu.barrier barrier_id(%barrier3A)
    %scan3A_105 = arith.constant 0 : i32
    %scan3A_106 = arith.constant 6 : i32
    %scan3A_107 = arith.addi %scan3A_105, %scan3A_106 : i32
    %scan3A_108 = arith.constant 1 : i32
    scf.for %scan3A_118 = %scan3A_105 to %scan3A_107 step %scan3A_108  : i32 {
      %mul3A_119 = arith.constant 1 : i32
      %mul3A_120 = arith.muli %scan3A_118, %mul3A_119 : i32
      %add3A_121 = arith.constant 0 : i32
      %add3A_122 = arith.addi %add3A_121, %mul3A_120 : i32
      %mul3A_123 = arith.constant 13 : i32
      %mul3A_124 = arith.muli %add3A_122, %mul3A_123 : i32
      %add3A_125 = arith.constant 0 : i32
      %add3A_126 = arith.addi %mul3A_124, %add3A_125 : i32
      %dma_start3A = arith.constant 0 : i32
      %dma_start3A_127 = arith.constant 0 : i32
      %dma_start3A_128 = tpu.memref_slice %arg6[%dma_start3A, %dma_start3A_127] : memref<2x128xf32, #tpu.memory_space<vmem>> -> memref<1x128xf32, #tpu.memory_space<vmem>>
      %dma_start3A_129 = tpu.memref_squeeze %dma_start3A_128 : memref<1x128xf32, #tpu.memory_space<vmem>> -> memref<128xf32, #tpu.memory_space<vmem>>
      %dma_start3A_130 = arith.constant 0 : i32
      %dma_start3A_131 = tpu.memref_slice %arg5[%add3A_126, %dma_start3A_130] : memref<79x128xi32, #tpu.memory_space<vmem>> -> memref<1x128xi32, #tpu.memory_space<vmem>>
      %dma_start3A_132 = tpu.memref_squeeze %dma_start3A_131 : memref<1x128xi32, #tpu.memory_space<vmem>> -> memref<128xi32, #tpu.memory_space<vmem>>
      %dma_start3A_133 = arith.constant 0 : i32
      %dma_start3A_134 = tpu.memref_slice %arg4[%dma_start3A_133] : memref<10000xf32, #tpu.memory_space<vmem_shared>> -> memref<10000xf32, #tpu.memory_space<vmem_shared>>
      tpu.enqueue_indirect_dma source(%dma_start3A_129 : memref<128xf32, #tpu.memory_space<vmem>>) target(%dma_start3A_134 : memref<10000xf32, #tpu.memory_space<vmem_shared>>) offsets(%dma_start3A_132 : memref<128xi32, #tpu.memory_space<vmem>>) semaphore(%arg8 : memref<!tpu.dma_semaphore, #tpu.memory_space<semaphore_mem>>) {add = true}
      %mul3A_135 = arith.constant 13 : i32
      %mul3A_136 = arith.muli %add3A_122, %mul3A_135 : i32
      %add3A_137 = arith.constant 1 : i32
      %add3A_138 = arith.addi %mul3A_136, %add3A_137 : i32
      %dma_start3A_139 = arith.constant 0 : i32
      %dma_start3A_140 = arith.constant 0 : i32
      %dma_start3A_141 = tpu.memref_slice %arg6[%dma_start3A_139, %dma_start3A_140] : memref<2x128xf32, #tpu.memory_space<vmem>> -> memref<1x128xf32, #tpu.memory_space<vmem>>
      %dma_start3A_142 = tpu.memref_squeeze %dma_start3A_141 : memref<1x128xf32, #tpu.memory_space<vmem>> -> memref<128xf32, #tpu.memory_space<vmem>>
      %dma_start3A_143 = arith.constant 0 : i32
      %dma_start3A_144 = tpu.memref_slice %arg5[%add3A_138, %dma_start3A_143] : memref<79x128xi32, #tpu.memory_space<vmem>> -> memref<1x128xi32, #tpu.memory_space<vmem>>
      %dma_start3A_145 = tpu.memref_squeeze %dma_start3A_144 : memref<1x128xi32, #tpu.memory_space<vmem>> -> memref<128xi32, #tpu.memory_space<vmem>>
      %dma_start3A_146 = arith.constant 0 : i32
      %dma_start3A_147 = tpu.memref_slice %arg4[%dma_start3A_146] : memref<10000xf32, #tpu.memory_space<vmem_shared>> -> memref<10000xf32, #tpu.memory_space<vmem_shared>>
      tpu.enqueue_indirect_dma source(%dma_start3A_142 : memref<128xf32, #tpu.memory_space<vmem>>) target(%dma_start3A_147 : memref<10000xf32, #tpu.memory_space<vmem_shared>>) offsets(%dma_start3A_145 : memref<128xi32, #tpu.memory_space<vmem>>) semaphore(%arg8 : memref<!tpu.dma_semaphore, #tpu.memory_space<semaphore_mem>>) {add = true}
      %mul3A_148 = arith.constant 13 : i32
      %mul3A_149 = arith.muli %add3A_122, %mul3A_148 : i32
      %add3A_150 = arith.constant 2 : i32
      %add3A_151 = arith.addi %mul3A_149, %add3A_150 : i32
      %dma_start3A_152 = arith.constant 0 : i32
      %dma_start3A_153 = arith.constant 0 : i32
      %dma_start3A_154 = tpu.memref_slice %arg6[%dma_start3A_152, %dma_start3A_153] : memref<2x128xf32, #tpu.memory_space<vmem>> -> memref<1x128xf32, #tpu.memory_space<vmem>>
      %dma_start3A_155 = tpu.memref_squeeze %dma_start3A_154 : memref<1x128xf32, #tpu.memory_space<vmem>> -> memref<128xf32, #tpu.memory_space<vmem>>
      %dma_start3A_156 = arith.constant 0 : i32
      %dma_start3A_157 = tpu.memref_slice %arg5[%add3A_151, %dma_start3A_156] : memref<79x128xi32, #tpu.memory_space<vmem>> -> memref<1x128xi32, #tpu.memory_space<vmem>>
      %dma_start3A_158 = tpu.memref_squeeze %dma_start3A_157 : memref<1x128xi32, #tpu.memory_space<vmem>> -> memref<128xi32, #tpu.memory_space<vmem>>
      %dma_start3A_159 = arith.constant 0 : i32
      %dma_start3A_160 = tpu.memref_slice %arg4[%dma_start3A_159] : memref<10000xf32, #tpu.memory_space<vmem_shared>> -> memref<10000xf32, #tpu.memory_space<vmem_shared>>
      tpu.enqueue_indirect_dma source(%dma_start3A_155 : memref<128xf32, #tpu.memory_space<vmem>>) target(%dma_start3A_160 : memref<10000xf32, #tpu.memory_space<vmem_shared>>) offsets(%dma_start3A_158 : memref<128xi32, #tpu.memory_space<vmem>>) semaphore(%arg8 : memref<!tpu.dma_semaphore, #tpu.memory_space<semaphore_mem>>) {add = true}
      %mul3A_161 = arith.constant 13 : i32
      %mul3A_162 = arith.muli %add3A_122, %mul3A_161 : i32
      %add3A_163 = arith.constant 3 : i32
      %add3A_164 = arith.addi %mul3A_162, %add3A_163 : i32
      %dma_start3A_165 = arith.constant 0 : i32
      %dma_start3A_166 = arith.constant 0 : i32
      %dma_start3A_167 = tpu.memref_slice %arg6[%dma_start3A_165, %dma_start3A_166] : memref<2x128xf32, #tpu.memory_space<vmem>> -> memref<1x128xf32, #tpu.memory_space<vmem>>
      %dma_start3A_168 = tpu.memref_squeeze %dma_start3A_167 : memref<1x128xf32, #tpu.memory_space<vmem>> -> memref<128xf32, #tpu.memory_space<vmem>>
      %dma_start3A_169 = arith.constant 0 : i32
      %dma_start3A_170 = tpu.memref_slice %arg5[%add3A_164, %dma_start3A_169] : memref<79x128xi32, #tpu.memory_space<vmem>> -> memref<1x128xi32, #tpu.memory_space<vmem>>
      %dma_start3A_171 = tpu.memref_squeeze %dma_start3A_170 : memref<1x128xi32, #tpu.memory_space<vmem>> -> memref<128xi32, #tpu.memory_space<vmem>>
      %dma_start3A_172 = arith.constant 0 : i32
      %dma_start3A_173 = tpu.memref_slice %arg4[%dma_start3A_172] : memref<10000xf32, #tpu.memory_space<vmem_shared>> -> memref<10000xf32, #tpu.memory_space<vmem_shared>>
      tpu.enqueue_indirect_dma source(%dma_start3A_168 : memref<128xf32, #tpu.memory_space<vmem>>) target(%dma_start3A_173 : memref<10000xf32, #tpu.memory_space<vmem_shared>>) offsets(%dma_start3A_171 : memref<128xi32, #tpu.memory_space<vmem>>) semaphore(%arg8 : memref<!tpu.dma_semaphore, #tpu.memory_space<semaphore_mem>>) {add = true}
      %mul3A_174 = arith.constant 13 : i32
      %mul3A_175 = arith.muli %add3A_122, %mul3A_174 : i32
      %add3A_176 = arith.constant 4 : i32
      %add3A_177 = arith.addi %mul3A_175, %add3A_176 : i32
      %dma_start3A_178 = arith.constant 0 : i32
      %dma_start3A_179 = arith.constant 0 : i32
      %dma_start3A_180 = tpu.memref_slice %arg6[%dma_start3A_178, %dma_start3A_179] : memref<2x128xf32, #tpu.memory_space<vmem>> -> memref<1x128xf32, #tpu.memory_space<vmem>>
      %dma_start3A_181 = tpu.memref_squeeze %dma_start3A_180 : memref<1x128xf32, #tpu.memory_space<vmem>> -> memref<128xf32, #tpu.memory_space<vmem>>
      %dma_start3A_182 = arith.constant 0 : i32
      %dma_start3A_183 = tpu.memref_slice %arg5[%add3A_177, %dma_start3A_182] : memref<79x128xi32, #tpu.memory_space<vmem>> -> memref<1x128xi32, #tpu.memory_space<vmem>>
      %dma_start3A_184 = tpu.memref_squeeze %dma_start3A_183 : memref<1x128xi32, #tpu.memory_space<vmem>> -> memref<128xi32, #tpu.memory_space<vmem>>
      %dma_start3A_185 = arith.constant 0 : i32
      %dma_start3A_186 = tpu.memref_slice %arg4[%dma_start3A_185] : memref<10000xf32, #tpu.memory_space<vmem_shared>> -> memref<10000xf32, #tpu.memory_space<vmem_shared>>
      tpu.enqueue_indirect_dma source(%dma_start3A_181 : memref<128xf32, #tpu.memory_space<vmem>>) target(%dma_start3A_186 : memref<10000xf32, #tpu.memory_space<vmem_shared>>) offsets(%dma_start3A_184 : memref<128xi32, #tpu.memory_space<vmem>>) semaphore(%arg8 : memref<!tpu.dma_semaphore, #tpu.memory_space<semaphore_mem>>) {add = true}
      %mul3A_187 = arith.constant 13 : i32
      %mul3A_188 = arith.muli %add3A_122, %mul3A_187 : i32
      %add3A_189 = arith.constant 5 : i32
      %add3A_190 = arith.addi %mul3A_188, %add3A_189 : i32
      %dma_start3A_191 = arith.constant 0 : i32
      %dma_start3A_192 = arith.constant 0 : i32
      %dma_start3A_193 = tpu.memref_slice %arg6[%dma_start3A_191, %dma_start3A_192] : memref<2x128xf32, #tpu.memory_space<vmem>> -> memref<1x128xf32, #tpu.memory_space<vmem>>
      %dma_start3A_194 = tpu.memref_squeeze %dma_start3A_193 : memref<1x128xf32, #tpu.memory_space<vmem>> -> memref<128xf32, #tpu.memory_space<vmem>>
      %dma_start3A_195 = arith.constant 0 : i32
      %dma_start3A_196 = tpu.memref_slice %arg5[%add3A_190, %dma_start3A_195] : memref<79x128xi32, #tpu.memory_space<vmem>> -> memref<1x128xi32, #tpu.memory_space<vmem>>
      %dma_start3A_197 = tpu.memref_squeeze %dma_start3A_196 : memref<1x128xi32, #tpu.memory_space<vmem>> -> memref<128xi32, #tpu.memory_space<vmem>>
      %dma_start3A_198 = arith.constant 0 : i32
      %dma_start3A_199 = tpu.memref_slice %arg4[%dma_start3A_198] : memref<10000xf32, #tpu.memory_space<vmem_shared>> -> memref<10000xf32, #tpu.memory_space<vmem_shared>>
      tpu.enqueue_indirect_dma source(%dma_start3A_194 : memref<128xf32, #tpu.memory_space<vmem>>) target(%dma_start3A_199 : memref<10000xf32, #tpu.memory_space<vmem_shared>>) offsets(%dma_start3A_197 : memref<128xi32, #tpu.memory_space<vmem>>) semaphore(%arg8 : memref<!tpu.dma_semaphore, #tpu.memory_space<semaphore_mem>>) {add = true}
      %mul3A_200 = arith.constant 13 : i32
      %mul3A_201 = arith.muli %add3A_122, %mul3A_200 : i32
      %add3A_202 = arith.constant 6 : i32
      %add3A_203 = arith.addi %mul3A_201, %add3A_202 : i32
      %dma_start3A_204 = arith.constant 0 : i32
      %dma_start3A_205 = arith.constant 0 : i32
      %dma_start3A_206 = tpu.memref_slice %arg6[%dma_start3A_204, %dma_start3A_205] : memref<2x128xf32, #tpu.memory_space<vmem>> -> memref<1x128xf32, #tpu.memory_space<vmem>>
      %dma_start3A_207 = tpu.memref_squeeze %dma_start3A_206 : memref<1x128xf32, #tpu.memory_space<vmem>> -> memref<128xf32, #tpu.memory_space<vmem>>
      %dma_start3A_208 = arith.constant 0 : i32
      %dma_start3A_209 = tpu.memref_slice %arg5[%add3A_203, %dma_start3A_208] : memref<79x128xi32, #tpu.memory_space<vmem>> -> memref<1x128xi32, #tpu.memory_space<vmem>>
      %dma_start3A_210 = tpu.memref_squeeze %dma_start3A_209 : memref<1x128xi32, #tpu.memory_space<vmem>> -> memref<128xi32, #tpu.memory_space<vmem>>
      %dma_start3A_211 = arith.constant 0 : i32
      %dma_start3A_212 = tpu.memref_slice %arg4[%dma_start3A_211] : memref<10000xf32, #tpu.memory_space<vmem_shared>> -> memref<10000xf32, #tpu.memory_space<vmem_shared>>
      tpu.enqueue_indirect_dma source(%dma_start3A_207 : memref<128xf32, #tpu.memory_space<vmem>>) target(%dma_start3A_212 : memref<10000xf32, #tpu.memory_space<vmem_shared>>) offsets(%dma_start3A_210 : memref<128xi32, #tpu.memory_space<vmem>>) semaphore(%arg8 : memref<!tpu.dma_semaphore, #tpu.memory_space<semaphore_mem>>) {add = true}
      %mul3A_213 = arith.constant 13 : i32
      %mul3A_214 = arith.muli %add3A_122, %mul3A_213 : i32
      %add3A_215 = arith.constant 7 : i32
      %add3A_216 = arith.addi %mul3A_214, %add3A_215 : i32
      %dma_start3A_217 = arith.constant 0 : i32
      %dma_start3A_218 = arith.constant 0 : i32
      %dma_start3A_219 = tpu.memref_slice %arg6[%dma_start3A_217, %dma_start3A_218] : memref<2x128xf32, #tpu.memory_space<vmem>> -> memref<1x128xf32, #tpu.memory_space<vmem>>
      %dma_start3A_220 = tpu.memref_squeeze %dma_start3A_219 : memref<1x128xf32, #tpu.memory_space<vmem>> -> memref<128xf32, #tpu.memory_space<vmem>>
      %dma_start3A_221 = arith.constant 0 : i32
      %dma_start3A_222 = tpu.memref_slice %arg5[%add3A_216, %dma_start3A_221] : memref<79x128xi32, #tpu.memory_space<vmem>> -> memref<1x128xi32, #tpu.memory_space<vmem>>
      %dma_start3A_223 = tpu.memref_squeeze %dma_start3A_222 : memref<1x128xi32, #tpu.memory_space<vmem>> -> memref<128xi32, #tpu.memory_space<vmem>>
      %dma_start3A_224 = arith.constant 0 : i32
      %dma_start3A_225 = tpu.memref_slice %arg4[%dma_start3A_224] : memref<10000xf32, #tpu.memory_space<vmem_shared>> -> memref<10000xf32, #tpu.memory_space<vmem_shared>>
      tpu.enqueue_indirect_dma source(%dma_start3A_220 : memref<128xf32, #tpu.memory_space<vmem>>) target(%dma_start3A_225 : memref<10000xf32, #tpu.memory_space<vmem_shared>>) offsets(%dma_start3A_223 : memref<128xi32, #tpu.memory_space<vmem>>) semaphore(%arg8 : memref<!tpu.dma_semaphore, #tpu.memory_space<semaphore_mem>>) {add = true}
      %mul3A_226 = arith.constant 13 : i32
      %mul3A_227 = arith.muli %add3A_122, %mul3A_226 : i32
      %add3A_228 = arith.constant 8 : i32
      %add3A_229 = arith.addi %mul3A_227, %add3A_228 : i32
      %dma_start3A_230 = arith.constant 0 : i32
      %dma_start3A_231 = arith.constant 0 : i32
      %dma_start3A_232 = tpu.memref_slice %arg6[%dma_start3A_230, %dma_start3A_231] : memref<2x128xf32, #tpu.memory_space<vmem>> -> memref<1x128xf32, #tpu.memory_space<vmem>>
      %dma_start3A_233 = tpu.memref_squeeze %dma_start3A_232 : memref<1x128xf32, #tpu.memory_space<vmem>> -> memref<128xf32, #tpu.memory_space<vmem>>
      %dma_start3A_234 = arith.constant 0 : i32
      %dma_start3A_235 = tpu.memref_slice %arg5[%add3A_229, %dma_start3A_234] : memref<79x128xi32, #tpu.memory_space<vmem>> -> memref<1x128xi32, #tpu.memory_space<vmem>>
      %dma_start3A_236 = tpu.memref_squeeze %dma_start3A_235 : memref<1x128xi32, #tpu.memory_space<vmem>> -> memref<128xi32, #tpu.memory_space<vmem>>
      %dma_start3A_237 = arith.constant 0 : i32
      %dma_start3A_238 = tpu.memref_slice %arg4[%dma_start3A_237] : memref<10000xf32, #tpu.memory_space<vmem_shared>> -> memref<10000xf32, #tpu.memory_space<vmem_shared>>
      tpu.enqueue_indirect_dma source(%dma_start3A_233 : memref<128xf32, #tpu.memory_space<vmem>>) target(%dma_start3A_238 : memref<10000xf32, #tpu.memory_space<vmem_shared>>) offsets(%dma_start3A_236 : memref<128xi32, #tpu.memory_space<vmem>>) semaphore(%arg8 : memref<!tpu.dma_semaphore, #tpu.memory_space<semaphore_mem>>) {add = true}
      %mul3A_239 = arith.constant 13 : i32
      %mul3A_240 = arith.muli %add3A_122, %mul3A_239 : i32
      %add3A_241 = arith.constant 9 : i32
      %add3A_242 = arith.addi %mul3A_240, %add3A_241 : i32
      %dma_start3A_243 = arith.constant 0 : i32
      %dma_start3A_244 = arith.constant 0 : i32
      %dma_start3A_245 = tpu.memref_slice %arg6[%dma_start3A_243, %dma_start3A_244] : memref<2x128xf32, #tpu.memory_space<vmem>> -> memref<1x128xf32, #tpu.memory_space<vmem>>
      %dma_start3A_246 = tpu.memref_squeeze %dma_start3A_245 : memref<1x128xf32, #tpu.memory_space<vmem>> -> memref<128xf32, #tpu.memory_space<vmem>>
      %dma_start3A_247 = arith.constant 0 : i32
      %dma_start3A_248 = tpu.memref_slice %arg5[%add3A_242, %dma_start3A_247] : memref<79x128xi32, #tpu.memory_space<vmem>> -> memref<1x128xi32, #tpu.memory_space<vmem>>
      %dma_start3A_249 = tpu.memref_squeeze %dma_start3A_248 : memref<1x128xi32, #tpu.memory_space<vmem>> -> memref<128xi32, #tpu.memory_space<vmem>>
      %dma_start3A_250 = arith.constant 0 : i32
      %dma_start3A_251 = tpu.memref_slice %arg4[%dma_start3A_250] : memref<10000xf32, #tpu.memory_space<vmem_shared>> -> memref<10000xf32, #tpu.memory_space<vmem_shared>>
      tpu.enqueue_indirect_dma source(%dma_start3A_246 : memref<128xf32, #tpu.memory_space<vmem>>) target(%dma_start3A_251 : memref<10000xf32, #tpu.memory_space<vmem_shared>>) offsets(%dma_start3A_249 : memref<128xi32, #tpu.memory_space<vmem>>) semaphore(%arg8 : memref<!tpu.dma_semaphore, #tpu.memory_space<semaphore_mem>>) {add = true}
      %mul3A_252 = arith.constant 13 : i32
      %mul3A_253 = arith.muli %add3A_122, %mul3A_252 : i32
      %add3A_254 = arith.constant 10 : i32
      %add3A_255 = arith.addi %mul3A_253, %add3A_254 : i32
      %dma_start3A_256 = arith.constant 0 : i32
      %dma_start3A_257 = arith.constant 0 : i32
      %dma_start3A_258 = tpu.memref_slice %arg6[%dma_start3A_256, %dma_start3A_257] : memref<2x128xf32, #tpu.memory_space<vmem>> -> memref<1x128xf32, #tpu.memory_space<vmem>>
      %dma_start3A_259 = tpu.memref_squeeze %dma_start3A_258 : memref<1x128xf32, #tpu.memory_space<vmem>> -> memref<128xf32, #tpu.memory_space<vmem>>
      %dma_start3A_260 = arith.constant 0 : i32
      %dma_start3A_261 = tpu.memref_slice %arg5[%add3A_255, %dma_start3A_260] : memref<79x128xi32, #tpu.memory_space<vmem>> -> memref<1x128xi32, #tpu.memory_space<vmem>>
      %dma_start3A_262 = tpu.memref_squeeze %dma_start3A_261 : memref<1x128xi32, #tpu.memory_space<vmem>> -> memref<128xi32, #tpu.memory_space<vmem>>
      %dma_start3A_263 = arith.constant 0 : i32
      %dma_start3A_264 = tpu.memref_slice %arg4[%dma_start3A_263] : memref<10000xf32, #tpu.memory_space<vmem_shared>> -> memref<10000xf32, #tpu.memory_space<vmem_shared>>
      tpu.enqueue_indirect_dma source(%dma_start3A_259 : memref<128xf32, #tpu.memory_space<vmem>>) target(%dma_start3A_264 : memref<10000xf32, #tpu.memory_space<vmem_shared>>) offsets(%dma_start3A_262 : memref<128xi32, #tpu.memory_space<vmem>>) semaphore(%arg8 : memref<!tpu.dma_semaphore, #tpu.memory_space<semaphore_mem>>) {add = true}
      %mul3A_265 = arith.constant 13 : i32
      %mul3A_266 = arith.muli %add3A_122, %mul3A_265 : i32
      %add3A_267 = arith.constant 11 : i32
      %add3A_268 = arith.addi %mul3A_266, %add3A_267 : i32
      %dma_start3A_269 = arith.constant 0 : i32
      %dma_start3A_270 = arith.constant 0 : i32
      %dma_start3A_271 = tpu.memref_slice %arg6[%dma_start3A_269, %dma_start3A_270] : memref<2x128xf32, #tpu.memory_space<vmem>> -> memref<1x128xf32, #tpu.memory_space<vmem>>
      %dma_start3A_272 = tpu.memref_squeeze %dma_start3A_271 : memref<1x128xf32, #tpu.memory_space<vmem>> -> memref<128xf32, #tpu.memory_space<vmem>>
      %dma_start3A_273 = arith.constant 0 : i32
      %dma_start3A_274 = tpu.memref_slice %arg5[%add3A_268, %dma_start3A_273] : memref<79x128xi32, #tpu.memory_space<vmem>> -> memref<1x128xi32, #tpu.memory_space<vmem>>
      %dma_start3A_275 = tpu.memref_squeeze %dma_start3A_274 : memref<1x128xi32, #tpu.memory_space<vmem>> -> memref<128xi32, #tpu.memory_space<vmem>>
      %dma_start3A_276 = arith.constant 0 : i32
      %dma_start3A_277 = tpu.memref_slice %arg4[%dma_start3A_276] : memref<10000xf32, #tpu.memory_space<vmem_shared>> -> memref<10000xf32, #tpu.memory_space<vmem_shared>>
      tpu.enqueue_indirect_dma source(%dma_start3A_272 : memref<128xf32, #tpu.memory_space<vmem>>) target(%dma_start3A_277 : memref<10000xf32, #tpu.memory_space<vmem_shared>>) offsets(%dma_start3A_275 : memref<128xi32, #tpu.memory_space<vmem>>) semaphore(%arg8 : memref<!tpu.dma_semaphore, #tpu.memory_space<semaphore_mem>>) {add = true}
      %mul3A_278 = arith.constant 13 : i32
      %mul3A_279 = arith.muli %add3A_122, %mul3A_278 : i32
      %add3A_280 = arith.constant 12 : i32
      %add3A_281 = arith.addi %mul3A_279, %add3A_280 : i32
      %dma_start3A_282 = arith.constant 0 : i32
      %dma_start3A_283 = arith.constant 0 : i32
      %dma_start3A_284 = tpu.memref_slice %arg6[%dma_start3A_282, %dma_start3A_283] : memref<2x128xf32, #tpu.memory_space<vmem>> -> memref<1x128xf32, #tpu.memory_space<vmem>>
      %dma_start3A_285 = tpu.memref_squeeze %dma_start3A_284 : memref<1x128xf32, #tpu.memory_space<vmem>> -> memref<128xf32, #tpu.memory_space<vmem>>
      %dma_start3A_286 = arith.constant 0 : i32
      %dma_start3A_287 = tpu.memref_slice %arg5[%add3A_281, %dma_start3A_286] : memref<79x128xi32, #tpu.memory_space<vmem>> -> memref<1x128xi32, #tpu.memory_space<vmem>>
      %dma_start3A_288 = tpu.memref_squeeze %dma_start3A_287 : memref<1x128xi32, #tpu.memory_space<vmem>> -> memref<128xi32, #tpu.memory_space<vmem>>
      %dma_start3A_289 = arith.constant 0 : i32
      %dma_start3A_290 = tpu.memref_slice %arg4[%dma_start3A_289] : memref<10000xf32, #tpu.memory_space<vmem_shared>> -> memref<10000xf32, #tpu.memory_space<vmem_shared>>
      tpu.enqueue_indirect_dma source(%dma_start3A_285 : memref<128xf32, #tpu.memory_space<vmem>>) target(%dma_start3A_290 : memref<10000xf32, #tpu.memory_space<vmem_shared>>) offsets(%dma_start3A_288 : memref<128xi32, #tpu.memory_space<vmem>>) semaphore(%arg8 : memref<!tpu.dma_semaphore, #tpu.memory_space<semaphore_mem>>) {add = true}
      %dma_wait3A = arith.constant 0 : i32
      %dma_wait3A_291 = arith.constant 0 : i32
      %dma_wait3A_292 = tpu.memref_slice %arg6[%dma_wait3A, %dma_wait3A_291] : memref<2x128xf32, #tpu.memory_space<vmem>> -> memref<1x128xf32, #tpu.memory_space<vmem>>
      %dma_wait3A_293 = tpu.memref_squeeze %dma_wait3A_292 : memref<1x128xf32, #tpu.memory_space<vmem>> -> memref<128xf32, #tpu.memory_space<vmem>>
      %dma_wait3A_294 = arith.constant 0 : i32
      %dma_wait3A_295 = tpu.memref_slice %arg5[%add3A_126, %dma_wait3A_294] : memref<79x128xi32, #tpu.memory_space<vmem>> -> memref<1x128xi32, #tpu.memory_space<vmem>>
      %dma_wait3A_296 = tpu.memref_squeeze %dma_wait3A_295 : memref<1x128xi32, #tpu.memory_space<vmem>> -> memref<128xi32, #tpu.memory_space<vmem>>
      %dma_wait3A_297 = arith.constant 0 : i32
      %dma_wait3A_298 = tpu.memref_slice %arg4[%dma_wait3A_297] : memref<10000xf32, #tpu.memory_space<vmem_shared>> -> memref<10000xf32, #tpu.memory_space<vmem_shared>>
      tpu.wait_indirect_dma semaphore(%arg8 : memref<!tpu.dma_semaphore, #tpu.memory_space<semaphore_mem>>) src(%dma_wait3A_293 : memref<128xf32, #tpu.memory_space<vmem>>) dst(%dma_wait3A_298 : memref<10000xf32, #tpu.memory_space<vmem_shared>>)
      %dma_wait3A_299 = arith.constant 0 : i32
      %dma_wait3A_300 = arith.constant 0 : i32
      %dma_wait3A_301 = tpu.memref_slice %arg6[%dma_wait3A_299, %dma_wait3A_300] : memref<2x128xf32, #tpu.memory_space<vmem>> -> memref<1x128xf32, #tpu.memory_space<vmem>>
      %dma_wait3A_302 = tpu.memref_squeeze %dma_wait3A_301 : memref<1x128xf32, #tpu.memory_space<vmem>> -> memref<128xf32, #tpu.memory_space<vmem>>
      %dma_wait3A_303 = arith.constant 0 : i32
      %dma_wait3A_304 = tpu.memref_slice %arg5[%add3A_138, %dma_wait3A_303] : memref<79x128xi32, #tpu.memory_space<vmem>> -> memref<1x128xi32, #tpu.memory_space<vmem>>
      %dma_wait3A_305 = tpu.memref_squeeze %dma_wait3A_304 : memref<1x128xi32, #tpu.memory_space<vmem>> -> memref<128xi32, #tpu.memory_space<vmem>>
      %dma_wait3A_306 = arith.constant 0 : i32
      %dma_wait3A_307 = tpu.memref_slice %arg4[%dma_wait3A_306] : memref<10000xf32, #tpu.memory_space<vmem_shared>> -> memref<10000xf32, #tpu.memory_space<vmem_shared>>
      tpu.wait_indirect_dma semaphore(%arg8 : memref<!tpu.dma_semaphore, #tpu.memory_space<semaphore_mem>>) src(%dma_wait3A_302 : memref<128xf32, #tpu.memory_space<vmem>>) dst(%dma_wait3A_307 : memref<10000xf32, #tpu.memory_space<vmem_shared>>)
      %dma_wait3A_308 = arith.constant 0 : i32
      %dma_wait3A_309 = arith.constant 0 : i32
      %dma_wait3A_310 = tpu.memref_slice %arg6[%dma_wait3A_308, %dma_wait3A_309] : memref<2x128xf32, #tpu.memory_space<vmem>> -> memref<1x128xf32, #tpu.memory_space<vmem>>
      %dma_wait3A_311 = tpu.memref_squeeze %dma_wait3A_310 : memref<1x128xf32, #tpu.memory_space<vmem>> -> memref<128xf32, #tpu.memory_space<vmem>>
      %dma_wait3A_312 = arith.constant 0 : i32
      %dma_wait3A_313 = tpu.memref_slice %arg5[%add3A_151, %dma_wait3A_312] : memref<79x128xi32, #tpu.memory_space<vmem>> -> memref<1x128xi32, #tpu.memory_space<vmem>>
      %dma_wait3A_314 = tpu.memref_squeeze %dma_wait3A_313 : memref<1x128xi32, #tpu.memory_space<vmem>> -> memref<128xi32, #tpu.memory_space<vmem>>
      %dma_wait3A_315 = arith.constant 0 : i32
      %dma_wait3A_316 = tpu.memref_slice %arg4[%dma_wait3A_315] : memref<10000xf32, #tpu.memory_space<vmem_shared>> -> memref<10000xf32, #tpu.memory_space<vmem_shared>>
      tpu.wait_indirect_dma semaphore(%arg8 : memref<!tpu.dma_semaphore, #tpu.memory_space<semaphore_mem>>) src(%dma_wait3A_311 : memref<128xf32, #tpu.memory_space<vmem>>) dst(%dma_wait3A_316 : memref<10000xf32, #tpu.memory_space<vmem_shared>>)
      %dma_wait3A_317 = arith.constant 0 : i32
      %dma_wait3A_318 = arith.constant 0 : i32
      %dma_wait3A_319 = tpu.memref_slice %arg6[%dma_wait3A_317, %dma_wait3A_318] : memref<2x128xf32, #tpu.memory_space<vmem>> -> memref<1x128xf32, #tpu.memory_space<vmem>>
      %dma_wait3A_320 = tpu.memref_squeeze %dma_wait3A_319 : memref<1x128xf32, #tpu.memory_space<vmem>> -> memref<128xf32, #tpu.memory_space<vmem>>
      %dma_wait3A_321 = arith.constant 0 : i32
      %dma_wait3A_322 = tpu.memref_slice %arg5[%add3A_164, %dma_wait3A_321] : memref<79x128xi32, #tpu.memory_space<vmem>> -> memref<1x128xi32, #tpu.memory_space<vmem>>
      %dma_wait3A_323 = tpu.memref_squeeze %dma_wait3A_322 : memref<1x128xi32, #tpu.memory_space<vmem>> -> memref<128xi32, #tpu.memory_space<vmem>>
      %dma_wait3A_324 = arith.constant 0 : i32
      %dma_wait3A_325 = tpu.memref_slice %arg4[%dma_wait3A_324] : memref<10000xf32, #tpu.memory_space<vmem_shared>> -> memref<10000xf32, #tpu.memory_space<vmem_shared>>
      tpu.wait_indirect_dma semaphore(%arg8 : memref<!tpu.dma_semaphore, #tpu.memory_space<semaphore_mem>>) src(%dma_wait3A_320 : memref<128xf32, #tpu.memory_space<vmem>>) dst(%dma_wait3A_325 : memref<10000xf32, #tpu.memory_space<vmem_shared>>)
      %dma_wait3A_326 = arith.constant 0 : i32
      %dma_wait3A_327 = arith.constant 0 : i32
      %dma_wait3A_328 = tpu.memref_slice %arg6[%dma_wait3A_326, %dma_wait3A_327] : memref<2x128xf32, #tpu.memory_space<vmem>> -> memref<1x128xf32, #tpu.memory_space<vmem>>
      %dma_wait3A_329 = tpu.memref_squeeze %dma_wait3A_328 : memref<1x128xf32, #tpu.memory_space<vmem>> -> memref<128xf32, #tpu.memory_space<vmem>>
      %dma_wait3A_330 = arith.constant 0 : i32
      %dma_wait3A_331 = tpu.memref_slice %arg5[%add3A_177, %dma_wait3A_330] : memref<79x128xi32, #tpu.memory_space<vmem>> -> memref<1x128xi32, #tpu.memory_space<vmem>>
      %dma_wait3A_332 = tpu.memref_squeeze %dma_wait3A_331 : memref<1x128xi32, #tpu.memory_space<vmem>> -> memref<128xi32, #tpu.memory_space<vmem>>
      %dma_wait3A_333 = arith.constant 0 : i32
      %dma_wait3A_334 = tpu.memref_slice %arg4[%dma_wait3A_333] : memref<10000xf32, #tpu.memory_space<vmem_shared>> -> memref<10000xf32, #tpu.memory_space<vmem_shared>>
      tpu.wait_indirect_dma semaphore(%arg8 : memref<!tpu.dma_semaphore, #tpu.memory_space<semaphore_mem>>) src(%dma_wait3A_329 : memref<128xf32, #tpu.memory_space<vmem>>) dst(%dma_wait3A_334 : memref<10000xf32, #tpu.memory_space<vmem_shared>>)
      %dma_wait3A_335 = arith.constant 0 : i32
      %dma_wait3A_336 = arith.constant 0 : i32
      %dma_wait3A_337 = tpu.memref_slice %arg6[%dma_wait3A_335, %dma_wait3A_336] : memref<2x128xf32, #tpu.memory_space<vmem>> -> memref<1x128xf32, #tpu.memory_space<vmem>>
      %dma_wait3A_338 = tpu.memref_squeeze %dma_wait3A_337 : memref<1x128xf32, #tpu.memory_space<vmem>> -> memref<128xf32, #tpu.memory_space<vmem>>
      %dma_wait3A_339 = arith.constant 0 : i32
      %dma_wait3A_340 = tpu.memref_slice %arg5[%add3A_190, %dma_wait3A_339] : memref<79x128xi32, #tpu.memory_space<vmem>> -> memref<1x128xi32, #tpu.memory_space<vmem>>
      %dma_wait3A_341 = tpu.memref_squeeze %dma_wait3A_340 : memref<1x128xi32, #tpu.memory_space<vmem>> -> memref<128xi32, #tpu.memory_space<vmem>>
      %dma_wait3A_342 = arith.constant 0 : i32
      %dma_wait3A_343 = tpu.memref_slice %arg4[%dma_wait3A_342] : memref<10000xf32, #tpu.memory_space<vmem_shared>> -> memref<10000xf32, #tpu.memory_space<vmem_shared>>
      tpu.wait_indirect_dma semaphore(%arg8 : memref<!tpu.dma_semaphore, #tpu.memory_space<semaphore_mem>>) src(%dma_wait3A_338 : memref<128xf32, #tpu.memory_space<vmem>>) dst(%dma_wait3A_343 : memref<10000xf32, #tpu.memory_space<vmem_shared>>)
      %dma_wait3A_344 = arith.constant 0 : i32
      %dma_wait3A_345 = arith.constant 0 : i32
      %dma_wait3A_346 = tpu.memref_slice %arg6[%dma_wait3A_344, %dma_wait3A_345] : memref<2x128xf32, #tpu.memory_space<vmem>> -> memref<1x128xf32, #tpu.memory_space<vmem>>
      %dma_wait3A_347 = tpu.memref_squeeze %dma_wait3A_346 : memref<1x128xf32, #tpu.memory_space<vmem>> -> memref<128xf32, #tpu.memory_space<vmem>>
      %dma_wait3A_348 = arith.constant 0 : i32
      %dma_wait3A_349 = tpu.memref_slice %arg5[%add3A_203, %dma_wait3A_348] : memref<79x128xi32, #tpu.memory_space<vmem>> -> memref<1x128xi32, #tpu.memory_space<vmem>>
      %dma_wait3A_350 = tpu.memref_squeeze %dma_wait3A_349 : memref<1x128xi32, #tpu.memory_space<vmem>> -> memref<128xi32, #tpu.memory_space<vmem>>
      %dma_wait3A_351 = arith.constant 0 : i32
      %dma_wait3A_352 = tpu.memref_slice %arg4[%dma_wait3A_351] : memref<10000xf32, #tpu.memory_space<vmem_shared>> -> memref<10000xf32, #tpu.memory_space<vmem_shared>>
      tpu.wait_indirect_dma semaphore(%arg8 : memref<!tpu.dma_semaphore, #tpu.memory_space<semaphore_mem>>) src(%dma_wait3A_347 : memref<128xf32, #tpu.memory_space<vmem>>) dst(%dma_wait3A_352 : memref<10000xf32, #tpu.memory_space<vmem_shared>>)
      %dma_wait3A_353 = arith.constant 0 : i32
      %dma_wait3A_354 = arith.constant 0 : i32
      %dma_wait3A_355 = tpu.memref_slice %arg6[%dma_wait3A_353, %dma_wait3A_354] : memref<2x128xf32, #tpu.memory_space<vmem>> -> memref<1x128xf32, #tpu.memory_space<vmem>>
      %dma_wait3A_356 = tpu.memref_squeeze %dma_wait3A_355 : memref<1x128xf32, #tpu.memory_space<vmem>> -> memref<128xf32, #tpu.memory_space<vmem>>
      %dma_wait3A_357 = arith.constant 0 : i32
      %dma_wait3A_358 = tpu.memref_slice %arg5[%add3A_216, %dma_wait3A_357] : memref<79x128xi32, #tpu.memory_space<vmem>> -> memref<1x128xi32, #tpu.memory_space<vmem>>
      %dma_wait3A_359 = tpu.memref_squeeze %dma_wait3A_358 : memref<1x128xi32, #tpu.memory_space<vmem>> -> memref<128xi32, #tpu.memory_space<vmem>>
      %dma_wait3A_360 = arith.constant 0 : i32
      %dma_wait3A_361 = tpu.memref_slice %arg4[%dma_wait3A_360] : memref<10000xf32, #tpu.memory_space<vmem_shared>> -> memref<10000xf32, #tpu.memory_space<vmem_shared>>
      tpu.wait_indirect_dma semaphore(%arg8 : memref<!tpu.dma_semaphore, #tpu.memory_space<semaphore_mem>>) src(%dma_wait3A_356 : memref<128xf32, #tpu.memory_space<vmem>>) dst(%dma_wait3A_361 : memref<10000xf32, #tpu.memory_space<vmem_shared>>)
      %dma_wait3A_362 = arith.constant 0 : i32
      %dma_wait3A_363 = arith.constant 0 : i32
      %dma_wait3A_364 = tpu.memref_slice %arg6[%dma_wait3A_362, %dma_wait3A_363] : memref<2x128xf32, #tpu.memory_space<vmem>> -> memref<1x128xf32, #tpu.memory_space<vmem>>
      %dma_wait3A_365 = tpu.memref_squeeze %dma_wait3A_364 : memref<1x128xf32, #tpu.memory_space<vmem>> -> memref<128xf32, #tpu.memory_space<vmem>>
      %dma_wait3A_366 = arith.constant 0 : i32
      %dma_wait3A_367 = tpu.memref_slice %arg5[%add3A_229, %dma_wait3A_366] : memref<79x128xi32, #tpu.memory_space<vmem>> -> memref<1x128xi32, #tpu.memory_space<vmem>>
      %dma_wait3A_368 = tpu.memref_squeeze %dma_wait3A_367 : memref<1x128xi32, #tpu.memory_space<vmem>> -> memref<128xi32, #tpu.memory_space<vmem>>
      %dma_wait3A_369 = arith.constant 0 : i32
      %dma_wait3A_370 = tpu.memref_slice %arg4[%dma_wait3A_369] : memref<10000xf32, #tpu.memory_space<vmem_shared>> -> memref<10000xf32, #tpu.memory_space<vmem_shared>>
      tpu.wait_indirect_dma semaphore(%arg8 : memref<!tpu.dma_semaphore, #tpu.memory_space<semaphore_mem>>) src(%dma_wait3A_365 : memref<128xf32, #tpu.memory_space<vmem>>) dst(%dma_wait3A_370 : memref<10000xf32, #tpu.memory_space<vmem_shared>>)
      %dma_wait3A_371 = arith.constant 0 : i32
      %dma_wait3A_372 = arith.constant 0 : i32
      %dma_wait3A_373 = tpu.memref_slice %arg6[%dma_wait3A_371, %dma_wait3A_372] : memref<2x128xf32, #tpu.memory_space<vmem>> -> memref<1x128xf32, #tpu.memory_space<vmem>>
      %dma_wait3A_374 = tpu.memref_squeeze %dma_wait3A_373 : memref<1x128xf32, #tpu.memory_space<vmem>> -> memref<128xf32, #tpu.memory_space<vmem>>
      %dma_wait3A_375 = arith.constant 0 : i32
      %dma_wait3A_376 = tpu.memref_slice %arg5[%add3A_242, %dma_wait3A_375] : memref<79x128xi32, #tpu.memory_space<vmem>> -> memref<1x128xi32, #tpu.memory_space<vmem>>
      %dma_wait3A_377 = tpu.memref_squeeze %dma_wait3A_376 : memref<1x128xi32, #tpu.memory_space<vmem>> -> memref<128xi32, #tpu.memory_space<vmem>>
      %dma_wait3A_378 = arith.constant 0 : i32
      %dma_wait3A_379 = tpu.memref_slice %arg4[%dma_wait3A_378] : memref<10000xf32, #tpu.memory_space<vmem_shared>> -> memref<10000xf32, #tpu.memory_space<vmem_shared>>
      tpu.wait_indirect_dma semaphore(%arg8 : memref<!tpu.dma_semaphore, #tpu.memory_space<semaphore_mem>>) src(%dma_wait3A_374 : memref<128xf32, #tpu.memory_space<vmem>>) dst(%dma_wait3A_379 : memref<10000xf32, #tpu.memory_space<vmem_shared>>)
      %dma_wait3A_380 = arith.constant 0 : i32
      %dma_wait3A_381 = arith.constant 0 : i32
      %dma_wait3A_382 = tpu.memref_slice %arg6[%dma_wait3A_380, %dma_wait3A_381] : memref<2x128xf32, #tpu.memory_space<vmem>> -> memref<1x128xf32, #tpu.memory_space<vmem>>
      %dma_wait3A_383 = tpu.memref_squeeze %dma_wait3A_382 : memref<1x128xf32, #tpu.memory_space<vmem>> -> memref<128xf32, #tpu.memory_space<vmem>>
      %dma_wait3A_384 = arith.constant 0 : i32
      %dma_wait3A_385 = tpu.memref_slice %arg5[%add3A_255, %dma_wait3A_384] : memref<79x128xi32, #tpu.memory_space<vmem>> -> memref<1x128xi32, #tpu.memory_space<vmem>>
      %dma_wait3A_386 = tpu.memref_squeeze %dma_wait3A_385 : memref<1x128xi32, #tpu.memory_space<vmem>> -> memref<128xi32, #tpu.memory_space<vmem>>
      %dma_wait3A_387 = arith.constant 0 : i32
      %dma_wait3A_388 = tpu.memref_slice %arg4[%dma_wait3A_387] : memref<10000xf32, #tpu.memory_space<vmem_shared>> -> memref<10000xf32, #tpu.memory_space<vmem_shared>>
      tpu.wait_indirect_dma semaphore(%arg8 : memref<!tpu.dma_semaphore, #tpu.memory_space<semaphore_mem>>) src(%dma_wait3A_383 : memref<128xf32, #tpu.memory_space<vmem>>) dst(%dma_wait3A_388 : memref<10000xf32, #tpu.memory_space<vmem_shared>>)
      %dma_wait3A_389 = arith.constant 0 : i32
      %dma_wait3A_390 = arith.constant 0 : i32
      %dma_wait3A_391 = tpu.memref_slice %arg6[%dma_wait3A_389, %dma_wait3A_390] : memref<2x128xf32, #tpu.memory_space<vmem>> -> memref<1x128xf32, #tpu.memory_space<vmem>>
      %dma_wait3A_392 = tpu.memref_squeeze %dma_wait3A_391 : memref<1x128xf32, #tpu.memory_space<vmem>> -> memref<128xf32, #tpu.memory_space<vmem>>
      %dma_wait3A_393 = arith.constant 0 : i32
      %dma_wait3A_394 = tpu.memref_slice %arg5[%add3A_268, %dma_wait3A_393] : memref<79x128xi32, #tpu.memory_space<vmem>> -> memref<1x128xi32, #tpu.memory_space<vmem>>
      %dma_wait3A_395 = tpu.memref_squeeze %dma_wait3A_394 : memref<1x128xi32, #tpu.memory_space<vmem>> -> memref<128xi32, #tpu.memory_space<vmem>>
      %dma_wait3A_396 = arith.constant 0 : i32
      %dma_wait3A_397 = tpu.memref_slice %arg4[%dma_wait3A_396] : memref<10000xf32, #tpu.memory_space<vmem_shared>> -> memref<10000xf32, #tpu.memory_space<vmem_shared>>
      tpu.wait_indirect_dma semaphore(%arg8 : memref<!tpu.dma_semaphore, #tpu.memory_space<semaphore_mem>>) src(%dma_wait3A_392 : memref<128xf32, #tpu.memory_space<vmem>>) dst(%dma_wait3A_397 : memref<10000xf32, #tpu.memory_space<vmem_shared>>)
      %dma_wait3A_398 = arith.constant 0 : i32
      %dma_wait3A_399 = arith.constant 0 : i32
      %dma_wait3A_400 = tpu.memref_slice %arg6[%dma_wait3A_398, %dma_wait3A_399] : memref<2x128xf32, #tpu.memory_space<vmem>> -> memref<1x128xf32, #tpu.memory_space<vmem>>
      %dma_wait3A_401 = tpu.memref_squeeze %dma_wait3A_400 : memref<1x128xf32, #tpu.memory_space<vmem>> -> memref<128xf32, #tpu.memory_space<vmem>>
      %dma_wait3A_402 = arith.constant 0 : i32
      %dma_wait3A_403 = tpu.memref_slice %arg5[%add3A_281, %dma_wait3A_402] : memref<79x128xi32, #tpu.memory_space<vmem>> -> memref<1x128xi32, #tpu.memory_space<vmem>>
      %dma_wait3A_404 = tpu.memref_squeeze %dma_wait3A_403 : memref<1x128xi32, #tpu.memory_space<vmem>> -> memref<128xi32, #tpu.memory_space<vmem>>
      %dma_wait3A_405 = arith.constant 0 : i32
      %dma_wait3A_406 = tpu.memref_slice %arg4[%dma_wait3A_405] : memref<10000xf32, #tpu.memory_space<vmem_shared>> -> memref<10000xf32, #tpu.memory_space<vmem_shared>>
      tpu.wait_indirect_dma semaphore(%arg8 : memref<!tpu.dma_semaphore, #tpu.memory_space<semaphore_mem>>) src(%dma_wait3A_401 : memref<128xf32, #tpu.memory_space<vmem>>) dst(%dma_wait3A_406 : memref<10000xf32, #tpu.memory_space<vmem_shared>>)
    }
    %scan3A_109 = arith.constant 6 : i32
    %run_scoped3A_110 = arith.constant 1 : i32
    %run_scoped3A_111 = arith.constant 78 : i32
    "tpu.region"() ({
      %run_scoped3A_118 = tpu.sem_alloc : memref<!tpu.dma_semaphore, #tpu.memory_space<semaphore_mem>>
      %dma_start3A = arith.constant 0 : i32
      %dma_start3A_119 = tpu.memref_slice %arg6[%run_scoped3A_110, %dma_start3A] : memref<2x128xf32, #tpu.memory_space<vmem>> -> memref<1x128xf32, #tpu.memory_space<vmem>>
      %dma_start3A_120 = tpu.memref_squeeze %dma_start3A_119 : memref<1x128xf32, #tpu.memory_space<vmem>> -> memref<128xf32, #tpu.memory_space<vmem>>
      %dma_start3A_121 = arith.constant 0 : i32
      %dma_start3A_122 = tpu.memref_slice %arg5[%run_scoped3A_111, %dma_start3A_121] : memref<79x128xi32, #tpu.memory_space<vmem>> -> memref<1x128xi32, #tpu.memory_space<vmem>>
      %dma_start3A_123 = tpu.memref_squeeze %dma_start3A_122 : memref<1x128xi32, #tpu.memory_space<vmem>> -> memref<128xi32, #tpu.memory_space<vmem>>
      %dma_start3A_124 = arith.constant 0 : i32
      %dma_start3A_125 = tpu.memref_slice %arg4[%dma_start3A_124] : memref<10000xf32, #tpu.memory_space<vmem_shared>> -> memref<10000xf32, #tpu.memory_space<vmem_shared>>
      tpu.enqueue_indirect_dma source(%dma_start3A_120 : memref<128xf32, #tpu.memory_space<vmem>>) target(%dma_start3A_125 : memref<10000xf32, #tpu.memory_space<vmem_shared>>) offsets(%dma_start3A_123 : memref<128xi32, #tpu.memory_space<vmem>>) semaphore(%run_scoped3A_118 : memref<!tpu.dma_semaphore, #tpu.memory_space<semaphore_mem>>) {add = true}
      %dma_wait3A = arith.constant 0 : i32
      %dma_wait3A_126 = tpu.memref_slice %arg6[%run_scoped3A_110, %dma_wait3A] : memref<2x128xf32, #tpu.memory_space<vmem>> -> memref<1x128xf32, #tpu.memory_space<vmem>>
      %dma_wait3A_127 = tpu.memref_squeeze %dma_wait3A_126 : memref<1x128xf32, #tpu.memory_space<vmem>> -> memref<128xf32, #tpu.memory_space<vmem>>
      %dma_wait3A_128 = arith.constant 0 : i32
      %dma_wait3A_129 = tpu.memref_slice %arg5[%run_scoped3A_111, %dma_wait3A_128] : memref<79x128xi32, #tpu.memory_space<vmem>> -> memref<1x128xi32, #tpu.memory_space<vmem>>
      %dma_wait3A_130 = tpu.memref_squeeze %dma_wait3A_129 : memref<1x128xi32, #tpu.memory_space<vmem>> -> memref<128xi32, #tpu.memory_space<vmem>>
      %dma_wait3A_131 = arith.constant 0 : i32
      %dma_wait3A_132 = tpu.memref_slice %arg4[%dma_wait3A_131] : memref<10000xf32, #tpu.memory_space<vmem_shared>> -> memref<10000xf32, #tpu.memory_space<vmem_shared>>
      tpu.wait_indirect_dma semaphore(%run_scoped3A_118 : memref<!tpu.dma_semaphore, #tpu.memory_space<semaphore_mem>>) src(%dma_wait3A_127 : memref<128xf32, #tpu.memory_space<vmem>>) dst(%dma_wait3A_132 : memref<10000xf32, #tpu.memory_space<vmem_shared>>)
      tpu.yield
    }) : () -> ()
    %barrier3A_112 = arith.constant 0 : index
    tpu.barrier barrier_id(%barrier3A_112)
    %eq3A_113 = arith.constant 0 : i32
    %eq3A_114 = arith.cmpi eq, %arg1, %eq3A_113 : i32
    %convert_element_type3A_115 = arith.extui %eq3A_114 : i1 to i32
    %cond3A_116 = arith.constant 0 : i32
    %cond3A_117 = arith.cmpi ne, %convert_element_type3A_115, %cond3A_116 : i32
    scf.if %cond3A_117 {
      %scan3A_118 = arith.constant 0 : i32
      %scan3A_119 = arith.constant 5 : i32
      %scan3A_120 = arith.addi %scan3A_118, %scan3A_119 : i32
      %scan3A_121 = arith.constant 1 : i32
      scf.for %scan3A_123 = %scan3A_118 to %scan3A_120 step %scan3A_121  : i32 {
        %mul3A_124 = arith.constant 1 : i32
        %mul3A_125 = arith.muli %scan3A_123, %mul3A_124 : i32
        %add3A_126 = arith.constant 0 : i32
        %add3A_127 = arith.addi %add3A_126, %mul3A_125 : i32
        %mul3A_128 = arith.constant 2000 : i32
        %mul3A_129 = arith.muli %add3A_127, %mul3A_128 : i32
        "tpu.region"() ({
          %run_scoped3A_135 = tpu.sem_alloc : memref<!tpu.dma_semaphore, #tpu.memory_space<semaphore_mem>>
          %dma_start3A = tpu.memref_slice %arg4[%mul3A_129] : memref<10000xf32, #tpu.memory_space<vmem_shared>> -> memref<2000xf32, #tpu.memory_space<vmem_shared>>
          %dma_start3A_136 = tpu.memref_slice %arg4[%mul3A_129] : memref<10000xf32, #tpu.memory_space<vmem_shared>> -> memref<2000xf32, #tpu.memory_space<vmem_shared>>
          tpu.enqueue_dma source(%dma_start3A_136 : memref<2000xf32, #tpu.memory_space<vmem_shared>>) target(%arg7 : memref<2000xf32, #tpu.memory_space<vmem>>) target_semaphore(%run_scoped3A_135 : memref<!tpu.dma_semaphore, #tpu.memory_space<semaphore_mem>>)
          %dma_wait3A = tpu.memref_slice %arg4[%mul3A_129] : memref<10000xf32, #tpu.memory_space<vmem_shared>> -> memref<2000xf32, #tpu.memory_space<vmem_shared>>
          %dma_wait3A_137 = tpu.memref_slice %arg4[%mul3A_129] : memref<10000xf32, #tpu.memory_space<vmem_shared>> -> memref<2000xf32, #tpu.memory_space<vmem_shared>>
          tpu.wait_dma2 semaphore(%run_scoped3A_135 : memref<!tpu.dma_semaphore, #tpu.memory_space<semaphore_mem>>) src(%dma_wait3A_137 : memref<2000xf32, #tpu.memory_space<vmem_shared>>) dst(%arg7 : memref<2000xf32, #tpu.memory_space<vmem>>)
          tpu.yield
        }) : () -> ()
        %mul3A_130 = arith.constant 10000 : i32
        %mul3A_131 = arith.muli %arg0, %mul3A_130 : i32
        %mul3A_132 = arith.constant 2000 : i32
        %mul3A_133 = arith.muli %add3A_127, %mul3A_132 : i32
        %add3A_134 = arith.addi %mul3A_131, %mul3A_133 : i32
        "tpu.region"() ({
          %run_scoped3A_135 = tpu.sem_alloc : memref<!tpu.dma_semaphore, #tpu.memory_space<semaphore_mem>>
          %dma_start3A = tpu.memref_slice %arg3[%add3A_134] : memref<20000xf32, #tpu.memory_space<hbm>> -> memref<2000xf32, #tpu.memory_space<hbm>>
          %dma_start3A_136 = tpu.memref_slice %arg3[%add3A_134] : memref<20000xf32, #tpu.memory_space<hbm>> -> memref<2000xf32, #tpu.memory_space<hbm>>
          tpu.enqueue_dma source(%arg7 : memref<2000xf32, #tpu.memory_space<vmem>>) target(%dma_start3A_136 : memref<2000xf32, #tpu.memory_space<hbm>>) target_semaphore(%run_scoped3A_135 : memref<!tpu.dma_semaphore, #tpu.memory_space<semaphore_mem>>)
          %dma_wait3A = tpu.memref_slice %arg3[%add3A_134] : memref<20000xf32, #tpu.memory_space<hbm>> -> memref<2000xf32, #tpu.memory_space<hbm>>
          %dma_wait3A_137 = tpu.memref_slice %arg3[%add3A_134] : memref<20000xf32, #tpu.memory_space<hbm>> -> memref<2000xf32, #tpu.memory_space<hbm>>
          tpu.wait_dma2 semaphore(%run_scoped3A_135 : memref<!tpu.dma_semaphore, #tpu.memory_space<semaphore_mem>>) src(%arg7 : memref<2000xf32, #tpu.memory_space<vmem>>) dst(%dma_wait3A_137 : memref<2000xf32, #tpu.memory_space<hbm>>)
          tpu.yield
        }) : () -> ()
      }
      %scan3A_122 = arith.constant 5 : i32
    } else {
    }
    return
  }
}

module attributes {stable_mosaic.version = 14 : i64} {
  func.func @_tc_body(%arg0: i32, %arg1: memref<2x1x1000x128xf32, #tpu.memory_space<vmem>>, %arg2: memref<1x1x1000xi32, #tpu.memory_space<vmem>>, %arg3: memref<1x128xf32, #tpu.memory_space<vmem>>, %arg4: memref<128x128xf32, #tpu.memory_space<vmem>>, %arg5: memref<1x128xf32, #tpu.memory_space<vmem>>, %arg6: memref<128x128xf32, #tpu.memory_space<vmem>>, %arg7: memref<1x128xf32, #tpu.memory_space<vmem>>, %arg8: memref<128x128xf32, #tpu.memory_space<vmem>>, %arg9: memref<1x128xf32, #tpu.memory_space<vmem>>, %arg10: memref<128x128xf32, #tpu.memory_space<vmem>>, %arg11: memref<1x128xf32, #tpu.memory_space<vmem>>, %arg12: memref<128x128xf32, #tpu.memory_space<vmem>>, %arg13: memref<1x128xf32, #tpu.memory_space<vmem>>, %arg14: memref<64x128xf32, #tpu.memory_space<vmem>>, %arg15: memref<128x128xf32, #tpu.memory_space<vmem>>, %arg16: memref<64x128xf32, #tpu.memory_space<vmem>>, %arg17: memref<64x128xf32, #tpu.memory_space<vmem>>) attributes {dimension_semantics = [#tpu.dimension_semantics<arbitrary>], iteration_bounds = array<i64: 10>, scalar_prefetch = 0 : i64, scratch_operands = 3 : i64, tpu.core_type = #tpu.core_type<tc>, window_params = [{transform_indices = @transform_0, window_bounds = array<i64: 2, 1, 1000, 128>}, {transform_indices = @transform_1, window_bounds = array<i64: 1, 1, 1000>}, {pipeline_mode = #tpu.pipeline_mode<synchronous>, transform_indices = @transform_2, window_bounds = array<i64: 1, 128>}, {pipeline_mode = #tpu.pipeline_mode<synchronous>, transform_indices = @transform_3, window_bounds = array<i64: 128, 128>}, {pipeline_mode = #tpu.pipeline_mode<synchronous>, transform_indices = @transform_4, window_bounds = array<i64: 1, 128>}, {pipeline_mode = #tpu.pipeline_mode<synchronous>, transform_indices = @transform_5, window_bounds = array<i64: 128, 128>}, {pipeline_mode = #tpu.pipeline_mode<synchronous>, transform_indices = @transform_6, window_bounds = array<i64: 1, 128>}, {pipeline_mode = #tpu.pipeline_mode<synchronous>, transform_indices = @transform_7, window_bounds = array<i64: 128, 128>}, {pipeline_mode = #tpu.pipeline_mode<synchronous>, transform_indices = @transform_8, window_bounds = array<i64: 1, 128>}, {pipeline_mode = #tpu.pipeline_mode<synchronous>, transform_indices = @transform_9, window_bounds = array<i64: 128, 128>}, {pipeline_mode = #tpu.pipeline_mode<synchronous>, transform_indices = @transform_10, window_bounds = array<i64: 1, 128>}, {pipeline_mode = #tpu.pipeline_mode<synchronous>, transform_indices = @transform_11, window_bounds = array<i64: 128, 128>}, {pipeline_mode = #tpu.pipeline_mode<synchronous>, transform_indices = @transform_12, window_bounds = array<i64: 1, 128>}, {pipeline_mode = #tpu.pipeline_mode<synchronous>, transform_indices = @transform_13, window_bounds = array<i64: 64, 128>}]} {
    %eq3A = arith.constant 0 : i32
    %eq3A_0 = arith.cmpi eq, %arg0, %eq3A : i32
    %convert_element_type3A = arith.extui %eq3A_0 : i1 to i32
    %cond3A = arith.constant 0 : i32
    %cond3A_1 = arith.cmpi ne, %convert_element_type3A, %cond3A : i32
    scf.if %cond3A_1 {
      %get3A_123 = arith.constant 0 : index
      %get3A_124 = arith.constant 0 : index
      %get3A_125 = vector.load %arg3[%get3A_123, %get3A_124] : memref<1x128xf32, #tpu.memory_space<vmem>>, vector<1x128xf32>
      %get3A_126 = arith.constant 0 : index
      %get3A_127 = arith.constant 0 : index
      %get3A_128 = vector.load %arg4[%get3A_126, %get3A_127] : memref<128x128xf32, #tpu.memory_space<vmem>>, vector<128x128xf32>
      %dot_general3A_129 = arith.constant dense<0.000000e+00> : vector<1x128xf32>
      %dot_general3A_130 = tpu.matmul %get3A_125, %get3A_128, %dot_general3A_129 {dimension_numbers = #tpu.dot_dimension_numbers<[1], [0], [0], [1], [0, 0, 1, 1], [], []>, precision = #tpu.contract_precision<fp32>, transpose_lhs_hint = false} : vector<1x128xf32>, vector<128x128xf32>, vector<1x128xf32> -> vector<1x128xf32>
      %iota3A_131 = tpu.iota {dimensions = array<i32: 0>} : vector<128x1xi32>
      %convert_element_type3A_132 = arith.sitofp %iota3A_131 : vector<128x1xi32> to vector<128x1xf32>
      %mul3A = vector.broadcast %convert_element_type3A_132 : vector<128x1xf32> to vector<128x128xf32>
      %mul3A_133 = vector.broadcast %dot_general3A_130 : vector<1x128xf32> to vector<128x128xf32>
      %mul3A_134 = arith.mulf %mul3A, %mul3A_133 : vector<128x128xf32>
      %get3A_135 = arith.constant 0 : index
      %get3A_136 = arith.constant 0 : index
      %get3A_137 = vector.load %arg5[%get3A_135, %get3A_136] : memref<1x128xf32, #tpu.memory_space<vmem>>, vector<1x128xf32>
      %add3A_138 = vector.broadcast %get3A_137 : vector<1x128xf32> to vector<128x128xf32>
      %add3A_139 = arith.addf %mul3A_134, %add3A_138 : vector<128x128xf32>
      %max3A_140 = arith.constant 0.000000e+00 : f32
      %max3A_141 = vector.broadcast %max3A_140 : f32 to vector<128x128xf32>
      %max3A_142 = arith.maximumf %add3A_139, %max3A_141 : vector<128x128xf32>
      %get3A_143 = arith.constant 0 : index
      %get3A_144 = arith.constant 0 : index
      %get3A_145 = vector.load %arg6[%get3A_143, %get3A_144] : memref<128x128xf32, #tpu.memory_space<vmem>>, vector<128x128xf32>
      %dot_general3A_146 = arith.constant dense<0.000000e+00> : vector<128x128xf32>
      %dot_general3A_147 = tpu.matmul %max3A_142, %get3A_145, %dot_general3A_146 {dimension_numbers = #tpu.dot_dimension_numbers<[1], [0], [0], [1], [0, 0, 1, 1], [], []>, precision = #tpu.contract_precision<fp32>, transpose_lhs_hint = false} : vector<128x128xf32>, vector<128x128xf32>, vector<128x128xf32> -> vector<128x128xf32>
      %get3A_148 = arith.constant 0 : index
      %get3A_149 = arith.constant 0 : index
      %get3A_150 = vector.load %arg7[%get3A_148, %get3A_149] : memref<1x128xf32, #tpu.memory_space<vmem>>, vector<1x128xf32>
      %add3A_151 = vector.broadcast %get3A_150 : vector<1x128xf32> to vector<128x128xf32>
      %add3A_152 = arith.addf %dot_general3A_147, %add3A_151 : vector<128x128xf32>
      %max3A_153 = arith.constant 0.000000e+00 : f32
      %max3A_154 = vector.broadcast %max3A_153 : f32 to vector<128x128xf32>
      %max3A_155 = arith.maximumf %add3A_152, %max3A_154 : vector<128x128xf32>
      %swap3A_156 = arith.constant 0 : index
      %swap3A_157 = arith.constant 0 : index
      %swap3A_158 = vector.load %arg15[%swap3A_156, %swap3A_157] : memref<128x128xf32, #tpu.memory_space<vmem>>, vector<128x128xf32>
      tpu.vector_store %arg15[%swap3A_156, %swap3A_157], %max3A_155 {strides = array<i32>} : memref<128x128xf32, #tpu.memory_space<vmem>>, vector<128x128xf32>,
      %broadcast_in_dim3A_159 = arith.constant 0.000000e+00 : f32
      %broadcast_in_dim3A_160 = vector.broadcast %broadcast_in_dim3A_159 : f32 to vector<64x128xf32>
      %swap3A_161 = arith.constant 0 : index
      %swap3A_162 = arith.constant 0 : index
      %swap3A_163 = vector.load %arg16[%swap3A_161, %swap3A_162] : memref<64x128xf32, #tpu.memory_space<vmem>>, vector<64x128xf32>
      tpu.vector_store %arg16[%swap3A_161, %swap3A_162], %broadcast_in_dim3A_160 {strides = array<i32>} : memref<64x128xf32, #tpu.memory_space<vmem>>, vector<64x128xf32>,
      %broadcast_in_dim3A_164 = arith.constant 0.000000e+00 : f32
      %broadcast_in_dim3A_165 = vector.broadcast %broadcast_in_dim3A_164 : f32 to vector<64x128xf32>
      %swap3A_166 = arith.constant 0 : index
      %swap3A_167 = arith.constant 0 : index
      %swap3A_168 = vector.load %arg17[%swap3A_166, %swap3A_167] : memref<64x128xf32, #tpu.memory_space<vmem>>, vector<64x128xf32>
      tpu.vector_store %arg17[%swap3A_166, %swap3A_167], %broadcast_in_dim3A_165 {strides = array<i32>} : memref<64x128xf32, #tpu.memory_space<vmem>>, vector<64x128xf32>,
    } else {
    }
    %get3A = arith.constant 0 : index
    %get3A_2 = arith.constant 0 : index
    %get3A_3 = vector.load %arg15[%get3A, %get3A_2] : memref<128x128xf32, #tpu.memory_space<vmem>>, vector<128x128xf32>
    %get3A_4 = arith.constant 0 : index
    %get3A_5 = arith.constant 0 : index
    %get3A_6 = arith.constant 0 : index
    %get3A_7 = arith.constant 0 : index
    %get3A_8 = vector.load %arg1[%get3A_4, %get3A_5, %get3A_6, %get3A_7] : memref<2x1x1000x128xf32, #tpu.memory_space<vmem>>, vector<1x1x1000x128xf32>
    %get3A_9 = vector.shape_cast %get3A_8 : vector<1x1x1000x128xf32> to vector<1000x128xf32>
    %get3A_10 = arith.constant 1 : index
    %get3A_11 = arith.constant 0 : index
    %get3A_12 = arith.constant 0 : index
    %get3A_13 = arith.constant 0 : index
    %get3A_14 = vector.load %arg1[%get3A_10, %get3A_11, %get3A_12, %get3A_13] : memref<2x1x1000x128xf32, #tpu.memory_space<vmem>>, vector<1x1x1000x128xf32>
    %get3A_15 = vector.shape_cast %get3A_14 : vector<1x1x1000x128xf32> to vector<1000x128xf32>
    %add3A = arith.addf %get3A_9, %get3A_15 : vector<1000x128xf32>
    %reduce_sum3A = arith.constant dense<0.000000e+00> : vector<1000xf32>
    %reduce_sum3A_16 = vector.multi_reduction <add>, %add3A, %reduce_sum3A [1] : vector<1000x128xf32> to vector<1000xf32>
    %broadcast_in_dim3A = vector.shape_cast %reduce_sum3A_16 : vector<1000xf32> to vector<1000x1xf32>
    %add3A_17 = arith.constant 1.000000e+00 : f32
    %add3A_18 = vector.broadcast %add3A_17 : f32 to vector<1000x1xf32>
    %add3A_19 = arith.addf %broadcast_in_dim3A, %add3A_18 : vector<1000x1xf32>
    %min3A = arith.constant 1.270000e+02 : f32
    %min3A_20 = vector.broadcast %min3A : f32 to vector<1000x1xf32>
    %min3A_21 = arith.minimumf %add3A_19, %min3A_20 : vector<1000x1xf32>
    %iota3A = tpu.iota {dimensions = array<i32: 1>} : vector<1000x128xi32>
    %convert_element_type3A_22 = arith.sitofp %iota3A : vector<1000x128xi32> to vector<1000x128xf32>
    %broadcast_in_dim3A_23 = vector.shape_cast %min3A_21 : vector<1000x1xf32> to vector<1000x1xf32>
    %broadcast_in_dim3A_24 = vector.broadcast %broadcast_in_dim3A_23 : vector<1000x1xf32> to vector<1000x128xf32>
    %eq3A_25 = arith.cmpf oeq, %convert_element_type3A_22, %broadcast_in_dim3A_24 : vector<1000x128xf32>
    %convert_element_type3A_26 = arith.extui %eq3A_25 : vector<1000x128xi1> to vector<1000x128xi32>
    %convert_element_type3A_27 = arith.sitofp %convert_element_type3A_26 : vector<1000x128xi32> to vector<1000x128xf32>
    %add3A_28 = arith.addf %add3A, %convert_element_type3A_27 : vector<1000x128xf32>
    %convert_element_type3A_29 = arith.truncf %get3A_3 : vector<128x128xf32> to vector<128x128xbf16>
    %convert_element_type3A_30 = arith.extf %convert_element_type3A_29 : vector<128x128xbf16> to vector<128x128xf32>
    %sub3A = arith.subf %get3A_3, %convert_element_type3A_30 : vector<128x128xf32>
    %dot_general3A = arith.constant dense<0.000000e+00> : vector<1000x128xf32>
    %dot_general3A_31 = tpu.matmul %add3A_28, %convert_element_type3A_30, %dot_general3A {dimension_numbers = #tpu.dot_dimension_numbers<[1], [0], [0], [1], [0, 0, 1, 1], [], []>, transpose_lhs_hint = false} : vector<1000x128xf32>, vector<128x128xf32>, vector<1000x128xf32> -> vector<1000x128xf32>
    %dot_general3A_32 = arith.constant dense<0.000000e+00> : vector<1000x128xf32>
    %dot_general3A_33 = tpu.matmul %add3A_28, %sub3A, %dot_general3A_32 {dimension_numbers = #tpu.dot_dimension_numbers<[1], [0], [0], [1], [0, 0, 1, 1], [], []>, transpose_lhs_hint = false} : vector<1000x128xf32>, vector<128x128xf32>, vector<1000x128xf32> -> vector<1000x128xf32>
    %add3A_34 = arith.addf %dot_general3A_31, %dot_general3A_33 : vector<1000x128xf32>
    %get3A_35 = arith.constant 0 : index
    %get3A_36 = arith.constant 0 : index
    %get3A_37 = vector.load %arg8[%get3A_35, %get3A_36] : memref<128x128xf32, #tpu.memory_space<vmem>>, vector<128x128xf32>
    %convert_element_type3A_38 = arith.truncf %add3A_34 : vector<1000x128xf32> to vector<1000x128xbf16>
    %convert_element_type3A_39 = arith.extf %convert_element_type3A_38 : vector<1000x128xbf16> to vector<1000x128xf32>
    %sub3A_40 = arith.subf %add3A_34, %convert_element_type3A_39 : vector<1000x128xf32>
    %convert_element_type3A_41 = arith.truncf %get3A_37 : vector<128x128xf32> to vector<128x128xbf16>
    %convert_element_type3A_42 = arith.extf %convert_element_type3A_41 : vector<128x128xbf16> to vector<128x128xf32>
    %sub3A_43 = arith.subf %get3A_37, %convert_element_type3A_42 : vector<128x128xf32>
    %dot_general3A_44 = arith.constant dense<0.000000e+00> : vector<1000x128xf32>
    %dot_general3A_45 = tpu.matmul %convert_element_type3A_39, %convert_element_type3A_42, %dot_general3A_44 {dimension_numbers = #tpu.dot_dimension_numbers<[1], [0], [0], [1], [0, 0, 1, 1], [], []>, transpose_lhs_hint = false} : vector<1000x128xf32>, vector<128x128xf32>, vector<1000x128xf32> -> vector<1000x128xf32>
    %dot_general3A_46 = arith.constant dense<0.000000e+00> : vector<1000x128xf32>
    %dot_general3A_47 = tpu.matmul %convert_element_type3A_39, %sub3A_43, %dot_general3A_46 {dimension_numbers = #tpu.dot_dimension_numbers<[1], [0], [0], [1], [0, 0, 1, 1], [], []>, transpose_lhs_hint = false} : vector<1000x128xf32>, vector<128x128xf32>, vector<1000x128xf32> -> vector<1000x128xf32>
    %add3A_48 = arith.addf %dot_general3A_45, %dot_general3A_47 : vector<1000x128xf32>
    %dot_general3A_49 = arith.constant dense<0.000000e+00> : vector<1000x128xf32>
    %dot_general3A_50 = tpu.matmul %sub3A_40, %convert_element_type3A_42, %dot_general3A_49 {dimension_numbers = #tpu.dot_dimension_numbers<[1], [0], [0], [1], [0, 0, 1, 1], [], []>, transpose_lhs_hint = false} : vector<1000x128xf32>, vector<128x128xf32>, vector<1000x128xf32> -> vector<1000x128xf32>
    %add3A_51 = arith.addf %add3A_48, %dot_general3A_50 : vector<1000x128xf32>
    %get3A_52 = arith.constant 0 : index
    %get3A_53 = arith.constant 0 : index
    %get3A_54 = vector.load %arg9[%get3A_52, %get3A_53] : memref<1x128xf32, #tpu.memory_space<vmem>>, vector<1x128xf32>
    %add3A_55 = vector.broadcast %get3A_54 : vector<1x128xf32> to vector<1000x128xf32>
    %add3A_56 = arith.addf %add3A_51, %add3A_55 : vector<1000x128xf32>
    %max3A = arith.constant 0.000000e+00 : f32
    %max3A_57 = vector.broadcast %max3A : f32 to vector<1000x128xf32>
    %max3A_58 = arith.maximumf %add3A_56, %max3A_57 : vector<1000x128xf32>
    %get3A_59 = arith.constant 0 : index
    %get3A_60 = arith.constant 0 : index
    %get3A_61 = vector.load %arg10[%get3A_59, %get3A_60] : memref<128x128xf32, #tpu.memory_space<vmem>>, vector<128x128xf32>
    %convert_element_type3A_62 = arith.truncf %max3A_58 : vector<1000x128xf32> to vector<1000x128xbf16>
    %convert_element_type3A_63 = arith.extf %convert_element_type3A_62 : vector<1000x128xbf16> to vector<1000x128xf32>
    %sub3A_64 = arith.subf %max3A_58, %convert_element_type3A_63 : vector<1000x128xf32>
    %convert_element_type3A_65 = arith.truncf %get3A_61 : vector<128x128xf32> to vector<128x128xbf16>
    %convert_element_type3A_66 = arith.extf %convert_element_type3A_65 : vector<128x128xbf16> to vector<128x128xf32>
    %sub3A_67 = arith.subf %get3A_61, %convert_element_type3A_66 : vector<128x128xf32>
    %dot_general3A_68 = arith.constant dense<0.000000e+00> : vector<1000x128xf32>
    %dot_general3A_69 = tpu.matmul %convert_element_type3A_63, %convert_element_type3A_66, %dot_general3A_68 {dimension_numbers = #tpu.dot_dimension_numbers<[1], [0], [0], [1], [0, 0, 1, 1], [], []>, transpose_lhs_hint = false} : vector<1000x128xf32>, vector<128x128xf32>, vector<1000x128xf32> -> vector<1000x128xf32>
    %dot_general3A_70 = arith.constant dense<0.000000e+00> : vector<1000x128xf32>
    %dot_general3A_71 = tpu.matmul %convert_element_type3A_63, %sub3A_67, %dot_general3A_70 {dimension_numbers = #tpu.dot_dimension_numbers<[1], [0], [0], [1], [0, 0, 1, 1], [], []>, transpose_lhs_hint = false} : vector<1000x128xf32>, vector<128x128xf32>, vector<1000x128xf32> -> vector<1000x128xf32>
    %add3A_72 = arith.addf %dot_general3A_69, %dot_general3A_71 : vector<1000x128xf32>
    %dot_general3A_73 = arith.constant dense<0.000000e+00> : vector<1000x128xf32>
    %dot_general3A_74 = tpu.matmul %sub3A_64, %convert_element_type3A_66, %dot_general3A_73 {dimension_numbers = #tpu.dot_dimension_numbers<[1], [0], [0], [1], [0, 0, 1, 1], [], []>, transpose_lhs_hint = false} : vector<1000x128xf32>, vector<128x128xf32>, vector<1000x128xf32> -> vector<1000x128xf32>
    %add3A_75 = arith.addf %add3A_72, %dot_general3A_74 : vector<1000x128xf32>
    %get3A_76 = arith.constant 0 : index
    %get3A_77 = arith.constant 0 : index
    %get3A_78 = vector.load %arg11[%get3A_76, %get3A_77] : memref<1x128xf32, #tpu.memory_space<vmem>>, vector<1x128xf32>
    %add3A_79 = vector.broadcast %get3A_78 : vector<1x128xf32> to vector<1000x128xf32>
    %add3A_80 = arith.addf %add3A_75, %add3A_79 : vector<1000x128xf32>
    %get3A_81 = arith.constant 0 : index
    %get3A_82 = arith.constant 0 : index
    %get3A_83 = arith.constant 0 : index
    %get3A_84 = vector.load %arg2[%get3A_81, %get3A_82, %get3A_83] : memref<1x1x1000xi32, #tpu.memory_space<vmem>>, vector<1x1x1000xi32>
    %get3A_85 = vector.shape_cast %get3A_84 : vector<1x1x1000xi32> to vector<1x1000xi32>
    %iota3A_86 = tpu.iota {dimensions = array<i32: 0>} : vector<64x1000xi32>
    %broadcast_in_dim3A_87 = vector.shape_cast %get3A_85 : vector<1x1000xi32> to vector<1x1000xi32>
    %broadcast_in_dim3A_88 = vector.broadcast %broadcast_in_dim3A_87 : vector<1x1000xi32> to vector<64x1000xi32>
    %eq3A_89 = arith.cmpi eq, %iota3A_86, %broadcast_in_dim3A_88 : vector<64x1000xi32>
    %convert_element_type3A_90 = arith.extui %eq3A_89 : vector<64x1000xi1> to vector<64x1000xi32>
    %convert_element_type3A_91 = arith.sitofp %convert_element_type3A_90 : vector<64x1000xi32> to vector<64x1000xf32>
    %get3A_92 = arith.constant 0 : index
    %get3A_93 = arith.constant 0 : index
    %get3A_94 = vector.load %arg16[%get3A_92, %get3A_93] : memref<64x128xf32, #tpu.memory_space<vmem>>, vector<64x128xf32>
    %convert_element_type3A_95 = arith.truncf %add3A_80 : vector<1000x128xf32> to vector<1000x128xbf16>
    %convert_element_type3A_96 = arith.extf %convert_element_type3A_95 : vector<1000x128xbf16> to vector<1000x128xf32>
    %sub3A_97 = arith.subf %add3A_80, %convert_element_type3A_96 : vector<1000x128xf32>
    %dot_general3A_98 = arith.constant dense<0.000000e+00> : vector<64x128xf32>
    %dot_general3A_99 = tpu.matmul %convert_element_type3A_91, %convert_element_type3A_96, %dot_general3A_98 {dimension_numbers = #tpu.dot_dimension_numbers<[1], [0], [0], [1], [0, 0, 1, 1], [], []>, transpose_lhs_hint = false} : vector<64x1000xf32>, vector<1000x128xf32>, vector<64x128xf32> -> vector<64x128xf32>
    %dot_general3A_100 = arith.constant dense<0.000000e+00> : vector<64x128xf32>
    %dot_general3A_101 = tpu.matmul %convert_element_type3A_91, %sub3A_97, %dot_general3A_100 {dimension_numbers = #tpu.dot_dimension_numbers<[1], [0], [0], [1], [0, 0, 1, 1], [], []>, transpose_lhs_hint = false} : vector<64x1000xf32>, vector<1000x128xf32>, vector<64x128xf32> -> vector<64x128xf32>
    %add3A_102 = arith.addf %dot_general3A_99, %dot_general3A_101 : vector<64x128xf32>
    %add3A_103 = arith.addf %get3A_94, %add3A_102 : vector<64x128xf32>
    %swap3A = arith.constant 0 : index
    %swap3A_104 = arith.constant 0 : index
    %swap3A_105 = vector.load %arg16[%swap3A, %swap3A_104] : memref<64x128xf32, #tpu.memory_space<vmem>>, vector<64x128xf32>
    tpu.vector_store %arg16[%swap3A, %swap3A_104], %add3A_103 {strides = array<i32>} : memref<64x128xf32, #tpu.memory_space<vmem>>, vector<64x128xf32>,
    %get3A_106 = arith.constant 0 : index
    %get3A_107 = arith.constant 0 : index
    %get3A_108 = vector.load %arg17[%get3A_106, %get3A_107] : memref<64x128xf32, #tpu.memory_space<vmem>>, vector<64x128xf32>
    %reduce_sum3A_109 = arith.constant dense<0.000000e+00> : vector<64xf32>
    %reduce_sum3A_110 = vector.multi_reduction <add>, %convert_element_type3A_91, %reduce_sum3A_109 [1] : vector<64x1000xf32> to vector<64xf32>
    %broadcast_in_dim3A_111 = vector.shape_cast %reduce_sum3A_110 : vector<64xf32> to vector<64x1xf32>
    %broadcast_in_dim3A_112 = vector.shape_cast %broadcast_in_dim3A_111 : vector<64x1xf32> to vector<64x1xf32>
    %broadcast_in_dim3A_113 = vector.broadcast %broadcast_in_dim3A_112 : vector<64x1xf32> to vector<64x128xf32>
    %add3A_114 = arith.addf %get3A_108, %broadcast_in_dim3A_113 : vector<64x128xf32>
    %swap3A_115 = arith.constant 0 : index
    %swap3A_116 = arith.constant 0 : index
    %swap3A_117 = vector.load %arg17[%swap3A_115, %swap3A_116] : memref<64x128xf32, #tpu.memory_space<vmem>>, vector<64x128xf32>
    tpu.vector_store %arg17[%swap3A_115, %swap3A_116], %add3A_114 {strides = array<i32>} : memref<64x128xf32, #tpu.memory_space<vmem>>, vector<64x128xf32>,
    %eq3A_118 = arith.constant 9 : i32
    %eq3A_119 = arith.cmpi eq, %arg0, %eq3A_118 : i32
    %convert_element_type3A_120 = arith.extui %eq3A_119 : i1 to i32
    %cond3A_121 = arith.constant 0 : i32
    %cond3A_122 = arith.cmpi ne, %convert_element_type3A_120, %cond3A_121 : i32
    scf.if %cond3A_122 {
      %get3A_123 = arith.constant 0 : index
      %get3A_124 = arith.constant 0 : index
      %get3A_125 = vector.load %arg16[%get3A_123, %get3A_124] : memref<64x128xf32, #tpu.memory_space<vmem>>, vector<64x128xf32>
      %get3A_126 = arith.constant 0 : index
      %get3A_127 = arith.constant 0 : index
      %get3A_128 = vector.load %arg17[%get3A_126, %get3A_127] : memref<64x128xf32, #tpu.memory_space<vmem>>, vector<64x128xf32>
      %max3A_129 = arith.constant 1.000000e+00 : f32
      %max3A_130 = vector.broadcast %max3A_129 : f32 to vector<64x128xf32>
      %max3A_131 = arith.maximumf %get3A_128, %max3A_130 : vector<64x128xf32>
      %div3A = arith.divf %get3A_125, %max3A_131 : vector<64x128xf32>
      %get3A_132 = arith.constant 0 : index
      %get3A_133 = arith.constant 0 : index
      %get3A_134 = vector.load %arg12[%get3A_132, %get3A_133] : memref<128x128xf32, #tpu.memory_space<vmem>>, vector<128x128xf32>
      %dot_general3A_135 = arith.constant dense<0.000000e+00> : vector<64x128xf32>
      %dot_general3A_136 = tpu.matmul %div3A, %get3A_134, %dot_general3A_135 {dimension_numbers = #tpu.dot_dimension_numbers<[1], [0], [0], [1], [0, 0, 1, 1], [], []>, precision = #tpu.contract_precision<fp32>, transpose_lhs_hint = false} : vector<64x128xf32>, vector<128x128xf32>, vector<64x128xf32> -> vector<64x128xf32>
      %get3A_137 = arith.constant 0 : index
      %get3A_138 = arith.constant 0 : index
      %get3A_139 = vector.load %arg13[%get3A_137, %get3A_138] : memref<1x128xf32, #tpu.memory_space<vmem>>, vector<1x128xf32>
      %add3A_140 = vector.broadcast %get3A_139 : vector<1x128xf32> to vector<64x128xf32>
      %add3A_141 = arith.addf %dot_general3A_136, %add3A_140 : vector<64x128xf32>
      %swap3A_142 = arith.constant 0 : index
      %swap3A_143 = arith.constant 0 : index
      %swap3A_144 = vector.load %arg14[%swap3A_142, %swap3A_143] : memref<64x128xf32, #tpu.memory_space<vmem>>, vector<64x128xf32>
      tpu.vector_store %arg14[%swap3A_142, %swap3A_143], %add3A_141 {strides = array<i32>} : memref<64x128xf32, #tpu.memory_space<vmem>>, vector<64x128xf32>,
    } else {
    }
    return
  }
  func.func @transform_0(%arg0: i32) -> (i32, i32, i32, i32) {
    %c0_i32 = arith.constant 0 : i32
    %c0_i32_0 = arith.constant 0 : i32
    %c0_i32_1 = arith.constant 0 : i32
    %c0_i32_2 = arith.constant 0 : i32
    return %c0_i32, %arg0, %c0_i32_0, %c0_i32_1 : i32, i32, i32, i32
  }
  func.func @transform_1(%arg0: i32) -> (i32, i32, i32) {
    %c0_i32 = arith.constant 0 : i32
    %c0_i32_0 = arith.constant 0 : i32
    %c0_i32_1 = arith.constant 0 : i32
    return %arg0, %c0_i32, %c0_i32_0 : i32, i32, i32
  }
  func.func @transform_2(%arg0: i32) -> (i32, i32) {
    %c0_i32 = arith.constant 0 : i32
    %c0_i32_0 = arith.constant 0 : i32
    %c0_i32_1 = arith.constant 0 : i32
    return %c0_i32, %c0_i32_0 : i32, i32
  }
  func.func @transform_3(%arg0: i32) -> (i32, i32) {
    %c0_i32 = arith.constant 0 : i32
    %c0_i32_0 = arith.constant 0 : i32
    %c0_i32_1 = arith.constant 0 : i32
    return %c0_i32, %c0_i32_0 : i32, i32
  }
  func.func @transform_4(%arg0: i32) -> (i32, i32) {
    %c0_i32 = arith.constant 0 : i32
    %c0_i32_0 = arith.constant 0 : i32
    %c0_i32_1 = arith.constant 0 : i32
    return %c0_i32, %c0_i32_0 : i32, i32
  }
  func.func @transform_5(%arg0: i32) -> (i32, i32) {
    %c0_i32 = arith.constant 0 : i32
    %c0_i32_0 = arith.constant 0 : i32
    %c0_i32_1 = arith.constant 0 : i32
    return %c0_i32, %c0_i32_0 : i32, i32
  }
  func.func @transform_6(%arg0: i32) -> (i32, i32) {
    %c0_i32 = arith.constant 0 : i32
    %c0_i32_0 = arith.constant 0 : i32
    %c0_i32_1 = arith.constant 0 : i32
    return %c0_i32, %c0_i32_0 : i32, i32
  }
  func.func @transform_7(%arg0: i32) -> (i32, i32) {
    %c0_i32 = arith.constant 0 : i32
    %c0_i32_0 = arith.constant 0 : i32
    %c0_i32_1 = arith.constant 0 : i32
    return %c0_i32, %c0_i32_0 : i32, i32
  }
  func.func @transform_8(%arg0: i32) -> (i32, i32) {
    %c0_i32 = arith.constant 0 : i32
    %c0_i32_0 = arith.constant 0 : i32
    %c0_i32_1 = arith.constant 0 : i32
    return %c0_i32, %c0_i32_0 : i32, i32
  }
  func.func @transform_9(%arg0: i32) -> (i32, i32) {
    %c0_i32 = arith.constant 0 : i32
    %c0_i32_0 = arith.constant 0 : i32
    %c0_i32_1 = arith.constant 0 : i32
    return %c0_i32, %c0_i32_0 : i32, i32
  }
  func.func @transform_10(%arg0: i32) -> (i32, i32) {
    %c0_i32 = arith.constant 0 : i32
    %c0_i32_0 = arith.constant 0 : i32
    %c0_i32_1 = arith.constant 0 : i32
    return %c0_i32, %c0_i32_0 : i32, i32
  }
  func.func @transform_11(%arg0: i32) -> (i32, i32) {
    %c0_i32 = arith.constant 0 : i32
    %c0_i32_0 = arith.constant 0 : i32
    %c0_i32_1 = arith.constant 0 : i32
    return %c0_i32, %c0_i32_0 : i32, i32
  }
  func.func @transform_12(%arg0: i32) -> (i32, i32) {
    %c0_i32 = arith.constant 0 : i32
    %c0_i32_0 = arith.constant 0 : i32
    %c0_i32_1 = arith.constant 0 : i32
    return %c0_i32, %c0_i32_0 : i32, i32
  }
  func.func @transform_13(%arg0: i32) -> (i32, i32) {
    %c0_i32 = arith.constant 0 : i32
    %c0_i32_0 = arith.constant 0 : i32
    %c0_i32_1 = arith.constant 0 : i32
    return %c0_i32, %c0_i32_0 : i32, i32
  }
}

</mosaic_0001>

<sc_bundles>
// kernel: kernel.5.cloned.1.call-start
scs
__scs_entry_jumppad:
0x0: {  	(pc) =	sbr.rel $0x88, $3  }
0x1: {  	(tag) =	ssettag $0x0;
	lr =	simm.s32 $0x1  }
0x2: {  	[smem:$0x3F94] =	sst lr;
	_ =	strace $0xD0000000  }
0x3: {  	_ = 	snop  }
0x4: {  	_ = 	snop  }
0x5: {  	_ = 	snop  }
0x6: {  	_ = 	snop  }
0x7: {  	_ = 	snop  }
__scs_overlays_trampoline_lowered:
0x8: {  	[smem:$0x3FA3] =	sst s0  }
0x9: {  	[smem:$0x3FA4] =	sst s1  }
0xa: {  	[smem:$0x3FA5] =	sst s2  }
0xb: {  	[smem:$0x3FA6] =	sst s3  }
0xc: {  	[smem:$0x3FA7] =	sst s4  }
0xd: {  	[smem:$0x3FA8] =	sst s5  }
0xe: {  	[smem:$0x3FA9] =	sst s6  }
0xf: {  	[smem:$0x3FAA] =	sst s7  }
0x10: {  	[smem:$0x3FAB] =	sst s8  }
0x11: {  	[smem:$0x3FAC] =	sst s9;
	s0 =	simm.s32 @!p0 $0x0  }
0x12: {  	s1 =	sld [smem:$0x3F92];
	s0 =	simm.s32 @p0 $0x1  }
0x13: {  	[smem:$0x3FAD] =	sst s0;
	s0 =	simm.s32 @!p1 $0x0  }
0x14: {  	s2 =	sld [smem:$0x3F91];
	s0 =	simm.s32 @p1 $0x1  }
0x15: {  	[smem:$0x3FAE] =	sst s0;
	s0 =	simm.s32 @!p2 $0x0  }
0x16: {  	s3 =	sld [smem:$0x3FDB];
	s0 =	simm.s32 @p2 $0x1  }
0x17: {  	s4 =	simm.s32 $0x1BF5;
	[smem:$0x3FB0] =	sst s0  }
0x18: {  	s0 =	sld [smem:$0x3F93];
	_ =	swait.ge [sflag:s4], $0x0  }
0x19: {  	s7 =	sld [smem:$0x3F94]  }
0x1a: {  	s8 =	sadd.s32 $0xFFFFE003, lr  }
0x1b: {  	s9 =	sadd.s32 $0xFFFFFEF7, lr;
	s5 =	simm.s32 $0xFFFFFFFF;
	p2 =	slt.u32 s8, $0xFFFFF086  }
0x1c: {  	p1 =	slt.u32 s9, $0xF7A;
	s5 =	simm.s32 @!p2 $0x0  }
0x1d: {  	s5 =	simm.s32 @p1 $0x1;
	p0 =	seq.s32 s7, s2  }
0x1e: {  	s7 =	smul.u32 @!p0 $0xF7A, s2;
	p2 =	seq.s32 @!p0 s5, $0x0  }
0x1f: {  	s9 =	smul.u32 $0xF7A, s1;
	s8 =	simm.s32 @!p0 $0x1BF5;
	p2 =	por !p2, p0  }
0x20: {  	[sflag:s8] =	ssyncset.s32 @!p0 $0xFFFFF086;
	s6 =	sadd.s32 @!p0 s3, s7;
	s7 =	simm.s32 @!p0 $0x108  }
0x21: {  	s3 =	sadd.s32 s3, s9;
	s6 =	sadd.s32 @!p0 $0x88, s6;
	s7 =	simm.s32 @p2 $0x1082  }
0x22: {  	[simem:s7], [sflag:s8] =	dma.local @!p0 [hbm:s6], $0xF7A  }
0x23: {  	s9 =	sor.u32 $0xD0000000, s2;
	s6 =	simm.s32 $0x108;
	_ =	swait.ge @!p0 [sflag:s8], $0x0  }
0x24: {  	s3 =	sadd.s32 $0x88, s3;
	s6 =	simm.s32 @!p1 $0x1082;
	[sflag:s4] =	ssyncset.s32 $0xFFFFF086  }
0x25: {  	[simem:s6], [sflag:s4] =	dma.local [hbm:s3], $0xF7A  }
0x26: {  	[smem:$0x3F94] =	sst s1;
	(tag) =	ssettag s2;
	_ =	strace s9  }
0x27: {  	s1 =	sld [smem:$0x3FA4]  }
0x28: {  	s2 =	sld [smem:$0x3FA5]  }
0x29: {  	s4 =	sld [smem:$0x3FA7]  }
0x2a: {  	p0 =	seq.s32 s5, $0x0;
	s5 =	sld [smem:$0x3FA8]  }
0x2b: {  	s6 =	sld [smem:$0x3FA9]  }
0x2c: {  	s7 =	sld [smem:$0x3FAA]  }
0x2d: {  	s3 =	simm.s32 $0x108;
	s8 =	sld [smem:$0x3FAB]  }
0x2e: {  	s3 =	simm.s32 @!p0 $0x1082;
	s9 =	sld [smem:$0x3FAC]  }
0x2f: {  	lr =	sadd.s32 s0, s3;
	s0 =	sld [smem:$0x3FA3]  }
0x30: {  	s3 =	sld [smem:$0x3FA6]  }
0x31: {  	[smem:$0x3FAF] =	sst s10  }
0x32: {  	s10 =	sld [smem:$0x3FAD];
	_ =	sdelay $0x3  }
0x33: {  	p0 =	seq.s32 s10, $0x1;
	s10 =	sld [smem:$0x3FAF];
	_ =	sdelay $0x3  }
0x34: {  	[smem:$0x3FAF] =	sst s10  }
0x35: {  	s10 =	sld [smem:$0x3FAE];
	_ =	sdelay $0x3  }
0x36: {  	p1 =	seq.s32 s10, $0x1;
	s10 =	sld [smem:$0x3FAF];
	_ =	sdelay $0x3  }
0x37: {  	[smem:$0x3FAF] =	sst s10  }
0x38: {  	s10 =	sld [smem:$0x3FB0]  }
0x39: {  	_ = 	snop;
	(pc) =	sbr.ind lr, $3  }
0x3a: {  	_ = 	snop  }
0x3b: {  	_ = 	snop  }
0x3c: {  	p2 =	seq.s32 s10, $0x1;
	s10 =	sld [smem:$0x3FAF]  }
0x3d: {  	_ =	shalt  }
0x3e: {  	_ =	shalt  }
0x3f: {  	_ =	shalt  }
0x40: {  	_ =	shalt  }
0x41: {  	_ =	shalt  }
0x42: {  	_ =	shalt  }
0x43: {  	_ =	shalt  }
0x44: {  	_ =	shalt  }
0x45: {  	_ =	shalt  }
0x46: {  	_ =	shalt  }
0x47: {  	_ =	shalt  }
0x48: {  	_ =	shalt  }
0x49: {  	_ =	shalt  }
0x4a: {  	_ =	shalt  }
0x4b: {  	_ =	shalt  }
0x4c: {  	_ =	shalt  }
0x4d: {  	_ =	shalt  }
0x4e: {  	_ =	shalt  }
0x4f: {  	_ =	shalt  }
0x50: {  	_ =	shalt  }
0x51: {  	_ =	shalt  }
0x52: {  	_ =	shalt  }
0x53: {  	_ =	shalt  }
0x54: {  	_ =	shalt  }
0x55: {  	_ =	shalt  }
0x56: {  	_ =	shalt  }
0x57: {  	_ =	shalt  }
0x58: {  	_ =	shalt  }
0x59: {  	_ =	shalt  }
0x5a: {  	_ =	shalt  }
0x5b: {  	_ =	shalt  }
0x5c: {  	_ =	shalt  }
0x5d: {  	_ =	shalt  }
0x5e: {  	_ =	shalt  }
0x5f: {  	_ =	shalt  }
0x60: {  	_ =	shalt  }
0x61: {  	_ =	shalt  }
0x62: {  	_ =	shalt  }
0x63: {  	_ =	shalt  }
0x64: {  	_ =	shalt  }
0x65: {  	_ =	shalt  }
0x66: {  	_ =	shalt  }
0x67: {  	_ =	shalt  }
0x68: {  	_ =	shalt  }
0x69: {  	_ =	shalt  }
0x6a: {  	_ =	shalt  }
0x6b: {  	_ =	shalt  }
0x6c: {  	_ =	shalt  }
0x6d: {  	_ =	shalt  }
0x6e: {  	_ =	shalt  }
0x6f: {  	_ =	shalt  }
0x70: {  	_ =	shalt  }
0x71: {  	_ =	shalt  }
0x72: {  	_ =	shalt  }
0x73: {  	_ =	shalt  }
0x74: {  	_ =	shalt  }
0x75: {  	_ =	shalt  }
0x76: {  	_ =	shalt  }
0x77: {  	_ =	shalt  }
0x78: {  	_ =	shalt  }
0x79: {  	_ =	shalt  }
0x7a: {  	_ =	shalt  }
0x7b: {  	_ =	shalt  }
0x7c: {  	_ =	shalt  }
0x7d: {  	_ =	shalt  }
0x7e: {  	_ =	shalt  }
0x7f: {  	_ =	shalt  }
0x80: {  	_ =	shalt  }
0x81: {  	_ =	shalt  }
0x82: {  	_ =	shalt  }
0x83: {  	_ =	shalt  }
0x84: {  	_ =	shalt  }
0x85: {  	_ =	shalt  }
0x86: {  	_ =	shalt  }
0x87: {  	_ =	shalt  }
.Lfunc_end0:
.L_simem_size_0:
called_computation_lowered:
.L_overlay_start_0:
0x88: {  	s2 =	sld [smem:$0x3FD9]  }
0x89: {  	s3 =	sld [smem:$0x3FFE];
	_ =	sdelay $0x1  }
0x8a: {  	s1 =	srdreg.scid  }
0x8b: {  	s0 =	sand.u32 $0x1, s1  }
0x8c: {  	s16 =	sshll.u32 s0, $0xA;
	s2 =	sadd.s32 s3, s2  }
0x8d: {  	s2 =	sadd.s32 s2, s16  }
0x8e: {  	[smem:$0x3FBB] =	sst s2  }
0x8f: {  	_ = 	snop  }
0x90: {  	(tm) =	ssettm $0x1  }
0x91: {  	s17 =	sld [smem:$0x3FFB];
	_ =	sdelay $0x3  }
0x92: {  	_ =	strace s17  }
0x93: {  	s2 =	sld [smem:$0x3FFC];
	_ =	sdelay $0x3  }
0x94: {  	_ =	strace s2  }
0x95: {  	s2 =	sld [smem:$0x3FFD];
	_ =	sdelay $0x3  }
0x96: {  	_ =	strace s2  }
0x97: {  	_ =	strace $0x8FFFFFFF  }
0x98: {  	s18 =	sld [smem:$0x3FDB];
	_ =	sdelay $0x1  }
0x99: {  	s19 =	simm.s32 $_scs_section_size  }
0x9a: {  	s4 =	simm.s32 $_size__tile_overlayer_lowered;
	s5 =	simm.s32 $_tile_overlayer_lowered  }
0x9b: {  	s22 =	simm.s32 $0x1BFF;
	s21 =	sshll.u32 s5, $0x1;
	s2 =	sadd.s32 s19, s18  }
0x9c: {  	s6 =	simm.s32 $0x0;
	s20 =	sshll.u32 s4, $0x1;
	s4 =	sadd.s32 s21, s2  }
0x9d: {  	[timem:s6], [sflag:s22] =	dma.local [hbm:s4], s20  }
0x9e: {  	_ =	swait.ge [sflag:s22], s20  }
0x9f: {  	s3 =	ssub.s32 $0x0, s20;
	[sflag:s22] =	ssyncset.done $0x0  }
0xa0: {  	[sflag:s22] =	ssyncadd.s32 s3;
	_ =	sdelay $0x1  }
0xa1: {  	s23 =	simm.s32 $0x1B8B  }
0xa2: {  	_ =	swait.ge [sflag:s23], $0x1  }
0xa3: {  	[sflag:s23] =	ssyncset.done $0x0  }
0xa4: {  	s25 =	simm.s32 $0x1B8E;
	s24 =	sld [smem:$0x3FFE];
	[sflag:s23] =	ssyncadd.s32 $0xFFFFFFFF  }
0xa5: {  	s26 =	simm.s32 $execute0_lowered;
	[smem:$0x3FD2] =	sst s25  }
0xa6: {  	s4 =	sshll.u32 s26, $0x1;
	_ =	strace $0x80000046;
	[dreg:$0x1] =	wrdreg $0xFFFFFFFF  }
0xa7: {  	s28 =	simm.s32 $_size_execute0_lowered;
	s2 =	sadd.s32 s2, s4;
	[dreg:$0x0] =	wrdreg $0x0  }
0xa8: {  	s4 =	sshll.u32 s28, $0x1;
	[dreg:$0x2] =	wrdreg s2  }
0xa9: {  	[dreg:$0x3] =	wrdreg s4  }
0xaa: {  	[dreg:$0x4] =	wrdreg $0xC0  }
0xab: {  	_ =	task [dreg:s6], $0x5FFFF  }
0xac: {  	[dreg:$0x1] =	wrdreg $0xFFFFFFFF  }
0xad: {  	[dreg:$0x0] =	wrdreg $0x60  }
0xae: {  	[dreg:$0x2] =	wrdreg s24  }
0xaf: {  	[dreg:$0x3] =	wrdreg $0x0  }
0xb0: {  	[dreg:$0x4] =	wrdreg $0x9  }
0xb1: {  	_ =	task.clear_ibuf [dreg:s6], $0x5FFFF;
	_ =	strace $0x90000046  }
0xb2: {  	s29 =	simm.s32 $0x9;
	_ =	strace $0x80000048  }
0xb3: {  	_ =	swait.ge [sflag:s29], $0x1  }
0xb4: {  	[sflag:s29] =	ssyncadd.s32 $0xFFFFFFFF  }
0xb5: {  	_ =	strace $0x90000048  }
0xb6: {  	_ =	sfence  }
0xb7: {  	s30 =	sld [smem:$0x0];
	_ =	sdelay $0x2  }
0xb8: {  	s31 =	sshll.u32 s1, $0xD;
	s1 =	sshrl.u32 s1, $0x2  }
0xb9: {  	s3 =	sand.u32 $0x4000, s31;
	s1 =	sadd.s32 s1, s30  }
0xba: {  	s0 =	sor.u32 s3, s0;
	s1 =	sshll.u32 s1, $0x11  }
0xbb: {  	s0 =	sor.u32 s1, s0  }
0xbc: {  	s0 =	sadd.s32 $0x8F2B, s0  }
0xbd: {  	[sflag:s0] =	ssyncadd.remote.s32 $0x1  }
0xbe: {  	_ =	sfence.sel $0xFFFF  }
0xbf: {  	[dreg:$0x0] =	wrdreg $0xFFFFFFFF;
	(pc) =	sbr.abs _section_cstart, $3  }
0xc0: {  	[dreg:$0x1] =	wrdreg $0xFFFFFFFF  }
0xc1: {  	_ =	task.clear_ibuf [dreg:s6], $0x2FFFF;
	_ =	strace $0x9FFFFFFF  }
0xc2: {  	(tm) =	ssettm $0x7FFFFFFF  }
0xc3: {  	_ =	shalt  }
tec
execute0_lowered:
.L_overlay_start_1:
0x0: {  	(tag) =	ssettag $0x1  }
0x1: {  	s0 =	srdreg.scid  }
0x2: {  	s4 =	rddreg [dreg:$0x0];
	s14 =	stileid.u32  }
0x3: {  	s1 =	rddreg [dreg:$0x1];
	s2 =	simm.s32 $0x0;
	s15 =	simm.s32 $0x2  }
0x4: {  	s16 =	simm.s32 $0x80;
	s17 =	simm.s32 $0x2A78;
	s18 =	simm.s32 $0x1  }
0x5: {  	s19 =	simm.s32 $0x2978;
	s20 =	simm.s32 $0x2AF8;
	s3 =	sand.u32 $0x1, s0  }
0x6: {  	[smem:$0x7FF] =	sst s2;
	s8 =	sadd.s32 $0x1F40, s1;
	p0 =	sne.s32 s14, $0x0  }
0x7: {  	s0 =	sshll.u32 s3, $0x4;
	s6 =	smul.u32 $0x2710, s3;
	s3 =	ssub.s32 $0x2, s3  }
0x8: {  	s5 =	sor.u32 s14, s0;
	s0 =	rddreg [dreg:$0x2];
	_ =	strace $0x80000047  }
0x9: {  	s7 =	sshrl.u32 s3, $0x1;
	s14 =	simm.s32 $0x278;
	s5 =	smul.u32 $0x2800, s5  }
0xa: {  	s6 =	sshrl.u32 s6, $0x3;
	s31 =	ssub.s32 s3, s7;
	s7 =	sadd.s32 $0x1770, s1  }
0xb: {  	s13 =	sadd.s32 s6, s4;
	s6 =	sadd.s32 $0xFA0, s1;
	s5 =	sshrl.u32 s5, $0x3  }
0xc: {  	s9 =	sadd.s32 $0x16200, s13;
	s10 =	sadd.s32 $0x162FA, s13;
	s11 =	sadd.s32 $0x163F4, s13  }
0xd: {  	s12 =	sadd.s32 $0x164EE, s13;
	s13 =	sadd.s32 $0x165E8, s13;
	s5 =	sadd.s32 s4, s5  }
0xe: {  	v0 =	vimm.f32 $1.000000000e+00;
	v1 =	vimm.f32 $0.0e+00;
	s4 =	smax.u32 s31, $0x1;
	s3 =	sadd.s32 $0xC200, s5;
	s5 =	sadd.s32 $0x7D0, s1  }
.LBB2_1:
0xf: {  	[tilespmem:$0x2A78] =	vst v0  }
0x10: {  	[tilespmem:$0x2AF8] =	vst v0  }
0x11: {  	[tilespmem:$0x2A88] =	vst v0  }
0x12: {  	[tilespmem:$0x2B08] =	vst v1  }
0x13: {  	[tilespmem:$0x2A98] =	vst v0  }
0x14: {  	[tilespmem:$0x2B18] =	vst v1  }
0x15: {  	[tilespmem:$0x2AA8] =	vst v0  }
0x16: {  	[tilespmem:$0x2B28] =	vst v1  }
0x17: {  	[tilespmem:$0x2AB8] =	vst v0  }
0x18: {  	[tilespmem:$0x2B38] =	vst v1  }
0x19: {  	[tilespmem:$0x2AC8] =	vst v0  }
0x1a: {  	[tilespmem:$0x2B48] =	vst v1  }
0x1b: {  	[tilespmem:$0x2AD8] =	vst v0  }
0x1c: {  	[tilespmem:$0x2B58] =	vst v1  }
0x1d: {  	[tilespmem:$0x2AE8] =	vst v0  }
0x1e: {  	[tilespmem:$0x2B68] =	vst v1;
	s21 =	simm.s32 $0x40;
	s22 =	simm.s32 $0x0  }
.LBB2_2:
0x1f: {  	p1 =	sne.s32 s21, $0x1F00;
	[tilespmem:s22+$0x2B78] =	vst v1;
	s22 =	smov.u32 s21;
	s21 =	sadd.s32 $0x40, s21  }
.Ltmp0:
0x20: {  	(pc) =	sbr.rel @p1 .LBB2_2-.Ltmp0, $2  }
0x21: {  	_ =	sdelay $0x2  }
0x22: {  	s22 =	sshra.s32 s22, $0x2  }
0x23: {  	[tilespmem:s22+$0x2B78] =	vst v1;
	s21 =	simm.s32 @!p0 $0x2B78;
	s22 =	simm.s32 @!p0 $0x2  }
0x24: {  	[spmem:s1] =	stream.linear.scatter @!p0 [tilespmem:s21], [sflag:$0x2], $0x7D0, $0x38;
	[tilespmem:$0x3378] =	vst v63  }
0x25: {  	_ =	swait.ge @!p0 [sflag:s22], $0x7D0  }
0x26: {  	[sflag:s22] =	ssyncset.done @!p0 $0x0  }
0x27: {  	[sflag:s22] =	ssyncadd.s32 @!p0 $0xFFFFF830  }
0x28: {  	[spmem:s5] =	stream.linear.scatter @!p0 [tilespmem:s21], [sflag:$0x2], $0x7D0, $0x38;
	[tilespmem:$0x3378] =	vst v63  }
0x29: {  	_ =	swait.ge @!p0 [sflag:s22], $0x7D0  }
0x2a: {  	[sflag:s22] =	ssyncset.done @!p0 $0x0  }
0x2b: {  	[sflag:s22] =	ssyncadd.s32 @!p0 $0xFFFFF830  }
0x2c: {  	[spmem:s6] =	stream.linear.scatter @!p0 [tilespmem:s21], [sflag:$0x2], $0x7D0, $0x38;
	[tilespmem:$0x3378] =	vst v63  }
0x2d: {  	_ =	swait.ge @!p0 [sflag:s22], $0x7D0  }
0x2e: {  	[sflag:s22] =	ssyncset.done @!p0 $0x0  }
0x2f: {  	[sflag:s22] =	ssyncadd.s32 @!p0 $0xFFFFF830  }
0x30: {  	[spmem:s7] =	stream.linear.scatter @!p0 [tilespmem:s21], [sflag:$0x2], $0x7D0, $0x38;
	[tilespmem:$0x3378] =	vst v63  }
0x31: {  	_ =	swait.ge @!p0 [sflag:s22], $0x7D0  }
0x32: {  	[sflag:s22] =	ssyncset.done @!p0 $0x0  }
0x33: {  	[sflag:s22] =	ssyncadd.s32 @!p0 $0xFFFFF830  }
0x34: {  	[spmem:s8] =	stream.linear.scatter @!p0 [tilespmem:s21], [sflag:$0x2], $0x7D0, $0x38;
	[tilespmem:$0x3378] =	vst v63  }
0x35: {  	_ =	swait.ge @!p0 [sflag:s22], $0x7D0  }
0x36: {  	[sflag:s22] =	ssyncset.done @!p0 $0x0  }
0x37: {  	s26 =	simm.s32 $0x0;
	[sflag:s22] =	ssyncadd.s32 @!p0 $0xFFFFF830  }
0x38: {  	[tilespmem:s14], [sflag:$0x2] =	stream.linear.gather [hbm4b:s3+s26], $0x2780, $0x38;
	[tilespmem:$0x3378] =	vst v63  }
0x39: {  	_ =	swait.ge [sflag:s15], $0x2780  }
0x3a: {  	[sflag:s15] =	ssyncset.done $0x0  }
0x3b: {  	[sflag:s15] =	ssyncadd.s32 $0xFFFFD880  }
0x3c: {  	s28 =	simm.s32 $0x278;
	[bflag:$0x0] =	sbarrier.arrive $0xFFFF  }
0x3d: {  	[spmem:s1] =	stream.indirect.scatter.add.f32 [tilespmem:s17], [sflag:$0x1], $0x1, s28, s16, $0xb8;
	[tilespmem:$0x3378] =	vst v63  }
0x3e: {  	s29 =	simm.s32 $0x2F8  }
0x3f: {  	[spmem:s1] =	stream.indirect.scatter.add.f32 [tilespmem:s17], [sflag:$0x1], $0x1, s29, s16, $0xb8;
	[tilespmem:$0x3378] =	vst v63  }
0x40: {  	s30 =	simm.s32 $0x378  }
0x41: {  	[spmem:s1] =	stream.indirect.scatter.add.f32 [tilespmem:s17], [sflag:$0x1], $0x1, s30, s16, $0xb8;
	[tilespmem:$0x3378] =	vst v63  }
0x42: {  	s31 =	simm.s32 $0x3F8  }
0x43: {  	[spmem:s1] =	stream.indirect.scatter.add.f32 [tilespmem:s17], [sflag:$0x1], $0x1, s31, s16, $0xb8;
	[tilespmem:$0x3378] =	vst v63  }
0x44: {  	s22 =	simm.s32 $0x478  }
0x45: {  	[spmem:s1] =	stream.indirect.scatter.add.f32 [tilespmem:s17], [sflag:$0x1], $0x1, s22, s16, $0xb8;
	[tilespmem:$0x3378] =	vst v63  }
0x46: {  	s23 =	simm.s32 $0x4F8  }
0x47: {  	[spmem:s1] =	stream.indirect.scatter.add.f32 [tilespmem:s17], [sflag:$0x1], $0x1, s23, s16, $0xb8;
	[tilespmem:$0x3378] =	vst v63  }
0x48: {  	s24 =	simm.s32 $0x578  }
0x49: {  	[spmem:s1] =	stream.indirect.scatter.add.f32 [tilespmem:s17], [sflag:$0x1], $0x1, s24, s16, $0xb8;
	[tilespmem:$0x3378] =	vst v63  }
0x4a: {  	s25 =	simm.s32 $0x5F8  }
0x4b: {  	[spmem:s1] =	stream.indirect.scatter.add.f32 [tilespmem:s17], [sflag:$0x1], $0x1, s25, s16, $0xb8;
	[tilespmem:$0x3378] =	vst v63  }
0x4c: {  	s26 =	simm.s32 $0x678  }
0x4d: {  	[spmem:s1] =	stream.indirect.scatter.add.f32 [tilespmem:s17], [sflag:$0x1], $0x1, s26, s16, $0xb8;
	[tilespmem:$0x3378] =	vst v63  }
0x4e: {  	s28 =	simm.s32 $0x6F8  }
0x4f: {  	[spmem:s1] =	stream.indirect.scatter.add.f32 [tilespmem:s17], [sflag:$0x1], $0x1, s28, s16, $0xb8;
	[tilespmem:$0x3378] =	vst v63  }
0x50: {  	s29 =	simm.s32 $0x778  }
0x51: {  	[spmem:s1] =	stream.indirect.scatter.add.f32 [tilespmem:s17], [sflag:$0x1], $0x1, s29, s16, $0xb8;
	[tilespmem:$0x3378] =	vst v63  }
0x52: {  	s30 =	simm.s32 $0x7F8  }
0x53: {  	[spmem:s1] =	stream.indirect.scatter.add.f32 [tilespmem:s17], [sflag:$0x1], $0x1, s30, s16, $0xb8;
	[tilespmem:$0x3378] =	vst v63  }
0x54: {  	s31 =	simm.s32 $0x878  }
0x55: {  	[spmem:s1] =	stream.indirect.scatter.add.f32 [tilespmem:s17], [sflag:$0x1], $0x1, s31, s16, $0xb8;
	[tilespmem:$0x3378] =	vst v63  }
0x56: {  	_ =	swait.ge [sflag:s18], $0x80  }
0x57: {  	[sflag:s18] =	ssyncset.done $0x0  }
0x58: {  	[sflag:s18] =	ssyncadd.s32 $0xFFFFFF80  }
0x59: {  	_ =	swait.ge [sflag:s18], $0x80  }
0x5a: {  	[sflag:s18] =	ssyncset.done $0x0  }
0x5b: {  	[sflag:s18] =	ssyncadd.s32 $0xFFFFFF80  }
0x5c: {  	_ =	swait.ge [sflag:s18], $0x80  }
0x5d: {  	[sflag:s18] =	ssyncset.done $0x0  }
0x5e: {  	[sflag:s18] =	ssyncadd.s32 $0xFFFFFF80  }
0x5f: {  	_ =	swait.ge [sflag:s18], $0x80  }
0x60: {  	[sflag:s18] =	ssyncset.done $0x0  }
0x61: {  	[sflag:s18] =	ssyncadd.s32 $0xFFFFFF80  }
0x62: {  	_ =	swait.ge [sflag:s18], $0x80  }
0x63: {  	[sflag:s18] =	ssyncset.done $0x0  }
0x64: {  	[sflag:s18] =	ssyncadd.s32 $0xFFFFFF80  }
0x65: {  	_ =	swait.ge [sflag:s18], $0x80  }
0x66: {  	[sflag:s18] =	ssyncset.done $0x0  }
0x67: {  	[sflag:s18] =	ssyncadd.s32 $0xFFFFFF80  }
0x68: {  	_ =	swait.ge [sflag:s18], $0x80  }
0x69: {  	[sflag:s18] =	ssyncset.done $0x0  }
0x6a: {  	[sflag:s18] =	ssyncadd.s32 $0xFFFFFF80  }
0x6b: {  	_ =	swait.ge [sflag:s18], $0x80  }
0x6c: {  	[sflag:s18] =	ssyncset.done $0x0  }
0x6d: {  	[sflag:s18] =	ssyncadd.s32 $0xFFFFFF80  }
0x6e: {  	_ =	swait.ge [sflag:s18], $0x80  }
0x6f: {  	[sflag:s18] =	ssyncset.done $0x0  }
0x70: {  	[sflag:s18] =	ssyncadd.s32 $0xFFFFFF80  }
0x71: {  	_ =	swait.ge [sflag:s18], $0x80  }
0x72: {  	[sflag:s18] =	ssyncset.done $0x0  }
0x73: {  	[sflag:s18] =	ssyncadd.s32 $0xFFFFFF80  }
0x74: {  	_ =	swait.ge [sflag:s18], $0x80  }
0x75: {  	[sflag:s18] =	ssyncset.done $0x0  }
0x76: {  	[sflag:s18] =	ssyncadd.s32 $0xFFFFFF80  }
0x77: {  	_ =	swait.ge [sflag:s18], $0x80  }
0x78: {  	[sflag:s18] =	ssyncset.done $0x0  }
0x79: {  	[sflag:s18] =	ssyncadd.s32 $0xFFFFFF80  }
0x7a: {  	_ =	swait.ge [sflag:s18], $0x80  }
0x7b: {  	s23 =	simm.s32 $0x680;
	s24 =	simm.s32 $0x3400;
	[sflag:s18] =	ssyncset.done $0x0  }
.LBB2_4:
0x7c: {  	s25 =	sadd.s32 $0x278, s23  }
0x7d: {  	[sflag:s18] =	ssyncadd.s32 $0xFFFFFF80;
	s22 =	smov.u32 s24;
	s21 =	sadd.s32 $0x1A00, s24  }
0x7e: {  	[spmem:s1] =	stream.indirect.scatter.add.f32 [tilespmem:s17], [sflag:$0x1], $0x1, s25, s16, $0xb8;
	[tilespmem:$0x3378] =	vst v63  }
0x7f: {  	p1 =	sne.s32 s24, $0x8200;
	s24 =	sadd.s32 $0x2F8, s23  }
0x80: {  	[spmem:s1] =	stream.indirect.scatter.add.f32 [tilespmem:s17], [sflag:$0x1], $0x1, s24, s16, $0xb8;
	[tilespmem:$0x3378] =	vst v63  }
0x81: {  	s24 =	sadd.s32 $0x378, s23  }
0x82: {  	[spmem:s1] =	stream.indirect.scatter.add.f32 [tilespmem:s17], [sflag:$0x1], $0x1, s24, s16, $0xb8;
	[tilespmem:$0x3378] =	vst v63  }
0x83: {  	s24 =	sadd.s32 $0x3F8, s23  }
0x84: {  	[spmem:s1] =	stream.indirect.scatter.add.f32 [tilespmem:s17], [sflag:$0x1], $0x1, s24, s16, $0xb8;
	[tilespmem:$0x3378] =	vst v63  }
0x85: {  	s24 =	sadd.s32 $0x478, s23  }
0x86: {  	[spmem:s1] =	stream.indirect.scatter.add.f32 [tilespmem:s17], [sflag:$0x1], $0x1, s24, s16, $0xb8;
	[tilespmem:$0x3378] =	vst v63  }
0x87: {  	s24 =	sadd.s32 $0x4F8, s23  }
0x88: {  	[spmem:s1] =	stream.indirect.scatter.add.f32 [tilespmem:s17], [sflag:$0x1], $0x1, s24, s16, $0xb8;
	[tilespmem:$0x3378] =	vst v63  }
0x89: {  	s24 =	sadd.s32 $0x578, s23  }
0x8a: {  	[spmem:s1] =	stream.indirect.scatter.add.f32 [tilespmem:s17], [sflag:$0x1], $0x1, s24, s16, $0xb8;
	[tilespmem:$0x3378] =	vst v63  }
0x8b: {  	s24 =	sadd.s32 $0x5F8, s23  }
0x8c: {  	[spmem:s1] =	stream.indirect.scatter.add.f32 [tilespmem:s17], [sflag:$0x1], $0x1, s24, s16, $0xb8;
	[tilespmem:$0x3378] =	vst v63  }
0x8d: {  	s24 =	sadd.s32 $0x678, s23  }
0x8e: {  	[spmem:s1] =	stream.indirect.scatter.add.f32 [tilespmem:s17], [sflag:$0x1], $0x1, s24, s16, $0xb8;
	[tilespmem:$0x3378] =	vst v63  }
0x8f: {  	s24 =	sadd.s32 $0x6F8, s23  }
0x90: {  	[spmem:s1] =	stream.indirect.scatter.add.f32 [tilespmem:s17], [sflag:$0x1], $0x1, s24, s16, $0xb8;
	[tilespmem:$0x3378] =	vst v63  }
0x91: {  	s24 =	sadd.s32 $0x778, s23  }
0x92: {  	[spmem:s1] =	stream.indirect.scatter.add.f32 [tilespmem:s17], [sflag:$0x1], $0x1, s24, s16, $0xb8;
	[tilespmem:$0x3378] =	vst v63  }
0x93: {  	s24 =	sadd.s32 $0x7F8, s23  }
0x94: {  	[spmem:s1] =	stream.indirect.scatter.add.f32 [tilespmem:s17], [sflag:$0x1], $0x1, s24, s16, $0xb8;
	[tilespmem:$0x3378] =	vst v63  }
0x95: {  	s23 =	sadd.s32 $0x878, s23  }
0x96: {  	[spmem:s1] =	stream.indirect.scatter.add.f32 [tilespmem:s17], [sflag:$0x1], $0x1, s23, s16, $0xb8;
	[tilespmem:$0x3378] =	vst v63  }
0x97: {  	_ =	swait.ge [sflag:s18], $0x80  }
0x98: {  	[sflag:s18] =	ssyncset.done $0x0  }
0x99: {  	[sflag:s18] =	ssyncadd.s32 $0xFFFFFF80  }
0x9a: {  	_ =	swait.ge [sflag:s18], $0x80  }
0x9b: {  	[sflag:s18] =	ssyncset.done $0x0  }
0x9c: {  	[sflag:s18] =	ssyncadd.s32 $0xFFFFFF80  }
0x9d: {  	_ =	swait.ge [sflag:s18], $0x80  }
0x9e: {  	[sflag:s18] =	ssyncset.done $0x0  }
0x9f: {  	[sflag:s18] =	ssyncadd.s32 $0xFFFFFF80  }
0xa0: {  	_ =	swait.ge [sflag:s18], $0x80  }
0xa1: {  	[sflag:s18] =	ssyncset.done $0x0  }
0xa2: {  	[sflag:s18] =	ssyncadd.s32 $0xFFFFFF80  }
0xa3: {  	_ =	swait.ge [sflag:s18], $0x80  }
0xa4: {  	[sflag:s18] =	ssyncset.done $0x0  }
0xa5: {  	[sflag:s18] =	ssyncadd.s32 $0xFFFFFF80  }
0xa6: {  	_ =	swait.ge [sflag:s18], $0x80  }
0xa7: {  	[sflag:s18] =	ssyncset.done $0x0  }
0xa8: {  	[sflag:s18] =	ssyncadd.s32 $0xFFFFFF80  }
0xa9: {  	_ =	swait.ge [sflag:s18], $0x80  }
0xaa: {  	[sflag:s18] =	ssyncset.done $0x0  }
0xab: {  	[sflag:s18] =	ssyncadd.s32 $0xFFFFFF80  }
0xac: {  	_ =	swait.ge [sflag:s18], $0x80  }
0xad: {  	[sflag:s18] =	ssyncset.done $0x0  }
0xae: {  	[sflag:s18] =	ssyncadd.s32 $0xFFFFFF80  }
0xaf: {  	_ =	swait.ge [sflag:s18], $0x80  }
0xb0: {  	[sflag:s18] =	ssyncset.done $0x0  }
0xb1: {  	[sflag:s18] =	ssyncadd.s32 $0xFFFFFF80  }
0xb2: {  	_ =	swait.ge [sflag:s18], $0x80  }
0xb3: {  	[sflag:s18] =	ssyncset.done $0x0  }
0xb4: {  	[sflag:s18] =	ssyncadd.s32 $0xFFFFFF80  }
0xb5: {  	_ =	swait.ge [sflag:s18], $0x80  }
0xb6: {  	[sflag:s18] =	ssyncset.done $0x0  }
0xb7: {  	[sflag:s18] =	ssyncadd.s32 $0xFFFFFF80  }
.Ltmp1:
0xb8: {  	_ =	swait.ge [sflag:s18], $0x80;
	(pc) =	sbr.rel @p1 .LBB2_4-.Ltmp1, $4  }
0xb9: {  	[sflag:s18] =	ssyncset.done $0x0  }
0xba: {  	[sflag:s18] =	ssyncadd.s32 $0xFFFFFF80  }
0xbb: {  	_ =	swait.ge [sflag:s18], $0x80  }
0xbc: {  	s24 =	smov.u32 s21;
	s23 =	sshra.s32 s22, $0x2;
	[sflag:s18] =	ssyncset.done $0x0  }
0xbd: {  	s21 =	sadd.s32 $0x278, s23;
	[sflag:s18] =	ssyncadd.s32 $0xFFFFFF80  }
0xbe: {  	[spmem:s1] =	stream.indirect.scatter.add.f32 [tilespmem:s17], [sflag:$0x1], $0x1, s21, s16, $0xb8;
	[tilespmem:$0x3378] =	vst v63  }
0xbf: {  	s28 =	sadd.s32 $0x2F8, s23  }
0xc0: {  	[spmem:s1] =	stream.indirect.scatter.add.f32 [tilespmem:s17], [sflag:$0x1], $0x1, s28, s16, $0xb8;
	[tilespmem:$0x3378] =	vst v63  }
0xc1: {  	s29 =	sadd.s32 $0x378, s23  }
0xc2: {  	[spmem:s1] =	stream.indirect.scatter.add.f32 [tilespmem:s17], [sflag:$0x1], $0x1, s29, s16, $0xb8;
	[tilespmem:$0x3378] =	vst v63  }
0xc3: {  	s30 =	sadd.s32 $0x3F8, s23  }
0xc4: {  	[spmem:s1] =	stream.indirect.scatter.add.f32 [tilespmem:s17], [sflag:$0x1], $0x1, s30, s16, $0xb8;
	[tilespmem:$0x3378] =	vst v63  }
0xc5: {  	s31 =	sadd.s32 $0x478, s23  }
0xc6: {  	[spmem:s1] =	stream.indirect.scatter.add.f32 [tilespmem:s17], [sflag:$0x1], $0x1, s31, s16, $0xb8;
	[tilespmem:$0x3378] =	vst v63  }
0xc7: {  	s22 =	sadd.s32 $0x4F8, s23  }
0xc8: {  	[spmem:s1] =	stream.indirect.scatter.add.f32 [tilespmem:s17], [sflag:$0x1], $0x1, s22, s16, $0xb8;
	[tilespmem:$0x3378] =	vst v63  }
0xc9: {  	s24 =	sadd.s32 $0x578, s23  }
0xca: {  	[spmem:s1] =	stream.indirect.scatter.add.f32 [tilespmem:s17], [sflag:$0x1], $0x1, s24, s16, $0xb8;
	[tilespmem:$0x3378] =	vst v63  }
0xcb: {  	s25 =	sadd.s32 $0x5F8, s23  }
0xcc: {  	[spmem:s1] =	stream.indirect.scatter.add.f32 [tilespmem:s17], [sflag:$0x1], $0x1, s25, s16, $0xb8;
	[tilespmem:$0x3378] =	vst v63  }
0xcd: {  	s26 =	sadd.s32 $0x678, s23  }
0xce: {  	[spmem:s1] =	stream.indirect.scatter.add.f32 [tilespmem:s17], [sflag:$0x1], $0x1, s26, s16, $0xb8;
	[tilespmem:$0x3378] =	vst v63  }
0xcf: {  	s28 =	sadd.s32 $0x6F8, s23  }
0xd0: {  	[spmem:s1] =	stream.indirect.scatter.add.f32 [tilespmem:s17], [sflag:$0x1], $0x1, s28, s16, $0xb8;
	[tilespmem:$0x3378] =	vst v63  }
0xd1: {  	s29 =	sadd.s32 $0x778, s23  }
0xd2: {  	[spmem:s1] =	stream.indirect.scatter.add.f32 [tilespmem:s17], [sflag:$0x1], $0x1, s29, s16, $0xb8;
	[tilespmem:$0x3378] =	vst v63  }
0xd3: {  	s30 =	sadd.s32 $0x7F8, s23  }
0xd4: {  	[spmem:s1] =	stream.indirect.scatter.add.f32 [tilespmem:s17], [sflag:$0x1], $0x1, s30, s16, $0xb8;
	[tilespmem:$0x3378] =	vst v63  }
0xd5: {  	s31 =	sadd.s32 $0x878, s23  }
0xd6: {  	[spmem:s1] =	stream.indirect.scatter.add.f32 [tilespmem:s17], [sflag:$0x1], $0x1, s31, s16, $0xb8;
	[tilespmem:$0x3378] =	vst v63  }
0xd7: {  	_ =	swait.ge [sflag:s18], $0x80  }
0xd8: {  	[sflag:s18] =	ssyncset.done $0x0  }
0xd9: {  	[sflag:s18] =	ssyncadd.s32 $0xFFFFFF80  }
0xda: {  	_ =	swait.ge [sflag:s18], $0x80  }
0xdb: {  	[sflag:s18] =	ssyncset.done $0x0  }
0xdc: {  	[sflag:s18] =	ssyncadd.s32 $0xFFFFFF80  }
0xdd: {  	_ =	swait.ge [sflag:s18], $0x80  }
0xde: {  	[sflag:s18] =	ssyncset.done $0x0  }
0xdf: {  	[sflag:s18] =	ssyncadd.s32 $0xFFFFFF80  }
0xe0: {  	_ =	swait.ge [sflag:s18], $0x80  }
0xe1: {  	[sflag:s18] =	ssyncset.done $0x0  }
0xe2: {  	[sflag:s18] =	ssyncadd.s32 $0xFFFFFF80  }
0xe3: {  	_ =	swait.ge [sflag:s18], $0x80  }
0xe4: {  	[sflag:s18] =	ssyncset.done $0x0  }
0xe5: {  	[sflag:s18] =	ssyncadd.s32 $0xFFFFFF80  }
0xe6: {  	_ =	swait.ge [sflag:s18], $0x80  }
0xe7: {  	[sflag:s18] =	ssyncset.done $0x0  }
0xe8: {  	[sflag:s18] =	ssyncadd.s32 $0xFFFFFF80  }
0xe9: {  	_ =	swait.ge [sflag:s18], $0x80  }
0xea: {  	[sflag:s18] =	ssyncset.done $0x0  }
0xeb: {  	[sflag:s18] =	ssyncadd.s32 $0xFFFFFF80  }
0xec: {  	_ =	swait.ge [sflag:s18], $0x80  }
0xed: {  	[sflag:s18] =	ssyncset.done $0x0  }
0xee: {  	[sflag:s18] =	ssyncadd.s32 $0xFFFFFF80  }
0xef: {  	_ =	swait.ge [sflag:s18], $0x80  }
0xf0: {  	[sflag:s18] =	ssyncset.done $0x0  }
0xf1: {  	[sflag:s18] =	ssyncadd.s32 $0xFFFFFF80  }
0xf2: {  	_ =	swait.ge [sflag:s18], $0x80  }
0xf3: {  	[sflag:s18] =	ssyncset.done $0x0  }
0xf4: {  	[sflag:s18] =	ssyncadd.s32 $0xFFFFFF80  }
0xf5: {  	_ =	swait.ge [sflag:s18], $0x80  }
0xf6: {  	[sflag:s18] =	ssyncset.done $0x0  }
0xf7: {  	[sflag:s18] =	ssyncadd.s32 $0xFFFFFF80  }
0xf8: {  	_ =	swait.ge [sflag:s18], $0x80  }
0xf9: {  	[sflag:s18] =	ssyncset.done $0x0  }
0xfa: {  	[sflag:s18] =	ssyncadd.s32 $0xFFFFFF80  }
0xfb: {  	_ =	swait.ge [sflag:s18], $0x80  }
0xfc: {  	[sflag:s18] =	ssyncset.done $0x0  }
0xfd: {  	[sflag:s18] =	ssyncadd.s32 $0xFFFFFF80  }
0xfe: {  	[spmem:s1] =	stream.indirect.scatter.add.f32 [tilespmem:s20], [sflag:$0x2], $0x1, s19, s16, $0xb8;
	[tilespmem:$0x3378] =	vst v63  }
0xff: {  	_ =	swait.ge [sflag:s15], $0x80  }
0x100: {  	[sflag:s15] =	ssyncset.done $0x0  }
0x101: {  	[sflag:s15] =	ssyncadd.s32 $0xFFFFFF80  }
0x102: {  	s21 =	simm.s32 @!p0 $0x2B78;
	s22 =	simm.s32 @!p0 $0x2;
	[bflag:$0x0] =	sbarrier.arrive $0xFFFF  }
0x103: {  	[tilespmem:s21], [sflag:$0x2] =	stream.linear.gather @!p0 [spmem:s1], $0x7D0, $0x38;
	[tilespmem:$0x3378] =	vst v63  }
0x104: {  	_ =	swait.ge @!p0 [sflag:s22], $0x7D0  }
0x105: {  	[sflag:s22] =	ssyncset.done @!p0 $0x0  }
0x106: {  	s23 =	simm.s32 @!p0 $0x0;
	[sflag:s22] =	ssyncadd.s32 @!p0 $0xFFFFF830  }
0x107: {  	[hbm4b:s9+s23] =	stream.linear.scatter @!p0 [tilespmem:s21], [sflag:$0x2], $0x7D0, $0x38;
	[tilespmem:$0x3378] =	vst v63  }
0x108: {  	_ =	swait.ge @!p0 [sflag:s22], $0x7D0  }
0x109: {  	[sflag:s22] =	ssyncset.done @!p0 $0x0  }
0x10a: {  	[sflag:s22] =	ssyncadd.s32 @!p0 $0xFFFFF830  }
0x10b: {  	[tilespmem:s21], [sflag:$0x2] =	stream.linear.gather @!p0 [spmem:s5], $0x7D0, $0x38;
	[tilespmem:$0x3378] =	vst v63  }
0x10c: {  	_ =	swait.ge @!p0 [sflag:s22], $0x7D0  }
0x10d: {  	[sflag:s22] =	ssyncset.done @!p0 $0x0  }
0x10e: {  	[sflag:s22] =	ssyncadd.s32 @!p0 $0xFFFFF830  }
0x10f: {  	[hbm4b:s10+s23] =	stream.linear.scatter @!p0 [tilespmem:s21], [sflag:$0x2], $0x7D0, $0x38;
	[tilespmem:$0x3378] =	vst v63  }
0x110: {  	_ =	swait.ge @!p0 [sflag:s22], $0x7D0  }
0x111: {  	[sflag:s22] =	ssyncset.done @!p0 $0x0  }
0x112: {  	[sflag:s22] =	ssyncadd.s32 @!p0 $0xFFFFF830  }
0x113: {  	[tilespmem:s21], [sflag:$0x2] =	stream.linear.gather @!p0 [spmem:s6], $0x7D0, $0x38;
	[tilespmem:$0x3378] =	vst v63  }
0x114: {  	_ =	swait.ge @!p0 [sflag:s22], $0x7D0  }
0x115: {  	[sflag:s22] =	ssyncset.done @!p0 $0x0  }
0x116: {  	[sflag:s22] =	ssyncadd.s32 @!p0 $0xFFFFF830  }
0x117: {  	[hbm4b:s11+s23] =	stream.linear.scatter @!p0 [tilespmem:s21], [sflag:$0x2], $0x7D0, $0x38;
	[tilespmem:$0x3378] =	vst v63  }
0x118: {  	_ =	swait.ge @!p0 [sflag:s22], $0x7D0  }
0x119: {  	[sflag:s22] =	ssyncset.done @!p0 $0x0  }
0x11a: {  	[sflag:s22] =	ssyncadd.s32 @!p0 $0xFFFFF830  }
0x11b: {  	[tilespmem:s21], [sflag:$0x2] =	stream.linear.gather @!p0 [spmem:s7], $0x7D0, $0x38;
	[tilespmem:$0x3378] =	vst v63  }
0x11c: {  	_ =	swait.ge @!p0 [sflag:s22], $0x7D0  }
0x11d: {  	[sflag:s22] =	ssyncset.done @!p0 $0x0  }
0x11e: {  	[sflag:s22] =	ssyncadd.s32 @!p0 $0xFFFFF830  }
0x11f: {  	[hbm4b:s12+s23] =	stream.linear.scatter @!p0 [tilespmem:s21], [sflag:$0x2], $0x7D0, $0x38;
	[tilespmem:$0x3378] =	vst v63  }
0x120: {  	_ =	swait.ge @!p0 [sflag:s22], $0x7D0  }
0x121: {  	[sflag:s22] =	ssyncset.done @!p0 $0x0  }
0x122: {  	[sflag:s22] =	ssyncadd.s32 @!p0 $0xFFFFF830  }
0x123: {  	[tilespmem:s21], [sflag:$0x2] =	stream.linear.gather @!p0 [spmem:s8], $0x7D0, $0x38;
	[tilespmem:$0x3378] =	vst v63  }
0x124: {  	s2 =	sadd.s32 $0x1, s2;
	_ =	swait.ge @!p0 [sflag:s22], $0x7D0  }
0x125: {  	p1 =	sne.s32 s2, s4;
	[sflag:s22] =	ssyncset.done @!p0 $0x0  }
.Ltmp2:
0x126: {  	[sflag:s22] =	ssyncadd.s32 @!p0 $0xFFFFF830;
	(pc) =	sbr.rel @p1 .LBB2_1-.Ltmp2, $4  }
0x127: {  	[hbm4b:s13+s23] =	stream.linear.scatter @!p0 [tilespmem:s21], [sflag:$0x2], $0x7D0, $0x38;
	[tilespmem:$0x3378] =	vst v63  }
0x128: {  	_ =	swait.ge @!p0 [sflag:s22], $0x7D0  }
0x129: {  	[sflag:s22] =	ssyncset.done @!p0 $0x0  }
0x12a: {  	[sflag:s22] =	ssyncadd.s32 @!p0 $0xFFFFF830  }
0x12b: {  	_ =	sfence.sel $0x180000  }
0x12c: {  	[bflag:$0x0] =	sbarrier.arrive $0xFFFF  }
0x12d: {  	_ =	strace $0x90000047  }
0x12e: {  	s0 =	sadd.s32 @!p0 $0x100000, s0;
	[bflag:$0x2] =	sbarrier.arrive $0xFFFF  }
0x12f: {  	[sflag:s0] =	ssyncadd.tile.s32 @!p0 $0x1;
	_ =	shalt  }
.Lfunc_end2:
_tile_overlayer_lowered:
.L_overlay_start_2:
0x130: {  	(tag) =	ssettag $0x2  }
0x131: {  	s0 =	rddreg [dreg:$0x0];
	s2 =	stileid.u32  }
0x132: {  	s1 =	rddreg [dreg:$0x1];
	p0 =	sne.s32 s2, $0x0  }
0x133: {  	s3 =	rddreg [dreg:$0x2];
	[bflag:$0x3] =	sbarrier.arrive $0xFFFF;
	s2 =	simm.s32 @!p0 $0x1C02  }
0x134: {  	[timem:s3], [sflag:s2] =	dma.local @!p0 [hbm:s0], s1  }
0x135: {  	s0 =	simm.s32 @!p0 $0x2  }
0x136: {  	_ =	swait.ge @!p0 [sflag:s0], s1  }
0x137: {  	s1 =	ssub.s32 @!p0 $0x0, s1;
	[sflag:s0] =	ssyncset.done @!p0 $0x0  }
0x138: {  	[sflag:s0] =	ssyncadd.s32 @!p0 s1  }
0x139: {  	[bflag:$0x3] =	sbarrier.arrive $0xFFFF  }
0x13a: {  	_ =	shalt  }

// kernel: kernel.8.cloned.1.call-start
scs
__scs_entry_jumppad:
0x0: {  	(pc) =	sbr.rel $0x88, $3  }
0x1: {  	(tag) =	ssettag $0x0;
	lr =	simm.s32 $0x1  }
0x2: {  	[smem:$0x3F94] =	sst lr;
	_ =	strace $0xD0000000  }
0x3: {  	_ = 	snop  }
0x4: {  	_ = 	snop  }
0x5: {  	_ = 	snop  }
0x6: {  	_ = 	snop  }
0x7: {  	_ = 	snop  }
__scs_overlays_trampoline_lowered:
0x8: {  	[smem:$0x3FA3] =	sst s0  }
0x9: {  	[smem:$0x3FA4] =	sst s1  }
0xa: {  	[smem:$0x3FA5] =	sst s2  }
0xb: {  	[smem:$0x3FA6] =	sst s3  }
0xc: {  	[smem:$0x3FA7] =	sst s4  }
0xd: {  	[smem:$0x3FA8] =	sst s5  }
0xe: {  	[smem:$0x3FA9] =	sst s6  }
0xf: {  	[smem:$0x3FAA] =	sst s7  }
0x10: {  	[smem:$0x3FAB] =	sst s8  }
0x11: {  	[smem:$0x3FAC] =	sst s9;
	s0 =	simm.s32 @!p0 $0x0  }
0x12: {  	s1 =	sld [smem:$0x3F92];
	s0 =	simm.s32 @p0 $0x1  }
0x13: {  	[smem:$0x3FAD] =	sst s0;
	s0 =	simm.s32 @!p1 $0x0  }
0x14: {  	s2 =	sld [smem:$0x3F91];
	s0 =	simm.s32 @p1 $0x1  }
0x15: {  	[smem:$0x3FAE] =	sst s0;
	s0 =	simm.s32 @!p2 $0x0  }
0x16: {  	s3 =	sld [smem:$0x3FDB];
	s0 =	simm.s32 @p2 $0x1  }
0x17: {  	s4 =	simm.s32 $0x1BF5;
	[smem:$0x3FB0] =	sst s0  }
0x18: {  	s0 =	sld [smem:$0x3F93];
	_ =	swait.ge [sflag:s4], $0x0  }
0x19: {  	s7 =	sld [smem:$0x3F94]  }
0x1a: {  	s8 =	sadd.s32 $0xFFFFE003, lr  }
0x1b: {  	s9 =	sadd.s32 $0xFFFFFEF7, lr;
	s5 =	simm.s32 $0xFFFFFFFF;
	p2 =	slt.u32 s8, $0xFFFFF086  }
0x1c: {  	p1 =	slt.u32 s9, $0xF7A;
	s5 =	simm.s32 @!p2 $0x0  }
0x1d: {  	s5 =	simm.s32 @p1 $0x1;
	p0 =	seq.s32 s7, s2  }
0x1e: {  	s7 =	smul.u32 @!p0 $0xF7A, s2;
	p2 =	seq.s32 @!p0 s5, $0x0  }
0x1f: {  	s9 =	smul.u32 $0xF7A, s1;
	s8 =	simm.s32 @!p0 $0x1BF5;
	p2 =	por !p2, p0  }
0x20: {  	[sflag:s8] =	ssyncset.s32 @!p0 $0xFFFFF086;
	s6 =	sadd.s32 @!p0 s3, s7;
	s7 =	simm.s32 @!p0 $0x108  }
0x21: {  	s3 =	sadd.s32 s3, s9;
	s6 =	sadd.s32 @!p0 $0x88, s6;
	s7 =	simm.s32 @p2 $0x1082  }
0x22: {  	[simem:s7], [sflag:s8] =	dma.local @!p0 [hbm:s6], $0xF7A  }
0x23: {  	s9 =	sor.u32 $0xD0000000, s2;
	s6 =	simm.s32 $0x108;
	_ =	swait.ge @!p0 [sflag:s8], $0x0  }
0x24: {  	s3 =	sadd.s32 $0x88, s3;
	s6 =	simm.s32 @!p1 $0x1082;
	[sflag:s4] =	ssyncset.s32 $0xFFFFF086  }
0x25: {  	[simem:s6], [sflag:s4] =	dma.local [hbm:s3], $0xF7A  }
0x26: {  	[smem:$0x3F94] =	sst s1;
	(tag) =	ssettag s2;
	_ =	strace s9  }
0x27: {  	s1 =	sld [smem:$0x3FA4]  }
0x28: {  	s2 =	sld [smem:$0x3FA5]  }
0x29: {  	s4 =	sld [smem:$0x3FA7]  }
0x2a: {  	p0 =	seq.s32 s5, $0x0;
	s5 =	sld [smem:$0x3FA8]  }
0x2b: {  	s6 =	sld [smem:$0x3FA9]  }
0x2c: {  	s7 =	sld [smem:$0x3FAA]  }
0x2d: {  	s3 =	simm.s32 $0x108;
	s8 =	sld [smem:$0x3FAB]  }
0x2e: {  	s3 =	simm.s32 @!p0 $0x1082;
	s9 =	sld [smem:$0x3FAC]  }
0x2f: {  	lr =	sadd.s32 s0, s3;
	s0 =	sld [smem:$0x3FA3]  }
0x30: {  	s3 =	sld [smem:$0x3FA6]  }
0x31: {  	[smem:$0x3FAF] =	sst s10  }
0x32: {  	s10 =	sld [smem:$0x3FAD];
	_ =	sdelay $0x3  }
0x33: {  	p0 =	seq.s32 s10, $0x1;
	s10 =	sld [smem:$0x3FAF];
	_ =	sdelay $0x3  }
0x34: {  	[smem:$0x3FAF] =	sst s10  }
0x35: {  	s10 =	sld [smem:$0x3FAE];
	_ =	sdelay $0x3  }
0x36: {  	p1 =	seq.s32 s10, $0x1;
	s10 =	sld [smem:$0x3FAF];
	_ =	sdelay $0x3  }
0x37: {  	[smem:$0x3FAF] =	sst s10  }
0x38: {  	s10 =	sld [smem:$0x3FB0]  }
0x39: {  	_ = 	snop;
	(pc) =	sbr.ind lr, $3  }
0x3a: {  	_ = 	snop  }
0x3b: {  	_ = 	snop  }
0x3c: {  	p2 =	seq.s32 s10, $0x1;
	s10 =	sld [smem:$0x3FAF]  }
0x3d: {  	_ =	shalt  }
0x3e: {  	_ =	shalt  }
0x3f: {  	_ =	shalt  }
0x40: {  	_ =	shalt  }
0x41: {  	_ =	shalt  }
0x42: {  	_ =	shalt  }
0x43: {  	_ =	shalt  }
0x44: {  	_ =	shalt  }
0x45: {  	_ =	shalt  }
0x46: {  	_ =	shalt  }
0x47: {  	_ =	shalt  }
0x48: {  	_ =	shalt  }
0x49: {  	_ =	shalt  }
0x4a: {  	_ =	shalt  }
0x4b: {  	_ =	shalt  }
0x4c: {  	_ =	shalt  }
0x4d: {  	_ =	shalt  }
0x4e: {  	_ =	shalt  }
0x4f: {  	_ =	shalt  }
0x50: {  	_ =	shalt  }
0x51: {  	_ =	shalt  }
0x52: {  	_ =	shalt  }
0x53: {  	_ =	shalt  }
0x54: {  	_ =	shalt  }
0x55: {  	_ =	shalt  }
0x56: {  	_ =	shalt  }
0x57: {  	_ =	shalt  }
0x58: {  	_ =	shalt  }
0x59: {  	_ =	shalt  }
0x5a: {  	_ =	shalt  }
0x5b: {  	_ =	shalt  }
0x5c: {  	_ =	shalt  }
0x5d: {  	_ =	shalt  }
0x5e: {  	_ =	shalt  }
0x5f: {  	_ =	shalt  }
0x60: {  	_ =	shalt  }
0x61: {  	_ =	shalt  }
0x62: {  	_ =	shalt  }
0x63: {  	_ =	shalt  }
0x64: {  	_ =	shalt  }
0x65: {  	_ =	shalt  }
0x66: {  	_ =	shalt  }
0x67: {  	_ =	shalt  }
0x68: {  	_ =	shalt  }
0x69: {  	_ =	shalt  }
0x6a: {  	_ =	shalt  }
0x6b: {  	_ =	shalt  }
0x6c: {  	_ =	shalt  }
0x6d: {  	_ =	shalt  }
0x6e: {  	_ =	shalt  }
0x6f: {  	_ =	shalt  }
0x70: {  	_ =	shalt  }
0x71: {  	_ =	shalt  }
0x72: {  	_ =	shalt  }
0x73: {  	_ =	shalt  }
0x74: {  	_ =	shalt  }
0x75: {  	_ =	shalt  }
0x76: {  	_ =	shalt  }
0x77: {  	_ =	shalt  }
0x78: {  	_ =	shalt  }
0x79: {  	_ =	shalt  }
0x7a: {  	_ =	shalt  }
0x7b: {  	_ =	shalt  }
0x7c: {  	_ =	shalt  }
0x7d: {  	_ =	shalt  }
0x7e: {  	_ =	shalt  }
0x7f: {  	_ =	shalt  }
0x80: {  	_ =	shalt  }
0x81: {  	_ =	shalt  }
0x82: {  	_ =	shalt  }
0x83: {  	_ =	shalt  }
0x84: {  	_ =	shalt  }
0x85: {  	_ =	shalt  }
0x86: {  	_ =	shalt  }
0x87: {  	_ =	shalt  }
.Lfunc_end0:
.L_simem_size_0:
called_computation.1_lowered:
.L_overlay_start_0:
0x88: {  	s2 =	sld [smem:$0x3FD9]  }
0x89: {  	s3 =	sld [smem:$0x3FFE];
	_ =	sdelay $0x1  }
0x8a: {  	s1 =	srdreg.scid  }
0x8b: {  	s0 =	sand.u32 $0x1, s1  }
0x8c: {  	s16 =	sshll.u32 s0, $0xA;
	s2 =	sadd.s32 s3, s2  }
0x8d: {  	s2 =	sadd.s32 s2, s16  }
0x8e: {  	[smem:$0x3FBB] =	sst s2  }
0x8f: {  	_ = 	snop  }
0x90: {  	(tm) =	ssettm $0x1  }
0x91: {  	s17 =	sld [smem:$0x3FFB];
	_ =	sdelay $0x3  }
0x92: {  	_ =	strace s17  }
0x93: {  	s2 =	sld [smem:$0x3FFC];
	_ =	sdelay $0x3  }
0x94: {  	_ =	strace s2  }
0x95: {  	s2 =	sld [smem:$0x3FFD];
	_ =	sdelay $0x3  }
0x96: {  	_ =	strace s2  }
0x97: {  	_ =	strace $0x8FFFFFFF  }
0x98: {  	s18 =	sld [smem:$0x3FDB];
	_ =	sdelay $0x1  }
0x99: {  	s19 =	simm.s32 $_scs_section_size  }
0x9a: {  	s4 =	simm.s32 $_size__tile_overlayer_lowered;
	s5 =	simm.s32 $_tile_overlayer_lowered  }
0x9b: {  	s22 =	simm.s32 $0x1BFF;
	s21 =	sshll.u32 s5, $0x1;
	s2 =	sadd.s32 s19, s18  }
0x9c: {  	s6 =	simm.s32 $0x0;
	s20 =	sshll.u32 s4, $0x1;
	s4 =	sadd.s32 s21, s2  }
0x9d: {  	[timem:s6], [sflag:s22] =	dma.local [hbm:s4], s20  }
0x9e: {  	_ =	swait.ge [sflag:s22], s20  }
0x9f: {  	s3 =	ssub.s32 $0x0, s20;
	[sflag:s22] =	ssyncset.done $0x0  }
0xa0: {  	[sflag:s22] =	ssyncadd.s32 s3;
	_ =	sdelay $0x1  }
0xa1: {  	s23 =	simm.s32 $0x1B8B  }
0xa2: {  	_ =	swait.ge [sflag:s23], $0x1  }
0xa3: {  	[sflag:s23] =	ssyncset.done $0x0  }
0xa4: {  	s25 =	simm.s32 $0x1B8E;
	s24 =	sld [smem:$0x3FFE];
	[sflag:s23] =	ssyncadd.s32 $0xFFFFFFFF  }
0xa5: {  	s26 =	simm.s32 $execute0_lowered;
	[smem:$0x3FD2] =	sst s25  }
0xa6: {  	s4 =	sshll.u32 s26, $0x1;
	_ =	strace $0x80000049;
	[dreg:$0x1] =	wrdreg $0xFFFFFFFF  }
0xa7: {  	s28 =	simm.s32 $_size_execute0_lowered;
	s2 =	sadd.s32 s2, s4;
	[dreg:$0x0] =	wrdreg $0x0  }
0xa8: {  	s4 =	sshll.u32 s28, $0x1;
	[dreg:$0x2] =	wrdreg s2  }
0xa9: {  	[dreg:$0x3] =	wrdreg s4  }
0xaa: {  	[dreg:$0x4] =	wrdreg $0xC0  }
0xab: {  	_ =	task [dreg:s6], $0x5FFFF  }
0xac: {  	[dreg:$0x1] =	wrdreg $0xFFFFFFFF  }
0xad: {  	[dreg:$0x0] =	wrdreg $0x60  }
0xae: {  	[dreg:$0x2] =	wrdreg s24  }
0xaf: {  	[dreg:$0x3] =	wrdreg $0x0  }
0xb0: {  	[dreg:$0x4] =	wrdreg $0x138800  }
0xb1: {  	[dreg:$0x5] =	wrdreg $0x9  }
0xb2: {  	_ =	task.clear_ibuf [dreg:s6], $0x6FFFF;
	_ =	strace $0x90000049  }
0xb3: {  	s29 =	simm.s32 $0x9;
	_ =	strace $0x8000004B  }
0xb4: {  	_ =	swait.ge [sflag:s29], $0x1  }
0xb5: {  	[sflag:s29] =	ssyncadd.s32 $0xFFFFFFFF  }
0xb6: {  	_ =	strace $0x9000004B  }
0xb7: {  	_ =	sfence  }
0xb8: {  	s30 =	sld [smem:$0x0];
	_ =	sdelay $0x2  }
0xb9: {  	s31 =	sshll.u32 s1, $0xD;
	s1 =	sshrl.u32 s1, $0x2  }
0xba: {  	s3 =	sand.u32 $0x4000, s31;
	s1 =	sadd.s32 s1, s30  }
0xbb: {  	s0 =	sor.u32 s3, s0;
	s1 =	sshll.u32 s1, $0x11  }
0xbc: {  	s0 =	sor.u32 s1, s0  }
0xbd: {  	s0 =	sadd.s32 $0x8F2B, s0  }
0xbe: {  	[sflag:s0] =	ssyncadd.remote.s32 $0x1  }
0xbf: {  	_ =	sfence.sel $0xFFFF  }
0xc0: {  	[dreg:$0x0] =	wrdreg $0xFFFFFFFF;
	(pc) =	sbr.abs _section_cstart, $3  }
0xc1: {  	[dreg:$0x1] =	wrdreg $0xFFFFFFFF  }
0xc2: {  	_ =	task.clear_ibuf [dreg:s6], $0x2FFFF;
	_ =	strace $0x9FFFFFFF  }
0xc3: {  	(tm) =	ssettm $0x7FFFFFFF  }
tec
execute0_lowered:
.L_overlay_start_1:
0x0: {  	(tag) =	ssettag $0x1  }
0x1: {  	s0 =	srdreg.scid  }
0x2: {  	s8 =	sand.u32 $0x1, s0  }
0x3: {  	s31 =	stileid.u32;
	s0 =	sshll.u32 s8, $0x4  }
0x4: {  	s0 =	sor.u32 s31, s0  }
0x5: {  	s2 =	rddreg [dreg:$0x0];
	s1 =	simm.s32 $0x0;
	s0 =	smul.u32 $0x2800, s0  }
0x6: {  	s15 =	smul.u32 $0x7D0, s31;
	[smem:$0x7FF] =	sst s1  }
0x7: {  	s7 =	sadd.s32 $0x16C00, s2;
	s3 =	ssub.s32 $0x2, s8;
	s0 =	sshrl.u32 s0, $0x3  }
0x8: {  	s4 =	sshrl.u32 s15, $0x3;
	s14 =	sadd.s32 s0, s2;
	s0 =	smul.u32 $0x13880, s31  }
0x9: {  	s11 =	smul.u32 $0x138800, s8;
	s5 =	sshrl.u32 s3, $0x1;
	s17 =	sadd.s32 s4, s2  }
0xa: {  	s16 =	ssub.s32 s3, s5;
	s2 =	sadd.s32 $0xFA0, s0;
	s3 =	sadd.s32 $0x1F40, s0  }
0xb: {  	s4 =	sadd.s32 $0x2EE0, s0;
	s5 =	sadd.s32 $0x3E80, s0;
	s6 =	sadd.s32 $0x4E20, s0  }
0xc: {  	s8 =	sadd.s32 $0x5DC0, s0;
	s9 =	sadd.s32 $0x6D60, s0;
	s10 =	sadd.s32 $0x7D00, s0  }
0xd: {  	s12 =	sadd.s32 s0, s11;
	s13 =	sadd.s32 s11, s2;
	s18 =	sadd.s32 s11, s3  }
0xe: {  	s12 =	sshrl.u32 s12, $0x3;
	s28 =	sadd.s32 s11, s4;
	s29 =	sadd.s32 s11, s5  }
0xf: {  	s30 =	sadd.s32 s11, s6;
	s20 =	sadd.s32 s11, s8;
	s21 =	sadd.s32 s11, s9  }
0x10: {  	s22 =	sadd.s32 s11, s10;
	s13 =	sshrl.u32 s13, $0x3;
	s12 =	sadd.s32 s7, s12  }
0x11: {  	s18 =	sshrl.u32 s18, $0x3;
	[dreg:$0x4] =	wrdreg s12;
	s25 =	sadd.s32 s7, s13  }
0x12: {  	s26 =	sadd.s32 s7, s18;
	s12 =	sshrl.u32 s28, $0x3;
	[dreg:$0x5] =	wrdreg s25  }
0x13: {  	s13 =	sshrl.u32 s29, $0x3;
	[dreg:$0x6] =	wrdreg s26;
	s12 =	sadd.s32 s7, s12  }
0x14: {  	s18 =	sshrl.u32 s30, $0x3;
	s13 =	sadd.s32 s7, s13;
	[dreg:$0x7] =	wrdreg s12  }
0x15: {  	s19 =	sadd.s32 s7, s18;
	s18 =	sshrl.u32 s22, $0x3;
	[dreg:$0x8] =	wrdreg s13  }
0x16: {  	[dreg:$0x9] =	wrdreg s19;
	s12 =	sshrl.u32 s20, $0x3;
	s13 =	sshrl.u32 s21, $0x3  }
0x17: {  	s24 =	sadd.s32 s7, s18;
	s18 =	sadd.s32 $0xABE0, s0;
	s12 =	sadd.s32 s7, s12  }
0x18: {  	s23 =	sadd.s32 s7, s13;
	[dreg:$0xc] =	wrdreg s24;
	s13 =	sadd.s32 $0x9C40, s0  }
0x19: {  	s21 =	sadd.s32 s11, s18;
	s24 =	sadd.s32 $0xDAC0, s0;
	[dreg:$0xa] =	wrdreg s12  }
0x1a: {  	[dreg:$0xb] =	wrdreg s23;
	s12 =	sadd.s32 $0x8CA0, s0;
	s20 =	sadd.s32 s11, s13  }
0x1b: {  	s21 =	sshrl.u32 s21, $0x3;
	s23 =	sadd.s32 $0xCB20, s0;
	s22 =	sadd.s32 s11, s24  }
0x1c: {  	s19 =	sadd.s32 s11, s12;
	s20 =	sshrl.u32 s20, $0x3;
	s26 =	sadd.s32 s7, s21  }
0x1d: {  	s29 =	sadd.s32 s11, s23;
	s22 =	sshrl.u32 s22, $0x3;
	s19 =	sshrl.u32 s19, $0x3  }
0x1e: {  	s25 =	sadd.s32 s7, s20;
	[dreg:$0xf] =	wrdreg s26;
	s21 =	sshrl.u32 s29, $0x3  }
0x1f: {  	s26 =	sadd.s32 $0xFA00, s0;
	s19 =	sadd.s32 s7, s19;
	[dreg:$0xe] =	wrdreg s25  }
0x20: {  	s30 =	sadd.s32 s7, s21;
	s21 =	sadd.s32 s7, s22;
	[dreg:$0xd] =	wrdreg s19  }
0x21: {  	s25 =	sadd.s32 $0xEA60, s0;
	s29 =	sadd.s32 s11, s26;
	[dreg:$0x11] =	wrdreg s30  }
0x22: {  	s19 =	sadd.s32 $0xBB80, s0;
	[dreg:$0x12] =	wrdreg s21;
	s21 =	sshrl.u32 s29, $0x3  }
0x23: {  	s22 =	sadd.s32 s11, s25;
	s28 =	sadd.s32 s11, s19;
	s29 =	sadd.s32 s7, s21  }
0x24: {  	s20 =	sshrl.u32 s28, $0x3;
	s28 =	sadd.s32 $0x109A0, s0;
	[dreg:$0x14] =	wrdreg s29  }
0x25: {  	s29 =	sadd.s32 $0x11940, s0;
	s20 =	sadd.s32 s7, s20;
	s30 =	sadd.s32 s11, s28  }
0x26: {  	[dreg:$0x10] =	wrdreg s20;
	s20 =	sshrl.u32 s22, $0x3;
	s22 =	sshrl.u32 s30, $0x3  }
0x27: {  	s21 =	sadd.s32 s11, s29;
	s30 =	sadd.s32 s7, s22;
	s22 =	rddreg [dreg:$0x2]  }
0x28: {  	s20 =	sadd.s32 s7, s20;
	[dreg:$0x15] =	wrdreg s30;
	s30 =	sadd.s32 $0x128E0, s0  }
0x29: {  	s21 =	sshrl.u32 s21, $0x3;
	[dreg:$0x13] =	wrdreg s20;
	s11 =	sadd.s32 s11, s30  }
0x2a: {  	s21 =	sadd.s32 s7, s21;
	s20 =	rddreg [dreg:$0x1];
	s11 =	sshrl.u32 s11, $0x3  }
0x2b: {  	[dreg:$0x16] =	wrdreg s21;
	s7 =	sadd.s32 s7, s11  }
0x2c: {  	p0 =	sgt.u32 s31, $0x4;
	s0 =	sadd.s32 s0, s20;
	[dreg:$0x17] =	wrdreg s7  }
0x2d: {  	s2 =	sadd.s32 s2, s20;
	_ =	strace $0x8000004A;
	[dreg:$0x18] =	wrdreg s0  }
0x2e: {  	s15 =	sadd.s32 s15, s22;
	s3 =	sadd.s32 s3, s20;
	[dreg:$0x19] =	wrdreg s2  }
0x2f: {  	s4 =	sadd.s32 s4, s20;
	s21 =	sadd.s32 s8, s20;
	[dreg:$0x1a] =	wrdreg s3  }
0x30: {  	s8 =	sadd.s32 s24, s20;
	s7 =	sadd.s32 s5, s20;
	[dreg:$0x1b] =	wrdreg s4  }
0x31: {  	s24 =	simm.s32 $0x1B2F8;
	s11 =	sadd.s32 s6, s20;
	[dreg:$0x1c] =	wrdreg s7  }
0x32: {  	s6 =	sadd.s32 s19, s20;
	s19 =	simm.s32 $0x4;
	[dreg:$0x1d] =	wrdreg s11  }
0x33: {  	s5 =	sadd.s32 s18, s20;
	s18 =	simm.s32 $0x1;
	[dreg:$0x1e] =	wrdreg s21  }
0x34: {  	s0 =	sadd.s32 s9, s20;
	s2 =	sadd.s32 s10, s20;
	s3 =	sadd.s32 s12, s20  }
0x35: {  	s4 =	sadd.s32 s13, s20;
	s7 =	sadd.s32 s23, s20;
	s9 =	sadd.s32 s25, s20  }
0x36: {  	s10 =	sadd.s32 s26, s20;
	s11 =	sadd.s32 s28, s20;
	s12 =	sadd.s32 s29, s20  }
0x37: {  	s13 =	sadd.s32 s30, s20;
	s28 =	sadd.s32 $0x16200, s17;
	[smem:$0x7FA] =	sst s15  }
0x38: {  	s17 =	sadd.s32 $0x166E2, s17;
	s29 =	sadd.s32 $0x2200, s14;
	[dreg:$0x1f] =	wrdreg s28  }
0x39: {  	s14 =	sadd.s32 $0xC200, s14;
	s30 =	smax.u32 s16, $0x1;
	[smem:$0x7F9] =	sst s17  }
0x3a: {  	s23 =	simm.s32 $0x80;
	s15 =	simm.s32 $0x2;
	[smem:$0x7FB] =	sst s29  }
0x3b: {  	s16 =	simm.s32 $0x3;
	s25 =	simm.s32 $0x0;
	[smem:$0x7FC] =	sst s14  }
0x3c: {  	v0 =	vimm.f32 $1.000000000e+00;
	v1 =	vimm.f32 $0.0e+00;
	[smem:$0x7FD] =	sst s30;
	s17 =	simm.s32 $0x1CBF8;
	s14 =	simm.s32 $0x1DBF8  }
.LBB2_1:
0x3d: {  	[tilespmem:$0x1B2F8] =	vst v0  }
0x3e: {  	[tilespmem:$0x1B378] =	vst v0  }
0x3f: {  	[tilespmem:$0x1B308] =	vst v0  }
0x40: {  	[tilespmem:$0x1B388] =	vst v1  }
0x41: {  	[tilespmem:$0x1B318] =	vst v0  }
0x42: {  	[tilespmem:$0x1B398] =	vst v1  }
0x43: {  	[tilespmem:$0x1B328] =	vst v0  }
0x44: {  	[tilespmem:$0x1B3A8] =	vst v1  }
0x45: {  	[tilespmem:$0x1B338] =	vst v0  }
0x46: {  	[tilespmem:$0x1B3B8] =	vst v1  }
0x47: {  	[tilespmem:$0x1B348] =	vst v0  }
0x48: {  	[tilespmem:$0x1B3C8] =	vst v1  }
0x49: {  	[tilespmem:$0x1B358] =	vst v0  }
0x4a: {  	[tilespmem:$0x1B3D8] =	vst v1  }
0x4b: {  	[tilespmem:$0x1B368] =	vst v0  }
0x4c: {  	[tilespmem:$0x1B3E8] =	vst v1;
	s26 =	simm.s32 $0x40;
	s28 =	simm.s32 $0x0  }
.LBB2_2:
0x4d: {  	p1 =	sne.s32 s26, $0x3E40;
	[tilespmem:s28+$0x1CBF8] =	vst v1;
	s28 =	smov.u32 s26;
	s26 =	sadd.s32 $0x40, s26  }
.Ltmp0:
0x4e: {  	(pc) =	sbr.rel @p1 .LBB2_2-.Ltmp0, $2  }
0x4f: {  	_ =	sdelay $0x2  }
0x50: {  	s28 =	sshra.s32 s28, $0x2  }
0x51: {  	[tilespmem:s28+$0x1CBF8] =	vst v1;
	s21 =	rddreg [dreg:$0x18]  }
0x52: {  	[spmem:s21] =	stream.linear.scatter [tilespmem:s17], [sflag:$0x1], $0xFA0, $0x38;
	[tilespmem:$0x1EBF8] =	vst v63  }
0x53: {  	s31 =	rddreg [dreg:$0x19]  }
0x54: {  	[spmem:s31] =	stream.linear.scatter [tilespmem:s17], [sflag:$0x1], $0xFA0, $0x38;
	[tilespmem:$0x1EBF8] =	vst v63  }
0x55: {  	s26 =	rddreg [dreg:$0x1a]  }
0x56: {  	[spmem:s26] =	stream.linear.scatter [tilespmem:s17], [sflag:$0x1], $0xFA0, $0x38;
	[tilespmem:$0x1EBF8] =	vst v63  }
0x57: {  	s28 =	rddreg [dreg:$0x1b]  }
0x58: {  	[spmem:s28] =	stream.linear.scatter [tilespmem:s17], [sflag:$0x1], $0xFA0, $0x38;
	[tilespmem:$0x1EBF8] =	vst v63  }
0x59: {  	s29 =	rddreg [dreg:$0x1c]  }
0x5a: {  	[spmem:s29] =	stream.linear.scatter [tilespmem:s17], [sflag:$0x1], $0xFA0, $0x38;
	[tilespmem:$0x1EBF8] =	vst v63  }
0x5b: {  	s30 =	rddreg [dreg:$0x1d]  }
0x5c: {  	[spmem:s30] =	stream.linear.scatter [tilespmem:s17], [sflag:$0x1], $0xFA0, $0x38;
	[tilespmem:$0x1EBF8] =	vst v63  }
0x5d: {  	s31 =	rddreg [dreg:$0x1e]  }
0x5e: {  	[spmem:s31] =	stream.linear.scatter [tilespmem:s17], [sflag:$0x1], $0xFA0, $0x38;
	[tilespmem:$0x1EBF8] =	vst v63  }
0x5f: {  	_ = 	snop  }
0x60: {  	[spmem:s0] =	stream.linear.scatter [tilespmem:s17], [sflag:$0x1], $0xFA0, $0x38;
	[tilespmem:$0x1EBF8] =	vst v63  }
0x61: {  	_ = 	snop  }
0x62: {  	[spmem:s2] =	stream.linear.scatter [tilespmem:s17], [sflag:$0x1], $0xFA0, $0x38;
	[tilespmem:$0x1EBF8] =	vst v63  }
0x63: {  	_ = 	snop  }
0x64: {  	[spmem:s3] =	stream.linear.scatter [tilespmem:s17], [sflag:$0x1], $0xFA0, $0x38;
	[tilespmem:$0x1EBF8] =	vst v63  }
0x65: {  	_ =	swait.ge [sflag:s18], $0xFA0  }
0x66: {  	[sflag:s18] =	ssyncset.done $0x0  }
0x67: {  	[sflag:s18] =	ssyncadd.s32 $0xFFFFF060  }
0x68: {  	_ =	swait.ge [sflag:s18], $0xFA0  }
0x69: {  	[sflag:s18] =	ssyncset.done $0x0  }
0x6a: {  	[sflag:s18] =	ssyncadd.s32 $0xFFFFF060  }
0x6b: {  	_ =	swait.ge [sflag:s18], $0xFA0  }
0x6c: {  	[sflag:s18] =	ssyncset.done $0x0  }
0x6d: {  	[sflag:s18] =	ssyncadd.s32 $0xFFFFF060  }
0x6e: {  	_ =	swait.ge [sflag:s18], $0xFA0  }
0x6f: {  	[sflag:s18] =	ssyncset.done $0x0  }
0x70: {  	[sflag:s18] =	ssyncadd.s32 $0xFFFFF060  }
0x71: {  	_ =	swait.ge [sflag:s18], $0xFA0  }
0x72: {  	[sflag:s18] =	ssyncset.done $0x0  }
0x73: {  	[sflag:s18] =	ssyncadd.s32 $0xFFFFF060  }
0x74: {  	_ =	swait.ge [sflag:s18], $0xFA0  }
0x75: {  	[sflag:s18] =	ssyncset.done $0x0  }
0x76: {  	[sflag:s18] =	ssyncadd.s32 $0xFFFFF060  }
0x77: {  	_ =	swait.ge [sflag:s18], $0xFA0  }
0x78: {  	[sflag:s18] =	ssyncset.done $0x0  }
0x79: {  	[sflag:s18] =	ssyncadd.s32 $0xFFFFF060  }
0x7a: {  	_ =	swait.ge [sflag:s18], $0xFA0  }
0x7b: {  	[sflag:s18] =	ssyncset.done $0x0  }
0x7c: {  	[sflag:s18] =	ssyncadd.s32 $0xFFFFF060  }
0x7d: {  	_ =	swait.ge [sflag:s18], $0xFA0  }
0x7e: {  	[sflag:s18] =	ssyncset.done $0x0  }
0x7f: {  	[sflag:s18] =	ssyncadd.s32 $0xFFFFF060  }
0x80: {  	_ =	swait.ge [sflag:s18], $0xFA0  }
0x81: {  	[sflag:s18] =	ssyncset.done $0x0  }
0x82: {  	[sflag:s18] =	ssyncadd.s32 $0xFFFFF060  }
0x83: {  	[spmem:s4] =	stream.linear.scatter [tilespmem:s17], [sflag:$0x1], $0xFA0, $0x38;
	[tilespmem:$0x1EBF8] =	vst v63  }
0x84: {  	_ = 	snop  }
0x85: {  	[spmem:s5] =	stream.linear.scatter [tilespmem:s17], [sflag:$0x1], $0xFA0, $0x38;
	[tilespmem:$0x1EBF8] =	vst v63  }
0x86: {  	_ = 	snop  }
0x87: {  	[spmem:s6] =	stream.linear.scatter [tilespmem:s17], [sflag:$0x1], $0xFA0, $0x38;
	[tilespmem:$0x1EBF8] =	vst v63  }
0x88: {  	_ = 	snop  }
0x89: {  	[spmem:s7] =	stream.linear.scatter [tilespmem:s17], [sflag:$0x1], $0xFA0, $0x38;
	[tilespmem:$0x1EBF8] =	vst v63  }
0x8a: {  	_ = 	snop  }
0x8b: {  	[spmem:s8] =	stream.linear.scatter [tilespmem:s17], [sflag:$0x1], $0xFA0, $0x38;
	[tilespmem:$0x1EBF8] =	vst v63  }
0x8c: {  	_ = 	snop  }
0x8d: {  	[spmem:s9] =	stream.linear.scatter [tilespmem:s17], [sflag:$0x1], $0xFA0, $0x38;
	[tilespmem:$0x1EBF8] =	vst v63  }
0x8e: {  	_ = 	snop  }
0x8f: {  	[spmem:s10] =	stream.linear.scatter [tilespmem:s17], [sflag:$0x1], $0xFA0, $0x38;
	[tilespmem:$0x1EBF8] =	vst v63  }
0x90: {  	_ = 	snop  }
0x91: {  	[spmem:s11] =	stream.linear.scatter [tilespmem:s17], [sflag:$0x1], $0xFA0, $0x38;
	[tilespmem:$0x1EBF8] =	vst v63  }
0x92: {  	_ = 	snop  }
0x93: {  	[spmem:s12] =	stream.linear.scatter [tilespmem:s17], [sflag:$0x1], $0xFA0, $0x38;
	[tilespmem:$0x1EBF8] =	vst v63  }
0x94: {  	_ = 	snop  }
0x95: {  	[spmem:s13] =	stream.linear.scatter [tilespmem:s17], [sflag:$0x1], $0xFA0, $0x38;
	[tilespmem:$0x1EBF8] =	vst v63  }
0x96: {  	_ =	swait.ge [sflag:s18], $0xFA0  }
0x97: {  	[sflag:s18] =	ssyncset.done $0x0  }
0x98: {  	[sflag:s18] =	ssyncadd.s32 $0xFFFFF060  }
0x99: {  	_ =	swait.ge [sflag:s18], $0xFA0  }
0x9a: {  	[sflag:s18] =	ssyncset.done $0x0  }
0x9b: {  	[sflag:s18] =	ssyncadd.s32 $0xFFFFF060  }
0x9c: {  	_ =	swait.ge [sflag:s18], $0xFA0  }
0x9d: {  	[sflag:s18] =	ssyncset.done $0x0  }
0x9e: {  	[sflag:s18] =	ssyncadd.s32 $0xFFFFF060  }
0x9f: {  	_ =	swait.ge [sflag:s18], $0xFA0  }
0xa0: {  	[sflag:s18] =	ssyncset.done $0x0  }
0xa1: {  	[sflag:s18] =	ssyncadd.s32 $0xFFFFF060  }
0xa2: {  	_ =	swait.ge [sflag:s18], $0xFA0  }
0xa3: {  	[sflag:s18] =	ssyncset.done $0x0  }
0xa4: {  	[sflag:s18] =	ssyncadd.s32 $0xFFFFF060  }
0xa5: {  	_ =	swait.ge [sflag:s18], $0xFA0  }
0xa6: {  	[sflag:s18] =	ssyncset.done $0x0  }
0xa7: {  	[sflag:s18] =	ssyncadd.s32 $0xFFFFF060  }
0xa8: {  	_ =	swait.ge [sflag:s18], $0xFA0  }
0xa9: {  	[sflag:s18] =	ssyncset.done $0x0  }
0xaa: {  	[sflag:s18] =	ssyncadd.s32 $0xFFFFF060  }
0xab: {  	_ =	swait.ge [sflag:s18], $0xFA0  }
0xac: {  	[sflag:s18] =	ssyncset.done $0x0  }
0xad: {  	[sflag:s18] =	ssyncadd.s32 $0xFFFFF060  }
0xae: {  	_ =	swait.ge [sflag:s18], $0xFA0  }
.Ltmp1:
0xaf: {  	[sflag:s18] =	ssyncset.done $0x0;
	(pc) =	sbr.rel @p0 .LBB2_7-.Ltmp1, $4  }
0xb0: {  	[sflag:s18] =	ssyncadd.s32 $0xFFFFF060  }
0xb1: {  	_ =	swait.ge [sflag:s18], $0xFA0  }
0xb2: {  	[sflag:s18] =	ssyncset.done $0x0  }
0xb3: {  	[sflag:s18] =	ssyncadd.s32 $0xFFFFF060  }
0xb4: {  	s26 =	simm.s32 $0x0;
	s21 =	rddreg [dreg:$0x1f];
	s28 =	simm.s32 $0x1BBF8  }
0xb5: {  	[tilespmem:s28], [sflag:$0x4] =	stream.linear.gather [hbm4b:s21+s26], $0x7D0, $0x38;
	[tilespmem:$0x1EBF8] =	vst v63  }
0xb6: {  	_ =	swait.ge [sflag:s19], $0x7D0  }
0xb7: {  	s31 =	sld [smem:$0x7F9]  }
0xb8: {  	[sflag:s19] =	ssyncset.done $0x0  }
0xb9: {  	s28 =	simm.s32 $0x1C3F8;
	[sflag:s19] =	ssyncadd.s32 $0xFFFFF830  }
0xba: {  	[tilespmem:s28], [sflag:$0x4] =	stream.linear.gather [hbm4b:s31+s26], $0x7D0, $0x38;
	[tilespmem:$0x1EBF8] =	vst v63  }
0xbb: {  	_ =	swait.ge [sflag:s19], $0x7D0  }
0xbc: {  	[sflag:s19] =	ssyncset.done $0x0  }
0xbd: {  	s26 =	simm.s32 $0x0;
	[sflag:s19] =	ssyncadd.s32 $0xFFFFF830  }
0xbe: {  	v2 =	vld [tilespmem:s26+$0x1BBF8]  }
0xbf: {  	v3 =	vld [tilespmem:s26+$0x1C3F8];
	_ =	sdelay $0x4  }
0xc0: {  	s28 =	simm.s32 $0x10;
	v2 =	vadd.f32 v3, v2  }
0xc1: {  	v3 =	vld [tilespmem:s28+$0x1C3F8]  }
0xc2: {  	v4 =	vadd.f32 $1.000000000e+00, v2;
	v2 =	vld [tilespmem:s28+$0x1BBF8];
	_ =	sdelay $0x2  }
0xc3: {  	s29 =	simm.s32 $0x80;
	v4 =	vmin.f32 v4, $1.270000000e+02  }
.LBB2_5:
0xc4: {  	s30 =	sshra.s32 s29, $0x2;
	v4 =	vtrunc.f32 v4;
	p1 =	sne.s32 s29, $0x1F00  }
.Ltmp2:
0xc5: {  	s29 =	sadd.s32 $0x40, s29;
	v5 =	vadd.f32 v3, v2;
	v2 =	vld [tilespmem:s30+$0x1BBF8];
	v4 =	vcvt.f32.s32 v4;
	(pc) =	sbr.rel @p1 .LBB2_5-.Ltmp2, $3  }
0xc6: {  	v3 =	vld [tilespmem:s30+$0x1C3F8]  }
0xc7: {  	v5 =	vadd.f32 $1.000000000e+00, v5;
	[tilespmem:s26+$0x1B3F8] =	vst v4;
	s26 =	smov.u32 s28;
	s28 =	smov.u32 s30;
	_ =	sdelay $0x1  }
0xc8: {  	v4 =	vmin.f32 v5, $1.270000000e+02  }
0xc9: {  	_ = 	snop  }
0xca: {  	v2 =	vadd.f32 v3, v2;
	_ =	sdelay $0x1  }
0xcb: {  	v2 =	vadd.f32 $1.000000000e+00, v2;
	_ =	sdelay $0x1  }
0xcc: {  	v3 =	vtrunc.f32 v4;
	v2 =	vmin.f32 v2, $1.270000000e+02  }
0xcd: {  	v3 =	vcvt.f32.s32 v3;
	v2 =	vtrunc.f32 v2  }
0xce: {  	s21 =	sld [smem:$0x7FA];
	v2 =	vcvt.f32.s32 v2  }
0xcf: {  	[tilespmem:s26+$0x1B3F8] =	vst v3  }
0xd0: {  	s31 =	simm.s32 $0x1B3F8;
	[tilespmem:s28+$0x1B3F8] =	vst v2  }
0xd1: {  	[spmem:s21] =	stream.linear.scatter [tilespmem:s31], [sflag:$0x4], $0x7D0, $0x38;
	[tilespmem:$0x1EBF8] =	vst v63  }
0xd2: {  	_ =	swait.ge [sflag:s19], $0x7D0  }
0xd3: {  	[sflag:s19] =	ssyncset.done $0x0  }
0xd4: {  	[sflag:s19] =	ssyncadd.s32 $0xFFFFF830  }
.LBB2_7:
0xd5: {  	s21 =	sld [smem:$0x7FB];
	_ =	sdelay $0x1  }
0xd6: {  	s26 =	simm.s32 $0x0;
	s28 =	simm.s32 $0x13AF8  }
0xd7: {  	[tilespmem:s28], [sflag:$0x4] =	stream.linear.gather [hbm4b:s21+s26], $0x2780, $0x38;
	[tilespmem:$0x1EBF8] =	vst v63  }
0xd8: {  	_ =	swait.ge [sflag:s19], $0x2780  }
0xd9: {  	s30 =	sld [smem:$0x7FC]  }
0xda: {  	[sflag:s19] =	ssyncset.done $0x0  }
0xdb: {  	s28 =	simm.s32 $0x162F8;
	[sflag:s19] =	ssyncadd.s32 $0xFFFFD880  }
0xdc: {  	[tilespmem:s28], [sflag:$0x4] =	stream.linear.gather [hbm4b:s30+s26], $0x2780, $0x38;
	[tilespmem:$0x1EBF8] =	vst v63  }
0xdd: {  	_ =	swait.ge [sflag:s19], $0x2780  }
0xde: {  	[sflag:s19] =	ssyncset.done $0x0  }
0xdf: {  	[sflag:s19] =	ssyncadd.s32 $0xFFFFD880  }
0xe0: {  	s31 =	simm.s32 $0x18AF8;
	s28 =	simm.s32 $0x13AF8;
	[bflag:$0x0] =	sbarrier.arrive $0xFFFF  }
0xe1: {  	[tilespmem:s31], [sflag:$0x1] =	stream.indirect.gather [spmem:s22], $0x1, s28, s23, $0xb8;
	[tilespmem:$0x1EBF8] =	vst v63  }
0xe2: {  	s21 =	simm.s32 $0x18B78;
	s28 =	simm.s32 $0x13B78  }
0xe3: {  	[tilespmem:s21], [sflag:$0x1] =	stream.indirect.gather [spmem:s22], $0x1, s28, s23, $0xb8;
	[tilespmem:$0x1EBF8] =	vst v63  }
0xe4: {  	s30 =	simm.s32 $0x18BF8;
	s28 =	simm.s32 $0x13BF8  }
0xe5: {  	[tilespmem:s30], [sflag:$0x1] =	stream.indirect.gather [spmem:s22], $0x1, s28, s23, $0xb8;
	[tilespmem:$0x1EBF8] =	vst v63  }
0xe6: {  	s31 =	simm.s32 $0x18C78;
	s28 =	simm.s32 $0x13C78  }
0xe7: {  	[tilespmem:s31], [sflag:$0x1] =	stream.indirect.gather [spmem:s22], $0x1, s28, s23, $0xb8;
	[tilespmem:$0x1EBF8] =	vst v63  }
0xe8: {  	s21 =	simm.s32 $0x18CF8;
	s28 =	simm.s32 $0x13CF8  }
0xe9: {  	[tilespmem:s21], [sflag:$0x1] =	stream.indirect.gather [spmem:s22], $0x1, s28, s23, $0xb8;
	[tilespmem:$0x1EBF8] =	vst v63  }
0xea: {  	s30 =	simm.s32 $0x18D78;
	s28 =	simm.s32 $0x13D78  }
0xeb: {  	[tilespmem:s30], [sflag:$0x1] =	stream.indirect.gather [spmem:s22], $0x1, s28, s23, $0xb8;
	[tilespmem:$0x1EBF8] =	vst v63  }
0xec: {  	s31 =	simm.s32 $0x18DF8;
	s28 =	simm.s32 $0x13DF8  }
0xed: {  	[tilespmem:s31], [sflag:$0x1] =	stream.indirect.gather [spmem:s22], $0x1, s28, s23, $0xb8;
	[tilespmem:$0x1EBF8] =	vst v63  }
0xee: {  	s21 =	simm.s32 $0x18E78;
	s28 =	simm.s32 $0x13E78  }
0xef: {  	[tilespmem:s21], [sflag:$0x1] =	stream.indirect.gather [spmem:s22], $0x1, s28, s23, $0xb8;
	[tilespmem:$0x1EBF8] =	vst v63  }
0xf0: {  	s30 =	simm.s32 $0x18EF8;
	s28 =	simm.s32 $0x13EF8  }
0xf1: {  	[tilespmem:s30], [sflag:$0x1] =	stream.indirect.gather [spmem:s22], $0x1, s28, s23, $0xb8;
	[tilespmem:$0x1EBF8] =	vst v63  }
0xf2: {  	s31 =	simm.s32 $0x18F78;
	s28 =	simm.s32 $0x13F78  }
0xf3: {  	[tilespmem:s31], [sflag:$0x1] =	stream.indirect.gather [spmem:s22], $0x1, s28, s23, $0xb8;
	[tilespmem:$0x1EBF8] =	vst v63  }
0xf4: {  	s21 =	simm.s32 $0x18FF8;
	s28 =	simm.s32 $0x13FF8  }
0xf5: {  	[tilespmem:s21], [sflag:$0x1] =	stream.indirect.gather [spmem:s22], $0x1, s28, s23, $0xb8;
	[tilespmem:$0x1EBF8] =	vst v63  }
0xf6: {  	s30 =	simm.s32 $0x19078;
	s28 =	simm.s32 $0x14078  }
0xf7: {  	[tilespmem:s30], [sflag:$0x1] =	stream.indirect.gather [spmem:s22], $0x1, s28, s23, $0xb8;
	[tilespmem:$0x1EBF8] =	vst v63  }
0xf8: {  	s31 =	simm.s32 $0x190F8;
	s28 =	simm.s32 $0x140F8  }
0xf9: {  	[tilespmem:s31], [sflag:$0x1] =	stream.indirect.gather [spmem:s22], $0x1, s28, s23, $0xb8;
	[tilespmem:$0x1EBF8] =	vst v63  }
0xfa: {  	_ =	swait.ge [sflag:s18], $0x80  }
0xfb: {  	[sflag:s18] =	ssyncset.done $0x0  }
0xfc: {  	[sflag:s18] =	ssyncadd.s32 $0xFFFFFF80  }
0xfd: {  	_ =	swait.ge [sflag:s18], $0x80  }
0xfe: {  	[sflag:s18] =	ssyncset.done $0x0  }
0xff: {  	[sflag:s18] =	ssyncadd.s32 $0xFFFFFF80  }
0x100: {  	_ =	swait.ge [sflag:s18], $0x80  }
0x101: {  	[sflag:s18] =	ssyncset.done $0x0  }
0x102: {  	[sflag:s18] =	ssyncadd.s32 $0xFFFFFF80  }
0x103: {  	_ =	swait.ge [sflag:s18], $0x80  }
0x104: {  	[sflag:s18] =	ssyncset.done $0x0  }
0x105: {  	[sflag:s18] =	ssyncadd.s32 $0xFFFFFF80  }
0x106: {  	_ =	swait.ge [sflag:s18], $0x80  }
0x107: {  	[sflag:s18] =	ssyncset.done $0x0  }
0x108: {  	[sflag:s18] =	ssyncadd.s32 $0xFFFFFF80  }
0x109: {  	_ =	swait.ge [sflag:s18], $0x80  }
0x10a: {  	[sflag:s18] =	ssyncset.done $0x0  }
0x10b: {  	[sflag:s18] =	ssyncadd.s32 $0xFFFFFF80  }
0x10c: {  	_ =	swait.ge [sflag:s18], $0x80  }
0x10d: {  	[sflag:s18] =	ssyncset.done $0x0  }
0x10e: {  	[sflag:s18] =	ssyncadd.s32 $0xFFFFFF80  }
0x10f: {  	_ =	swait.ge [sflag:s18], $0x80  }
0x110: {  	[sflag:s18] =	ssyncset.done $0x0  }
0x111: {  	[sflag:s18] =	ssyncadd.s32 $0xFFFFFF80  }
0x112: {  	_ =	swait.ge [sflag:s18], $0x80  }
0x113: {  	[sflag:s18] =	ssyncset.done $0x0  }
0x114: {  	[sflag:s18] =	ssyncadd.s32 $0xFFFFFF80  }
0x115: {  	_ =	swait.ge [sflag:s18], $0x80  }
0x116: {  	[sflag:s18] =	ssyncset.done $0x0  }
0x117: {  	[sflag:s18] =	ssyncadd.s32 $0xFFFFFF80  }
0x118: {  	_ =	swait.ge [sflag:s18], $0x80  }
0x119: {  	[sflag:s18] =	ssyncset.done $0x0  }
0x11a: {  	[sflag:s18] =	ssyncadd.s32 $0xFFFFFF80  }
0x11b: {  	_ =	swait.ge [sflag:s18], $0x80  }
0x11c: {  	[sflag:s18] =	ssyncset.done $0x0  }
0x11d: {  	[sflag:s18] =	ssyncadd.s32 $0xFFFFFF80  }
0x11e: {  	_ =	swait.ge [sflag:s18], $0x80  }
0x11f: {  	s29 =	simm.s32 $0x680;
	s28 =	simm.s32 $0x3400;
	[sflag:s18] =	ssyncset.done $0x0  }
.LBB2_8:
0x120: {  	s30 =	sadd.s32 $0x18AF8, s29  }
0x121: {  	s31 =	sadd.s32 $0x13AF8, s29;
	[sflag:s18] =	ssyncadd.s32 $0xFFFFFF80;
	s26 =	smov.u32 s28  }
0x122: {  	[tilespmem:s30], [sflag:$0x1] =	stream.indirect.gather [spmem:s22], $0x1, s31, s23, $0xb8;
	[tilespmem:$0x1EBF8] =	vst v63  }
0x123: {  	s21 =	sadd.s32 $0x13B78, s29;
	s30 =	sadd.s32 $0x1A00, s28;
	s31 =	sadd.s32 $0x18B78, s29  }
0x124: {  	[tilespmem:s31], [sflag:$0x1] =	stream.indirect.gather [spmem:s22], $0x1, s21, s23, $0xb8;
	[tilespmem:$0x1EBF8] =	vst v63  }
0x125: {  	p1 =	sne.s32 s28, $0x8200;
	s28 =	sadd.s32 $0x13BF8, s29;
	s21 =	sadd.s32 $0x18BF8, s29  }
0x126: {  	[tilespmem:s21], [sflag:$0x1] =	stream.indirect.gather [spmem:s22], $0x1, s28, s23, $0xb8;
	[tilespmem:$0x1EBF8] =	vst v63  }
0x127: {  	s21 =	sadd.s32 $0x18C78, s29;
	s28 =	sadd.s32 $0x13C78, s29  }
0x128: {  	[tilespmem:s21], [sflag:$0x1] =	stream.indirect.gather [spmem:s22], $0x1, s28, s23, $0xb8;
	[tilespmem:$0x1EBF8] =	vst v63  }
0x129: {  	s21 =	sadd.s32 $0x18CF8, s29;
	s28 =	sadd.s32 $0x13CF8, s29  }
0x12a: {  	[tilespmem:s21], [sflag:$0x1] =	stream.indirect.gather [spmem:s22], $0x1, s28, s23, $0xb8;
	[tilespmem:$0x1EBF8] =	vst v63  }
0x12b: {  	s21 =	sadd.s32 $0x18D78, s29;
	s28 =	sadd.s32 $0x13D78, s29  }
0x12c: {  	[tilespmem:s21], [sflag:$0x1] =	stream.indirect.gather [spmem:s22], $0x1, s28, s23, $0xb8;
	[tilespmem:$0x1EBF8] =	vst v63  }
0x12d: {  	s21 =	sadd.s32 $0x18DF8, s29;
	s28 =	sadd.s32 $0x13DF8, s29  }
0x12e: {  	[tilespmem:s21], [sflag:$0x1] =	stream.indirect.gather [spmem:s22], $0x1, s28, s23, $0xb8;
	[tilespmem:$0x1EBF8] =	vst v63  }
0x12f: {  	s21 =	sadd.s32 $0x18E78, s29;
	s28 =	sadd.s32 $0x13E78, s29  }
0x130: {  	[tilespmem:s21], [sflag:$0x1] =	stream.indirect.gather [spmem:s22], $0x1, s28, s23, $0xb8;
	[tilespmem:$0x1EBF8] =	vst v63  }
0x131: {  	s21 =	sadd.s32 $0x18EF8, s29;
	s28 =	sadd.s32 $0x13EF8, s29  }
0x132: {  	[tilespmem:s21], [sflag:$0x1] =	stream.indirect.gather [spmem:s22], $0x1, s28, s23, $0xb8;
	[tilespmem:$0x1EBF8] =	vst v63  }
0x133: {  	s21 =	sadd.s32 $0x18F78, s29;
	s28 =	sadd.s32 $0x13F78, s29  }
0x134: {  	[tilespmem:s21], [sflag:$0x1] =	stream.indirect.gather [spmem:s22], $0x1, s28, s23, $0xb8;
	[tilespmem:$0x1EBF8] =	vst v63  }
0x135: {  	s21 =	sadd.s32 $0x18FF8, s29;
	s28 =	sadd.s32 $0x13FF8, s29  }
0x136: {  	[tilespmem:s21], [sflag:$0x1] =	stream.indirect.gather [spmem:s22], $0x1, s28, s23, $0xb8;
	[tilespmem:$0x1EBF8] =	vst v63  }
0x137: {  	s21 =	sadd.s32 $0x19078, s29;
	s28 =	sadd.s32 $0x14078, s29  }
0x138: {  	[tilespmem:s21], [sflag:$0x1] =	stream.indirect.gather [spmem:s22], $0x1, s28, s23, $0xb8;
	[tilespmem:$0x1EBF8] =	vst v63  }
0x139: {  	s21 =	sadd.s32 $0x190F8, s29;
	s28 =	sadd.s32 $0x140F8, s29  }
0x13a: {  	[tilespmem:s21], [sflag:$0x1] =	stream.indirect.gather [spmem:s22], $0x1, s28, s23, $0xb8;
	[tilespmem:$0x1EBF8] =	vst v63  }
0x13b: {  	_ =	swait.ge [sflag:s18], $0x80  }
0x13c: {  	[sflag:s18] =	ssyncset.done $0x0  }
0x13d: {  	[sflag:s18] =	ssyncadd.s32 $0xFFFFFF80  }
0x13e: {  	_ =	swait.ge [sflag:s18], $0x80  }
0x13f: {  	[sflag:s18] =	ssyncset.done $0x0  }
0x140: {  	[sflag:s18] =	ssyncadd.s32 $0xFFFFFF80  }
0x141: {  	_ =	swait.ge [sflag:s18], $0x80  }
0x142: {  	[sflag:s18] =	ssyncset.done $0x0  }
0x143: {  	[sflag:s18] =	ssyncadd.s32 $0xFFFFFF80  }
0x144: {  	_ =	swait.ge [sflag:s18], $0x80  }
0x145: {  	[sflag:s18] =	ssyncset.done $0x0  }
0x146: {  	[sflag:s18] =	ssyncadd.s32 $0xFFFFFF80  }
0x147: {  	_ =	swait.ge [sflag:s18], $0x80  }
0x148: {  	[sflag:s18] =	ssyncset.done $0x0  }
0x149: {  	[sflag:s18] =	ssyncadd.s32 $0xFFFFFF80  }
0x14a: {  	_ =	swait.ge [sflag:s18], $0x80  }
0x14b: {  	[sflag:s18] =	ssyncset.done $0x0  }
0x14c: {  	[sflag:s18] =	ssyncadd.s32 $0xFFFFFF80  }
0x14d: {  	_ =	swait.ge [sflag:s18], $0x80  }
0x14e: {  	[sflag:s18] =	ssyncset.done $0x0  }
0x14f: {  	[sflag:s18] =	ssyncadd.s32 $0xFFFFFF80  }
0x150: {  	_ =	swait.ge [sflag:s18], $0x80  }
0x151: {  	[sflag:s18] =	ssyncset.done $0x0  }
0x152: {  	[sflag:s18] =	ssyncadd.s32 $0xFFFFFF80  }
0x153: {  	_ =	swait.ge [sflag:s18], $0x80  }
0x154: {  	[sflag:s18] =	ssyncset.done $0x0  }
0x155: {  	[sflag:s18] =	ssyncadd.s32 $0xFFFFFF80  }
0x156: {  	_ =	swait.ge [sflag:s18], $0x80  }
0x157: {  	[sflag:s18] =	ssyncset.done $0x0  }
0x158: {  	[sflag:s18] =	ssyncadd.s32 $0xFFFFFF80  }
0x159: {  	_ =	swait.ge [sflag:s18], $0x80  }
0x15a: {  	[sflag:s18] =	ssyncset.done $0x0  }
0x15b: {  	[sflag:s18] =	ssyncadd.s32 $0xFFFFFF80  }
.Ltmp3:
0x15c: {  	_ =	swait.ge [sflag:s18], $0x80;
	(pc) =	sbr.rel @p1 .LBB2_8-.Ltmp3, $4  }
0x15d: {  	[sflag:s18] =	ssyncset.done $0x0  }
0x15e: {  	[sflag:s18] =	ssyncadd.s32 $0xFFFFFF80  }
0x15f: {  	_ =	swait.ge [sflag:s18], $0x80  }
0x160: {  	s29 =	sshra.s32 s26, $0x2;
	s28 =	smov.u32 s30;
	[sflag:s18] =	ssyncset.done $0x0  }
0x161: {  	s21 =	sadd.s32 $0x18AF8, s29;
	s26 =	sadd.s32 $0x13AF8, s29;
	[sflag:s18] =	ssyncadd.s32 $0xFFFFFF80  }
0x162: {  	[tilespmem:s21], [sflag:$0x1] =	stream.indirect.gather [spmem:s22], $0x1, s26, s23, $0xb8;
	[tilespmem:$0x1EBF8] =	vst v63  }
0x163: {  	s30 =	sadd.s32 $0x18B78, s29;
	s31 =	sadd.s32 $0x13B78, s29  }
0x164: {  	[tilespmem:s30], [sflag:$0x1] =	stream.indirect.gather [spmem:s22], $0x1, s31, s23, $0xb8;
	[tilespmem:$0x1EBF8] =	vst v63  }
0x165: {  	s30 =	sadd.s32 $0x18BF8, s29;
	s31 =	sadd.s32 $0x13BF8, s29  }
0x166: {  	[tilespmem:s30], [sflag:$0x1] =	stream.indirect.gather [spmem:s22], $0x1, s31, s23, $0xb8;
	[tilespmem:$0x1EBF8] =	vst v63  }
0x167: {  	s30 =	sadd.s32 $0x18C78, s29;
	s31 =	sadd.s32 $0x13C78, s29  }
0x168: {  	[tilespmem:s30], [sflag:$0x1] =	stream.indirect.gather [spmem:s22], $0x1, s31, s23, $0xb8;
	[tilespmem:$0x1EBF8] =	vst v63  }
0x169: {  	s30 =	sadd.s32 $0x18CF8, s29;
	s31 =	sadd.s32 $0x13CF8, s29  }
0x16a: {  	[tilespmem:s30], [sflag:$0x1] =	stream.indirect.gather [spmem:s22], $0x1, s31, s23, $0xb8;
	[tilespmem:$0x1EBF8] =	vst v63  }
0x16b: {  	s30 =	sadd.s32 $0x18D78, s29;
	s31 =	sadd.s32 $0x13D78, s29  }
0x16c: {  	[tilespmem:s30], [sflag:$0x1] =	stream.indirect.gather [spmem:s22], $0x1, s31, s23, $0xb8;
	[tilespmem:$0x1EBF8] =	vst v63  }
0x16d: {  	s30 =	sadd.s32 $0x18DF8, s29;
	s31 =	sadd.s32 $0x13DF8, s29  }
0x16e: {  	[tilespmem:s30], [sflag:$0x1] =	stream.indirect.gather [spmem:s22], $0x1, s31, s23, $0xb8;
	[tilespmem:$0x1EBF8] =	vst v63  }
0x16f: {  	s30 =	sadd.s32 $0x18E78, s29;
	s31 =	sadd.s32 $0x13E78, s29  }
0x170: {  	[tilespmem:s30], [sflag:$0x1] =	stream.indirect.gather [spmem:s22], $0x1, s31, s23, $0xb8;
	[tilespmem:$0x1EBF8] =	vst v63  }
0x171: {  	s30 =	sadd.s32 $0x18EF8, s29;
	s31 =	sadd.s32 $0x13EF8, s29  }
0x172: {  	[tilespmem:s30], [sflag:$0x1] =	stream.indirect.gather [spmem:s22], $0x1, s31, s23, $0xb8;
	[tilespmem:$0x1EBF8] =	vst v63  }
0x173: {  	s30 =	sadd.s32 $0x18F78, s29;
	s31 =	sadd.s32 $0x13F78, s29  }
0x174: {  	[tilespmem:s30], [sflag:$0x1] =	stream.indirect.gather [spmem:s22], $0x1, s31, s23, $0xb8;
	[tilespmem:$0x1EBF8] =	vst v63  }
0x175: {  	s30 =	sadd.s32 $0x18FF8, s29;
	s31 =	sadd.s32 $0x13FF8, s29  }
0x176: {  	[tilespmem:s30], [sflag:$0x1] =	stream.indirect.gather [spmem:s22], $0x1, s31, s23, $0xb8;
	[tilespmem:$0x1EBF8] =	vst v63  }
0x177: {  	s30 =	sadd.s32 $0x19078, s29;
	s31 =	sadd.s32 $0x14078, s29  }
0x178: {  	[tilespmem:s30], [sflag:$0x1] =	stream.indirect.gather [spmem:s22], $0x1, s31, s23, $0xb8;
	[tilespmem:$0x1EBF8] =	vst v63  }
0x179: {  	s26 =	sadd.s32 $0x190F8, s29;
	s29 =	sadd.s32 $0x140F8, s29  }
0x17a: {  	[tilespmem:s26], [sflag:$0x1] =	stream.indirect.gather [spmem:s22], $0x1, s29, s23, $0xb8;
	[tilespmem:$0x1EBF8] =	vst v63  }
0x17b: {  	_ =	swait.ge [sflag:s18], $0x80  }
0x17c: {  	[sflag:s18] =	ssyncset.done $0x0  }
0x17d: {  	[sflag:s18] =	ssyncadd.s32 $0xFFFFFF80  }
0x17e: {  	_ =	swait.ge [sflag:s18], $0x80  }
0x17f: {  	[sflag:s18] =	ssyncset.done $0x0  }
0x180: {  	[sflag:s18] =	ssyncadd.s32 $0xFFFFFF80  }
0x181: {  	_ =	swait.ge [sflag:s18], $0x80  }
0x182: {  	[sflag:s18] =	ssyncset.done $0x0  }
0x183: {  	[sflag:s18] =	ssyncadd.s32 $0xFFFFFF80  }
0x184: {  	_ =	swait.ge [sflag:s18], $0x80  }
0x185: {  	[sflag:s18] =	ssyncset.done $0x0  }
0x186: {  	[sflag:s18] =	ssyncadd.s32 $0xFFFFFF80  }
0x187: {  	_ =	swait.ge [sflag:s18], $0x80  }
0x188: {  	[sflag:s18] =	ssyncset.done $0x0  }
0x189: {  	[sflag:s18] =	ssyncadd.s32 $0xFFFFFF80  }
0x18a: {  	_ =	swait.ge [sflag:s18], $0x80  }
0x18b: {  	[sflag:s18] =	ssyncset.done $0x0  }
0x18c: {  	[sflag:s18] =	ssyncadd.s32 $0xFFFFFF80  }
0x18d: {  	_ =	swait.ge [sflag:s18], $0x80  }
0x18e: {  	[sflag:s18] =	ssyncset.done $0x0  }
0x18f: {  	[sflag:s18] =	ssyncadd.s32 $0xFFFFFF80  }
0x190: {  	_ =	swait.ge [sflag:s18], $0x80  }
0x191: {  	[sflag:s18] =	ssyncset.done $0x0  }
0x192: {  	[sflag:s18] =	ssyncadd.s32 $0xFFFFFF80  }
0x193: {  	_ =	swait.ge [sflag:s18], $0x80  }
0x194: {  	[sflag:s18] =	ssyncset.done $0x0  }
0x195: {  	[sflag:s18] =	ssyncadd.s32 $0xFFFFFF80  }
0x196: {  	_ =	swait.ge [sflag:s18], $0x80  }
0x197: {  	[sflag:s18] =	ssyncset.done $0x0  }
0x198: {  	[sflag:s18] =	ssyncadd.s32 $0xFFFFFF80  }
0x199: {  	_ =	swait.ge [sflag:s18], $0x80  }
0x19a: {  	[sflag:s18] =	ssyncset.done $0x0  }
0x19b: {  	[sflag:s18] =	ssyncadd.s32 $0xFFFFFF80  }
0x19c: {  	_ =	swait.ge [sflag:s18], $0x80  }
0x19d: {  	[sflag:s18] =	ssyncset.done $0x0  }
0x19e: {  	[sflag:s18] =	ssyncadd.s32 $0xFFFFFF80  }
0x19f: {  	_ =	swait.ge [sflag:s18], $0x80  }
0x1a0: {  	[sflag:s18] =	ssyncset.done $0x0  }
0x1a1: {  	s30 =	simm.s32 $0x161F8;
	s31 =	simm.s32 $0x1B1F8;
	[sflag:s18] =	ssyncadd.s32 $0xFFFFFF80  }
0x1a2: {  	[tilespmem:s31], [sflag:$0x4] =	stream.indirect.gather [spmem:s22], $0x1, s30, s23, $0xb8;
	[tilespmem:$0x1EBF8] =	vst v63  }
0x1a3: {  	_ =	swait.ge [sflag:s19], $0x80  }
0x1a4: {  	[sflag:s19] =	ssyncset.done $0x0  }
0x1a5: {  	s28 =	simm.s32 $0x40;
	s26 =	simm.s32 $0x0;
	[sflag:s19] =	ssyncadd.s32 $0xFFFFFF80  }
.LBB2_10:
0x1a6: {  	p1 =	sne.s32 s28, $0x9C00;
	v2 =	vld [tilespmem:s26+$0x162F8]  }
0x1a7: {  	v3 =	vld [tilespmem:s26+$0x18AF8];
	_ =	sdelay $0x1  }
.Ltmp4:
0x1a8: {  	(pc) =	sbr.rel @p1 .LBB2_10-.Ltmp4, $4  }
0x1a9: {  	_ = 	snop  }
0x1aa: {  	v2 =	vshll.u32 v2, $0x7  }
0x1ab: {  	v2 =	vadd.s32 v3, v2  }
0x1ac: {  	[tilespmem:s26+$0x162F8] =	vst v2;
	s26 =	sshra.s32 s28, $0x2;
	s28 =	sadd.s32 $0x40, s28  }
0x1ad: {  	v2 =	vld [tilespmem:s26+$0x162F8]  }
0x1ae: {  	v3 =	vld [tilespmem:s26+$0x18AF8];
	_ =	sdelay $0x3  }
0x1af: {  	v2 =	vshll.u32 v2, $0x7  }
0x1b0: {  	v2 =	vadd.s32 v3, v2  }
0x1b1: {  	s21 =	simm.s32 $0x162F8;
	[tilespmem:s26+$0x162F8] =	vst v2  }
0x1b2: {  	[spmem:s20] =	stream.indirect.scatter.add.f32 [tilespmem:s24], [sflag:$0x1], $0x1, s21, s23, $0xb8;
	[tilespmem:$0x1EBF8] =	vst v63  }
0x1b3: {  	s26 =	simm.s32 $0x16378  }
0x1b4: {  	[spmem:s20] =	stream.indirect.scatter.add.f32 [tilespmem:s24], [sflag:$0x1], $0x1, s26, s23, $0xb8;
	[tilespmem:$0x1EBF8] =	vst v63  }
0x1b5: {  	s28 =	simm.s32 $0x163F8  }
0x1b6: {  	[spmem:s20] =	stream.indirect.scatter.add.f32 [tilespmem:s24], [sflag:$0x1], $0x1, s28, s23, $0xb8;
	[tilespmem:$0x1EBF8] =	vst v63  }
0x1b7: {  	s31 =	simm.s32 $0x16478  }
0x1b8: {  	[spmem:s20] =	stream.indirect.scatter.add.f32 [tilespmem:s24], [sflag:$0x1], $0x1, s31, s23, $0xb8;
	[tilespmem:$0x1EBF8] =	vst v63  }
0x1b9: {  	s26 =	simm.s32 $0x164F8  }
0x1ba: {  	[spmem:s20] =	stream.indirect.scatter.add.f32 [tilespmem:s24], [sflag:$0x1], $0x1, s26, s23, $0xb8;
	[tilespmem:$0x1EBF8] =	vst v63  }
0x1bb: {  	s28 =	simm.s32 $0x16578  }
0x1bc: {  	[spmem:s20] =	stream.indirect.scatter.add.f32 [tilespmem:s24], [sflag:$0x1], $0x1, s28, s23, $0xb8;
	[tilespmem:$0x1EBF8] =	vst v63  }
0x1bd: {  	s31 =	simm.s32 $0x165F8  }
0x1be: {  	[spmem:s20] =	stream.indirect.scatter.add.f32 [tilespmem:s24], [sflag:$0x1], $0x1, s31, s23, $0xb8;
	[tilespmem:$0x1EBF8] =	vst v63  }
0x1bf: {  	s26 =	simm.s32 $0x16678  }
0x1c0: {  	[spmem:s20] =	stream.indirect.scatter.add.f32 [tilespmem:s24], [sflag:$0x1], $0x1, s26, s23, $0xb8;
	[tilespmem:$0x1EBF8] =	vst v63  }
0x1c1: {  	s28 =	simm.s32 $0x166F8  }
0x1c2: {  	[spmem:s20] =	stream.indirect.scatter.add.f32 [tilespmem:s24], [sflag:$0x1], $0x1, s28, s23, $0xb8;
	[tilespmem:$0x1EBF8] =	vst v63  }
0x1c3: {  	s31 =	simm.s32 $0x16778  }
0x1c4: {  	[spmem:s20] =	stream.indirect.scatter.add.f32 [tilespmem:s24], [sflag:$0x1], $0x1, s31, s23, $0xb8;
	[tilespmem:$0x1EBF8] =	vst v63  }
0x1c5: {  	s26 =	simm.s32 $0x167F8  }
0x1c6: {  	[spmem:s20] =	stream.indirect.scatter.add.f32 [tilespmem:s24], [sflag:$0x1], $0x1, s26, s23, $0xb8;
	[tilespmem:$0x1EBF8] =	vst v63  }
0x1c7: {  	s28 =	simm.s32 $0x16878  }
0x1c8: {  	[spmem:s20] =	stream.indirect.scatter.add.f32 [tilespmem:s24], [sflag:$0x1], $0x1, s28, s23, $0xb8;
	[tilespmem:$0x1EBF8] =	vst v63  }
0x1c9: {  	s31 =	simm.s32 $0x168F8  }
0x1ca: {  	[spmem:s20] =	stream.indirect.scatter.add.f32 [tilespmem:s24], [sflag:$0x1], $0x1, s31, s23, $0xb8;
	[tilespmem:$0x1EBF8] =	vst v63  }
0x1cb: {  	_ =	swait.ge [sflag:s18], $0x80  }
0x1cc: {  	[sflag:s18] =	ssyncset.done $0x0  }
0x1cd: {  	[sflag:s18] =	ssyncadd.s32 $0xFFFFFF80  }
0x1ce: {  	_ =	swait.ge [sflag:s18], $0x80  }
0x1cf: {  	[sflag:s18] =	ssyncset.done $0x0  }
0x1d0: {  	[sflag:s18] =	ssyncadd.s32 $0xFFFFFF80  }
0x1d1: {  	_ =	swait.ge [sflag:s18], $0x80  }
0x1d2: {  	[sflag:s18] =	ssyncset.done $0x0  }
0x1d3: {  	[sflag:s18] =	ssyncadd.s32 $0xFFFFFF80  }
0x1d4: {  	_ =	swait.ge [sflag:s18], $0x80  }
0x1d5: {  	[sflag:s18] =	ssyncset.done $0x0  }
0x1d6: {  	[sflag:s18] =	ssyncadd.s32 $0xFFFFFF80  }
0x1d7: {  	_ =	swait.ge [sflag:s18], $0x80  }
0x1d8: {  	[sflag:s18] =	ssyncset.done $0x0  }
0x1d9: {  	[sflag:s18] =	ssyncadd.s32 $0xFFFFFF80  }
0x1da: {  	_ =	swait.ge [sflag:s18], $0x80  }
0x1db: {  	[sflag:s18] =	ssyncset.done $0x0  }
0x1dc: {  	[sflag:s18] =	ssyncadd.s32 $0xFFFFFF80  }
0x1dd: {  	_ =	swait.ge [sflag:s18], $0x80  }
0x1de: {  	[sflag:s18] =	ssyncset.done $0x0  }
0x1df: {  	[sflag:s18] =	ssyncadd.s32 $0xFFFFFF80  }
0x1e0: {  	_ =	swait.ge [sflag:s18], $0x80  }
0x1e1: {  	[sflag:s18] =	ssyncset.done $0x0  }
0x1e2: {  	[sflag:s18] =	ssyncadd.s32 $0xFFFFFF80  }
0x1e3: {  	_ =	swait.ge [sflag:s18], $0x80  }
0x1e4: {  	[sflag:s18] =	ssyncset.done $0x0  }
0x1e5: {  	[sflag:s18] =	ssyncadd.s32 $0xFFFFFF80  }
0x1e6: {  	_ =	swait.ge [sflag:s18], $0x80  }
0x1e7: {  	[sflag:s18] =	ssyncset.done $0x0  }
0x1e8: {  	[sflag:s18] =	ssyncadd.s32 $0xFFFFFF80  }
0x1e9: {  	_ =	swait.ge [sflag:s18], $0x80  }
0x1ea: {  	[sflag:s18] =	ssyncset.done $0x0  }
0x1eb: {  	[sflag:s18] =	ssyncadd.s32 $0xFFFFFF80  }
0x1ec: {  	_ =	swait.ge [sflag:s18], $0x80  }
0x1ed: {  	[sflag:s18] =	ssyncset.done $0x0  }
0x1ee: {  	[sflag:s18] =	ssyncadd.s32 $0xFFFFFF80  }
0x1ef: {  	_ =	swait.ge [sflag:s18], $0x80  }
0x1f0: {  	s30 =	simm.s32 $0x3400;
	s29 =	simm.s32 $0x680;
	[sflag:s18] =	ssyncset.done $0x0  }
.LBB2_12:
0x1f1: {  	s21 =	sadd.s32 $0x162F8, s29  }
0x1f2: {  	[sflag:s18] =	ssyncadd.s32 $0xFFFFFF80;
	s28 =	smov.u32 s30;
	s26 =	sadd.s32 $0x1A00, s30  }
0x1f3: {  	[spmem:s20] =	stream.indirect.scatter.add.f32 [tilespmem:s24], [sflag:$0x1], $0x1, s21, s23, $0xb8;
	[tilespmem:$0x1EBF8] =	vst v63  }
0x1f4: {  	p1 =	sne.s32 s30, $0x8200;
	s21 =	sadd.s32 $0x16378, s29  }
0x1f5: {  	[spmem:s20] =	stream.indirect.scatter.add.f32 [tilespmem:s24], [sflag:$0x1], $0x1, s21, s23, $0xb8;
	[tilespmem:$0x1EBF8] =	vst v63  }
0x1f6: {  	s21 =	sadd.s32 $0x163F8, s29  }
0x1f7: {  	[spmem:s20] =	stream.indirect.scatter.add.f32 [tilespmem:s24], [sflag:$0x1], $0x1, s21, s23, $0xb8;
	[tilespmem:$0x1EBF8] =	vst v63  }
0x1f8: {  	s21 =	sadd.s32 $0x16478, s29  }
0x1f9: {  	[spmem:s20] =	stream.indirect.scatter.add.f32 [tilespmem:s24], [sflag:$0x1], $0x1, s21, s23, $0xb8;
	[tilespmem:$0x1EBF8] =	vst v63  }
0x1fa: {  	s21 =	sadd.s32 $0x164F8, s29  }
0x1fb: {  	[spmem:s20] =	stream.indirect.scatter.add.f32 [tilespmem:s24], [sflag:$0x1], $0x1, s21, s23, $0xb8;
	[tilespmem:$0x1EBF8] =	vst v63  }
0x1fc: {  	s21 =	sadd.s32 $0x16578, s29  }
0x1fd: {  	[spmem:s20] =	stream.indirect.scatter.add.f32 [tilespmem:s24], [sflag:$0x1], $0x1, s21, s23, $0xb8;
	[tilespmem:$0x1EBF8] =	vst v63  }
0x1fe: {  	s21 =	sadd.s32 $0x165F8, s29  }
0x1ff: {  	[spmem:s20] =	stream.indirect.scatter.add.f32 [tilespmem:s24], [sflag:$0x1], $0x1, s21, s23, $0xb8;
	[tilespmem:$0x1EBF8] =	vst v63  }
0x200: {  	s21 =	sadd.s32 $0x16678, s29  }
0x201: {  	[spmem:s20] =	stream.indirect.scatter.add.f32 [tilespmem:s24], [sflag:$0x1], $0x1, s21, s23, $0xb8;
	[tilespmem:$0x1EBF8] =	vst v63  }
0x202: {  	s21 =	sadd.s32 $0x166F8, s29  }
0x203: {  	[spmem:s20] =	stream.indirect.scatter.add.f32 [tilespmem:s24], [sflag:$0x1], $0x1, s21, s23, $0xb8;
	[tilespmem:$0x1EBF8] =	vst v63  }
0x204: {  	s21 =	sadd.s32 $0x16778, s29  }
0x205: {  	[spmem:s20] =	stream.indirect.scatter.add.f32 [tilespmem:s24], [sflag:$0x1], $0x1, s21, s23, $0xb8;
	[tilespmem:$0x1EBF8] =	vst v63  }
0x206: {  	s21 =	sadd.s32 $0x167F8, s29  }
0x207: {  	[spmem:s20] =	stream.indirect.scatter.add.f32 [tilespmem:s24], [sflag:$0x1], $0x1, s21, s23, $0xb8;
	[tilespmem:$0x1EBF8] =	vst v63  }
0x208: {  	s21 =	sadd.s32 $0x16878, s29  }
0x209: {  	[spmem:s20] =	stream.indirect.scatter.add.f32 [tilespmem:s24], [sflag:$0x1], $0x1, s21, s23, $0xb8;
	[tilespmem:$0x1EBF8] =	vst v63  }
0x20a: {  	s21 =	sadd.s32 $0x168F8, s29  }
0x20b: {  	[spmem:s20] =	stream.indirect.scatter.add.f32 [tilespmem:s24], [sflag:$0x1], $0x1, s21, s23, $0xb8;
	[tilespmem:$0x1EBF8] =	vst v63  }
0x20c: {  	_ =	swait.ge [sflag:s18], $0x80  }
0x20d: {  	[sflag:s18] =	ssyncset.done $0x0  }
0x20e: {  	[sflag:s18] =	ssyncadd.s32 $0xFFFFFF80  }
0x20f: {  	_ =	swait.ge [sflag:s18], $0x80  }
0x210: {  	[sflag:s18] =	ssyncset.done $0x0  }
0x211: {  	[sflag:s18] =	ssyncadd.s32 $0xFFFFFF80  }
0x212: {  	_ =	swait.ge [sflag:s18], $0x80  }
0x213: {  	[sflag:s18] =	ssyncset.done $0x0  }
0x214: {  	[sflag:s18] =	ssyncadd.s32 $0xFFFFFF80  }
0x215: {  	_ =	swait.ge [sflag:s18], $0x80  }
0x216: {  	[sflag:s18] =	ssyncset.done $0x0  }
0x217: {  	[sflag:s18] =	ssyncadd.s32 $0xFFFFFF80  }
0x218: {  	_ =	swait.ge [sflag:s18], $0x80  }
0x219: {  	[sflag:s18] =	ssyncset.done $0x0  }
0x21a: {  	[sflag:s18] =	ssyncadd.s32 $0xFFFFFF80  }
0x21b: {  	_ =	swait.ge [sflag:s18], $0x80  }
0x21c: {  	[sflag:s18] =	ssyncset.done $0x0  }
0x21d: {  	[sflag:s18] =	ssyncadd.s32 $0xFFFFFF80  }
0x21e: {  	_ =	swait.ge [sflag:s18], $0x80  }
0x21f: {  	[sflag:s18] =	ssyncset.done $0x0  }
0x220: {  	[sflag:s18] =	ssyncadd.s32 $0xFFFFFF80  }
0x221: {  	_ =	swait.ge [sflag:s18], $0x80  }
0x222: {  	[sflag:s18] =	ssyncset.done $0x0  }
0x223: {  	[sflag:s18] =	ssyncadd.s32 $0xFFFFFF80  }
0x224: {  	_ =	swait.ge [sflag:s18], $0x80  }
0x225: {  	[sflag:s18] =	ssyncset.done $0x0  }
0x226: {  	[sflag:s18] =	ssyncadd.s32 $0xFFFFFF80  }
0x227: {  	_ =	swait.ge [sflag:s18], $0x80  }
0x228: {  	[sflag:s18] =	ssyncset.done $0x0  }
0x229: {  	[sflag:s18] =	ssyncadd.s32 $0xFFFFFF80  }
0x22a: {  	_ =	swait.ge [sflag:s18], $0x80  }
0x22b: {  	[sflag:s18] =	ssyncset.done $0x0  }
0x22c: {  	[sflag:s18] =	ssyncadd.s32 $0xFFFFFF80  }
.Ltmp5:
0x22d: {  	_ =	swait.ge [sflag:s18], $0x80;
	(pc) =	sbr.rel @p1 .LBB2_12-.Ltmp5, $4  }
0x22e: {  	[sflag:s18] =	ssyncset.done $0x0  }
0x22f: {  	[sflag:s18] =	ssyncadd.s32 $0xFFFFFF80  }
0x230: {  	_ =	swait.ge [sflag:s18], $0x80  }
0x231: {  	s30 =	smov.u32 s26;
	s29 =	sshra.s32 s28, $0x2;
	[sflag:s18] =	ssyncset.done $0x0  }
0x232: {  	s21 =	sadd.s32 $0x162F8, s29;
	[sflag:s18] =	ssyncadd.s32 $0xFFFFFF80  }
0x233: {  	[spmem:s20] =	stream.indirect.scatter.add.f32 [tilespmem:s24], [sflag:$0x1], $0x1, s21, s23, $0xb8;
	[tilespmem:$0x1EBF8] =	vst v63  }
0x234: {  	s28 =	sadd.s32 $0x16378, s29  }
0x235: {  	[spmem:s20] =	stream.indirect.scatter.add.f32 [tilespmem:s24], [sflag:$0x1], $0x1, s28, s23, $0xb8;
	[tilespmem:$0x1EBF8] =	vst v63  }
0x236: {  	s30 =	sadd.s32 $0x163F8, s29  }
0x237: {  	[spmem:s20] =	stream.indirect.scatter.add.f32 [tilespmem:s24], [sflag:$0x1], $0x1, s30, s23, $0xb8;
	[tilespmem:$0x1EBF8] =	vst v63  }
0x238: {  	s31 =	sadd.s32 $0x16478, s29  }
0x239: {  	[spmem:s20] =	stream.indirect.scatter.add.f32 [tilespmem:s24], [sflag:$0x1], $0x1, s31, s23, $0xb8;
	[tilespmem:$0x1EBF8] =	vst v63  }
0x23a: {  	s26 =	sadd.s32 $0x164F8, s29  }
0x23b: {  	[spmem:s20] =	stream.indirect.scatter.add.f32 [tilespmem:s24], [sflag:$0x1], $0x1, s26, s23, $0xb8;
	[tilespmem:$0x1EBF8] =	vst v63  }
0x23c: {  	s28 =	sadd.s32 $0x16578, s29  }
0x23d: {  	[spmem:s20] =	stream.indirect.scatter.add.f32 [tilespmem:s24], [sflag:$0x1], $0x1, s28, s23, $0xb8;
	[tilespmem:$0x1EBF8] =	vst v63  }
0x23e: {  	s30 =	sadd.s32 $0x165F8, s29  }
0x23f: {  	[spmem:s20] =	stream.indirect.scatter.add.f32 [tilespmem:s24], [sflag:$0x1], $0x1, s30, s23, $0xb8;
	[tilespmem:$0x1EBF8] =	vst v63  }
0x240: {  	s31 =	sadd.s32 $0x16678, s29  }
0x241: {  	[spmem:s20] =	stream.indirect.scatter.add.f32 [tilespmem:s24], [sflag:$0x1], $0x1, s31, s23, $0xb8;
	[tilespmem:$0x1EBF8] =	vst v63  }
0x242: {  	s26 =	sadd.s32 $0x166F8, s29  }
0x243: {  	[spmem:s20] =	stream.indirect.scatter.add.f32 [tilespmem:s24], [sflag:$0x1], $0x1, s26, s23, $0xb8;
	[tilespmem:$0x1EBF8] =	vst v63  }
0x244: {  	s28 =	sadd.s32 $0x16778, s29  }
0x245: {  	[spmem:s20] =	stream.indirect.scatter.add.f32 [tilespmem:s24], [sflag:$0x1], $0x1, s28, s23, $0xb8;
	[tilespmem:$0x1EBF8] =	vst v63  }
0x246: {  	s30 =	sadd.s32 $0x167F8, s29  }
0x247: {  	[spmem:s20] =	stream.indirect.scatter.add.f32 [tilespmem:s24], [sflag:$0x1], $0x1, s30, s23, $0xb8;
	[tilespmem:$0x1EBF8] =	vst v63  }
0x248: {  	s31 =	sadd.s32 $0x16878, s29  }
0x249: {  	[spmem:s20] =	stream.indirect.scatter.add.f32 [tilespmem:s24], [sflag:$0x1], $0x1, s31, s23, $0xb8;
	[tilespmem:$0x1EBF8] =	vst v63  }
0x24a: {  	s26 =	sadd.s32 $0x168F8, s29  }
0x24b: {  	[spmem:s20] =	stream.indirect.scatter.add.f32 [tilespmem:s24], [sflag:$0x1], $0x1, s26, s23, $0xb8;
	[tilespmem:$0x1EBF8] =	vst v63  }
0x24c: {  	_ =	swait.ge [sflag:s18], $0x80  }
0x24d: {  	[sflag:s18] =	ssyncset.done $0x0  }
0x24e: {  	[sflag:s18] =	ssyncadd.s32 $0xFFFFFF80  }
0x24f: {  	_ =	swait.ge [sflag:s18], $0x80  }
0x250: {  	[sflag:s18] =	ssyncset.done $0x0  }
0x251: {  	[sflag:s18] =	ssyncadd.s32 $0xFFFFFF80  }
0x252: {  	_ =	swait.ge [sflag:s18], $0x80  }
0x253: {  	[sflag:s18] =	ssyncset.done $0x0  }
0x254: {  	[sflag:s18] =	ssyncadd.s32 $0xFFFFFF80  }
0x255: {  	_ =	swait.ge [sflag:s18], $0x80  }
0x256: {  	[sflag:s18] =	ssyncset.done $0x0  }
0x257: {  	[sflag:s18] =	ssyncadd.s32 $0xFFFFFF80  }
0x258: {  	_ =	swait.ge [sflag:s18], $0x80  }
0x259: {  	[sflag:s18] =	ssyncset.done $0x0  }
0x25a: {  	[sflag:s18] =	ssyncadd.s32 $0xFFFFFF80  }
0x25b: {  	_ =	swait.ge [sflag:s18], $0x80  }
0x25c: {  	[sflag:s18] =	ssyncset.done $0x0  }
0x25d: {  	[sflag:s18] =	ssyncadd.s32 $0xFFFFFF80  }
0x25e: {  	_ =	swait.ge [sflag:s18], $0x80  }
0x25f: {  	[sflag:s18] =	ssyncset.done $0x0  }
0x260: {  	[sflag:s18] =	ssyncadd.s32 $0xFFFFFF80  }
0x261: {  	_ =	swait.ge [sflag:s18], $0x80  }
0x262: {  	[sflag:s18] =	ssyncset.done $0x0  }
0x263: {  	[sflag:s18] =	ssyncadd.s32 $0xFFFFFF80  }
0x264: {  	_ =	swait.ge [sflag:s18], $0x80  }
0x265: {  	[sflag:s18] =	ssyncset.done $0x0  }
0x266: {  	[sflag:s18] =	ssyncadd.s32 $0xFFFFFF80  }
0x267: {  	_ =	swait.ge [sflag:s18], $0x80  }
0x268: {  	[sflag:s18] =	ssyncset.done $0x0  }
0x269: {  	[sflag:s18] =	ssyncadd.s32 $0xFFFFFF80  }
0x26a: {  	_ =	swait.ge [sflag:s18], $0x80  }
0x26b: {  	[sflag:s18] =	ssyncset.done $0x0  }
0x26c: {  	[sflag:s18] =	ssyncadd.s32 $0xFFFFFF80  }
0x26d: {  	_ =	swait.ge [sflag:s18], $0x80  }
0x26e: {  	[sflag:s18] =	ssyncset.done $0x0  }
0x26f: {  	[sflag:s18] =	ssyncadd.s32 $0xFFFFFF80  }
0x270: {  	_ =	swait.ge [sflag:s18], $0x80  }
0x271: {  	[sflag:s18] =	ssyncset.done $0x0  }
0x272: {  	s28 =	simm.s32 $0x189F8;
	s26 =	simm.s32 $0x1B378;
	[sflag:s18] =	ssyncadd.s32 $0xFFFFFF80  }
0x273: {  	[spmem:s20] =	stream.indirect.scatter.add.f32 [tilespmem:s26], [sflag:$0x4], $0x1, s28, s23, $0xb8;
	[tilespmem:$0x1EBF8] =	vst v63  }
0x274: {  	_ =	swait.ge [sflag:s19], $0x80  }
0x275: {  	[sflag:s19] =	ssyncset.done $0x0  }
0x276: {  	[sflag:s19] =	ssyncadd.s32 $0xFFFFFF80  }
0x277: {  	[bflag:$0x0] =	sbarrier.arrive $0xFFFF  }
0x278: {  	s29 =	rddreg [dreg:$0x18]  }
0x279: {  	[tilespmem:s17], [sflag:$0x1] =	stream.linear.gather [spmem:s29], $0xFA0, $0x38;
	[tilespmem:$0x1EBF8] =	vst v63  }
0x27a: {  	_ =	swait.ge [sflag:s18], $0xFA0  }
0x27b: {  	[sflag:s18] =	ssyncset.done $0x0  }
0x27c: {  	s30 =	rddreg [dreg:$0x4];
	[sflag:s18] =	ssyncadd.s32 $0xFFFFF060  }
0x27d: {  	[hbm4b:s30+s1] =	stream.linear.scatter [tilespmem:s17], [sflag:$0x2], $0xFA0, $0x38;
	[tilespmem:$0x1EBF8] =	vst v63  }
0x27e: {  	s31 =	rddreg [dreg:$0x19]  }
0x27f: {  	[tilespmem:s14], [sflag:$0x1] =	stream.linear.gather [spmem:s31], $0xFA0, $0x38;
	[tilespmem:$0x1EBF8] =	vst v63  }
0x280: {  	_ =	swait.ge [sflag:s18], $0xFA0  }
0x281: {  	[sflag:s18] =	ssyncset.done $0x0  }
0x282: {  	s26 =	rddreg [dreg:$0x5];
	[sflag:s18] =	ssyncadd.s32 $0xFFFFF060  }
0x283: {  	[hbm4b:s26+s1] =	stream.linear.scatter [tilespmem:s14], [sflag:$0x3], $0xFA0, $0x38;
	[tilespmem:$0x1EBF8] =	vst v63  }
0x284: {  	_ =	swait.ge [sflag:s15], $0xFA0  }
0x285: {  	[sflag:s15] =	ssyncset.done $0x0  }
0x286: {  	s28 =	rddreg [dreg:$0x1a];
	[sflag:s15] =	ssyncadd.s32 $0xFFFFF060  }
0x287: {  	[tilespmem:s17], [sflag:$0x1] =	stream.linear.gather [spmem:s28], $0xFA0, $0x38;
	[tilespmem:$0x1EBF8] =	vst v63  }
0x288: {  	_ =	swait.ge [sflag:s18], $0xFA0  }
0x289: {  	[sflag:s18] =	ssyncset.done $0x0  }
0x28a: {  	s29 =	rddreg [dreg:$0x6];
	[sflag:s18] =	ssyncadd.s32 $0xFFFFF060  }
0x28b: {  	[hbm4b:s29+s1] =	stream.linear.scatter [tilespmem:s17], [sflag:$0x2], $0xFA0, $0x38;
	[tilespmem:$0x1EBF8] =	vst v63  }
0x28c: {  	_ =	swait.ge [sflag:s16], $0xFA0  }
0x28d: {  	[sflag:s16] =	ssyncset.done $0x0  }
0x28e: {  	s30 =	rddreg [dreg:$0x1b];
	[sflag:s16] =	ssyncadd.s32 $0xFFFFF060  }
0x28f: {  	[tilespmem:s14], [sflag:$0x1] =	stream.linear.gather [spmem:s30], $0xFA0, $0x38;
	[tilespmem:$0x1EBF8] =	vst v63  }
0x290: {  	_ =	swait.ge [sflag:s18], $0xFA0  }
0x291: {  	[sflag:s18] =	ssyncset.done $0x0  }
0x292: {  	s31 =	rddreg [dreg:$0x7];
	[sflag:s18] =	ssyncadd.s32 $0xFFFFF060  }
0x293: {  	[hbm4b:s31+s1] =	stream.linear.scatter [tilespmem:s14], [sflag:$0x3], $0xFA0, $0x38;
	[tilespmem:$0x1EBF8] =	vst v63  }
0x294: {  	_ =	swait.ge [sflag:s15], $0xFA0  }
0x295: {  	[sflag:s15] =	ssyncset.done $0x0  }
0x296: {  	s26 =	rddreg [dreg:$0x1c];
	[sflag:s15] =	ssyncadd.s32 $0xFFFFF060  }
0x297: {  	[tilespmem:s17], [sflag:$0x1] =	stream.linear.gather [spmem:s26], $0xFA0, $0x38;
	[tilespmem:$0x1EBF8] =	vst v63  }
0x298: {  	_ =	swait.ge [sflag:s18], $0xFA0  }
0x299: {  	[sflag:s18] =	ssyncset.done $0x0  }
0x29a: {  	s28 =	rddreg [dreg:$0x8];
	[sflag:s18] =	ssyncadd.s32 $0xFFFFF060  }
0x29b: {  	[hbm4b:s28+s1] =	stream.linear.scatter [tilespmem:s17], [sflag:$0x2], $0xFA0, $0x38;
	[tilespmem:$0x1EBF8] =	vst v63  }
0x29c: {  	_ =	swait.ge [sflag:s16], $0xFA0  }
0x29d: {  	[sflag:s16] =	ssyncset.done $0x0  }
0x29e: {  	s29 =	rddreg [dreg:$0x1d];
	[sflag:s16] =	ssyncadd.s32 $0xFFFFF060  }
0x29f: {  	[tilespmem:s14], [sflag:$0x1] =	stream.linear.gather [spmem:s29], $0xFA0, $0x38;
	[tilespmem:$0x1EBF8] =	vst v63  }
0x2a0: {  	_ =	swait.ge [sflag:s18], $0xFA0  }
0x2a1: {  	[sflag:s18] =	ssyncset.done $0x0  }
0x2a2: {  	s30 =	rddreg [dreg:$0x9];
	[sflag:s18] =	ssyncadd.s32 $0xFFFFF060  }
0x2a3: {  	[hbm4b:s30+s1] =	stream.linear.scatter [tilespmem:s14], [sflag:$0x3], $0xFA0, $0x38;
	[tilespmem:$0x1EBF8] =	vst v63  }
0x2a4: {  	_ =	swait.ge [sflag:s15], $0xFA0  }
0x2a5: {  	[sflag:s15] =	ssyncset.done $0x0  }
0x2a6: {  	s31 =	rddreg [dreg:$0x1e];
	[sflag:s15] =	ssyncadd.s32 $0xFFFFF060  }
0x2a7: {  	[tilespmem:s17], [sflag:$0x1] =	stream.linear.gather [spmem:s31], $0xFA0, $0x38;
	[tilespmem:$0x1EBF8] =	vst v63  }
0x2a8: {  	_ =	swait.ge [sflag:s18], $0xFA0  }
0x2a9: {  	[sflag:s18] =	ssyncset.done $0x0  }
0x2aa: {  	s26 =	rddreg [dreg:$0xa];
	[sflag:s18] =	ssyncadd.s32 $0xFFFFF060  }
0x2ab: {  	[hbm4b:s26+s1] =	stream.linear.scatter [tilespmem:s17], [sflag:$0x2], $0xFA0, $0x38;
	[tilespmem:$0x1EBF8] =	vst v63  }
0x2ac: {  	_ =	swait.ge [sflag:s16], $0xFA0  }
0x2ad: {  	[sflag:s16] =	ssyncset.done $0x0  }
0x2ae: {  	[sflag:s16] =	ssyncadd.s32 $0xFFFFF060  }
0x2af: {  	[tilespmem:s14], [sflag:$0x1] =	stream.linear.gather [spmem:s0], $0xFA0, $0x38;
	[tilespmem:$0x1EBF8] =	vst v63  }
0x2b0: {  	_ =	swait.ge [sflag:s18], $0xFA0  }
0x2b1: {  	[sflag:s18] =	ssyncset.done $0x0  }
0x2b2: {  	s28 =	rddreg [dreg:$0xb];
	[sflag:s18] =	ssyncadd.s32 $0xFFFFF060  }
0x2b3: {  	[hbm4b:s28+s1] =	stream.linear.scatter [tilespmem:s14], [sflag:$0x3], $0xFA0, $0x38;
	[tilespmem:$0x1EBF8] =	vst v63  }
0x2b4: {  	_ =	swait.ge [sflag:s15], $0xFA0  }
0x2b5: {  	[sflag:s15] =	ssyncset.done $0x0  }
0x2b6: {  	[sflag:s15] =	ssyncadd.s32 $0xFFFFF060  }
0x2b7: {  	[tilespmem:s17], [sflag:$0x1] =	stream.linear.gather [spmem:s2], $0xFA0, $0x38;
	[tilespmem:$0x1EBF8] =	vst v63  }
0x2b8: {  	_ =	swait.ge [sflag:s18], $0xFA0  }
0x2b9: {  	[sflag:s18] =	ssyncset.done $0x0  }
0x2ba: {  	s29 =	rddreg [dreg:$0xc];
	[sflag:s18] =	ssyncadd.s32 $0xFFFFF060  }
0x2bb: {  	[hbm4b:s29+s1] =	stream.linear.scatter [tilespmem:s17], [sflag:$0x2], $0xFA0, $0x38;
	[tilespmem:$0x1EBF8] =	vst v63  }
0x2bc: {  	_ =	swait.ge [sflag:s16], $0xFA0  }
0x2bd: {  	[sflag:s16] =	ssyncset.done $0x0  }
0x2be: {  	[sflag:s16] =	ssyncadd.s32 $0xFFFFF060  }
0x2bf: {  	[tilespmem:s14], [sflag:$0x1] =	stream.linear.gather [spmem:s3], $0xFA0, $0x38;
	[tilespmem:$0x1EBF8] =	vst v63  }
0x2c0: {  	_ =	swait.ge [sflag:s18], $0xFA0  }
0x2c1: {  	[sflag:s18] =	ssyncset.done $0x0  }
0x2c2: {  	s30 =	rddreg [dreg:$0xd];
	[sflag:s18] =	ssyncadd.s32 $0xFFFFF060  }
0x2c3: {  	[hbm4b:s30+s1] =	stream.linear.scatter [tilespmem:s14], [sflag:$0x3], $0xFA0, $0x38;
	[tilespmem:$0x1EBF8] =	vst v63  }
0x2c4: {  	_ =	swait.ge [sflag:s15], $0xFA0  }
0x2c5: {  	[sflag:s15] =	ssyncset.done $0x0  }
0x2c6: {  	[sflag:s15] =	ssyncadd.s32 $0xFFFFF060  }
0x2c7: {  	[tilespmem:s17], [sflag:$0x1] =	stream.linear.gather [spmem:s4], $0xFA0, $0x38;
	[tilespmem:$0x1EBF8] =	vst v63  }
0x2c8: {  	_ =	swait.ge [sflag:s18], $0xFA0  }
0x2c9: {  	[sflag:s18] =	ssyncset.done $0x0  }
0x2ca: {  	s31 =	rddreg [dreg:$0xe];
	[sflag:s18] =	ssyncadd.s32 $0xFFFFF060  }
0x2cb: {  	[hbm4b:s31+s1] =	stream.linear.scatter [tilespmem:s17], [sflag:$0x2], $0xFA0, $0x38;
	[tilespmem:$0x1EBF8] =	vst v63  }
0x2cc: {  	_ =	swait.ge [sflag:s16], $0xFA0  }
0x2cd: {  	[sflag:s16] =	ssyncset.done $0x0  }
0x2ce: {  	[sflag:s16] =	ssyncadd.s32 $0xFFFFF060  }
0x2cf: {  	[tilespmem:s14], [sflag:$0x1] =	stream.linear.gather [spmem:s5], $0xFA0, $0x38;
	[tilespmem:$0x1EBF8] =	vst v63  }
0x2d0: {  	_ =	swait.ge [sflag:s18], $0xFA0  }
0x2d1: {  	[sflag:s18] =	ssyncset.done $0x0  }
0x2d2: {  	s26 =	rddreg [dreg:$0xf];
	[sflag:s18] =	ssyncadd.s32 $0xFFFFF060  }
0x2d3: {  	[hbm4b:s26+s1] =	stream.linear.scatter [tilespmem:s14], [sflag:$0x3], $0xFA0, $0x38;
	[tilespmem:$0x1EBF8] =	vst v63  }
0x2d4: {  	_ =	swait.ge [sflag:s15], $0xFA0  }
0x2d5: {  	[sflag:s15] =	ssyncset.done $0x0  }
0x2d6: {  	[sflag:s15] =	ssyncadd.s32 $0xFFFFF060  }
0x2d7: {  	[tilespmem:s17], [sflag:$0x1] =	stream.linear.gather [spmem:s6], $0xFA0, $0x38;
	[tilespmem:$0x1EBF8] =	vst v63  }
0x2d8: {  	_ =	swait.ge [sflag:s18], $0xFA0  }
0x2d9: {  	[sflag:s18] =	ssyncset.done $0x0  }
0x2da: {  	s28 =	rddreg [dreg:$0x10];
	[sflag:s18] =	ssyncadd.s32 $0xFFFFF060  }
0x2db: {  	[hbm4b:s28+s1] =	stream.linear.scatter [tilespmem:s17], [sflag:$0x2], $0xFA0, $0x38;
	[tilespmem:$0x1EBF8] =	vst v63  }
0x2dc: {  	_ =	swait.ge [sflag:s16], $0xFA0  }
0x2dd: {  	[sflag:s16] =	ssyncset.done $0x0  }
0x2de: {  	[sflag:s16] =	ssyncadd.s32 $0xFFFFF060  }
0x2df: {  	[tilespmem:s14], [sflag:$0x1] =	stream.linear.gather [spmem:s7], $0xFA0, $0x38;
	[tilespmem:$0x1EBF8] =	vst v63  }
0x2e0: {  	_ =	swait.ge [sflag:s18], $0xFA0  }
0x2e1: {  	[sflag:s18] =	ssyncset.done $0x0  }
0x2e2: {  	s29 =	rddreg [dreg:$0x11];
	[sflag:s18] =	ssyncadd.s32 $0xFFFFF060  }
0x2e3: {  	[hbm4b:s29+s1] =	stream.linear.scatter [tilespmem:s14], [sflag:$0x3], $0xFA0, $0x38;
	[tilespmem:$0x1EBF8] =	vst v63  }
0x2e4: {  	_ =	swait.ge [sflag:s15], $0xFA0  }
0x2e5: {  	[sflag:s15] =	ssyncset.done $0x0  }
0x2e6: {  	[sflag:s15] =	ssyncadd.s32 $0xFFFFF060  }
0x2e7: {  	[tilespmem:s17], [sflag:$0x1] =	stream.linear.gather [spmem:s8], $0xFA0, $0x38;
	[tilespmem:$0x1EBF8] =	vst v63  }
0x2e8: {  	_ =	swait.ge [sflag:s18], $0xFA0  }
0x2e9: {  	[sflag:s18] =	ssyncset.done $0x0  }
0x2ea: {  	s30 =	rddreg [dreg:$0x12];
	[sflag:s18] =	ssyncadd.s32 $0xFFFFF060  }
0x2eb: {  	[hbm4b:s30+s1] =	stream.linear.scatter [tilespmem:s17], [sflag:$0x2], $0xFA0, $0x38;
	[tilespmem:$0x1EBF8] =	vst v63  }
0x2ec: {  	_ =	swait.ge [sflag:s16], $0xFA0  }
0x2ed: {  	[sflag:s16] =	ssyncset.done $0x0  }
0x2ee: {  	[sflag:s16] =	ssyncadd.s32 $0xFFFFF060  }
0x2ef: {  	[tilespmem:s14], [sflag:$0x1] =	stream.linear.gather [spmem:s9], $0xFA0, $0x38;
	[tilespmem:$0x1EBF8] =	vst v63  }
0x2f0: {  	_ =	swait.ge [sflag:s18], $0xFA0  }
0x2f1: {  	[sflag:s18] =	ssyncset.done $0x0  }
0x2f2: {  	s31 =	rddreg [dreg:$0x13];
	[sflag:s18] =	ssyncadd.s32 $0xFFFFF060  }
0x2f3: {  	[hbm4b:s31+s1] =	stream.linear.scatter [tilespmem:s14], [sflag:$0x3], $0xFA0, $0x38;
	[tilespmem:$0x1EBF8] =	vst v63  }
0x2f4: {  	_ =	swait.ge [sflag:s15], $0xFA0  }
0x2f5: {  	[sflag:s15] =	ssyncset.done $0x0  }
0x2f6: {  	[sflag:s15] =	ssyncadd.s32 $0xFFFFF060  }
0x2f7: {  	[tilespmem:s17], [sflag:$0x1] =	stream.linear.gather [spmem:s10], $0xFA0, $0x38;
	[tilespmem:$0x1EBF8] =	vst v63  }
0x2f8: {  	_ =	swait.ge [sflag:s18], $0xFA0  }
0x2f9: {  	[sflag:s18] =	ssyncset.done $0x0  }
0x2fa: {  	s26 =	rddreg [dreg:$0x14];
	[sflag:s18] =	ssyncadd.s32 $0xFFFFF060  }
0x2fb: {  	[hbm4b:s26+s1] =	stream.linear.scatter [tilespmem:s17], [sflag:$0x2], $0xFA0, $0x38;
	[tilespmem:$0x1EBF8] =	vst v63  }
0x2fc: {  	_ =	swait.ge [sflag:s16], $0xFA0  }
0x2fd: {  	[sflag:s16] =	ssyncset.done $0x0  }
0x2fe: {  	[sflag:s16] =	ssyncadd.s32 $0xFFFFF060  }
0x2ff: {  	[tilespmem:s14], [sflag:$0x1] =	stream.linear.gather [spmem:s11], $0xFA0, $0x38;
	[tilespmem:$0x1EBF8] =	vst v63  }
0x300: {  	_ =	swait.ge [sflag:s18], $0xFA0  }
0x301: {  	[sflag:s18] =	ssyncset.done $0x0  }
0x302: {  	s28 =	rddreg [dreg:$0x15];
	[sflag:s18] =	ssyncadd.s32 $0xFFFFF060  }
0x303: {  	[hbm4b:s28+s1] =	stream.linear.scatter [tilespmem:s14], [sflag:$0x3], $0xFA0, $0x38;
	[tilespmem:$0x1EBF8] =	vst v63  }
0x304: {  	_ =	swait.ge [sflag:s15], $0xFA0  }
0x305: {  	[sflag:s15] =	ssyncset.done $0x0  }
0x306: {  	[sflag:s15] =	ssyncadd.s32 $0xFFFFF060  }
0x307: {  	[tilespmem:s17], [sflag:$0x1] =	stream.linear.gather [spmem:s12], $0xFA0, $0x38;
	[tilespmem:$0x1EBF8] =	vst v63  }
0x308: {  	_ =	swait.ge [sflag:s18], $0xFA0  }
0x309: {  	[sflag:s18] =	ssyncset.done $0x0  }
0x30a: {  	s29 =	rddreg [dreg:$0x16];
	[sflag:s18] =	ssyncadd.s32 $0xFFFFF060  }
0x30b: {  	[hbm4b:s29+s1] =	stream.linear.scatter [tilespmem:s17], [sflag:$0x2], $0xFA0, $0x38;
	[tilespmem:$0x1EBF8] =	vst v63  }
0x30c: {  	_ =	swait.ge [sflag:s16], $0xFA0  }
0x30d: {  	[sflag:s16] =	ssyncset.done $0x0  }
0x30e: {  	[sflag:s16] =	ssyncadd.s32 $0xFFFFF060  }
0x30f: {  	[tilespmem:s14], [sflag:$0x1] =	stream.linear.gather [spmem:s13], $0xFA0, $0x38;
	[tilespmem:$0x1EBF8] =	vst v63  }
0x310: {  	_ =	swait.ge [sflag:s18], $0xFA0  }
0x311: {  	[sflag:s18] =	ssyncset.done $0x0  }
0x312: {  	s30 =	rddreg [dreg:$0x17];
	[sflag:s18] =	ssyncadd.s32 $0xFFFFF060  }
0x313: {  	[hbm4b:s30+s1] =	stream.linear.scatter [tilespmem:s14], [sflag:$0x3], $0xFA0, $0x38;
	[tilespmem:$0x1EBF8] =	vst v63  }
0x314: {  	_ =	swait.ge [sflag:s15], $0xFA0  }
0x315: {  	[sflag:s15] =	ssyncset.done $0x0  }
0x316: {  	[sflag:s15] =	ssyncadd.s32 $0xFFFFF060  }
0x317: {  	_ =	swait.ge [sflag:s16], $0xFA0  }
0x318: {  	s31 =	sld [smem:$0x7FD];
	_ =	sdelay $0x1  }
0x319: {  	s25 =	sadd.s32 $0x1, s25  }
0x31a: {  	p1 =	sne.s32 s25, s31  }
.Ltmp6:
0x31b: {  	_ = 	snop;
	(pc) =	sbr.rel @p1 .LBB2_1-.Ltmp6, $3  }
0x31c: {  	_ =	sdelay $0x1  }
0x31d: {  	[sflag:s16] =	ssyncset.done $0x0  }
0x31e: {  	[sflag:s16] =	ssyncadd.s32 $0xFFFFF060  }
0x31f: {  	_ =	sfence.sel $0x180000  }
0x320: {  	[bflag:$0x0] =	sbarrier.arrive $0xFFFF  }
0x321: {  	_ =	strace $0x9000004A  }
0x322: {  	s0 =	stileid.u32;
	[bflag:$0x2] =	sbarrier.arrive $0xFFFF  }
0x323: {  	p0 =	sne.s32 s0, $0x0;
	s0 =	rddreg [dreg:$0x3]  }
0x324: {  	s0 =	sadd.s32 @!p0 $0x100000, s0  }
0x325: {  	[sflag:s0] =	ssyncadd.tile.s32 @!p0 $0x1;
	_ =	shalt  }
.Lfunc_end2:
_tile_overlayer_lowered:
.L_overlay_start_2:
0x326: {  	(tag) =	ssettag $0x2  }
0x327: {  	s0 =	rddreg [dreg:$0x0];
	s2 =	stileid.u32  }
0x328: {  	s1 =	rddreg [dreg:$0x1];
	p0 =	sne.s32 s2, $0x0  }
0x329: {  	s3 =	rddreg [dreg:$0x2];
	[bflag:$0x3] =	sbarrier.arrive $0xFFFF;
	s2 =	simm.s32 @!p0 $0x1C04  }
0x32a: {  	[timem:s3], [sflag:s2] =	dma.local @!p0 [hbm:s0], s1  }
0x32b: {  	s0 =	simm.s32 @!p0 $0x4  }
0x32c: {  	_ =	swait.ge @!p0 [sflag:s0], s1  }
0x32d: {  	s1 =	ssub.s32 @!p0 $0x0, s1;
	[sflag:s0] =	ssyncset.done @!p0 $0x0  }
0x32e: {  	[sflag:s0] =	ssyncadd.s32 @!p0 s1  }
0x32f: {  	[bflag:$0x3] =	sbarrier.arrive $0xFFFF  }
0x330: {  	_ =	shalt  }

</sc_bundles>
